<compile_context>
chip_gen: v7x
topology: tpu7x:2x2x1
jax: 0.10.2.dev20260603
libtpu: 0.0.44.dev20260713+nightly
codegen_flags: <defaults>
</compile_context>

<pallas_src>
import functools

import jax
import jax.numpy as jnp
from jax import lax
from jax.experimental import pallas as pl
from jax.experimental.pallas import tpu as pltpu, tpu_sc as plsc

QN = 4000
CN = 1000
N = QN + CN
EMB = 128
HID = 128
HEADS = 4
RSTEPS = 9

NTILES = 32
_MESH = plsc.VectorSubcoreMesh(core_axis_name="c", subcore_axis_name="s")
_SC_PARAMS = pltpu.CompilerParams(needs_layout_passes=False)


def _make_sc_gat(NN, NT, H, D, EE, EEp, CH, want_alpha):
    nd = D // NTILES
    n_chunks = EEp // CH
    grp = CH // 16
    tiles_per_head = NTILES // H
    na = EEp if want_alpha else CH

    @functools.partial(
        pl.kernel, mesh=_MESH, compiler_params=_SC_PARAMS,
        out_type=(jax.ShapeDtypeStruct((D * NT,), jnp.float32),
                  jax.ShapeDtypeStruct((NTILES * NT,), jnp.float32),
                  jax.ShapeDtypeStruct((NTILES * na,), jnp.float32)),
        scratch_types=[
            pltpu.VMEM((CH,), jnp.int32),
            pltpu.VMEM((CH,), jnp.int32),
            pltpu.VMEM((CH,), jnp.float32),
            pltpu.VMEM((NT,), jnp.float32),
            pltpu.VMEM((NT,), jnp.float32),
            pltpu.VMEM((NT,), jnp.float32),
            pltpu.VMEM((nd * NT,), jnp.float32),
            pltpu.VMEM((nd * NT,), jnp.float32),
        ],
    )
    def gat_edges(asrc_hbm, adst_hbm, h_hbm, src_hbm, dst_hbm,
                  out_hbm, den_hbm, al_hbm,
                  src_c, dst_c, al_c, asrc_v, adst_v, den_v, h_v, out_v):
        wid = lax.axis_index("s") * 2 + lax.axis_index("c")
        head = wid // tiles_per_head
        pltpu.sync_copy(asrc_hbm.at[pl.ds(head * NT, NT)], asrc_v)
        pltpu.sync_copy(adst_hbm.at[pl.ds(head * NT, NT)], adst_v)
        pltpu.sync_copy(h_hbm.at[pl.ds(wid * (nd * NT), nd * NT)], h_v)

        zero16 = jnp.zeros((16,), jnp.float32)

        def zloop(i, carry):
            den_v[pl.ds(i * 16, 16)] = zero16
            return carry

        lax.fori_loop(0, NT // 16, zloop, 0)

        def zloop2(i, carry):
            out_v[pl.ds(i * 16, 16)] = zero16
            return carry

        lax.fori_loop(0, nd * NT // 16, zloop2, 0)

        lane = lax.iota(jnp.int32, 16)

        def chunk_a(ci, carry):
            pltpu.sync_copy(src_hbm.at[pl.ds(ci * CH, CH)], src_c)
            pltpu.sync_copy(dst_hbm.at[pl.ds(ci * CH, CH)], dst_c)

            @plsc.parallel_loop(0, grp, unroll=4)
            def grp_a(g):
                s16 = src_c[pl.ds(g * 16, 16)]
                d16 = dst_c[pl.ds(g * 16, 16)]
                a = (plsc.load_gather(asrc_v, [s16])
                     + plsc.load_gather(adst_v, [d16]))
                a = jnp.where(a > 0, a, a * 0.2)
                ex = jnp.exp(a)
                mask = (ci * CH + g * 16 + lane) < EE
                plsc.addupdate_scatter(den_v, [d16], ex, mask=mask)

            return carry

        lax.fori_loop(0, n_chunks, chunk_a, 0)

        def chunk_b(ci, carry):
            pltpu.sync_copy(src_hbm.at[pl.ds(ci * CH, CH)], src_c)
            pltpu.sync_copy(dst_hbm.at[pl.ds(ci * CH, CH)], dst_c)

            @plsc.parallel_loop(0, grp, unroll=3)
            def grp_b(g):
                s16 = src_c[pl.ds(g * 16, 16)]
                d16 = dst_c[pl.ds(g * 16, 16)]
                a = (plsc.load_gather(asrc_v, [s16])
                     + plsc.load_gather(adst_v, [d16]))
                a = jnp.where(a > 0, a, a * 0.2)
                ex = jnp.exp(a)
                al = ex / plsc.load_gather(den_v, [d16])
                if want_alpha:
                    al_c[pl.ds(g * 16, 16)] = al
                mask = (ci * CH + g * 16 + lane) < EE
                for d in range(nd):
                    hv = plsc.load_gather(h_v, [s16 + d * NT])
                    plsc.addupdate_scatter(out_v, [d16 + d * NT],
                                           hv * al, mask=mask)

            if want_alpha:
                pltpu.sync_copy(
                    al_c, al_hbm.at[pl.ds(wid * EEp + ci * CH, CH)])
            return carry

        lax.fori_loop(0, n_chunks, chunk_b, 0)

        pltpu.sync_copy(out_v, out_hbm.at[pl.ds(wid * (nd * NT), nd * NT)])
        pltpu.sync_copy(den_v, den_hbm.at[pl.ds(wid * NT, NT)])

    return gat_edges


def _pad_nodes(x, NT):
    H, NN = x.shape
    return jnp.pad(x, ((0, 0), (0, NT - NN))).reshape(-1)


def _sc_gat_layer(h_nodes, a_src, a_dst, src_e, dst_e, NN, NT, H, EE, EEp,
                  CH, want_alpha=False):
    D = h_nodes.shape[1]
    h_flat = _pad_nodes(h_nodes.T, NT)
    asrc_flat = _pad_nodes(a_src, NT)
    adst_flat = _pad_nodes(a_dst, NT)
    fn = _make_sc_gat(NN, NT, H, D, EE, EEp, CH, want_alpha)
    out_flat, _, al_flat = fn(asrc_flat, adst_flat, h_flat, src_e, dst_e)
    out = out_flat.reshape(D, NT)[:, :NN].T
    alpha = al_flat[:EEp] if want_alpha else None
    return out, alpha


_A0R = 125008
_A0CH = 2048


def _make_sc_attn0(EE, EEp):
    n_chunks = EEp // _A0CH
    grp = _A0CH // 16

    @functools.partial(
        pl.kernel, mesh=_MESH, compiler_params=_SC_PARAMS,
        out_type=jax.ShapeDtypeStruct((NTILES * _A0R,), jnp.float32),
        scratch_types=[
            pltpu.VMEM((_A0CH,), jnp.int32),
            pltpu.VMEM((_A0CH,), jnp.float32),
            pltpu.VMEM((_A0R,), jnp.float32),
        ],
    )
    def attn0_scatter(fi_hbm, val_hbm, out_hbm, fi_c, val_c, tab_v):
        wid = lax.axis_index("s") * 2 + lax.axis_index("c")
        lo = wid * _A0R
        zero16 = jnp.zeros((16,), jnp.float32)

        @plsc.parallel_loop(0, _A0R // 16, unroll=8)
        def ztab(i):
            tab_v[pl.ds(i * 16, 16)] = zero16

        lane = lax.iota(jnp.int32, 16)

        def chunk(ci, carry):
            pltpu.sync_copy(fi_hbm.at[pl.ds(ci * _A0CH, _A0CH)], fi_c)
            pltpu.sync_copy(val_hbm.at[pl.ds(ci * _A0CH, _A0CH)], val_c)

            @plsc.parallel_loop(0, grp, unroll=4)
            def grp_f(g):
                f16 = fi_c[pl.ds(g * 16, 16)]
                v16 = val_c[pl.ds(g * 16, 16)]
                mask = ((f16 >= lo) & (f16 < lo + _A0R)
                        & ((ci * _A0CH + g * 16 + lane) < EE))
                loc = jnp.where(mask, f16 - lo, 0)
                plsc.addupdate_scatter(tab_v, [loc], v16, mask=mask)

            return carry

        lax.fori_loop(0, n_chunks, chunk, 0)
        pltpu.sync_copy(tab_v, out_hbm.at[pl.ds(lo, _A0R)])

    return attn0_scatter


def _route_lstm_body(rt_ref, idx_ref, wcat_ref, b_ref, out_ref):
    blk = rt_ref.shape[0]
    x = rt_ref[...]
    wcat = wcat_ref[...].astype(jnp.bfloat16)
    b = b_ref[...]
    idx = idx_ref[...]
    h = jnp.zeros((blk, HID), jnp.float32)
    c = jnp.zeros((blk, HID), jnp.float32)
    out = jnp.zeros((blk, HID), jnp.float32)
    for t in range(RSTEPS):
        xt = x[:, t, :]
        xh = jnp.concatenate([xt, h], axis=1).astype(jnp.bfloat16)
        g = jnp.dot(xh, wcat, preferred_element_type=jnp.float32) + b
        i = jax.nn.sigmoid(g[:, :HID])
        f = jax.nn.sigmoid(g[:, HID:2 * HID])
        gg = jnp.tanh(g[:, 2 * HID:3 * HID])
        o = jax.nn.sigmoid(g[:, 3 * HID:])
        c = f * c + i * gg
        h = o * jnp.tanh(c)
        out = jnp.where(idx == t, h, out)
    out_ref[...] = out


def _route_lstm(rt, idx, wcat, b, blk):
    n = rt.shape[0]
    grid = n // blk
    idx2 = idx.reshape(n, 1)
    return pl.pallas_call(
        _route_lstm_body,
        grid=(grid,),
        in_specs=[
            pl.BlockSpec((blk, RSTEPS, EMB), lambda i: (i, 0, 0)),
            pl.BlockSpec((blk, 1), lambda i: (i, 0)),
            pl.BlockSpec((EMB + HID, 4 * HID), lambda i: (0, 0)),
            pl.BlockSpec((1, 4 * HID), lambda i: (0, 0)),
        ],
        out_specs=pl.BlockSpec((blk, HID), lambda i: (i, 0)),
        out_shape=jax.ShapeDtypeStruct((n, HID), jnp.float32),
    )(rt, idx2, wcat, b)


def _kt_body(xcat_ref, fc0w_ref, fc0b_ref, wih_ref, whh_ref, bk_ref,
             fc1w_ref, fc1b_ref, ind_ref, state_ref, pred_ref,
             gi_ref, hs_ref):
    B, L, F = xcat_ref.shape
    bf = jnp.bfloat16
    x0 = jax.nn.relu(
        jnp.dot(xcat_ref[...].reshape(B * L, F).astype(bf),
                fc0w_ref[...].astype(bf),
                preferred_element_type=jnp.float32) + fc0b_ref[...])
    gi_ref[...] = (
        jnp.dot(x0.astype(bf), wih_ref[...].astype(bf),
                preferred_element_type=jnp.float32)
        + bk_ref[...]).reshape(B, L, 4 * HID)

    whh = whh_ref[...]

    def step(t, hc):
        h, c = hc
        g = gi_ref[:, t] + h @ whh
        i = jax.nn.sigmoid(g[:, :HID])
        f = jax.nn.sigmoid(g[:, HID:2 * HID])
        gg = jnp.tanh(g[:, 2 * HID:3 * HID])
        o = jax.nn.sigmoid(g[:, 3 * HID:])
        c = f * c + i * gg
        h = o * jnp.tanh(c)
        hs_ref[:, t] = h
        return (h, c)

    h0 = jnp.zeros((B, HID), jnp.float32)
    c0 = jnp.zeros((B, HID), jnp.float32)
    jax.lax.fori_loop(0, L, step, (h0, c0))

    state = jax.nn.sigmoid(
        jnp.dot(hs_ref[...].reshape(B * L, HID).astype(bf),
                fc1w_ref[...].astype(bf),
                preferred_element_type=jnp.float32) + fc1b_ref[...])
    state = state.reshape(B, L, CN)
    state_ref[...] = state

    ind = ind_ref[...]
    whole = jnp.sum(ind, axis=-1)
    whole = jnp.where(whole > 0.0, whole, 1.0)
    pred_ref[...] = jnp.sum(state[:, :L - 1] * ind, axis=-1) / whole


def _kt_chain(xcat, fc0w, fc0b, wih, whh, bk, fc1w, fc1b, ind):
    B, L, F = xcat.shape
    out_shape = (
        jax.ShapeDtypeStruct((B, L, CN), jnp.float32),
        jax.ShapeDtypeStruct((B, L - 1), jnp.float32),
    )
    return pl.pallas_call(
        _kt_body,
        out_shape=out_shape,
        scratch_shapes=[
            pltpu.VMEM((B, L, 4 * HID), jnp.float32),
            pltpu.VMEM((B, L, HID), jnp.float32),
        ],
    )(xcat, fc0w, fc0b, wih, whh, bk, fc1w, fc1b, ind)


def _pad_edges(src, dst, num_nodes, EEp):
    loops = jnp.arange(num_nodes, dtype=src.dtype)
    s = jnp.concatenate([src, loops])
    d = jnp.concatenate([dst, loops])
    pad = EEp - s.shape[0]
    return jnp.pad(s, (0, pad)), jnp.pad(d, (0, pad))


def kernel(students, questions, features, features_len, routes, routes_len,
           answers, whole_edge_index, whole_edge_attr, edge_index, edge_attr,
           lin0_w, att_src0, att_dst0, b0, lin1_w, att_src1, att_dst1, b1,
           lin2_w, att_src2, att_dst2, b2, result_emb, Wih_r, Whh_r, bih_r,
           bhh_r, fc0_w, fc0_b, Wih_k, Whh_k, bih_k, bhh_k, fc1_w, fc1_b):
    B, L = questions.shape

    h0 = lin0_w
    a_src0 = (h0 @ att_src0[0])[None, :]
    a_dst0 = (h0 @ att_dst0[0])[None, :]
    src0 = whole_edge_index[0]
    dst0 = whole_edge_index[1]
    E0 = src0.shape[0]
    EE0, EEp0 = E0 + N, 57344
    s0e, d0e = _pad_edges(src0, dst0, N, EEp0)
    out0, al0 = _sc_gat_layer(h0, a_src0, a_dst0, s0e, d0e,
                              NN=N, NT=5008, H=1, EE=EE0, EEp=EEp0, CH=14336,
                              want_alpha=True)
    W = out0 + b0

    a0 = al0[:E0]
    mask0 = (src0 < QN) & (dst0 >= QN)
    fi = jnp.where(mask0, src0 * CN + (dst0 - QN), 0)
    val = jnp.where(mask0, a0, 0.0)
    EEp_a = 51200
    fi = jnp.pad(fi, (0, EEp_a - E0))
    val = jnp.pad(val, (0, EEp_a - E0))
    attn0_flat = _make_sc_attn0(E0, EEp_a)(fi, val)
    attn0 = attn0_flat[:QN * CN].reshape(QN, CN)

    X = W[QN:]
    s1 = edge_index[0]
    d1 = edge_index[1]
    EE1, EEp1 = s1.shape[0] + CN, 24576
    s1e, d1e = _pad_edges(s1, d1, CN, EEp1)

    h1 = X @ lin1_w
    h1h = h1.reshape(CN, HEADS, EMB)
    as1 = (h1h * att_src1).sum(-1).T
    ad1 = (h1h * att_dst1).sum(-1).T
    out1, _ = _sc_gat_layer(h1, as1, ad1, s1e, d1e,
                            NN=CN, NT=1008, H=HEADS, EE=EE1, EEp=EEp1,
                            CH=24576)
    X = jax.nn.relu(out1 + b1)

    h2 = X @ lin2_w
    h2h = h2.reshape(CN, HEADS, EMB)
    as2 = (h2h * att_src2).sum(-1).T
    ad2 = (h2h * att_dst2).sum(-1).T
    out2, _ = _sc_gat_layer(h2, as2, ad2, s1e, d1e,
                            NN=CN, NT=1008, H=HEADS, EE=EE1, EEp=EEp1,
                            CH=24576)
    X2 = out2.reshape(CN, HEADS, EMB).mean(axis=1) + b2

    routes9 = routes[..., :RSTEPS].reshape(-1)
    rt = X2[routes9].reshape(B * L, RSTEPS, EMB)
    idx = jnp.maximum(routes_len.reshape(-1) - 1, 0).astype(jnp.int32)
    wcat_r = jnp.concatenate([Wih_r.T, Whh_r.T], axis=0)
    br = (bih_r + bhh_r)[None, :]
    xt = _route_lstm(rt, idx, wcat_r, br, blk=800)
    xt = xt.reshape(B, L, HID)

    qt = W[questions]
    r = result_emb[answers]
    xcat = jnp.concatenate([qt, xt, r], axis=-1)
    ind = attn0[questions[:, 1:]]

    state, pred = _kt_chain(
        xcat, fc0_w, fc0_b[None, :], Wih_k.T, Whh_k.T,
        (bih_k + bhh_k)[None, :], fc1_w, fc1_b[None, :], ind)
    return (attn0, state, pred)

# --- scband reference (transcript-rebuilt; emitter-appended) ---
"""Pipeline reference for scband-route-kt-89069031785192 (READ-ONLY COPY).

The authoritative reference and input builder live on the scoring server;
editing this copy changes nothing except your own understanding.
"""

import jax, jax.numpy as jnp
import numpy as np

QN = 4000
CN = 1000
N = QN + CN
EMB = 128
HID = 128
HEADS = 4


def gat(x, edge_index, lin_w, att_src, att_dst, bias, heads, out_ch, concat, num_nodes, return_attn=False):
    h = (x @ lin_w).reshape(num_nodes, heads, out_ch)
    a_src = (h * att_src).sum(-1)
    a_dst = (h * att_dst).sum(-1)
    loops = jnp.arange(num_nodes)
    src = jnp.concatenate([edge_index[0], loops])
    dst = jnp.concatenate([edge_index[1], loops])
    alpha = a_src[src] + a_dst[dst]
    alpha = jax.nn.leaky_relu(alpha, 0.2)
    amax = jax.ops.segment_max(alpha, dst, num_segments=num_nodes)
    ex = jnp.exp(alpha - amax[dst])
    denom = jax.ops.segment_sum(ex, dst, num_segments=num_nodes)
    alpha_n = ex / (denom[dst] + 1e-16)
    msg = h[src] * alpha_n[:, :, None]
    out = jax.ops.segment_sum(msg, dst, num_segments=num_nodes)
    if concat:
        out = out.reshape(num_nodes, heads * out_ch)
    else:
        out = out.mean(axis=1)
    out = out + bias
    if return_attn:
        return out, (jnp.stack([src, dst]), alpha_n)
    return out


def lstm(x, Wih, Whh, bih, bhh, hidden):
    B = x.shape[0]

    def step(carry, xt):
        hp, cp = carry
        g = xt @ Wih.T + hp @ Whh.T + bih + bhh
        i, f, gg, o = jnp.split(g, 4, axis=-1)
        i = jax.nn.sigmoid(i)
        f = jax.nn.sigmoid(f)
        gg = jnp.tanh(gg)
        o = jax.nn.sigmoid(o)
        c = f * cp + i * gg
        h = o * jnp.tanh(c)
        return (h, c), h

    h0 = jnp.zeros((B, hidden), x.dtype)
    c0 = jnp.zeros((B, hidden), x.dtype)
    _, hs = jax.lax.scan(step, (h0, c0), jnp.swapaxes(x, 0, 1))
    return jnp.swapaxes(hs, 0, 1)


def setup_inputs(seed: int = 0):
    key = jax.random.key(seed)
    ks = jax.random.split(key, 40)
    s = 0.05
    inp = {}
    inp["students"] = jax.random.randint(ks[0], (16, 200), 0, 5000)
    inp["questions"] = jax.random.randint(ks[1], (16, 200), 0, QN)
    inp["features"] = jax.random.randint(ks[2], (16, 200, 8), 0, CN)
    inp["features_len"] = jax.random.randint(ks[3], (16, 200), 0, 8)
    inp["routes"] = jax.random.randint(ks[4], (16, 200, 10), 0, CN)
    inp["routes_len"] = jax.random.randint(ks[5], (16, 200), 0, 10)
    inp["answers"] = jax.random.randint(ks[6], (16, 200), 0, 2)
    inp["whole_edge_index"] = jax.random.randint(ks[7], (2, 50000), 0, N)
    inp["whole_edge_attr"] = jax.random.uniform(ks[8], (50000, 1))
    inp["edge_index"] = jax.random.randint(ks[9], (2, 20000), 0, CN)
    inp["edge_attr"] = jax.random.uniform(ks[10], (20000, 1))
    inp["lin0_w"] = jax.random.normal(ks[11], (N, EMB)) * s
    inp["att_src0"] = jax.random.normal(ks[12], (1, EMB)) * s
    inp["att_dst0"] = jax.random.normal(ks[13], (1, EMB)) * s
    inp["b0"] = jnp.zeros((EMB,))
    inp["lin1_w"] = jax.random.normal(ks[14], (EMB, HEADS * EMB)) * s
    inp["att_src1"] = jax.random.normal(ks[15], (HEADS, EMB)) * s
    inp["att_dst1"] = jax.random.normal(ks[16], (HEADS, EMB)) * s
    inp["b1"] = jnp.zeros((HEADS * EMB,))
    inp["lin2_w"] = jax.random.normal(ks[17], (HEADS * EMB, HEADS * EMB)) * s
    inp["att_src2"] = jax.random.normal(ks[18], (HEADS, EMB)) * s
    inp["att_dst2"] = jax.random.normal(ks[19], (HEADS, EMB)) * s
    inp["b2"] = jnp.zeros((EMB,))
    inp["result_emb"] = jax.random.normal(ks[20], (3, EMB)) * s
    inp["Wih_r"] = jax.random.normal(ks[21], (4 * EMB, EMB)) * s
    inp["Whh_r"] = jax.random.normal(ks[22], (4 * EMB, EMB)) * s
    inp["bih_r"] = jnp.zeros((4 * EMB,))
    inp["bhh_r"] = jnp.zeros((4 * EMB,))
    inp["fc0_w"] = jax.random.normal(ks[23], (3 * EMB, EMB)) * s
    inp["fc0_b"] = jnp.zeros((EMB,))
    inp["Wih_k"] = jax.random.normal(ks[24], (4 * HID, EMB)) * s
    inp["Whh_k"] = jax.random.normal(ks[25], (4 * HID, HID)) * s
    inp["bih_k"] = jnp.zeros((4 * HID,))
    inp["bhh_k"] = jnp.zeros((4 * HID,))
    inp["fc1_w"] = jax.random.normal(ks[26], (HID, CN)) * s
    inp["fc1_b"] = jnp.zeros((CN,))
    return inp


def reference(students, questions, features, features_len, routes, routes_len, answers, whole_edge_index, whole_edge_attr, edge_index, edge_attr, lin0_w, att_src0, att_dst0, b0, lin1_w, att_src1, att_dst1, b1, lin2_w, att_src2, att_dst2, b2, result_emb, Wih_r, Whh_r, bih_r, bhh_r, fc0_w, fc0_b, Wih_k, Whh_k, bih_k, bhh_k, fc1_w, fc1_b):
    B, L = questions.shape
    RM = routes.shape[-1]
    x0 = jnp.eye(N, dtype=jnp.float32)
    W, (e0, a0) = gat(x0, whole_edge_index, lin0_w, att_src0, att_dst0, b0, 1, EMB, True, N, return_attn=True)
    a0 = a0[:, 0]
    dense = jnp.zeros((N, N)).at[e0[0], e0[1]].add(a0)
    attn0 = dense[:QN, QN:]
    Qm = jnp.concatenate([W[:QN], jnp.zeros((1, EMB))], axis=0)
    X = W[QN:]
    X = jax.nn.relu(gat(X, edge_index, lin1_w, att_src1, att_dst1, b1, HEADS, EMB, True, CN))
    X = gat(X, edge_index, lin2_w, att_src2, att_dst2, b2, HEADS, EMB, False, CN)
    X = jnp.concatenate([X, jnp.zeros((1, EMB))], axis=0)
    rt = X[routes].reshape(-1, RM, EMB)
    xt = lstm(rt, Wih_r, Whh_r, bih_r, bhh_r, EMB).reshape(B, L, RM, EMB)
    idx = jnp.maximum(routes_len - 1, 0)
    idx_b = jnp.broadcast_to(idx[:, :, None, None], (B, L, 1, EMB))
    xt = jnp.take_along_axis(xt, idx_b, axis=2)[:, :, 0, :]
    qt = Qm[jnp.where(questions < 0, QN, questions)]
    r = result_emb[jnp.where(answers < 0, 2, answers)]
    xt = jax.nn.relu(jnp.concatenate([qt, xt, r], axis=-1) @ fc0_w + fc0_b)
    ht = lstm(xt, Wih_k, Whh_k, bih_k, bhh_k, HID)
    state = jax.nn.sigmoid(ht @ fc1_w + fc1_b)
    newq = jnp.where(questions < 0, 0, questions)
    ind = attn0[newq[:, 1:]]
    whole = ind.sum(-1)
    whole = jnp.where(whole > 0.0, whole, 1.0)
    pred = (state[:, :-1, :] * ind).sum(-1) / whole
    return (attn0, state, pred)

if __name__ == "__main__":
    import jax
    _d = setup_inputs()
    print(jax.jit(kernel)(*tuple(_d.values())))

</pallas_src>

<mosaic_0001>
#map = affine_map<(d0, d1) -> (0)>
module attributes {stable_mosaic.version = 14 : i64} {
  func.func @attn0_scatter(%arg0: i32, %arg1: i32, %arg2: memref<51200xi32, #tpu.memory_space<hbm>>, %arg3: memref<51200xf32, #tpu.memory_space<hbm>>, %arg4: memref<4000256xf32, #tpu.memory_space<hbm>>, %arg5: memref<2048xi32, #tpu.memory_space<vmem>>, %arg6: memref<2048xf32, #tpu.memory_space<vmem>>, %arg7: memref<125008xf32, #tpu.memory_space<vmem>>) attributes {dimension_semantics = [#tpu.dimension_semantics<core_parallel>, #tpu.dimension_semantics<subcore_parallel>], iteration_bounds = array<i64: 2, 16>, scalar_prefetch = 0 : i64, scratch_operands = 3 : i64, tpu.core_type = #tpu.core_type<sc_vector_subcore>, window_params = [{transform_indices = #map}, {transform_indices = #map}, {transform_indices = #map}]} {
    %mul3A = arith.constant 2 : i32
    %mul3A_0 = arith.muli %arg1, %mul3A : i32
    %add3A = arith.addi %mul3A_0, %arg0 : i32
    %mul3A_1 = arith.constant 125008 : i32
    %mul3A_2 = arith.muli %add3A, %mul3A_1 : i32
    %broadcast_in_dim3A = arith.constant 0.000000e+00 : f32
    %broadcast_in_dim3A_3 = vector.broadcast %broadcast_in_dim3A : f32 to vector<16xf32>
    %parallel_loop3A = arith.constant 0 : i32
    %parallel_loop3A_4 = arith.constant 7813 : i32
    %parallel_loop3A_5 = arith.constant 1 : i32
    scf.for %parallel_loop3A_11 = %parallel_loop3A to %parallel_loop3A_4 step %parallel_loop3A_5  : i32 {
      %parallel_loop3A_12 = arith.constant 16 : i32
      %parallel_loop3A_13 = arith.muli %parallel_loop3A_11, %parallel_loop3A_12 : i32
      %parallel_loop3A_14 = arith.index_cast %parallel_loop3A_13 : i32 to index
      %parallel_loop3A_15 = tpu.vector_load %arg7[%parallel_loop3A_14] {strides = array<i32>} : memref<125008xf32, #tpu.memory_space<vmem>>, vector<16xf32>,
      tpu.vector_store %arg7[%parallel_loop3A_14], %broadcast_in_dim3A_3 {strides = array<i32>} : memref<125008xf32, #tpu.memory_space<vmem>>, vector<16xf32>,
    } {sc.loop_unroll_factor = 8 : i64, sc.parallel_access}
    %iota3A = tpu.iota {dimensions = array<i32: 0>} : vector<16xi32>
    %scan3A = arith.constant 0 : i32
    %scan3A_6 = arith.constant 0 : i32
    %scan3A_7 = arith.constant 25 : i32
    %scan3A_8 = arith.addi %scan3A_6, %scan3A_7 : i32
    %scan3A_9 = arith.constant 1 : i32
    scf.for %scan3A_11 = %scan3A_6 to %scan3A_8 step %scan3A_9  : i32 {
      %mul3A_12 = arith.constant 2048 : i32
      %mul3A_13 = arith.muli %scan3A_11, %mul3A_12 : i32
      "tpu.region"() ({
        %run_scoped3A = tpu.sem_alloc : memref<!tpu.dma_semaphore, #tpu.memory_space<semaphore_mem>>
        %dma_start3A = tpu.memref_slice %arg2[%mul3A_13] : memref<51200xi32, #tpu.memory_space<hbm>> -> memref<2048xi32, #tpu.memory_space<hbm>>
        %dma_start3A_19 = tpu.memref_slice %arg2[%mul3A_13] : memref<51200xi32, #tpu.memory_space<hbm>> -> memref<2048xi32, #tpu.memory_space<hbm>>
        tpu.enqueue_dma source(%dma_start3A_19 : memref<2048xi32, #tpu.memory_space<hbm>>) target(%arg5 : memref<2048xi32, #tpu.memory_space<vmem>>) target_semaphore(%run_scoped3A : memref<!tpu.dma_semaphore, #tpu.memory_space<semaphore_mem>>)
        %dma_wait3A = tpu.memref_slice %arg2[%mul3A_13] : memref<51200xi32, #tpu.memory_space<hbm>> -> memref<2048xi32, #tpu.memory_space<hbm>>
        %dma_wait3A_20 = tpu.memref_slice %arg2[%mul3A_13] : memref<51200xi32, #tpu.memory_space<hbm>> -> memref<2048xi32, #tpu.memory_space<hbm>>
        tpu.wait_dma2 semaphore(%run_scoped3A : memref<!tpu.dma_semaphore, #tpu.memory_space<semaphore_mem>>) src(%dma_wait3A_20 : memref<2048xi32, #tpu.memory_space<hbm>>) dst(%arg5 : memref<2048xi32, #tpu.memory_space<vmem>>)
        tpu.yield
      }) : () -> ()
      %mul3A_14 = arith.constant 2048 : i32
      %mul3A_15 = arith.muli %scan3A_11, %mul3A_14 : i32
      "tpu.region"() ({
        %run_scoped3A = tpu.sem_alloc : memref<!tpu.dma_semaphore, #tpu.memory_space<semaphore_mem>>
        %dma_start3A = tpu.memref_slice %arg3[%mul3A_15] : memref<51200xf32, #tpu.memory_space<hbm>> -> memref<2048xf32, #tpu.memory_space<hbm>>
        %dma_start3A_19 = tpu.memref_slice %arg3[%mul3A_15] : memref<51200xf32, #tpu.memory_space<hbm>> -> memref<2048xf32, #tpu.memory_space<hbm>>
        tpu.enqueue_dma source(%dma_start3A_19 : memref<2048xf32, #tpu.memory_space<hbm>>) target(%arg6 : memref<2048xf32, #tpu.memory_space<vmem>>) target_semaphore(%run_scoped3A : memref<!tpu.dma_semaphore, #tpu.memory_space<semaphore_mem>>)
        %dma_wait3A = tpu.memref_slice %arg3[%mul3A_15] : memref<51200xf32, #tpu.memory_space<hbm>> -> memref<2048xf32, #tpu.memory_space<hbm>>
        %dma_wait3A_20 = tpu.memref_slice %arg3[%mul3A_15] : memref<51200xf32, #tpu.memory_space<hbm>> -> memref<2048xf32, #tpu.memory_space<hbm>>
        tpu.wait_dma2 semaphore(%run_scoped3A : memref<!tpu.dma_semaphore, #tpu.memory_space<semaphore_mem>>) src(%dma_wait3A_20 : memref<2048xf32, #tpu.memory_space<hbm>>) dst(%arg6 : memref<2048xf32, #tpu.memory_space<vmem>>)
        tpu.yield
      }) : () -> ()
      %parallel_loop3A_16 = arith.constant 0 : i32
      %parallel_loop3A_17 = arith.constant 128 : i32
      %parallel_loop3A_18 = arith.constant 1 : i32
      scf.for %parallel_loop3A_19 = %parallel_loop3A_16 to %parallel_loop3A_17 step %parallel_loop3A_18  : i32 {
        %parallel_loop3A_20 = arith.constant 16 : i32
        %parallel_loop3A_21 = arith.muli %parallel_loop3A_19, %parallel_loop3A_20 : i32
        %parallel_loop3A_22 = arith.index_cast %parallel_loop3A_21 : i32 to index
        %parallel_loop3A_23 = tpu.vector_load %arg5[%parallel_loop3A_22] {strides = array<i32>} : memref<2048xi32, #tpu.memory_space<vmem>>, vector<16xi32>,
        %parallel_loop3A_24 = arith.constant 16 : i32
        %parallel_loop3A_25 = arith.muli %parallel_loop3A_19, %parallel_loop3A_24 : i32
        %parallel_loop3A_26 = arith.index_cast %parallel_loop3A_25 : i32 to index
        %parallel_loop3A_27 = tpu.vector_load %arg6[%parallel_loop3A_26] {strides = array<i32>} : memref<2048xf32, #tpu.memory_space<vmem>>, vector<16xf32>,
        %parallel_loop3A_28 = vector.broadcast %mul3A_2 : i32 to vector<16xi32>
        %parallel_loop3A_29 = arith.cmpi sge, %parallel_loop3A_23, %parallel_loop3A_28 : vector<16xi32>
        %parallel_loop3A_30 = arith.constant 125008 : i32
        %parallel_loop3A_31 = arith.addi %mul3A_2, %parallel_loop3A_30 : i32
        %parallel_loop3A_32 = vector.broadcast %parallel_loop3A_31 : i32 to vector<16xi32>
        %parallel_loop3A_33 = arith.cmpi slt, %parallel_loop3A_23, %parallel_loop3A_32 : vector<16xi32>
        %parallel_loop3A_34 = arith.andi %parallel_loop3A_29, %parallel_loop3A_33 : vector<16xi1>
        %parallel_loop3A_35 = arith.constant 2048 : i32
        %parallel_loop3A_36 = arith.muli %scan3A_11, %parallel_loop3A_35 : i32
        %parallel_loop3A_37 = arith.constant 16 : i32
        %parallel_loop3A_38 = arith.muli %parallel_loop3A_19, %parallel_loop3A_37 : i32
        %parallel_loop3A_39 = arith.addi %parallel_loop3A_36, %parallel_loop3A_38 : i32
        %parallel_loop3A_40 = vector.broadcast %parallel_loop3A_39 : i32 to vector<16xi32>
        %parallel_loop3A_41 = arith.addi %parallel_loop3A_40, %iota3A : vector<16xi32>
        %parallel_loop3A_42 = arith.constant 50000 : i32
        %parallel_loop3A_43 = vector.broadcast %parallel_loop3A_42 : i32 to vector<16xi32>
        %parallel_loop3A_44 = arith.cmpi slt, %parallel_loop3A_41, %parallel_loop3A_43 : vector<16xi32>
        %parallel_loop3A_45 = arith.andi %parallel_loop3A_34, %parallel_loop3A_44 : vector<16xi1>
        %parallel_loop3A_46 = vector.broadcast %mul3A_2 : i32 to vector<16xi32>
        %parallel_loop3A_47 = arith.subi %parallel_loop3A_23, %parallel_loop3A_46 : vector<16xi32>
        %parallel_loop3A_48 = arith.constant 0 : i32
        %parallel_loop3A_49 = vector.broadcast %parallel_loop3A_48 : i32 to vector<16xi32>
        %parallel_loop3A_50 = arith.select %parallel_loop3A_45, %parallel_loop3A_47, %parallel_loop3A_49 : vector<16xi1>, vector<16xi32>
        tpu.vector_store_idx %arg7[%parallel_loop3A_50], %parallel_loop3A_27 masked %parallel_loop3A_45 {add = true} : memref<125008xf32, #tpu.memory_space<vmem>>[vector<16xi32>], vector<16xf32>, vector<16xi1>
      } {sc.loop_unroll_factor = 4 : i64, sc.parallel_access}
    }
    %scan3A_10 = arith.constant 25 : i32
    "tpu.region"() ({
      %run_scoped3A = tpu.sem_alloc : memref<!tpu.dma_semaphore, #tpu.memory_space<semaphore_mem>>
      %dma_start3A = tpu.memref_slice %arg4[%mul3A_2] : memref<4000256xf32, #tpu.memory_space<hbm>> -> memref<125008xf32, #tpu.memory_space<hbm>>
      %dma_start3A_11 = tpu.memref_slice %arg4[%mul3A_2] : memref<4000256xf32, #tpu.memory_space<hbm>> -> memref<125008xf32, #tpu.memory_space<hbm>>
      tpu.enqueue_dma source(%arg7 : memref<125008xf32, #tpu.memory_space<vmem>>) target(%dma_start3A_11 : memref<125008xf32, #tpu.memory_space<hbm>>) target_semaphore(%run_scoped3A : memref<!tpu.dma_semaphore, #tpu.memory_space<semaphore_mem>>)
      %dma_wait3A = tpu.memref_slice %arg4[%mul3A_2] : memref<4000256xf32, #tpu.memory_space<hbm>> -> memref<125008xf32, #tpu.memory_space<hbm>>
      %dma_wait3A_12 = tpu.memref_slice %arg4[%mul3A_2] : memref<4000256xf32, #tpu.memory_space<hbm>> -> memref<125008xf32, #tpu.memory_space<hbm>>
      tpu.wait_dma2 semaphore(%run_scoped3A : memref<!tpu.dma_semaphore, #tpu.memory_space<semaphore_mem>>) src(%arg7 : memref<125008xf32, #tpu.memory_space<vmem>>) dst(%dma_wait3A_12 : memref<125008xf32, #tpu.memory_space<hbm>>)
      tpu.yield
    }) : () -> ()
    return
  }
}

#map = affine_map<(d0, d1) -> (0)>
module attributes {stable_mosaic.version = 14 : i64} {
  func.func @gat_edges(%arg0: i32, %arg1: i32, %arg2: memref<5008xf32, #tpu.memory_space<hbm>>, %arg3: memref<5008xf32, #tpu.memory_space<hbm>>, %arg4: memref<641024xf32, #tpu.memory_space<hbm>>, %arg5: memref<57344xi32, #tpu.memory_space<hbm>>, %arg6: memref<57344xi32, #tpu.memory_space<hbm>>, %arg7: memref<641024xf32, #tpu.memory_space<hbm>>, %arg8: memref<160256xf32, #tpu.memory_space<hbm>>, %arg9: memref<1835008xf32, #tpu.memory_space<hbm>>, %arg10: memref<14336xi32, #tpu.memory_space<vmem>>, %arg11: memref<14336xi32, #tpu.memory_space<vmem>>, %arg12: memref<14336xf32, #tpu.memory_space<vmem>>, %arg13: memref<5008xf32, #tpu.memory_space<vmem>>, %arg14: memref<5008xf32, #tpu.memory_space<vmem>>, %arg15: memref<5008xf32, #tpu.memory_space<vmem>>, %arg16: memref<20032xf32, #tpu.memory_space<vmem>>, %arg17: memref<20032xf32, #tpu.memory_space<vmem>>) attributes {dimension_semantics = [#tpu.dimension_semantics<core_parallel>, #tpu.dimension_semantics<subcore_parallel>], iteration_bounds = array<i64: 2, 16>, scalar_prefetch = 0 : i64, scratch_operands = 8 : i64, tpu.core_type = #tpu.core_type<sc_vector_subcore>, window_params = [{transform_indices = #map}, {transform_indices = #map}, {transform_indices = #map}, {transform_indices = #map}, {transform_indices = #map}, {transform_indices = #map}, {transform_indices = #map}, {transform_indices = #map}]} {
    %mul3A = arith.constant 2 : i32
    %mul3A_0 = arith.muli %arg1, %mul3A : i32
    %add3A = arith.addi %mul3A_0, %arg0 : i32
    %jit3A = arith.constant 32 : i32
    %div3A = arith.divsi %add3A, %jit3A : i32
    %sign3A = arith.constant 0 : i32
    %sign3A_1 = arith.cmpi sgt, %add3A, %sign3A : i32
    %sign3A_2 = arith.extui %sign3A_1 : i1 to i32
    %sign3A_3 = arith.constant 0 : i32
    %sign3A_4 = arith.cmpi slt, %add3A, %sign3A_3 : i32
    %sign3A_5 = arith.extui %sign3A_4 : i1 to i32
    %sign3A_6 = arith.subi %sign3A_2, %sign3A_5 : i32
    %sign3A_7 = arith.constant 0 : i32
    %sign3A_8 = arith.cmpi sgt, %jit3A, %sign3A_7 : i32
    %sign3A_9 = arith.extui %sign3A_8 : i1 to i32
    %sign3A_10 = arith.constant 0 : i32
    %sign3A_11 = arith.cmpi slt, %jit3A, %sign3A_10 : i32
    %sign3A_12 = arith.extui %sign3A_11 : i1 to i32
    %sign3A_13 = arith.subi %sign3A_9, %sign3A_12 : i32
    %ne3A = arith.cmpi ne, %sign3A_6, %sign3A_13 : i32
    %rem3A = arith.remsi %add3A, %jit3A : i32
    %ne3A_14 = arith.constant 0 : i32
    %ne3A_15 = arith.cmpi ne, %rem3A, %ne3A_14 : i32
    %and3A = arith.andi %ne3A, %ne3A_15 : i1
    %sub3A = arith.constant 1 : i32
    %sub3A_16 = arith.subi %div3A, %sub3A : i32
    %select_n3A = arith.select %and3A, %sub3A_16, %div3A : i32
    %mul3A_17 = arith.constant 5008 : i32
    %mul3A_18 = arith.muli %select_n3A, %mul3A_17 : i32
    "tpu.region"() ({
      %run_scoped3A = tpu.sem_alloc : memref<!tpu.dma_semaphore, #tpu.memory_space<semaphore_mem>>
      %dma_start3A = tpu.memref_slice %arg2[%mul3A_18] : memref<5008xf32, #tpu.memory_space<hbm>> -> memref<5008xf32, #tpu.memory_space<hbm>>
      %dma_start3A_51 = tpu.memref_slice %arg2[%mul3A_18] : memref<5008xf32, #tpu.memory_space<hbm>> -> memref<5008xf32, #tpu.memory_space<hbm>>
      tpu.enqueue_dma source(%dma_start3A_51 : memref<5008xf32, #tpu.memory_space<hbm>>) target(%arg13 : memref<5008xf32, #tpu.memory_space<vmem>>) target_semaphore(%run_scoped3A : memref<!tpu.dma_semaphore, #tpu.memory_space<semaphore_mem>>)
      %dma_wait3A = tpu.memref_slice %arg2[%mul3A_18] : memref<5008xf32, #tpu.memory_space<hbm>> -> memref<5008xf32, #tpu.memory_space<hbm>>
      %dma_wait3A_52 = tpu.memref_slice %arg2[%mul3A_18] : memref<5008xf32, #tpu.memory_space<hbm>> -> memref<5008xf32, #tpu.memory_space<hbm>>
      tpu.wait_dma2 semaphore(%run_scoped3A : memref<!tpu.dma_semaphore, #tpu.memory_space<semaphore_mem>>) src(%dma_wait3A_52 : memref<5008xf32, #tpu.memory_space<hbm>>) dst(%arg13 : memref<5008xf32, #tpu.memory_space<vmem>>)
      tpu.yield
    }) : () -> ()
    %mul3A_19 = arith.constant 5008 : i32
    %mul3A_20 = arith.muli %select_n3A, %mul3A_19 : i32
    "tpu.region"() ({
      %run_scoped3A = tpu.sem_alloc : memref<!tpu.dma_semaphore, #tpu.memory_space<semaphore_mem>>
      %dma_start3A = tpu.memref_slice %arg3[%mul3A_20] : memref<5008xf32, #tpu.memory_space<hbm>> -> memref<5008xf32, #tpu.memory_space<hbm>>
      %dma_start3A_51 = tpu.memref_slice %arg3[%mul3A_20] : memref<5008xf32, #tpu.memory_space<hbm>> -> memref<5008xf32, #tpu.memory_space<hbm>>
      tpu.enqueue_dma source(%dma_start3A_51 : memref<5008xf32, #tpu.memory_space<hbm>>) target(%arg14 : memref<5008xf32, #tpu.memory_space<vmem>>) target_semaphore(%run_scoped3A : memref<!tpu.dma_semaphore, #tpu.memory_space<semaphore_mem>>)
      %dma_wait3A = tpu.memref_slice %arg3[%mul3A_20] : memref<5008xf32, #tpu.memory_space<hbm>> -> memref<5008xf32, #tpu.memory_space<hbm>>
      %dma_wait3A_52 = tpu.memref_slice %arg3[%mul3A_20] : memref<5008xf32, #tpu.memory_space<hbm>> -> memref<5008xf32, #tpu.memory_space<hbm>>
      tpu.wait_dma2 semaphore(%run_scoped3A : memref<!tpu.dma_semaphore, #tpu.memory_space<semaphore_mem>>) src(%dma_wait3A_52 : memref<5008xf32, #tpu.memory_space<hbm>>) dst(%arg14 : memref<5008xf32, #tpu.memory_space<vmem>>)
      tpu.yield
    }) : () -> ()
    %mul3A_21 = arith.constant 20032 : i32
    %mul3A_22 = arith.muli %add3A, %mul3A_21 : i32
    "tpu.region"() ({
      %run_scoped3A = tpu.sem_alloc : memref<!tpu.dma_semaphore, #tpu.memory_space<semaphore_mem>>
      %dma_start3A = tpu.memref_slice %arg4[%mul3A_22] : memref<641024xf32, #tpu.memory_space<hbm>> -> memref<20032xf32, #tpu.memory_space<hbm>>
      %dma_start3A_51 = tpu.memref_slice %arg4[%mul3A_22] : memref<641024xf32, #tpu.memory_space<hbm>> -> memref<20032xf32, #tpu.memory_space<hbm>>
      tpu.enqueue_dma source(%dma_start3A_51 : memref<20032xf32, #tpu.memory_space<hbm>>) target(%arg16 : memref<20032xf32, #tpu.memory_space<vmem>>) target_semaphore(%run_scoped3A : memref<!tpu.dma_semaphore, #tpu.memory_space<semaphore_mem>>)
      %dma_wait3A = tpu.memref_slice %arg4[%mul3A_22] : memref<641024xf32, #tpu.memory_space<hbm>> -> memref<20032xf32, #tpu.memory_space<hbm>>
      %dma_wait3A_52 = tpu.memref_slice %arg4[%mul3A_22] : memref<641024xf32, #tpu.memory_space<hbm>> -> memref<20032xf32, #tpu.memory_space<hbm>>
      tpu.wait_dma2 semaphore(%run_scoped3A : memref<!tpu.dma_semaphore, #tpu.memory_space<semaphore_mem>>) src(%dma_wait3A_52 : memref<20032xf32, #tpu.memory_space<hbm>>) dst(%arg16 : memref<20032xf32, #tpu.memory_space<vmem>>)
      tpu.yield
    }) : () -> ()
    %broadcast_in_dim3A = arith.constant 0.000000e+00 : f32
    %broadcast_in_dim3A_23 = vector.broadcast %broadcast_in_dim3A : f32 to vector<16xf32>
    %scan3A = arith.constant 0 : i32
    %scan3A_24 = arith.constant 0 : i32
    %scan3A_25 = arith.constant 313 : i32
    %scan3A_26 = arith.addi %scan3A_24, %scan3A_25 : i32
    %scan3A_27 = arith.constant 1 : i32
    scf.for %scan3A_51 = %scan3A_24 to %scan3A_26 step %scan3A_27  : i32 {
      %mul3A_52 = arith.constant 16 : i32
      %mul3A_53 = arith.muli %scan3A_51, %mul3A_52 : i32
      %swap3A = arith.index_cast %mul3A_53 : i32 to index
      %swap3A_54 = tpu.vector_load %arg15[%swap3A] {strides = array<i32>} : memref<5008xf32, #tpu.memory_space<vmem>>, vector<16xf32>,
      tpu.vector_store %arg15[%swap3A], %broadcast_in_dim3A_23 {strides = array<i32>} : memref<5008xf32, #tpu.memory_space<vmem>>, vector<16xf32>,
    }
    %scan3A_28 = arith.constant 313 : i32
    %scan3A_29 = arith.constant 0 : i32
    %scan3A_30 = arith.constant 0 : i32
    %scan3A_31 = arith.constant 1252 : i32
    %scan3A_32 = arith.addi %scan3A_30, %scan3A_31 : i32
    %scan3A_33 = arith.constant 1 : i32
    scf.for %scan3A_51 = %scan3A_30 to %scan3A_32 step %scan3A_33  : i32 {
      %mul3A_52 = arith.constant 16 : i32
      %mul3A_53 = arith.muli %scan3A_51, %mul3A_52 : i32
      %swap3A = arith.index_cast %mul3A_53 : i32 to index
      %swap3A_54 = tpu.vector_load %arg17[%swap3A] {strides = array<i32>} : memref<20032xf32, #tpu.memory_space<vmem>>, vector<16xf32>,
      tpu.vector_store %arg17[%swap3A], %broadcast_in_dim3A_23 {strides = array<i32>} : memref<20032xf32, #tpu.memory_space<vmem>>, vector<16xf32>,
    }
    %scan3A_34 = arith.constant 1252 : i32
    %iota3A = tpu.iota {dimensions = array<i32: 0>} : vector<16xi32>
    %scan3A_35 = arith.constant 0 : i32
    %scan3A_36 = arith.constant 0 : i32
    %scan3A_37 = arith.constant 4 : i32
    %scan3A_38 = arith.addi %scan3A_36, %scan3A_37 : i32
    %scan3A_39 = arith.constant 1 : i32
    scf.for %scan3A_51 = %scan3A_36 to %scan3A_38 step %scan3A_39  : i32 {
      %mul3A_52 = arith.constant 14336 : i32
      %mul3A_53 = arith.muli %scan3A_51, %mul3A_52 : i32
      "tpu.region"() ({
        %run_scoped3A = tpu.sem_alloc : memref<!tpu.dma_semaphore, #tpu.memory_space<semaphore_mem>>
        %dma_start3A = tpu.memref_slice %arg5[%mul3A_53] : memref<57344xi32, #tpu.memory_space<hbm>> -> memref<14336xi32, #tpu.memory_space<hbm>>
        %dma_start3A_58 = tpu.memref_slice %arg5[%mul3A_53] : memref<57344xi32, #tpu.memory_space<hbm>> -> memref<14336xi32, #tpu.memory_space<hbm>>
        tpu.enqueue_dma source(%dma_start3A_58 : memref<14336xi32, #tpu.memory_space<hbm>>) target(%arg10 : memref<14336xi32, #tpu.memory_space<vmem>>) target_semaphore(%run_scoped3A : memref<!tpu.dma_semaphore, #tpu.memory_space<semaphore_mem>>)
        %dma_wait3A = tpu.memref_slice %arg5[%mul3A_53] : memref<57344xi32, #tpu.memory_space<hbm>> -> memref<14336xi32, #tpu.memory_space<hbm>>
        %dma_wait3A_59 = tpu.memref_slice %arg5[%mul3A_53] : memref<57344xi32, #tpu.memory_space<hbm>> -> memref<14336xi32, #tpu.memory_space<hbm>>
        tpu.wait_dma2 semaphore(%run_scoped3A : memref<!tpu.dma_semaphore, #tpu.memory_space<semaphore_mem>>) src(%dma_wait3A_59 : memref<14336xi32, #tpu.memory_space<hbm>>) dst(%arg10 : memref<14336xi32, #tpu.memory_space<vmem>>)
        tpu.yield
      }) : () -> ()
      %mul3A_54 = arith.constant 14336 : i32
      %mul3A_55 = arith.muli %scan3A_51, %mul3A_54 : i32
      "tpu.region"() ({
        %run_scoped3A = tpu.sem_alloc : memref<!tpu.dma_semaphore, #tpu.memory_space<semaphore_mem>>
        %dma_start3A = tpu.memref_slice %arg6[%mul3A_55] : memref<57344xi32, #tpu.memory_space<hbm>> -> memref<14336xi32, #tpu.memory_space<hbm>>
        %dma_start3A_58 = tpu.memref_slice %arg6[%mul3A_55] : memref<57344xi32, #tpu.memory_space<hbm>> -> memref<14336xi32, #tpu.memory_space<hbm>>
        tpu.enqueue_dma source(%dma_start3A_58 : memref<14336xi32, #tpu.memory_space<hbm>>) target(%arg11 : memref<14336xi32, #tpu.memory_space<vmem>>) target_semaphore(%run_scoped3A : memref<!tpu.dma_semaphore, #tpu.memory_space<semaphore_mem>>)
        %dma_wait3A = tpu.memref_slice %arg6[%mul3A_55] : memref<57344xi32, #tpu.memory_space<hbm>> -> memref<14336xi32, #tpu.memory_space<hbm>>
        %dma_wait3A_59 = tpu.memref_slice %arg6[%mul3A_55] : memref<57344xi32, #tpu.memory_space<hbm>> -> memref<14336xi32, #tpu.memory_space<hbm>>
        tpu.wait_dma2 semaphore(%run_scoped3A : memref<!tpu.dma_semaphore, #tpu.memory_space<semaphore_mem>>) src(%dma_wait3A_59 : memref<14336xi32, #tpu.memory_space<hbm>>) dst(%arg11 : memref<14336xi32, #tpu.memory_space<vmem>>)
        tpu.yield
      }) : () -> ()
      %parallel_loop3A = arith.constant 0 : i32
      %parallel_loop3A_56 = arith.constant 896 : i32
      %parallel_loop3A_57 = arith.constant 1 : i32
      scf.for %parallel_loop3A_58 = %parallel_loop3A to %parallel_loop3A_56 step %parallel_loop3A_57  : i32 {
        %parallel_loop3A_59 = arith.constant 16 : i32
        %parallel_loop3A_60 = arith.muli %parallel_loop3A_58, %parallel_loop3A_59 : i32
        %parallel_loop3A_61 = arith.index_cast %parallel_loop3A_60 : i32 to index
        %parallel_loop3A_62 = tpu.vector_load %arg10[%parallel_loop3A_61] {strides = array<i32>} : memref<14336xi32, #tpu.memory_space<vmem>>, vector<16xi32>,
        %parallel_loop3A_63 = arith.constant 16 : i32
        %parallel_loop3A_64 = arith.muli %parallel_loop3A_58, %parallel_loop3A_63 : i32
        %parallel_loop3A_65 = arith.index_cast %parallel_loop3A_64 : i32 to index
        %parallel_loop3A_66 = tpu.vector_load %arg11[%parallel_loop3A_65] {strides = array<i32>} : memref<14336xi32, #tpu.memory_space<vmem>>, vector<16xi32>,
        %parallel_loop3A_67 = tpu.vector_load_idx %arg13[%parallel_loop3A_62] : memref<5008xf32, #tpu.memory_space<vmem>>[vector<16xi32>], vector<16xf32>,
        %parallel_loop3A_68 = tpu.vector_load_idx %arg14[%parallel_loop3A_66] : memref<5008xf32, #tpu.memory_space<vmem>>[vector<16xi32>], vector<16xf32>,
        %parallel_loop3A_69 = arith.addf %parallel_loop3A_67, %parallel_loop3A_68 : vector<16xf32>
        %parallel_loop3A_70 = arith.constant 0.000000e+00 : f32
        %parallel_loop3A_71 = vector.broadcast %parallel_loop3A_70 : f32 to vector<16xf32>
        %parallel_loop3A_72 = arith.cmpf ogt, %parallel_loop3A_69, %parallel_loop3A_71 : vector<16xf32>
        %parallel_loop3A_73 = arith.constant 2.000000e-01 : f32
        %parallel_loop3A_74 = vector.broadcast %parallel_loop3A_73 : f32 to vector<16xf32>
        %parallel_loop3A_75 = arith.mulf %parallel_loop3A_69, %parallel_loop3A_74 : vector<16xf32>
        %parallel_loop3A_76 = arith.select %parallel_loop3A_72, %parallel_loop3A_69, %parallel_loop3A_75 : vector<16xi1>, vector<16xf32>
        %parallel_loop3A_77 = math.exp %parallel_loop3A_76 : vector<16xf32>
        %parallel_loop3A_78 = arith.constant 14336 : i32
        %parallel_loop3A_79 = arith.muli %scan3A_51, %parallel_loop3A_78 : i32
        %parallel_loop3A_80 = arith.constant 16 : i32
        %parallel_loop3A_81 = arith.muli %parallel_loop3A_58, %parallel_loop3A_80 : i32
        %parallel_loop3A_82 = arith.addi %parallel_loop3A_79, %parallel_loop3A_81 : i32
        %parallel_loop3A_83 = vector.broadcast %parallel_loop3A_82 : i32 to vector<16xi32>
        %parallel_loop3A_84 = arith.addi %parallel_loop3A_83, %iota3A : vector<16xi32>
        %parallel_loop3A_85 = arith.constant 55000 : i32
        %parallel_loop3A_86 = vector.broadcast %parallel_loop3A_85 : i32 to vector<16xi32>
        %parallel_loop3A_87 = arith.cmpi slt, %parallel_loop3A_84, %parallel_loop3A_86 : vector<16xi32>
        tpu.vector_store_idx %arg15[%parallel_loop3A_66], %parallel_loop3A_77 masked %parallel_loop3A_87 {add = true} : memref<5008xf32, #tpu.memory_space<vmem>>[vector<16xi32>], vector<16xf32>, vector<16xi1>
      } {sc.loop_unroll_factor = 4 : i64, sc.parallel_access}
    }
    %scan3A_40 = arith.constant 4 : i32
    %scan3A_41 = arith.constant 0 : i32
    %scan3A_42 = arith.constant 0 : i32
    %scan3A_43 = arith.constant 4 : i32
    %scan3A_44 = arith.addi %scan3A_42, %scan3A_43 : i32
    %scan3A_45 = arith.constant 1 : i32
    scf.for %scan3A_51 = %scan3A_42 to %scan3A_44 step %scan3A_45  : i32 {
      %mul3A_52 = arith.constant 14336 : i32
      %mul3A_53 = arith.muli %scan3A_51, %mul3A_52 : i32
      "tpu.region"() ({
        %run_scoped3A = tpu.sem_alloc : memref<!tpu.dma_semaphore, #tpu.memory_space<semaphore_mem>>
        %dma_start3A = tpu.memref_slice %arg5[%mul3A_53] : memref<57344xi32, #tpu.memory_space<hbm>> -> memref<14336xi32, #tpu.memory_space<hbm>>
        %dma_start3A_63 = tpu.memref_slice %arg5[%mul3A_53] : memref<57344xi32, #tpu.memory_space<hbm>> -> memref<14336xi32, #tpu.memory_space<hbm>>
        tpu.enqueue_dma source(%dma_start3A_63 : memref<14336xi32, #tpu.memory_space<hbm>>) target(%arg10 : memref<14336xi32, #tpu.memory_space<vmem>>) target_semaphore(%run_scoped3A : memref<!tpu.dma_semaphore, #tpu.memory_space<semaphore_mem>>)
        %dma_wait3A = tpu.memref_slice %arg5[%mul3A_53] : memref<57344xi32, #tpu.memory_space<hbm>> -> memref<14336xi32, #tpu.memory_space<hbm>>
        %dma_wait3A_64 = tpu.memref_slice %arg5[%mul3A_53] : memref<57344xi32, #tpu.memory_space<hbm>> -> memref<14336xi32, #tpu.memory_space<hbm>>
        tpu.wait_dma2 semaphore(%run_scoped3A : memref<!tpu.dma_semaphore, #tpu.memory_space<semaphore_mem>>) src(%dma_wait3A_64 : memref<14336xi32, #tpu.memory_space<hbm>>) dst(%arg10 : memref<14336xi32, #tpu.memory_space<vmem>>)
        tpu.yield
      }) : () -> ()
      %mul3A_54 = arith.constant 14336 : i32
      %mul3A_55 = arith.muli %scan3A_51, %mul3A_54 : i32
      "tpu.region"() ({
        %run_scoped3A = tpu.sem_alloc : memref<!tpu.dma_semaphore, #tpu.memory_space<semaphore_mem>>
        %dma_start3A = tpu.memref_slice %arg6[%mul3A_55] : memref<57344xi32, #tpu.memory_space<hbm>> -> memref<14336xi32, #tpu.memory_space<hbm>>
        %dma_start3A_63 = tpu.memref_slice %arg6[%mul3A_55] : memref<57344xi32, #tpu.memory_space<hbm>> -> memref<14336xi32, #tpu.memory_space<hbm>>
        tpu.enqueue_dma source(%dma_start3A_63 : memref<14336xi32, #tpu.memory_space<hbm>>) target(%arg11 : memref<14336xi32, #tpu.memory_space<vmem>>) target_semaphore(%run_scoped3A : memref<!tpu.dma_semaphore, #tpu.memory_space<semaphore_mem>>)
        %dma_wait3A = tpu.memref_slice %arg6[%mul3A_55] : memref<57344xi32, #tpu.memory_space<hbm>> -> memref<14336xi32, #tpu.memory_space<hbm>>
        %dma_wait3A_64 = tpu.memref_slice %arg6[%mul3A_55] : memref<57344xi32, #tpu.memory_space<hbm>> -> memref<14336xi32, #tpu.memory_space<hbm>>
        tpu.wait_dma2 semaphore(%run_scoped3A : memref<!tpu.dma_semaphore, #tpu.memory_space<semaphore_mem>>) src(%dma_wait3A_64 : memref<14336xi32, #tpu.memory_space<hbm>>) dst(%arg11 : memref<14336xi32, #tpu.memory_space<vmem>>)
        tpu.yield
      }) : () -> ()
      %parallel_loop3A = arith.constant 0 : i32
      %parallel_loop3A_56 = arith.constant 896 : i32
      %parallel_loop3A_57 = arith.constant 1 : i32
      scf.for %parallel_loop3A_63 = %parallel_loop3A to %parallel_loop3A_56 step %parallel_loop3A_57  : i32 {
        %parallel_loop3A_64 = arith.constant 16 : i32
        %parallel_loop3A_65 = arith.muli %parallel_loop3A_63, %parallel_loop3A_64 : i32
        %parallel_loop3A_66 = arith.index_cast %parallel_loop3A_65 : i32 to index
        %parallel_loop3A_67 = tpu.vector_load %arg10[%parallel_loop3A_66] {strides = array<i32>} : memref<14336xi32, #tpu.memory_space<vmem>>, vector<16xi32>,
        %parallel_loop3A_68 = arith.constant 16 : i32
        %parallel_loop3A_69 = arith.muli %parallel_loop3A_63, %parallel_loop3A_68 : i32
        %parallel_loop3A_70 = arith.index_cast %parallel_loop3A_69 : i32 to index
        %parallel_loop3A_71 = tpu.vector_load %arg11[%parallel_loop3A_70] {strides = array<i32>} : memref<14336xi32, #tpu.memory_space<vmem>>, vector<16xi32>,
        %parallel_loop3A_72 = tpu.vector_load_idx %arg13[%parallel_loop3A_67] : memref<5008xf32, #tpu.memory_space<vmem>>[vector<16xi32>], vector<16xf32>,
        %parallel_loop3A_73 = tpu.vector_load_idx %arg14[%parallel_loop3A_71] : memref<5008xf32, #tpu.memory_space<vmem>>[vector<16xi32>], vector<16xf32>,
        %parallel_loop3A_74 = arith.addf %parallel_loop3A_72, %parallel_loop3A_73 : vector<16xf32>
        %parallel_loop3A_75 = arith.constant 0.000000e+00 : f32
        %parallel_loop3A_76 = vector.broadcast %parallel_loop3A_75 : f32 to vector<16xf32>
        %parallel_loop3A_77 = arith.cmpf ogt, %parallel_loop3A_74, %parallel_loop3A_76 : vector<16xf32>
        %parallel_loop3A_78 = arith.constant 2.000000e-01 : f32
        %parallel_loop3A_79 = vector.broadcast %parallel_loop3A_78 : f32 to vector<16xf32>
        %parallel_loop3A_80 = arith.mulf %parallel_loop3A_74, %parallel_loop3A_79 : vector<16xf32>
        %parallel_loop3A_81 = arith.select %parallel_loop3A_77, %parallel_loop3A_74, %parallel_loop3A_80 : vector<16xi1>, vector<16xf32>
        %parallel_loop3A_82 = math.exp %parallel_loop3A_81 : vector<16xf32>
        %parallel_loop3A_83 = tpu.vector_load_idx %arg15[%parallel_loop3A_71] : memref<5008xf32, #tpu.memory_space<vmem>>[vector<16xi32>], vector<16xf32>,
        %parallel_loop3A_84 = arith.divf %parallel_loop3A_82, %parallel_loop3A_83 : vector<16xf32>
        %parallel_loop3A_85 = arith.constant 16 : i32
        %parallel_loop3A_86 = arith.muli %parallel_loop3A_63, %parallel_loop3A_85 : i32
        %parallel_loop3A_87 = arith.index_cast %parallel_loop3A_86 : i32 to index
        %parallel_loop3A_88 = tpu.vector_load %arg12[%parallel_loop3A_87] {strides = array<i32>} : memref<14336xf32, #tpu.memory_space<vmem>>, vector<16xf32>,
        tpu.vector_store %arg12[%parallel_loop3A_87], %parallel_loop3A_84 {strides = array<i32>} : memref<14336xf32, #tpu.memory_space<vmem>>, vector<16xf32>,
        %parallel_loop3A_89 = arith.constant 14336 : i32
        %parallel_loop3A_90 = arith.muli %scan3A_51, %parallel_loop3A_89 : i32
        %parallel_loop3A_91 = arith.constant 16 : i32
        %parallel_loop3A_92 = arith.muli %parallel_loop3A_63, %parallel_loop3A_91 : i32
        %parallel_loop3A_93 = arith.addi %parallel_loop3A_90, %parallel_loop3A_92 : i32
        %parallel_loop3A_94 = vector.broadcast %parallel_loop3A_93 : i32 to vector<16xi32>
        %parallel_loop3A_95 = arith.addi %parallel_loop3A_94, %iota3A : vector<16xi32>
        %parallel_loop3A_96 = arith.constant 55000 : i32
        %parallel_loop3A_97 = vector.broadcast %parallel_loop3A_96 : i32 to vector<16xi32>
        %parallel_loop3A_98 = arith.cmpi slt, %parallel_loop3A_95, %parallel_loop3A_97 : vector<16xi32>
        %parallel_loop3A_99 = arith.constant 0 : i32
        %parallel_loop3A_100 = vector.broadcast %parallel_loop3A_99 : i32 to vector<16xi32>
        %parallel_loop3A_101 = arith.addi %parallel_loop3A_67, %parallel_loop3A_100 : vector<16xi32>
        %parallel_loop3A_102 = tpu.vector_load_idx %arg16[%parallel_loop3A_101] : memref<20032xf32, #tpu.memory_space<vmem>>[vector<16xi32>], vector<16xf32>,
        %parallel_loop3A_103 = arith.constant 0 : i32
        %parallel_loop3A_104 = vector.broadcast %parallel_loop3A_103 : i32 to vector<16xi32>
        %parallel_loop3A_105 = arith.addi %parallel_loop3A_71, %parallel_loop3A_104 : vector<16xi32>
        %parallel_loop3A_106 = arith.mulf %parallel_loop3A_102, %parallel_loop3A_84 : vector<16xf32>
        tpu.vector_store_idx %arg17[%parallel_loop3A_105], %parallel_loop3A_106 masked %parallel_loop3A_98 {add = true} : memref<20032xf32, #tpu.memory_space<vmem>>[vector<16xi32>], vector<16xf32>, vector<16xi1>
        %parallel_loop3A_107 = arith.constant 5008 : i32
        %parallel_loop3A_108 = vector.broadcast %parallel_loop3A_107 : i32 to vector<16xi32>
        %parallel_loop3A_109 = arith.addi %parallel_loop3A_67, %parallel_loop3A_108 : vector<16xi32>
        %parallel_loop3A_110 = tpu.vector_load_idx %arg16[%parallel_loop3A_109] : memref<20032xf32, #tpu.memory_space<vmem>>[vector<16xi32>], vector<16xf32>,
        %parallel_loop3A_111 = arith.constant 5008 : i32
        %parallel_loop3A_112 = vector.broadcast %parallel_loop3A_111 : i32 to vector<16xi32>
        %parallel_loop3A_113 = arith.addi %parallel_loop3A_71, %parallel_loop3A_112 : vector<16xi32>
        %parallel_loop3A_114 = arith.mulf %parallel_loop3A_110, %parallel_loop3A_84 : vector<16xf32>
        tpu.vector_store_idx %arg17[%parallel_loop3A_113], %parallel_loop3A_114 masked %parallel_loop3A_98 {add = true} : memref<20032xf32, #tpu.memory_space<vmem>>[vector<16xi32>], vector<16xf32>, vector<16xi1>
        %parallel_loop3A_115 = arith.constant 10016 : i32
        %parallel_loop3A_116 = vector.broadcast %parallel_loop3A_115 : i32 to vector<16xi32>
        %parallel_loop3A_117 = arith.addi %parallel_loop3A_67, %parallel_loop3A_116 : vector<16xi32>
        %parallel_loop3A_118 = tpu.vector_load_idx %arg16[%parallel_loop3A_117] : memref<20032xf32, #tpu.memory_space<vmem>>[vector<16xi32>], vector<16xf32>,
        %parallel_loop3A_119 = arith.constant 10016 : i32
        %parallel_loop3A_120 = vector.broadcast %parallel_loop3A_119 : i32 to vector<16xi32>
        %parallel_loop3A_121 = arith.addi %parallel_loop3A_71, %parallel_loop3A_120 : vector<16xi32>
        %parallel_loop3A_122 = arith.mulf %parallel_loop3A_118, %parallel_loop3A_84 : vector<16xf32>
        tpu.vector_store_idx %arg17[%parallel_loop3A_121], %parallel_loop3A_122 masked %parallel_loop3A_98 {add = true} : memref<20032xf32, #tpu.memory_space<vmem>>[vector<16xi32>], vector<16xf32>, vector<16xi1>
        %parallel_loop3A_123 = arith.constant 15024 : i32
        %parallel_loop3A_124 = vector.broadcast %parallel_loop3A_123 : i32 to vector<16xi32>
        %parallel_loop3A_125 = arith.addi %parallel_loop3A_67, %parallel_loop3A_124 : vector<16xi32>
        %parallel_loop3A_126 = tpu.vector_load_idx %arg16[%parallel_loop3A_125] : memref<20032xf32, #tpu.memory_space<vmem>>[vector<16xi32>], vector<16xf32>,
        %parallel_loop3A_127 = arith.constant 15024 : i32
        %parallel_loop3A_128 = vector.broadcast %parallel_loop3A_127 : i32 to vector<16xi32>
        %parallel_loop3A_129 = arith.addi %parallel_loop3A_71, %parallel_loop3A_128 : vector<16xi32>
        %parallel_loop3A_130 = arith.mulf %parallel_loop3A_126, %parallel_loop3A_84 : vector<16xf32>
        tpu.vector_store_idx %arg17[%parallel_loop3A_129], %parallel_loop3A_130 masked %parallel_loop3A_98 {add = true} : memref<20032xf32, #tpu.memory_space<vmem>>[vector<16xi32>], vector<16xf32>, vector<16xi1>
      } {sc.loop_unroll_factor = 3 : i64, sc.parallel_access}
      %mul3A_58 = arith.constant 57344 : i32
      %mul3A_59 = arith.muli %add3A, %mul3A_58 : i32
      %mul3A_60 = arith.constant 14336 : i32
      %mul3A_61 = arith.muli %scan3A_51, %mul3A_60 : i32
      %add3A_62 = arith.addi %mul3A_59, %mul3A_61 : i32
      "tpu.region"() ({
        %run_scoped3A = tpu.sem_alloc : memref<!tpu.dma_semaphore, #tpu.memory_space<semaphore_mem>>
        %dma_start3A = tpu.memref_slice %arg9[%add3A_62] : memref<1835008xf32, #tpu.memory_space<hbm>> -> memref<14336xf32, #tpu.memory_space<hbm>>
        %dma_start3A_63 = tpu.memref_slice %arg9[%add3A_62] : memref<1835008xf32, #tpu.memory_space<hbm>> -> memref<14336xf32, #tpu.memory_space<hbm>>
        tpu.enqueue_dma source(%arg12 : memref<14336xf32, #tpu.memory_space<vmem>>) target(%dma_start3A_63 : memref<14336xf32, #tpu.memory_space<hbm>>) target_semaphore(%run_scoped3A : memref<!tpu.dma_semaphore, #tpu.memory_space<semaphore_mem>>)
        %dma_wait3A = tpu.memref_slice %arg9[%add3A_62] : memref<1835008xf32, #tpu.memory_space<hbm>> -> memref<14336xf32, #tpu.memory_space<hbm>>
        %dma_wait3A_64 = tpu.memref_slice %arg9[%add3A_62] : memref<1835008xf32, #tpu.memory_space<hbm>> -> memref<14336xf32, #tpu.memory_space<hbm>>
        tpu.wait_dma2 semaphore(%run_scoped3A : memref<!tpu.dma_semaphore, #tpu.memory_space<semaphore_mem>>) src(%arg12 : memref<14336xf32, #tpu.memory_space<vmem>>) dst(%dma_wait3A_64 : memref<14336xf32, #tpu.memory_space<hbm>>)
        tpu.yield
      }) : () -> ()
    }
    %scan3A_46 = arith.constant 4 : i32
    %mul3A_47 = arith.constant 20032 : i32
    %mul3A_48 = arith.muli %add3A, %mul3A_47 : i32
    "tpu.region"() ({
      %run_scoped3A = tpu.sem_alloc : memref<!tpu.dma_semaphore, #tpu.memory_space<semaphore_mem>>
      %dma_start3A = tpu.memref_slice %arg7[%mul3A_48] : memref<641024xf32, #tpu.memory_space<hbm>> -> memref<20032xf32, #tpu.memory_space<hbm>>
      %dma_start3A_51 = tpu.memref_slice %arg7[%mul3A_48] : memref<641024xf32, #tpu.memory_space<hbm>> -> memref<20032xf32, #tpu.memory_space<hbm>>
      tpu.enqueue_dma source(%arg17 : memref<20032xf32, #tpu.memory_space<vmem>>) target(%dma_start3A_51 : memref<20032xf32, #tpu.memory_space<hbm>>) target_semaphore(%run_scoped3A : memref<!tpu.dma_semaphore, #tpu.memory_space<semaphore_mem>>)
      %dma_wait3A = tpu.memref_slice %arg7[%mul3A_48] : memref<641024xf32, #tpu.memory_space<hbm>> -> memref<20032xf32, #tpu.memory_space<hbm>>
      %dma_wait3A_52 = tpu.memref_slice %arg7[%mul3A_48] : memref<641024xf32, #tpu.memory_space<hbm>> -> memref<20032xf32, #tpu.memory_space<hbm>>
      tpu.wait_dma2 semaphore(%run_scoped3A : memref<!tpu.dma_semaphore, #tpu.memory_space<semaphore_mem>>) src(%arg17 : memref<20032xf32, #tpu.memory_space<vmem>>) dst(%dma_wait3A_52 : memref<20032xf32, #tpu.memory_space<hbm>>)
      tpu.yield
    }) : () -> ()
    %mul3A_49 = arith.constant 5008 : i32
    %mul3A_50 = arith.muli %add3A, %mul3A_49 : i32
    "tpu.region"() ({
      %run_scoped3A = tpu.sem_alloc : memref<!tpu.dma_semaphore, #tpu.memory_space<semaphore_mem>>
      %dma_start3A = tpu.memref_slice %arg8[%mul3A_50] : memref<160256xf32, #tpu.memory_space<hbm>> -> memref<5008xf32, #tpu.memory_space<hbm>>
      %dma_start3A_51 = tpu.memref_slice %arg8[%mul3A_50] : memref<160256xf32, #tpu.memory_space<hbm>> -> memref<5008xf32, #tpu.memory_space<hbm>>
      tpu.enqueue_dma source(%arg15 : memref<5008xf32, #tpu.memory_space<vmem>>) target(%dma_start3A_51 : memref<5008xf32, #tpu.memory_space<hbm>>) target_semaphore(%run_scoped3A : memref<!tpu.dma_semaphore, #tpu.memory_space<semaphore_mem>>)
      %dma_wait3A = tpu.memref_slice %arg8[%mul3A_50] : memref<160256xf32, #tpu.memory_space<hbm>> -> memref<5008xf32, #tpu.memory_space<hbm>>
      %dma_wait3A_52 = tpu.memref_slice %arg8[%mul3A_50] : memref<160256xf32, #tpu.memory_space<hbm>> -> memref<5008xf32, #tpu.memory_space<hbm>>
      tpu.wait_dma2 semaphore(%run_scoped3A : memref<!tpu.dma_semaphore, #tpu.memory_space<semaphore_mem>>) src(%arg15 : memref<5008xf32, #tpu.memory_space<vmem>>) dst(%dma_wait3A_52 : memref<5008xf32, #tpu.memory_space<hbm>>)
      tpu.yield
    }) : () -> ()
    return
  }
}

#map = affine_map<(d0, d1) -> (0)>
module attributes {stable_mosaic.version = 14 : i64} {
  func.func @gat_edges(%arg0: i32, %arg1: i32, %arg2: memref<4032xf32, #tpu.memory_space<hbm>>, %arg3: memref<4032xf32, #tpu.memory_space<hbm>>, %arg4: memref<516096xf32, #tpu.memory_space<hbm>>, %arg5: memref<24576xi32, #tpu.memory_space<hbm>>, %arg6: memref<24576xi32, #tpu.memory_space<hbm>>, %arg7: memref<516096xf32, #tpu.memory_space<hbm>>, %arg8: memref<32256xf32, #tpu.memory_space<hbm>>, %arg9: memref<786432xf32, #tpu.memory_space<hbm>>, %arg10: memref<24576xi32, #tpu.memory_space<vmem>>, %arg11: memref<24576xi32, #tpu.memory_space<vmem>>, %arg12: memref<24576xf32, #tpu.memory_space<vmem>>, %arg13: memref<1008xf32, #tpu.memory_space<vmem>>, %arg14: memref<1008xf32, #tpu.memory_space<vmem>>, %arg15: memref<1008xf32, #tpu.memory_space<vmem>>, %arg16: memref<16128xf32, #tpu.memory_space<vmem>>, %arg17: memref<16128xf32, #tpu.memory_space<vmem>>) attributes {dimension_semantics = [#tpu.dimension_semantics<core_parallel>, #tpu.dimension_semantics<subcore_parallel>], iteration_bounds = array<i64: 2, 16>, scalar_prefetch = 0 : i64, scratch_operands = 8 : i64, tpu.core_type = #tpu.core_type<sc_vector_subcore>, window_params = [{transform_indices = #map}, {transform_indices = #map}, {transform_indices = #map}, {transform_indices = #map}, {transform_indices = #map}, {transform_indices = #map}, {transform_indices = #map}, {transform_indices = #map}]} {
    %mul3A = arith.constant 2 : i32
    %mul3A_0 = arith.muli %arg1, %mul3A : i32
    %add3A = arith.addi %mul3A_0, %arg0 : i32
    %jit3A = arith.constant 8 : i32
    %div3A = arith.divsi %add3A, %jit3A : i32
    %sign3A = arith.constant 0 : i32
    %sign3A_1 = arith.cmpi sgt, %add3A, %sign3A : i32
    %sign3A_2 = arith.extui %sign3A_1 : i1 to i32
    %sign3A_3 = arith.constant 0 : i32
    %sign3A_4 = arith.cmpi slt, %add3A, %sign3A_3 : i32
    %sign3A_5 = arith.extui %sign3A_4 : i1 to i32
    %sign3A_6 = arith.subi %sign3A_2, %sign3A_5 : i32
    %sign3A_7 = arith.constant 0 : i32
    %sign3A_8 = arith.cmpi sgt, %jit3A, %sign3A_7 : i32
    %sign3A_9 = arith.extui %sign3A_8 : i1 to i32
    %sign3A_10 = arith.constant 0 : i32
    %sign3A_11 = arith.cmpi slt, %jit3A, %sign3A_10 : i32
    %sign3A_12 = arith.extui %sign3A_11 : i1 to i32
    %sign3A_13 = arith.subi %sign3A_9, %sign3A_12 : i32
    %ne3A = arith.cmpi ne, %sign3A_6, %sign3A_13 : i32
    %rem3A = arith.remsi %add3A, %jit3A : i32
    %ne3A_14 = arith.constant 0 : i32
    %ne3A_15 = arith.cmpi ne, %rem3A, %ne3A_14 : i32
    %and3A = arith.andi %ne3A, %ne3A_15 : i1
    %sub3A = arith.constant 1 : i32
    %sub3A_16 = arith.subi %div3A, %sub3A : i32
    %select_n3A = arith.select %and3A, %sub3A_16, %div3A : i32
    %mul3A_17 = arith.constant 1008 : i32
    %mul3A_18 = arith.muli %select_n3A, %mul3A_17 : i32
    "tpu.region"() ({
      %run_scoped3A = tpu.sem_alloc : memref<!tpu.dma_semaphore, #tpu.memory_space<semaphore_mem>>
      %dma_start3A = tpu.memref_slice %arg2[%mul3A_18] : memref<4032xf32, #tpu.memory_space<hbm>> -> memref<1008xf32, #tpu.memory_space<hbm>>
      %dma_start3A_58 = tpu.memref_slice %arg2[%mul3A_18] : memref<4032xf32, #tpu.memory_space<hbm>> -> memref<1008xf32, #tpu.memory_space<hbm>>
      tpu.enqueue_dma source(%dma_start3A_58 : memref<1008xf32, #tpu.memory_space<hbm>>) target(%arg13 : memref<1008xf32, #tpu.memory_space<vmem>>) target_semaphore(%run_scoped3A : memref<!tpu.dma_semaphore, #tpu.memory_space<semaphore_mem>>)
      %dma_wait3A = tpu.memref_slice %arg2[%mul3A_18] : memref<4032xf32, #tpu.memory_space<hbm>> -> memref<1008xf32, #tpu.memory_space<hbm>>
      %dma_wait3A_59 = tpu.memref_slice %arg2[%mul3A_18] : memref<4032xf32, #tpu.memory_space<hbm>> -> memref<1008xf32, #tpu.memory_space<hbm>>
      tpu.wait_dma2 semaphore(%run_scoped3A : memref<!tpu.dma_semaphore, #tpu.memory_space<semaphore_mem>>) src(%dma_wait3A_59 : memref<1008xf32, #tpu.memory_space<hbm>>) dst(%arg13 : memref<1008xf32, #tpu.memory_space<vmem>>)
      tpu.yield
    }) : () -> ()
    %mul3A_19 = arith.constant 1008 : i32
    %mul3A_20 = arith.muli %select_n3A, %mul3A_19 : i32
    "tpu.region"() ({
      %run_scoped3A = tpu.sem_alloc : memref<!tpu.dma_semaphore, #tpu.memory_space<semaphore_mem>>
      %dma_start3A = tpu.memref_slice %arg3[%mul3A_20] : memref<4032xf32, #tpu.memory_space<hbm>> -> memref<1008xf32, #tpu.memory_space<hbm>>
      %dma_start3A_58 = tpu.memref_slice %arg3[%mul3A_20] : memref<4032xf32, #tpu.memory_space<hbm>> -> memref<1008xf32, #tpu.memory_space<hbm>>
      tpu.enqueue_dma source(%dma_start3A_58 : memref<1008xf32, #tpu.memory_space<hbm>>) target(%arg14 : memref<1008xf32, #tpu.memory_space<vmem>>) target_semaphore(%run_scoped3A : memref<!tpu.dma_semaphore, #tpu.memory_space<semaphore_mem>>)
      %dma_wait3A = tpu.memref_slice %arg3[%mul3A_20] : memref<4032xf32, #tpu.memory_space<hbm>> -> memref<1008xf32, #tpu.memory_space<hbm>>
      %dma_wait3A_59 = tpu.memref_slice %arg3[%mul3A_20] : memref<4032xf32, #tpu.memory_space<hbm>> -> memref<1008xf32, #tpu.memory_space<hbm>>
      tpu.wait_dma2 semaphore(%run_scoped3A : memref<!tpu.dma_semaphore, #tpu.memory_space<semaphore_mem>>) src(%dma_wait3A_59 : memref<1008xf32, #tpu.memory_space<hbm>>) dst(%arg14 : memref<1008xf32, #tpu.memory_space<vmem>>)
      tpu.yield
    }) : () -> ()
    %mul3A_21 = arith.constant 16128 : i32
    %mul3A_22 = arith.muli %add3A, %mul3A_21 : i32
    "tpu.region"() ({
      %run_scoped3A = tpu.sem_alloc : memref<!tpu.dma_semaphore, #tpu.memory_space<semaphore_mem>>
      %dma_start3A = tpu.memref_slice %arg4[%mul3A_22] : memref<516096xf32, #tpu.memory_space<hbm>> -> memref<16128xf32, #tpu.memory_space<hbm>>
      %dma_start3A_58 = tpu.memref_slice %arg4[%mul3A_22] : memref<516096xf32, #tpu.memory_space<hbm>> -> memref<16128xf32, #tpu.memory_space<hbm>>
      tpu.enqueue_dma source(%dma_start3A_58 : memref<16128xf32, #tpu.memory_space<hbm>>) target(%arg16 : memref<16128xf32, #tpu.memory_space<vmem>>) target_semaphore(%run_scoped3A : memref<!tpu.dma_semaphore, #tpu.memory_space<semaphore_mem>>)
      %dma_wait3A = tpu.memref_slice %arg4[%mul3A_22] : memref<516096xf32, #tpu.memory_space<hbm>> -> memref<16128xf32, #tpu.memory_space<hbm>>
      %dma_wait3A_59 = tpu.memref_slice %arg4[%mul3A_22] : memref<516096xf32, #tpu.memory_space<hbm>> -> memref<16128xf32, #tpu.memory_space<hbm>>
      tpu.wait_dma2 semaphore(%run_scoped3A : memref<!tpu.dma_semaphore, #tpu.memory_space<semaphore_mem>>) src(%dma_wait3A_59 : memref<16128xf32, #tpu.memory_space<hbm>>) dst(%arg16 : memref<16128xf32, #tpu.memory_space<vmem>>)
      tpu.yield
    }) : () -> ()
    %broadcast_in_dim3A = arith.constant 0.000000e+00 : f32
    %broadcast_in_dim3A_23 = vector.broadcast %broadcast_in_dim3A : f32 to vector<16xf32>
    %scan3A = arith.constant 0 : i32
    %scan3A_24 = arith.constant 0 : i32
    %scan3A_25 = arith.constant 63 : i32
    %scan3A_26 = arith.addi %scan3A_24, %scan3A_25 : i32
    %scan3A_27 = arith.constant 1 : i32
    scf.for %scan3A_58 = %scan3A_24 to %scan3A_26 step %scan3A_27  : i32 {
      %mul3A_59 = arith.constant 16 : i32
      %mul3A_60 = arith.muli %scan3A_58, %mul3A_59 : i32
      %swap3A = arith.index_cast %mul3A_60 : i32 to index
      %swap3A_61 = tpu.vector_load %arg15[%swap3A] {strides = array<i32>} : memref<1008xf32, #tpu.memory_space<vmem>>, vector<16xf32>,
      tpu.vector_store %arg15[%swap3A], %broadcast_in_dim3A_23 {strides = array<i32>} : memref<1008xf32, #tpu.memory_space<vmem>>, vector<16xf32>,
    }
    %scan3A_28 = arith.constant 63 : i32
    %scan3A_29 = arith.constant 0 : i32
    %scan3A_30 = arith.constant 0 : i32
    %scan3A_31 = arith.constant 1008 : i32
    %scan3A_32 = arith.addi %scan3A_30, %scan3A_31 : i32
    %scan3A_33 = arith.constant 1 : i32
    scf.for %scan3A_58 = %scan3A_30 to %scan3A_32 step %scan3A_33  : i32 {
      %mul3A_59 = arith.constant 16 : i32
      %mul3A_60 = arith.muli %scan3A_58, %mul3A_59 : i32
      %swap3A = arith.index_cast %mul3A_60 : i32 to index
      %swap3A_61 = tpu.vector_load %arg17[%swap3A] {strides = array<i32>} : memref<16128xf32, #tpu.memory_space<vmem>>, vector<16xf32>,
      tpu.vector_store %arg17[%swap3A], %broadcast_in_dim3A_23 {strides = array<i32>} : memref<16128xf32, #tpu.memory_space<vmem>>, vector<16xf32>,
    }
    %scan3A_34 = arith.constant 1008 : i32
    %iota3A = tpu.iota {dimensions = array<i32: 0>} : vector<16xi32>
    %scan3A_35 = arith.constant 0 : i32
    %scan3A_36 = arith.constant 0 : i32
    %mul3A_37 = arith.constant 24576 : i32
    %mul3A_38 = arith.muli %scan3A_36, %mul3A_37 : i32
    "tpu.region"() ({
      %run_scoped3A = tpu.sem_alloc : memref<!tpu.dma_semaphore, #tpu.memory_space<semaphore_mem>>
      %dma_start3A = tpu.memref_slice %arg5[%mul3A_38] : memref<24576xi32, #tpu.memory_space<hbm>> -> memref<24576xi32, #tpu.memory_space<hbm>>
      %dma_start3A_58 = tpu.memref_slice %arg5[%mul3A_38] : memref<24576xi32, #tpu.memory_space<hbm>> -> memref<24576xi32, #tpu.memory_space<hbm>>
      tpu.enqueue_dma source(%dma_start3A_58 : memref<24576xi32, #tpu.memory_space<hbm>>) target(%arg10 : memref<24576xi32, #tpu.memory_space<vmem>>) target_semaphore(%run_scoped3A : memref<!tpu.dma_semaphore, #tpu.memory_space<semaphore_mem>>)
      %dma_wait3A = tpu.memref_slice %arg5[%mul3A_38] : memref<24576xi32, #tpu.memory_space<hbm>> -> memref<24576xi32, #tpu.memory_space<hbm>>
      %dma_wait3A_59 = tpu.memref_slice %arg5[%mul3A_38] : memref<24576xi32, #tpu.memory_space<hbm>> -> memref<24576xi32, #tpu.memory_space<hbm>>
      tpu.wait_dma2 semaphore(%run_scoped3A : memref<!tpu.dma_semaphore, #tpu.memory_space<semaphore_mem>>) src(%dma_wait3A_59 : memref<24576xi32, #tpu.memory_space<hbm>>) dst(%arg10 : memref<24576xi32, #tpu.memory_space<vmem>>)
      tpu.yield
    }) : () -> ()
    %mul3A_39 = arith.constant 24576 : i32
    %mul3A_40 = arith.muli %scan3A_36, %mul3A_39 : i32
    "tpu.region"() ({
      %run_scoped3A = tpu.sem_alloc : memref<!tpu.dma_semaphore, #tpu.memory_space<semaphore_mem>>
      %dma_start3A = tpu.memref_slice %arg6[%mul3A_40] : memref<24576xi32, #tpu.memory_space<hbm>> -> memref<24576xi32, #tpu.memory_space<hbm>>
      %dma_start3A_58 = tpu.memref_slice %arg6[%mul3A_40] : memref<24576xi32, #tpu.memory_space<hbm>> -> memref<24576xi32, #tpu.memory_space<hbm>>
      tpu.enqueue_dma source(%dma_start3A_58 : memref<24576xi32, #tpu.memory_space<hbm>>) target(%arg11 : memref<24576xi32, #tpu.memory_space<vmem>>) target_semaphore(%run_scoped3A : memref<!tpu.dma_semaphore, #tpu.memory_space<semaphore_mem>>)
      %dma_wait3A = tpu.memref_slice %arg6[%mul3A_40] : memref<24576xi32, #tpu.memory_space<hbm>> -> memref<24576xi32, #tpu.memory_space<hbm>>
      %dma_wait3A_59 = tpu.memref_slice %arg6[%mul3A_40] : memref<24576xi32, #tpu.memory_space<hbm>> -> memref<24576xi32, #tpu.memory_space<hbm>>
      tpu.wait_dma2 semaphore(%run_scoped3A : memref<!tpu.dma_semaphore, #tpu.memory_space<semaphore_mem>>) src(%dma_wait3A_59 : memref<24576xi32, #tpu.memory_space<hbm>>) dst(%arg11 : memref<24576xi32, #tpu.memory_space<vmem>>)
      tpu.yield
    }) : () -> ()
    %parallel_loop3A = arith.constant 0 : i32
    %parallel_loop3A_41 = arith.constant 1536 : i32
    %parallel_loop3A_42 = arith.constant 1 : i32
    scf.for %parallel_loop3A_58 = %parallel_loop3A to %parallel_loop3A_41 step %parallel_loop3A_42  : i32 {
      %parallel_loop3A_59 = arith.constant 16 : i32
      %parallel_loop3A_60 = arith.muli %parallel_loop3A_58, %parallel_loop3A_59 : i32
      %parallel_loop3A_61 = arith.index_cast %parallel_loop3A_60 : i32 to index
      %parallel_loop3A_62 = tpu.vector_load %arg10[%parallel_loop3A_61] {strides = array<i32>} : memref<24576xi32, #tpu.memory_space<vmem>>, vector<16xi32>,
      %parallel_loop3A_63 = arith.constant 16 : i32
      %parallel_loop3A_64 = arith.muli %parallel_loop3A_58, %parallel_loop3A_63 : i32
      %parallel_loop3A_65 = arith.index_cast %parallel_loop3A_64 : i32 to index
      %parallel_loop3A_66 = tpu.vector_load %arg11[%parallel_loop3A_65] {strides = array<i32>} : memref<24576xi32, #tpu.memory_space<vmem>>, vector<16xi32>,
      %parallel_loop3A_67 = tpu.vector_load_idx %arg13[%parallel_loop3A_62] : memref<1008xf32, #tpu.memory_space<vmem>>[vector<16xi32>], vector<16xf32>,
      %parallel_loop3A_68 = tpu.vector_load_idx %arg14[%parallel_loop3A_66] : memref<1008xf32, #tpu.memory_space<vmem>>[vector<16xi32>], vector<16xf32>,
      %parallel_loop3A_69 = arith.addf %parallel_loop3A_67, %parallel_loop3A_68 : vector<16xf32>
      %parallel_loop3A_70 = arith.constant 0.000000e+00 : f32
      %parallel_loop3A_71 = vector.broadcast %parallel_loop3A_70 : f32 to vector<16xf32>
      %parallel_loop3A_72 = arith.cmpf ogt, %parallel_loop3A_69, %parallel_loop3A_71 : vector<16xf32>
      %parallel_loop3A_73 = arith.constant 2.000000e-01 : f32
      %parallel_loop3A_74 = vector.broadcast %parallel_loop3A_73 : f32 to vector<16xf32>
      %parallel_loop3A_75 = arith.mulf %parallel_loop3A_69, %parallel_loop3A_74 : vector<16xf32>
      %parallel_loop3A_76 = arith.select %parallel_loop3A_72, %parallel_loop3A_69, %parallel_loop3A_75 : vector<16xi1>, vector<16xf32>
      %parallel_loop3A_77 = math.exp %parallel_loop3A_76 : vector<16xf32>
      %parallel_loop3A_78 = arith.constant 24576 : i32
      %parallel_loop3A_79 = arith.muli %scan3A_36, %parallel_loop3A_78 : i32
      %parallel_loop3A_80 = arith.constant 16 : i32
      %parallel_loop3A_81 = arith.muli %parallel_loop3A_58, %parallel_loop3A_80 : i32
      %parallel_loop3A_82 = arith.addi %parallel_loop3A_79, %parallel_loop3A_81 : i32
      %parallel_loop3A_83 = vector.broadcast %parallel_loop3A_82 : i32 to vector<16xi32>
      %parallel_loop3A_84 = arith.addi %parallel_loop3A_83, %iota3A : vector<16xi32>
      %parallel_loop3A_85 = arith.constant 21000 : i32
      %parallel_loop3A_86 = vector.broadcast %parallel_loop3A_85 : i32 to vector<16xi32>
      %parallel_loop3A_87 = arith.cmpi slt, %parallel_loop3A_84, %parallel_loop3A_86 : vector<16xi32>
      tpu.vector_store_idx %arg15[%parallel_loop3A_66], %parallel_loop3A_77 masked %parallel_loop3A_87 {add = true} : memref<1008xf32, #tpu.memory_space<vmem>>[vector<16xi32>], vector<16xf32>, vector<16xi1>
    } {sc.loop_unroll_factor = 4 : i64, sc.parallel_access}
    %scan3A_43 = arith.constant 1 : i32
    %scan3A_44 = arith.constant 0 : i32
    %scan3A_45 = arith.constant 0 : i32
    %mul3A_46 = arith.constant 24576 : i32
    %mul3A_47 = arith.muli %scan3A_45, %mul3A_46 : i32
    "tpu.region"() ({
      %run_scoped3A = tpu.sem_alloc : memref<!tpu.dma_semaphore, #tpu.memory_space<semaphore_mem>>
      %dma_start3A = tpu.memref_slice %arg5[%mul3A_47] : memref<24576xi32, #tpu.memory_space<hbm>> -> memref<24576xi32, #tpu.memory_space<hbm>>
      %dma_start3A_58 = tpu.memref_slice %arg5[%mul3A_47] : memref<24576xi32, #tpu.memory_space<hbm>> -> memref<24576xi32, #tpu.memory_space<hbm>>
      tpu.enqueue_dma source(%dma_start3A_58 : memref<24576xi32, #tpu.memory_space<hbm>>) target(%arg10 : memref<24576xi32, #tpu.memory_space<vmem>>) target_semaphore(%run_scoped3A : memref<!tpu.dma_semaphore, #tpu.memory_space<semaphore_mem>>)
      %dma_wait3A = tpu.memref_slice %arg5[%mul3A_47] : memref<24576xi32, #tpu.memory_space<hbm>> -> memref<24576xi32, #tpu.memory_space<hbm>>
      %dma_wait3A_59 = tpu.memref_slice %arg5[%mul3A_47] : memref<24576xi32, #tpu.memory_space<hbm>> -> memref<24576xi32, #tpu.memory_space<hbm>>
      tpu.wait_dma2 semaphore(%run_scoped3A : memref<!tpu.dma_semaphore, #tpu.memory_space<semaphore_mem>>) src(%dma_wait3A_59 : memref<24576xi32, #tpu.memory_space<hbm>>) dst(%arg10 : memref<24576xi32, #tpu.memory_space<vmem>>)
      tpu.yield
    }) : () -> ()
    %mul3A_48 = arith.constant 24576 : i32
    %mul3A_49 = arith.muli %scan3A_45, %mul3A_48 : i32
    "tpu.region"() ({
      %run_scoped3A = tpu.sem_alloc : memref<!tpu.dma_semaphore, #tpu.memory_space<semaphore_mem>>
      %dma_start3A = tpu.memref_slice %arg6[%mul3A_49] : memref<24576xi32, #tpu.memory_space<hbm>> -> memref<24576xi32, #tpu.memory_space<hbm>>
      %dma_start3A_58 = tpu.memref_slice %arg6[%mul3A_49] : memref<24576xi32, #tpu.memory_space<hbm>> -> memref<24576xi32, #tpu.memory_space<hbm>>
      tpu.enqueue_dma source(%dma_start3A_58 : memref<24576xi32, #tpu.memory_space<hbm>>) target(%arg11 : memref<24576xi32, #tpu.memory_space<vmem>>) target_semaphore(%run_scoped3A : memref<!tpu.dma_semaphore, #tpu.memory_space<semaphore_mem>>)
      %dma_wait3A = tpu.memref_slice %arg6[%mul3A_49] : memref<24576xi32, #tpu.memory_space<hbm>> -> memref<24576xi32, #tpu.memory_space<hbm>>
      %dma_wait3A_59 = tpu.memref_slice %arg6[%mul3A_49] : memref<24576xi32, #tpu.memory_space<hbm>> -> memref<24576xi32, #tpu.memory_space<hbm>>
      tpu.wait_dma2 semaphore(%run_scoped3A : memref<!tpu.dma_semaphore, #tpu.memory_space<semaphore_mem>>) src(%dma_wait3A_59 : memref<24576xi32, #tpu.memory_space<hbm>>) dst(%arg11 : memref<24576xi32, #tpu.memory_space<vmem>>)
      tpu.yield
    }) : () -> ()
    %parallel_loop3A_50 = arith.constant 0 : i32
    %parallel_loop3A_51 = arith.constant 1536 : i32
    %parallel_loop3A_52 = arith.constant 1 : i32
    scf.for %parallel_loop3A_58 = %parallel_loop3A_50 to %parallel_loop3A_51 step %parallel_loop3A_52  : i32 {
      %parallel_loop3A_59 = arith.constant 16 : i32
      %parallel_loop3A_60 = arith.muli %parallel_loop3A_58, %parallel_loop3A_59 : i32
      %parallel_loop3A_61 = arith.index_cast %parallel_loop3A_60 : i32 to index
      %parallel_loop3A_62 = tpu.vector_load %arg10[%parallel_loop3A_61] {strides = array<i32>} : memref<24576xi32, #tpu.memory_space<vmem>>, vector<16xi32>,
      %parallel_loop3A_63 = arith.constant 16 : i32
      %parallel_loop3A_64 = arith.muli %parallel_loop3A_58, %parallel_loop3A_63 : i32
      %parallel_loop3A_65 = arith.index_cast %parallel_loop3A_64 : i32 to index
      %parallel_loop3A_66 = tpu.vector_load %arg11[%parallel_loop3A_65] {strides = array<i32>} : memref<24576xi32, #tpu.memory_space<vmem>>, vector<16xi32>,
      %parallel_loop3A_67 = tpu.vector_load_idx %arg13[%parallel_loop3A_62] : memref<1008xf32, #tpu.memory_space<vmem>>[vector<16xi32>], vector<16xf32>,
      %parallel_loop3A_68 = tpu.vector_load_idx %arg14[%parallel_loop3A_66] : memref<1008xf32, #tpu.memory_space<vmem>>[vector<16xi32>], vector<16xf32>,
      %parallel_loop3A_69 = arith.addf %parallel_loop3A_67, %parallel_loop3A_68 : vector<16xf32>
      %parallel_loop3A_70 = arith.constant 0.000000e+00 : f32
      %parallel_loop3A_71 = vector.broadcast %parallel_loop3A_70 : f32 to vector<16xf32>
      %parallel_loop3A_72 = arith.cmpf ogt, %parallel_loop3A_69, %parallel_loop3A_71 : vector<16xf32>
      %parallel_loop3A_73 = arith.constant 2.000000e-01 : f32
      %parallel_loop3A_74 = vector.broadcast %parallel_loop3A_73 : f32 to vector<16xf32>
      %parallel_loop3A_75 = arith.mulf %parallel_loop3A_69, %parallel_loop3A_74 : vector<16xf32>
      %parallel_loop3A_76 = arith.select %parallel_loop3A_72, %parallel_loop3A_69, %parallel_loop3A_75 : vector<16xi1>, vector<16xf32>
      %parallel_loop3A_77 = math.exp %parallel_loop3A_76 : vector<16xf32>
      %parallel_loop3A_78 = tpu.vector_load_idx %arg15[%parallel_loop3A_66] : memref<1008xf32, #tpu.memory_space<vmem>>[vector<16xi32>], vector<16xf32>,
      %parallel_loop3A_79 = arith.divf %parallel_loop3A_77, %parallel_loop3A_78 : vector<16xf32>
      %parallel_loop3A_80 = arith.constant 24576 : i32
      %parallel_loop3A_81 = arith.muli %scan3A_45, %parallel_loop3A_80 : i32
      %parallel_loop3A_82 = arith.constant 16 : i32
      %parallel_loop3A_83 = arith.muli %parallel_loop3A_58, %parallel_loop3A_82 : i32
      %parallel_loop3A_84 = arith.addi %parallel_loop3A_81, %parallel_loop3A_83 : i32
      %parallel_loop3A_85 = vector.broadcast %parallel_loop3A_84 : i32 to vector<16xi32>
      %parallel_loop3A_86 = arith.addi %parallel_loop3A_85, %iota3A : vector<16xi32>
      %parallel_loop3A_87 = arith.constant 21000 : i32
      %parallel_loop3A_88 = vector.broadcast %parallel_loop3A_87 : i32 to vector<16xi32>
      %parallel_loop3A_89 = arith.cmpi slt, %parallel_loop3A_86, %parallel_loop3A_88 : vector<16xi32>
      %parallel_loop3A_90 = arith.constant 0 : i32
      %parallel_loop3A_91 = vector.broadcast %parallel_loop3A_90 : i32 to vector<16xi32>
      %parallel_loop3A_92 = arith.addi %parallel_loop3A_62, %parallel_loop3A_91 : vector<16xi32>
      %parallel_loop3A_93 = tpu.vector_load_idx %arg16[%parallel_loop3A_92] : memref<16128xf32, #tpu.memory_space<vmem>>[vector<16xi32>], vector<16xf32>,
      %parallel_loop3A_94 = arith.constant 0 : i32
      %parallel_loop3A_95 = vector.broadcast %parallel_loop3A_94 : i32 to vector<16xi32>
      %parallel_loop3A_96 = arith.addi %parallel_loop3A_66, %parallel_loop3A_95 : vector<16xi32>
      %parallel_loop3A_97 = arith.mulf %parallel_loop3A_93, %parallel_loop3A_79 : vector<16xf32>
      tpu.vector_store_idx %arg17[%parallel_loop3A_96], %parallel_loop3A_97 masked %parallel_loop3A_89 {add = true} : memref<16128xf32, #tpu.memory_space<vmem>>[vector<16xi32>], vector<16xf32>, vector<16xi1>
      %parallel_loop3A_98 = arith.constant 1008 : i32
      %parallel_loop3A_99 = vector.broadcast %parallel_loop3A_98 : i32 to vector<16xi32>
      %parallel_loop3A_100 = arith.addi %parallel_loop3A_62, %parallel_loop3A_99 : vector<16xi32>
      %parallel_loop3A_101 = tpu.vector_load_idx %arg16[%parallel_loop3A_100] : memref<16128xf32, #tpu.memory_space<vmem>>[vector<16xi32>], vector<16xf32>,
      %parallel_loop3A_102 = arith.constant 1008 : i32
      %parallel_loop3A_103 = vector.broadcast %parallel_loop3A_102 : i32 to vector<16xi32>
      %parallel_loop3A_104 = arith.addi %parallel_loop3A_66, %parallel_loop3A_103 : vector<16xi32>
      %parallel_loop3A_105 = arith.mulf %parallel_loop3A_101, %parallel_loop3A_79 : vector<16xf32>
      tpu.vector_store_idx %arg17[%parallel_loop3A_104], %parallel_loop3A_105 masked %parallel_loop3A_89 {add = true} : memref<16128xf32, #tpu.memory_space<vmem>>[vector<16xi32>], vector<16xf32>, vector<16xi1>
      %parallel_loop3A_106 = arith.constant 2016 : i32
      %parallel_loop3A_107 = vector.broadcast %parallel_loop3A_106 : i32 to vector<16xi32>
      %parallel_loop3A_108 = arith.addi %parallel_loop3A_62, %parallel_loop3A_107 : vector<16xi32>
      %parallel_loop3A_109 = tpu.vector_load_idx %arg16[%parallel_loop3A_108] : memref<16128xf32, #tpu.memory_space<vmem>>[vector<16xi32>], vector<16xf32>,
      %parallel_loop3A_110 = arith.constant 2016 : i32
      %parallel_loop3A_111 = vector.broadcast %parallel_loop3A_110 : i32 to vector<16xi32>
      %parallel_loop3A_112 = arith.addi %parallel_loop3A_66, %parallel_loop3A_111 : vector<16xi32>
      %parallel_loop3A_113 = arith.mulf %parallel_loop3A_109, %parallel_loop3A_79 : vector<16xf32>
      tpu.vector_store_idx %arg17[%parallel_loop3A_112], %parallel_loop3A_113 masked %parallel_loop3A_89 {add = true} : memref<16128xf32, #tpu.memory_space<vmem>>[vector<16xi32>], vector<16xf32>, vector<16xi1>
      %parallel_loop3A_114 = arith.constant 3024 : i32
      %parallel_loop3A_115 = vector.broadcast %parallel_loop3A_114 : i32 to vector<16xi32>
      %parallel_loop3A_116 = arith.addi %parallel_loop3A_62, %parallel_loop3A_115 : vector<16xi32>
      %parallel_loop3A_117 = tpu.vector_load_idx %arg16[%parallel_loop3A_116] : memref<16128xf32, #tpu.memory_space<vmem>>[vector<16xi32>], vector<16xf32>,
      %parallel_loop3A_118 = arith.constant 3024 : i32
      %parallel_loop3A_119 = vector.broadcast %parallel_loop3A_118 : i32 to vector<16xi32>
      %parallel_loop3A_120 = arith.addi %parallel_loop3A_66, %parallel_loop3A_119 : vector<16xi32>
      %parallel_loop3A_121 = arith.mulf %parallel_loop3A_117, %parallel_loop3A_79 : vector<16xf32>
      tpu.vector_store_idx %arg17[%parallel_loop3A_120], %parallel_loop3A_121 masked %parallel_loop3A_89 {add = true} : memref<16128xf32, #tpu.memory_space<vmem>>[vector<16xi32>], vector<16xf32>, vector<16xi1>
      %parallel_loop3A_122 = arith.constant 4032 : i32
      %parallel_loop3A_123 = vector.broadcast %parallel_loop3A_122 : i32 to vector<16xi32>
      %parallel_loop3A_124 = arith.addi %parallel_loop3A_62, %parallel_loop3A_123 : vector<16xi32>
      %parallel_loop3A_125 = tpu.vector_load_idx %arg16[%parallel_loop3A_124] : memref<16128xf32, #tpu.memory_space<vmem>>[vector<16xi32>], vector<16xf32>,
      %parallel_loop3A_126 = arith.constant 4032 : i32
      %parallel_loop3A_127 = vector.broadcast %parallel_loop3A_126 : i32 to vector<16xi32>
      %parallel_loop3A_128 = arith.addi %parallel_loop3A_66, %parallel_loop3A_127 : vector<16xi32>
      %parallel_loop3A_129 = arith.mulf %parallel_loop3A_125, %parallel_loop3A_79 : vector<16xf32>
      tpu.vector_store_idx %arg17[%parallel_loop3A_128], %parallel_loop3A_129 masked %parallel_loop3A_89 {add = true} : memref<16128xf32, #tpu.memory_space<vmem>>[vector<16xi32>], vector<16xf32>, vector<16xi1>
      %parallel_loop3A_130 = arith.constant 5040 : i32
      %parallel_loop3A_131 = vector.broadcast %parallel_loop3A_130 : i32 to vector<16xi32>
      %parallel_loop3A_132 = arith.addi %parallel_loop3A_62, %parallel_loop3A_131 : vector<16xi32>
      %parallel_loop3A_133 = tpu.vector_load_idx %arg16[%parallel_loop3A_132] : memref<16128xf32, #tpu.memory_space<vmem>>[vector<16xi32>], vector<16xf32>,
      %parallel_loop3A_134 = arith.constant 5040 : i32
      %parallel_loop3A_135 = vector.broadcast %parallel_loop3A_134 : i32 to vector<16xi32>
      %parallel_loop3A_136 = arith.addi %parallel_loop3A_66, %parallel_loop3A_135 : vector<16xi32>
      %parallel_loop3A_137 = arith.mulf %parallel_loop3A_133, %parallel_loop3A_79 : vector<16xf32>
      tpu.vector_store_idx %arg17[%parallel_loop3A_136], %parallel_loop3A_137 masked %parallel_loop3A_89 {add = true} : memref<16128xf32, #tpu.memory_space<vmem>>[vector<16xi32>], vector<16xf32>, vector<16xi1>
      %parallel_loop3A_138 = arith.constant 6048 : i32
      %parallel_loop3A_139 = vector.broadcast %parallel_loop3A_138 : i32 to vector<16xi32>
      %parallel_loop3A_140 = arith.addi %parallel_loop3A_62, %parallel_loop3A_139 : vector<16xi32>
      %parallel_loop3A_141 = tpu.vector_load_idx %arg16[%parallel_loop3A_140] : memref<16128xf32, #tpu.memory_space<vmem>>[vector<16xi32>], vector<16xf32>,
      %parallel_loop3A_142 = arith.constant 6048 : i32
      %parallel_loop3A_143 = vector.broadcast %parallel_loop3A_142 : i32 to vector<16xi32>
      %parallel_loop3A_144 = arith.addi %parallel_loop3A_66, %parallel_loop3A_143 : vector<16xi32>
      %parallel_loop3A_145 = arith.mulf %parallel_loop3A_141, %parallel_loop3A_79 : vector<16xf32>
      tpu.vector_store_idx %arg17[%parallel_loop3A_144], %parallel_loop3A_145 masked %parallel_loop3A_89 {add = true} : memref<16128xf32, #tpu.memory_space<vmem>>[vector<16xi32>], vector<16xf32>, vector<16xi1>
      %parallel_loop3A_146 = arith.constant 7056 : i32
      %parallel_loop3A_147 = vector.broadcast %parallel_loop3A_146 : i32 to vector<16xi32>
      %parallel_loop3A_148 = arith.addi %parallel_loop3A_62, %parallel_loop3A_147 : vector<16xi32>
      %parallel_loop3A_149 = tpu.vector_load_idx %arg16[%parallel_loop3A_148] : memref<16128xf32, #tpu.memory_space<vmem>>[vector<16xi32>], vector<16xf32>,
      %parallel_loop3A_150 = arith.constant 7056 : i32
      %parallel_loop3A_151 = vector.broadcast %parallel_loop3A_150 : i32 to vector<16xi32>
      %parallel_loop3A_152 = arith.addi %parallel_loop3A_66, %parallel_loop3A_151 : vector<16xi32>
      %parallel_loop3A_153 = arith.mulf %parallel_loop3A_149, %parallel_loop3A_79 : vector<16xf32>
      tpu.vector_store_idx %arg17[%parallel_loop3A_152], %parallel_loop3A_153 masked %parallel_loop3A_89 {add = true} : memref<16128xf32, #tpu.memory_space<vmem>>[vector<16xi32>], vector<16xf32>, vector<16xi1>
      %parallel_loop3A_154 = arith.constant 8064 : i32
      %parallel_loop3A_155 = vector.broadcast %parallel_loop3A_154 : i32 to vector<16xi32>
      %parallel_loop3A_156 = arith.addi %parallel_loop3A_62, %parallel_loop3A_155 : vector<16xi32>
      %parallel_loop3A_157 = tpu.vector_load_idx %arg16[%parallel_loop3A_156] : memref<16128xf32, #tpu.memory_space<vmem>>[vector<16xi32>], vector<16xf32>,
      %parallel_loop3A_158 = arith.constant 8064 : i32
      %parallel_loop3A_159 = vector.broadcast %parallel_loop3A_158 : i32 to vector<16xi32>
      %parallel_loop3A_160 = arith.addi %parallel_loop3A_66, %parallel_loop3A_159 : vector<16xi32>
      %parallel_loop3A_161 = arith.mulf %parallel_loop3A_157, %parallel_loop3A_79 : vector<16xf32>
      tpu.vector_store_idx %arg17[%parallel_loop3A_160], %parallel_loop3A_161 masked %parallel_loop3A_89 {add = true} : memref<16128xf32, #tpu.memory_space<vmem>>[vector<16xi32>], vector<16xf32>, vector<16xi1>
      %parallel_loop3A_162 = arith.constant 9072 : i32
      %parallel_loop3A_163 = vector.broadcast %parallel_loop3A_162 : i32 to vector<16xi32>
      %parallel_loop3A_164 = arith.addi %parallel_loop3A_62, %parallel_loop3A_163 : vector<16xi32>
      %parallel_loop3A_165 = tpu.vector_load_idx %arg16[%parallel_loop3A_164] : memref<16128xf32, #tpu.memory_space<vmem>>[vector<16xi32>], vector<16xf32>,
      %parallel_loop3A_166 = arith.constant 9072 : i32
      %parallel_loop3A_167 = vector.broadcast %parallel_loop3A_166 : i32 to vector<16xi32>
      %parallel_loop3A_168 = arith.addi %parallel_loop3A_66, %parallel_loop3A_167 : vector<16xi32>
      %parallel_loop3A_169 = arith.mulf %parallel_loop3A_165, %parallel_loop3A_79 : vector<16xf32>
      tpu.vector_store_idx %arg17[%parallel_loop3A_168], %parallel_loop3A_169 masked %parallel_loop3A_89 {add = true} : memref<16128xf32, #tpu.memory_space<vmem>>[vector<16xi32>], vector<16xf32>, vector<16xi1>
      %parallel_loop3A_170 = arith.constant 10080 : i32
      %parallel_loop3A_171 = vector.broadcast %parallel_loop3A_170 : i32 to vector<16xi32>
      %parallel_loop3A_172 = arith.addi %parallel_loop3A_62, %parallel_loop3A_171 : vector<16xi32>
      %parallel_loop3A_173 = tpu.vector_load_idx %arg16[%parallel_loop3A_172] : memref<16128xf32, #tpu.memory_space<vmem>>[vector<16xi32>], vector<16xf32>,
      %parallel_loop3A_174 = arith.constant 10080 : i32
      %parallel_loop3A_175 = vector.broadcast %parallel_loop3A_174 : i32 to vector<16xi32>
      %parallel_loop3A_176 = arith.addi %parallel_loop3A_66, %parallel_loop3A_175 : vector<16xi32>
      %parallel_loop3A_177 = arith.mulf %parallel_loop3A_173, %parallel_loop3A_79 : vector<16xf32>
      tpu.vector_store_idx %arg17[%parallel_loop3A_176], %parallel_loop3A_177 masked %parallel_loop3A_89 {add = true} : memref<16128xf32, #tpu.memory_space<vmem>>[vector<16xi32>], vector<16xf32>, vector<16xi1>
      %parallel_loop3A_178 = arith.constant 11088 : i32
      %parallel_loop3A_179 = vector.broadcast %parallel_loop3A_178 : i32 to vector<16xi32>
      %parallel_loop3A_180 = arith.addi %parallel_loop3A_62, %parallel_loop3A_179 : vector<16xi32>
      %parallel_loop3A_181 = tpu.vector_load_idx %arg16[%parallel_loop3A_180] : memref<16128xf32, #tpu.memory_space<vmem>>[vector<16xi32>], vector<16xf32>,
      %parallel_loop3A_182 = arith.constant 11088 : i32
      %parallel_loop3A_183 = vector.broadcast %parallel_loop3A_182 : i32 to vector<16xi32>
      %parallel_loop3A_184 = arith.addi %parallel_loop3A_66, %parallel_loop3A_183 : vector<16xi32>
      %parallel_loop3A_185 = arith.mulf %parallel_loop3A_181, %parallel_loop3A_79 : vector<16xf32>
      tpu.vector_store_idx %arg17[%parallel_loop3A_184], %parallel_loop3A_185 masked %parallel_loop3A_89 {add = true} : memref<16128xf32, #tpu.memory_space<vmem>>[vector<16xi32>], vector<16xf32>, vector<16xi1>
      %parallel_loop3A_186 = arith.constant 12096 : i32
      %parallel_loop3A_187 = vector.broadcast %parallel_loop3A_186 : i32 to vector<16xi32>
      %parallel_loop3A_188 = arith.addi %parallel_loop3A_62, %parallel_loop3A_187 : vector<16xi32>
      %parallel_loop3A_189 = tpu.vector_load_idx %arg16[%parallel_loop3A_188] : memref<16128xf32, #tpu.memory_space<vmem>>[vector<16xi32>], vector<16xf32>,
      %parallel_loop3A_190 = arith.constant 12096 : i32
      %parallel_loop3A_191 = vector.broadcast %parallel_loop3A_190 : i32 to vector<16xi32>
      %parallel_loop3A_192 = arith.addi %parallel_loop3A_66, %parallel_loop3A_191 : vector<16xi32>
      %parallel_loop3A_193 = arith.mulf %parallel_loop3A_189, %parallel_loop3A_79 : vector<16xf32>
      tpu.vector_store_idx %arg17[%parallel_loop3A_192], %parallel_loop3A_193 masked %parallel_loop3A_89 {add = true} : memref<16128xf32, #tpu.memory_space<vmem>>[vector<16xi32>], vector<16xf32>, vector<16xi1>
      %parallel_loop3A_194 = arith.constant 13104 : i32
      %parallel_loop3A_195 = vector.broadcast %parallel_loop3A_194 : i32 to vector<16xi32>
      %parallel_loop3A_196 = arith.addi %parallel_loop3A_62, %parallel_loop3A_195 : vector<16xi32>
      %parallel_loop3A_197 = tpu.vector_load_idx %arg16[%parallel_loop3A_196] : memref<16128xf32, #tpu.memory_space<vmem>>[vector<16xi32>], vector<16xf32>,
      %parallel_loop3A_198 = arith.constant 13104 : i32
      %parallel_loop3A_199 = vector.broadcast %parallel_loop3A_198 : i32 to vector<16xi32>
      %parallel_loop3A_200 = arith.addi %parallel_loop3A_66, %parallel_loop3A_199 : vector<16xi32>
      %parallel_loop3A_201 = arith.mulf %parallel_loop3A_197, %parallel_loop3A_79 : vector<16xf32>
      tpu.vector_store_idx %arg17[%parallel_loop3A_200], %parallel_loop3A_201 masked %parallel_loop3A_89 {add = true} : memref<16128xf32, #tpu.memory_space<vmem>>[vector<16xi32>], vector<16xf32>, vector<16xi1>
      %parallel_loop3A_202 = arith.constant 14112 : i32
      %parallel_loop3A_203 = vector.broadcast %parallel_loop3A_202 : i32 to vector<16xi32>
      %parallel_loop3A_204 = arith.addi %parallel_loop3A_62, %parallel_loop3A_203 : vector<16xi32>
      %parallel_loop3A_205 = tpu.vector_load_idx %arg16[%parallel_loop3A_204] : memref<16128xf32, #tpu.memory_space<vmem>>[vector<16xi32>], vector<16xf32>,
      %parallel_loop3A_206 = arith.constant 14112 : i32
      %parallel_loop3A_207 = vector.broadcast %parallel_loop3A_206 : i32 to vector<16xi32>
      %parallel_loop3A_208 = arith.addi %parallel_loop3A_66, %parallel_loop3A_207 : vector<16xi32>
      %parallel_loop3A_209 = arith.mulf %parallel_loop3A_205, %parallel_loop3A_79 : vector<16xf32>
      tpu.vector_store_idx %arg17[%parallel_loop3A_208], %parallel_loop3A_209 masked %parallel_loop3A_89 {add = true} : memref<16128xf32, #tpu.memory_space<vmem>>[vector<16xi32>], vector<16xf32>, vector<16xi1>
      %parallel_loop3A_210 = arith.constant 15120 : i32
      %parallel_loop3A_211 = vector.broadcast %parallel_loop3A_210 : i32 to vector<16xi32>
      %parallel_loop3A_212 = arith.addi %parallel_loop3A_62, %parallel_loop3A_211 : vector<16xi32>
      %parallel_loop3A_213 = tpu.vector_load_idx %arg16[%parallel_loop3A_212] : memref<16128xf32, #tpu.memory_space<vmem>>[vector<16xi32>], vector<16xf32>,
      %parallel_loop3A_214 = arith.constant 15120 : i32
      %parallel_loop3A_215 = vector.broadcast %parallel_loop3A_214 : i32 to vector<16xi32>
      %parallel_loop3A_216 = arith.addi %parallel_loop3A_66, %parallel_loop3A_215 : vector<16xi32>
      %parallel_loop3A_217 = arith.mulf %parallel_loop3A_213, %parallel_loop3A_79 : vector<16xf32>
      tpu.vector_store_idx %arg17[%parallel_loop3A_216], %parallel_loop3A_217 masked %parallel_loop3A_89 {add = true} : memref<16128xf32, #tpu.memory_space<vmem>>[vector<16xi32>], vector<16xf32>, vector<16xi1>
    } {sc.loop_unroll_factor = 3 : i64, sc.parallel_access}
    %scan3A_53 = arith.constant 1 : i32
    %mul3A_54 = arith.constant 16128 : i32
    %mul3A_55 = arith.muli %add3A, %mul3A_54 : i32
    "tpu.region"() ({
      %run_scoped3A = tpu.sem_alloc : memref<!tpu.dma_semaphore, #tpu.memory_space<semaphore_mem>>
      %dma_start3A = tpu.memref_slice %arg7[%mul3A_55] : memref<516096xf32, #tpu.memory_space<hbm>> -> memref<16128xf32, #tpu.memory_space<hbm>>
      %dma_start3A_58 = tpu.memref_slice %arg7[%mul3A_55] : memref<516096xf32, #tpu.memory_space<hbm>> -> memref<16128xf32, #tpu.memory_space<hbm>>
      tpu.enqueue_dma source(%arg17 : memref<16128xf32, #tpu.memory_space<vmem>>) target(%dma_start3A_58 : memref<16128xf32, #tpu.memory_space<hbm>>) target_semaphore(%run_scoped3A : memref<!tpu.dma_semaphore, #tpu.memory_space<semaphore_mem>>)
      %dma_wait3A = tpu.memref_slice %arg7[%mul3A_55] : memref<516096xf32, #tpu.memory_space<hbm>> -> memref<16128xf32, #tpu.memory_space<hbm>>
      %dma_wait3A_59 = tpu.memref_slice %arg7[%mul3A_55] : memref<516096xf32, #tpu.memory_space<hbm>> -> memref<16128xf32, #tpu.memory_space<hbm>>
      tpu.wait_dma2 semaphore(%run_scoped3A : memref<!tpu.dma_semaphore, #tpu.memory_space<semaphore_mem>>) src(%arg17 : memref<16128xf32, #tpu.memory_space<vmem>>) dst(%dma_wait3A_59 : memref<16128xf32, #tpu.memory_space<hbm>>)
      tpu.yield
    }) : () -> ()
    %mul3A_56 = arith.constant 1008 : i32
    %mul3A_57 = arith.muli %add3A, %mul3A_56 : i32
    "tpu.region"() ({
      %run_scoped3A = tpu.sem_alloc : memref<!tpu.dma_semaphore, #tpu.memory_space<semaphore_mem>>
      %dma_start3A = tpu.memref_slice %arg8[%mul3A_57] : memref<32256xf32, #tpu.memory_space<hbm>> -> memref<1008xf32, #tpu.memory_space<hbm>>
      %dma_start3A_58 = tpu.memref_slice %arg8[%mul3A_57] : memref<32256xf32, #tpu.memory_space<hbm>> -> memref<1008xf32, #tpu.memory_space<hbm>>
      tpu.enqueue_dma source(%arg15 : memref<1008xf32, #tpu.memory_space<vmem>>) target(%dma_start3A_58 : memref<1008xf32, #tpu.memory_space<hbm>>) target_semaphore(%run_scoped3A : memref<!tpu.dma_semaphore, #tpu.memory_space<semaphore_mem>>)
      %dma_wait3A = tpu.memref_slice %arg8[%mul3A_57] : memref<32256xf32, #tpu.memory_space<hbm>> -> memref<1008xf32, #tpu.memory_space<hbm>>
      %dma_wait3A_59 = tpu.memref_slice %arg8[%mul3A_57] : memref<32256xf32, #tpu.memory_space<hbm>> -> memref<1008xf32, #tpu.memory_space<hbm>>
      tpu.wait_dma2 semaphore(%run_scoped3A : memref<!tpu.dma_semaphore, #tpu.memory_space<semaphore_mem>>) src(%arg15 : memref<1008xf32, #tpu.memory_space<vmem>>) dst(%dma_wait3A_59 : memref<1008xf32, #tpu.memory_space<hbm>>)
      tpu.yield
    }) : () -> ()
    return
  }
}

#map = affine_map<(d0, d1) -> (0)>
module attributes {stable_mosaic.version = 14 : i64} {
  func.func @gat_edges(%arg0: i32, %arg1: i32, %arg2: memref<4032xf32, #tpu.memory_space<hbm>>, %arg3: memref<4032xf32, #tpu.memory_space<hbm>>, %arg4: memref<516096xf32, #tpu.memory_space<hbm>>, %arg5: memref<24576xi32, #tpu.memory_space<hbm>>, %arg6: memref<24576xi32, #tpu.memory_space<hbm>>, %arg7: memref<516096xf32, #tpu.memory_space<hbm>>, %arg8: memref<32256xf32, #tpu.memory_space<hbm>>, %arg9: memref<786432xf32, #tpu.memory_space<hbm>>, %arg10: memref<24576xi32, #tpu.memory_space<vmem>>, %arg11: memref<24576xi32, #tpu.memory_space<vmem>>, %arg12: memref<24576xf32, #tpu.memory_space<vmem>>, %arg13: memref<1008xf32, #tpu.memory_space<vmem>>, %arg14: memref<1008xf32, #tpu.memory_space<vmem>>, %arg15: memref<1008xf32, #tpu.memory_space<vmem>>, %arg16: memref<16128xf32, #tpu.memory_space<vmem>>, %arg17: memref<16128xf32, #tpu.memory_space<vmem>>) attributes {dimension_semantics = [#tpu.dimension_semantics<core_parallel>, #tpu.dimension_semantics<subcore_parallel>], iteration_bounds = array<i64: 2, 16>, scalar_prefetch = 0 : i64, scratch_operands = 8 : i64, tpu.core_type = #tpu.core_type<sc_vector_subcore>, window_params = [{transform_indices = #map}, {transform_indices = #map}, {transform_indices = #map}, {transform_indices = #map}, {transform_indices = #map}, {transform_indices = #map}, {transform_indices = #map}, {transform_indices = #map}]} {
    %mul3A = arith.constant 2 : i32
    %mul3A_0 = arith.muli %arg1, %mul3A : i32
    %add3A = arith.addi %mul3A_0, %arg0 : i32
    %jit3A = arith.constant 8 : i32
    %div3A = arith.divsi %add3A, %jit3A : i32
    %sign3A = arith.constant 0 : i32
    %sign3A_1 = arith.cmpi sgt, %add3A, %sign3A : i32
    %sign3A_2 = arith.extui %sign3A_1 : i1 to i32
    %sign3A_3 = arith.constant 0 : i32
    %sign3A_4 = arith.cmpi slt, %add3A, %sign3A_3 : i32
    %sign3A_5 = arith.extui %sign3A_4 : i1 to i32
    %sign3A_6 = arith.subi %sign3A_2, %sign3A_5 : i32
    %sign3A_7 = arith.constant 0 : i32
    %sign3A_8 = arith.cmpi sgt, %jit3A, %sign3A_7 : i32
    %sign3A_9 = arith.extui %sign3A_8 : i1 to i32
    %sign3A_10 = arith.constant 0 : i32
    %sign3A_11 = arith.cmpi slt, %jit3A, %sign3A_10 : i32
    %sign3A_12 = arith.extui %sign3A_11 : i1 to i32
    %sign3A_13 = arith.subi %sign3A_9, %sign3A_12 : i32
    %ne3A = arith.cmpi ne, %sign3A_6, %sign3A_13 : i32
    %rem3A = arith.remsi %add3A, %jit3A : i32
    %ne3A_14 = arith.constant 0 : i32
    %ne3A_15 = arith.cmpi ne, %rem3A, %ne3A_14 : i32
    %and3A = arith.andi %ne3A, %ne3A_15 : i1
    %sub3A = arith.constant 1 : i32
    %sub3A_16 = arith.subi %div3A, %sub3A : i32
    %select_n3A = arith.select %and3A, %sub3A_16, %div3A : i32
    %mul3A_17 = arith.constant 1008 : i32
    %mul3A_18 = arith.muli %select_n3A, %mul3A_17 : i32
    "tpu.region"() ({
      %run_scoped3A = tpu.sem_alloc : memref<!tpu.dma_semaphore, #tpu.memory_space<semaphore_mem>>
      %dma_start3A = tpu.memref_slice %arg2[%mul3A_18] : memref<4032xf32, #tpu.memory_space<hbm>> -> memref<1008xf32, #tpu.memory_space<hbm>>
      %dma_start3A_58 = tpu.memref_slice %arg2[%mul3A_18] : memref<4032xf32, #tpu.memory_space<hbm>> -> memref<1008xf32, #tpu.memory_space<hbm>>
      tpu.enqueue_dma source(%dma_start3A_58 : memref<1008xf32, #tpu.memory_space<hbm>>) target(%arg13 : memref<1008xf32, #tpu.memory_space<vmem>>) target_semaphore(%run_scoped3A : memref<!tpu.dma_semaphore, #tpu.memory_space<semaphore_mem>>)
      %dma_wait3A = tpu.memref_slice %arg2[%mul3A_18] : memref<4032xf32, #tpu.memory_space<hbm>> -> memref<1008xf32, #tpu.memory_space<hbm>>
      %dma_wait3A_59 = tpu.memref_slice %arg2[%mul3A_18] : memref<4032xf32, #tpu.memory_space<hbm>> -> memref<1008xf32, #tpu.memory_space<hbm>>
      tpu.wait_dma2 semaphore(%run_scoped3A : memref<!tpu.dma_semaphore, #tpu.memory_space<semaphore_mem>>) src(%dma_wait3A_59 : memref<1008xf32, #tpu.memory_space<hbm>>) dst(%arg13 : memref<1008xf32, #tpu.memory_space<vmem>>)
      tpu.yield
    }) : () -> ()
    %mul3A_19 = arith.constant 1008 : i32
    %mul3A_20 = arith.muli %select_n3A, %mul3A_19 : i32
    "tpu.region"() ({
      %run_scoped3A = tpu.sem_alloc : memref<!tpu.dma_semaphore, #tpu.memory_space<semaphore_mem>>
      %dma_start3A = tpu.memref_slice %arg3[%mul3A_20] : memref<4032xf32, #tpu.memory_space<hbm>> -> memref<1008xf32, #tpu.memory_space<hbm>>
      %dma_start3A_58 = tpu.memref_slice %arg3[%mul3A_20] : memref<4032xf32, #tpu.memory_space<hbm>> -> memref<1008xf32, #tpu.memory_space<hbm>>
      tpu.enqueue_dma source(%dma_start3A_58 : memref<1008xf32, #tpu.memory_space<hbm>>) target(%arg14 : memref<1008xf32, #tpu.memory_space<vmem>>) target_semaphore(%run_scoped3A : memref<!tpu.dma_semaphore, #tpu.memory_space<semaphore_mem>>)
      %dma_wait3A = tpu.memref_slice %arg3[%mul3A_20] : memref<4032xf32, #tpu.memory_space<hbm>> -> memref<1008xf32, #tpu.memory_space<hbm>>
      %dma_wait3A_59 = tpu.memref_slice %arg3[%mul3A_20] : memref<4032xf32, #tpu.memory_space<hbm>> -> memref<1008xf32, #tpu.memory_space<hbm>>
      tpu.wait_dma2 semaphore(%run_scoped3A : memref<!tpu.dma_semaphore, #tpu.memory_space<semaphore_mem>>) src(%dma_wait3A_59 : memref<1008xf32, #tpu.memory_space<hbm>>) dst(%arg14 : memref<1008xf32, #tpu.memory_space<vmem>>)
      tpu.yield
    }) : () -> ()
    %mul3A_21 = arith.constant 16128 : i32
    %mul3A_22 = arith.muli %add3A, %mul3A_21 : i32
    "tpu.region"() ({
      %run_scoped3A = tpu.sem_alloc : memref<!tpu.dma_semaphore, #tpu.memory_space<semaphore_mem>>
      %dma_start3A = tpu.memref_slice %arg4[%mul3A_22] : memref<516096xf32, #tpu.memory_space<hbm>> -> memref<16128xf32, #tpu.memory_space<hbm>>
      %dma_start3A_58 = tpu.memref_slice %arg4[%mul3A_22] : memref<516096xf32, #tpu.memory_space<hbm>> -> memref<16128xf32, #tpu.memory_space<hbm>>
      tpu.enqueue_dma source(%dma_start3A_58 : memref<16128xf32, #tpu.memory_space<hbm>>) target(%arg16 : memref<16128xf32, #tpu.memory_space<vmem>>) target_semaphore(%run_scoped3A : memref<!tpu.dma_semaphore, #tpu.memory_space<semaphore_mem>>)
      %dma_wait3A = tpu.memref_slice %arg4[%mul3A_22] : memref<516096xf32, #tpu.memory_space<hbm>> -> memref<16128xf32, #tpu.memory_space<hbm>>
      %dma_wait3A_59 = tpu.memref_slice %arg4[%mul3A_22] : memref<516096xf32, #tpu.memory_space<hbm>> -> memref<16128xf32, #tpu.memory_space<hbm>>
      tpu.wait_dma2 semaphore(%run_scoped3A : memref<!tpu.dma_semaphore, #tpu.memory_space<semaphore_mem>>) src(%dma_wait3A_59 : memref<16128xf32, #tpu.memory_space<hbm>>) dst(%arg16 : memref<16128xf32, #tpu.memory_space<vmem>>)
      tpu.yield
    }) : () -> ()
    %broadcast_in_dim3A = arith.constant 0.000000e+00 : f32
    %broadcast_in_dim3A_23 = vector.broadcast %broadcast_in_dim3A : f32 to vector<16xf32>
    %scan3A = arith.constant 0 : i32
    %scan3A_24 = arith.constant 0 : i32
    %scan3A_25 = arith.constant 63 : i32
    %scan3A_26 = arith.addi %scan3A_24, %scan3A_25 : i32
    %scan3A_27 = arith.constant 1 : i32
    scf.for %scan3A_58 = %scan3A_24 to %scan3A_26 step %scan3A_27  : i32 {
      %mul3A_59 = arith.constant 16 : i32
      %mul3A_60 = arith.muli %scan3A_58, %mul3A_59 : i32
      %swap3A = arith.index_cast %mul3A_60 : i32 to index
      %swap3A_61 = tpu.vector_load %arg15[%swap3A] {strides = array<i32>} : memref<1008xf32, #tpu.memory_space<vmem>>, vector<16xf32>,
      tpu.vector_store %arg15[%swap3A], %broadcast_in_dim3A_23 {strides = array<i32>} : memref<1008xf32, #tpu.memory_space<vmem>>, vector<16xf32>,
    }
    %scan3A_28 = arith.constant 63 : i32
    %scan3A_29 = arith.constant 0 : i32
    %scan3A_30 = arith.constant 0 : i32
    %scan3A_31 = arith.constant 1008 : i32
    %scan3A_32 = arith.addi %scan3A_30, %scan3A_31 : i32
    %scan3A_33 = arith.constant 1 : i32
    scf.for %scan3A_58 = %scan3A_30 to %scan3A_32 step %scan3A_33  : i32 {
      %mul3A_59 = arith.constant 16 : i32
      %mul3A_60 = arith.muli %scan3A_58, %mul3A_59 : i32
      %swap3A = arith.index_cast %mul3A_60 : i32 to index
      %swap3A_61 = tpu.vector_load %arg17[%swap3A] {strides = array<i32>} : memref<16128xf32, #tpu.memory_space<vmem>>, vector<16xf32>,
      tpu.vector_store %arg17[%swap3A], %broadcast_in_dim3A_23 {strides = array<i32>} : memref<16128xf32, #tpu.memory_space<vmem>>, vector<16xf32>,
    }
    %scan3A_34 = arith.constant 1008 : i32
    %iota3A = tpu.iota {dimensions = array<i32: 0>} : vector<16xi32>
    %scan3A_35 = arith.constant 0 : i32
    %scan3A_36 = arith.constant 0 : i32
    %mul3A_37 = arith.constant 24576 : i32
    %mul3A_38 = arith.muli %scan3A_36, %mul3A_37 : i32
    "tpu.region"() ({
      %run_scoped3A = tpu.sem_alloc : memref<!tpu.dma_semaphore, #tpu.memory_space<semaphore_mem>>
      %dma_start3A = tpu.memref_slice %arg5[%mul3A_38] : memref<24576xi32, #tpu.memory_space<hbm>> -> memref<24576xi32, #tpu.memory_space<hbm>>
      %dma_start3A_58 = tpu.memref_slice %arg5[%mul3A_38] : memref<24576xi32, #tpu.memory_space<hbm>> -> memref<24576xi32, #tpu.memory_space<hbm>>
      tpu.enqueue_dma source(%dma_start3A_58 : memref<24576xi32, #tpu.memory_space<hbm>>) target(%arg10 : memref<24576xi32, #tpu.memory_space<vmem>>) target_semaphore(%run_scoped3A : memref<!tpu.dma_semaphore, #tpu.memory_space<semaphore_mem>>)
      %dma_wait3A = tpu.memref_slice %arg5[%mul3A_38] : memref<24576xi32, #tpu.memory_space<hbm>> -> memref<24576xi32, #tpu.memory_space<hbm>>
      %dma_wait3A_59 = tpu.memref_slice %arg5[%mul3A_38] : memref<24576xi32, #tpu.memory_space<hbm>> -> memref<24576xi32, #tpu.memory_space<hbm>>
      tpu.wait_dma2 semaphore(%run_scoped3A : memref<!tpu.dma_semaphore, #tpu.memory_space<semaphore_mem>>) src(%dma_wait3A_59 : memref<24576xi32, #tpu.memory_space<hbm>>) dst(%arg10 : memref<24576xi32, #tpu.memory_space<vmem>>)
      tpu.yield
    }) : () -> ()
    %mul3A_39 = arith.constant 24576 : i32
    %mul3A_40 = arith.muli %scan3A_36, %mul3A_39 : i32
    "tpu.region"() ({
      %run_scoped3A = tpu.sem_alloc : memref<!tpu.dma_semaphore, #tpu.memory_space<semaphore_mem>>
      %dma_start3A = tpu.memref_slice %arg6[%mul3A_40] : memref<24576xi32, #tpu.memory_space<hbm>> -> memref<24576xi32, #tpu.memory_space<hbm>>
      %dma_start3A_58 = tpu.memref_slice %arg6[%mul3A_40] : memref<24576xi32, #tpu.memory_space<hbm>> -> memref<24576xi32, #tpu.memory_space<hbm>>
      tpu.enqueue_dma source(%dma_start3A_58 : memref<24576xi32, #tpu.memory_space<hbm>>) target(%arg11 : memref<24576xi32, #tpu.memory_space<vmem>>) target_semaphore(%run_scoped3A : memref<!tpu.dma_semaphore, #tpu.memory_space<semaphore_mem>>)
      %dma_wait3A = tpu.memref_slice %arg6[%mul3A_40] : memref<24576xi32, #tpu.memory_space<hbm>> -> memref<24576xi32, #tpu.memory_space<hbm>>
      %dma_wait3A_59 = tpu.memref_slice %arg6[%mul3A_40] : memref<24576xi32, #tpu.memory_space<hbm>> -> memref<24576xi32, #tpu.memory_space<hbm>>
      tpu.wait_dma2 semaphore(%run_scoped3A : memref<!tpu.dma_semaphore, #tpu.memory_space<semaphore_mem>>) src(%dma_wait3A_59 : memref<24576xi32, #tpu.memory_space<hbm>>) dst(%arg11 : memref<24576xi32, #tpu.memory_space<vmem>>)
      tpu.yield
    }) : () -> ()
    %parallel_loop3A = arith.constant 0 : i32
    %parallel_loop3A_41 = arith.constant 1536 : i32
    %parallel_loop3A_42 = arith.constant 1 : i32
    scf.for %parallel_loop3A_58 = %parallel_loop3A to %parallel_loop3A_41 step %parallel_loop3A_42  : i32 {
      %parallel_loop3A_59 = arith.constant 16 : i32
      %parallel_loop3A_60 = arith.muli %parallel_loop3A_58, %parallel_loop3A_59 : i32
      %parallel_loop3A_61 = arith.index_cast %parallel_loop3A_60 : i32 to index
      %parallel_loop3A_62 = tpu.vector_load %arg10[%parallel_loop3A_61] {strides = array<i32>} : memref<24576xi32, #tpu.memory_space<vmem>>, vector<16xi32>,
      %parallel_loop3A_63 = arith.constant 16 : i32
      %parallel_loop3A_64 = arith.muli %parallel_loop3A_58, %parallel_loop3A_63 : i32
      %parallel_loop3A_65 = arith.index_cast %parallel_loop3A_64 : i32 to index
      %parallel_loop3A_66 = tpu.vector_load %arg11[%parallel_loop3A_65] {strides = array<i32>} : memref<24576xi32, #tpu.memory_space<vmem>>, vector<16xi32>,
      %parallel_loop3A_67 = tpu.vector_load_idx %arg13[%parallel_loop3A_62] : memref<1008xf32, #tpu.memory_space<vmem>>[vector<16xi32>], vector<16xf32>,
      %parallel_loop3A_68 = tpu.vector_load_idx %arg14[%parallel_loop3A_66] : memref<1008xf32, #tpu.memory_space<vmem>>[vector<16xi32>], vector<16xf32>,
      %parallel_loop3A_69 = arith.addf %parallel_loop3A_67, %parallel_loop3A_68 : vector<16xf32>
      %parallel_loop3A_70 = arith.constant 0.000000e+00 : f32
      %parallel_loop3A_71 = vector.broadcast %parallel_loop3A_70 : f32 to vector<16xf32>
      %parallel_loop3A_72 = arith.cmpf ogt, %parallel_loop3A_69, %parallel_loop3A_71 : vector<16xf32>
      %parallel_loop3A_73 = arith.constant 2.000000e-01 : f32
      %parallel_loop3A_74 = vector.broadcast %parallel_loop3A_73 : f32 to vector<16xf32>
      %parallel_loop3A_75 = arith.mulf %parallel_loop3A_69, %parallel_loop3A_74 : vector<16xf32>
      %parallel_loop3A_76 = arith.select %parallel_loop3A_72, %parallel_loop3A_69, %parallel_loop3A_75 : vector<16xi1>, vector<16xf32>
      %parallel_loop3A_77 = math.exp %parallel_loop3A_76 : vector<16xf32>
      %parallel_loop3A_78 = arith.constant 24576 : i32
      %parallel_loop3A_79 = arith.muli %scan3A_36, %parallel_loop3A_78 : i32
      %parallel_loop3A_80 = arith.constant 16 : i32
      %parallel_loop3A_81 = arith.muli %parallel_loop3A_58, %parallel_loop3A_80 : i32
      %parallel_loop3A_82 = arith.addi %parallel_loop3A_79, %parallel_loop3A_81 : i32
      %parallel_loop3A_83 = vector.broadcast %parallel_loop3A_82 : i32 to vector<16xi32>
      %parallel_loop3A_84 = arith.addi %parallel_loop3A_83, %iota3A : vector<16xi32>
      %parallel_loop3A_85 = arith.constant 21000 : i32
      %parallel_loop3A_86 = vector.broadcast %parallel_loop3A_85 : i32 to vector<16xi32>
      %parallel_loop3A_87 = arith.cmpi slt, %parallel_loop3A_84, %parallel_loop3A_86 : vector<16xi32>
      tpu.vector_store_idx %arg15[%parallel_loop3A_66], %parallel_loop3A_77 masked %parallel_loop3A_87 {add = true} : memref<1008xf32, #tpu.memory_space<vmem>>[vector<16xi32>], vector<16xf32>, vector<16xi1>
    } {sc.loop_unroll_factor = 4 : i64, sc.parallel_access}
    %scan3A_43 = arith.constant 1 : i32
    %scan3A_44 = arith.constant 0 : i32
    %scan3A_45 = arith.constant 0 : i32
    %mul3A_46 = arith.constant 24576 : i32
    %mul3A_47 = arith.muli %scan3A_45, %mul3A_46 : i32
    "tpu.region"() ({
      %run_scoped3A = tpu.sem_alloc : memref<!tpu.dma_semaphore, #tpu.memory_space<semaphore_mem>>
      %dma_start3A = tpu.memref_slice %arg5[%mul3A_47] : memref<24576xi32, #tpu.memory_space<hbm>> -> memref<24576xi32, #tpu.memory_space<hbm>>
      %dma_start3A_58 = tpu.memref_slice %arg5[%mul3A_47] : memref<24576xi32, #tpu.memory_space<hbm>> -> memref<24576xi32, #tpu.memory_space<hbm>>
      tpu.enqueue_dma source(%dma_start3A_58 : memref<24576xi32, #tpu.memory_space<hbm>>) target(%arg10 : memref<24576xi32, #tpu.memory_space<vmem>>) target_semaphore(%run_scoped3A : memref<!tpu.dma_semaphore, #tpu.memory_space<semaphore_mem>>)
      %dma_wait3A = tpu.memref_slice %arg5[%mul3A_47] : memref<24576xi32, #tpu.memory_space<hbm>> -> memref<24576xi32, #tpu.memory_space<hbm>>
      %dma_wait3A_59 = tpu.memref_slice %arg5[%mul3A_47] : memref<24576xi32, #tpu.memory_space<hbm>> -> memref<24576xi32, #tpu.memory_space<hbm>>
      tpu.wait_dma2 semaphore(%run_scoped3A : memref<!tpu.dma_semaphore, #tpu.memory_space<semaphore_mem>>) src(%dma_wait3A_59 : memref<24576xi32, #tpu.memory_space<hbm>>) dst(%arg10 : memref<24576xi32, #tpu.memory_space<vmem>>)
      tpu.yield
    }) : () -> ()
    %mul3A_48 = arith.constant 24576 : i32
    %mul3A_49 = arith.muli %scan3A_45, %mul3A_48 : i32
    "tpu.region"() ({
      %run_scoped3A = tpu.sem_alloc : memref<!tpu.dma_semaphore, #tpu.memory_space<semaphore_mem>>
      %dma_start3A = tpu.memref_slice %arg6[%mul3A_49] : memref<24576xi32, #tpu.memory_space<hbm>> -> memref<24576xi32, #tpu.memory_space<hbm>>
      %dma_start3A_58 = tpu.memref_slice %arg6[%mul3A_49] : memref<24576xi32, #tpu.memory_space<hbm>> -> memref<24576xi32, #tpu.memory_space<hbm>>
      tpu.enqueue_dma source(%dma_start3A_58 : memref<24576xi32, #tpu.memory_space<hbm>>) target(%arg11 : memref<24576xi32, #tpu.memory_space<vmem>>) target_semaphore(%run_scoped3A : memref<!tpu.dma_semaphore, #tpu.memory_space<semaphore_mem>>)
      %dma_wait3A = tpu.memref_slice %arg6[%mul3A_49] : memref<24576xi32, #tpu.memory_space<hbm>> -> memref<24576xi32, #tpu.memory_space<hbm>>
      %dma_wait3A_59 = tpu.memref_slice %arg6[%mul3A_49] : memref<24576xi32, #tpu.memory_space<hbm>> -> memref<24576xi32, #tpu.memory_space<hbm>>
      tpu.wait_dma2 semaphore(%run_scoped3A : memref<!tpu.dma_semaphore, #tpu.memory_space<semaphore_mem>>) src(%dma_wait3A_59 : memref<24576xi32, #tpu.memory_space<hbm>>) dst(%arg11 : memref<24576xi32, #tpu.memory_space<vmem>>)
      tpu.yield
    }) : () -> ()
    %parallel_loop3A_50 = arith.constant 0 : i32
    %parallel_loop3A_51 = arith.constant 1536 : i32
    %parallel_loop3A_52 = arith.constant 1 : i32
    scf.for %parallel_loop3A_58 = %parallel_loop3A_50 to %parallel_loop3A_51 step %parallel_loop3A_52  : i32 {
      %parallel_loop3A_59 = arith.constant 16 : i32
      %parallel_loop3A_60 = arith.muli %parallel_loop3A_58, %parallel_loop3A_59 : i32
      %parallel_loop3A_61 = arith.index_cast %parallel_loop3A_60 : i32 to index
      %parallel_loop3A_62 = tpu.vector_load %arg10[%parallel_loop3A_61] {strides = array<i32>} : memref<24576xi32, #tpu.memory_space<vmem>>, vector<16xi32>,
      %parallel_loop3A_63 = arith.constant 16 : i32
      %parallel_loop3A_64 = arith.muli %parallel_loop3A_58, %parallel_loop3A_63 : i32
      %parallel_loop3A_65 = arith.index_cast %parallel_loop3A_64 : i32 to index
      %parallel_loop3A_66 = tpu.vector_load %arg11[%parallel_loop3A_65] {strides = array<i32>} : memref<24576xi32, #tpu.memory_space<vmem>>, vector<16xi32>,
      %parallel_loop3A_67 = tpu.vector_load_idx %arg13[%parallel_loop3A_62] : memref<1008xf32, #tpu.memory_space<vmem>>[vector<16xi32>], vector<16xf32>,
      %parallel_loop3A_68 = tpu.vector_load_idx %arg14[%parallel_loop3A_66] : memref<1008xf32, #tpu.memory_space<vmem>>[vector<16xi32>], vector<16xf32>,
      %parallel_loop3A_69 = arith.addf %parallel_loop3A_67, %parallel_loop3A_68 : vector<16xf32>
      %parallel_loop3A_70 = arith.constant 0.000000e+00 : f32
      %parallel_loop3A_71 = vector.broadcast %parallel_loop3A_70 : f32 to vector<16xf32>
      %parallel_loop3A_72 = arith.cmpf ogt, %parallel_loop3A_69, %parallel_loop3A_71 : vector<16xf32>
      %parallel_loop3A_73 = arith.constant 2.000000e-01 : f32
      %parallel_loop3A_74 = vector.broadcast %parallel_loop3A_73 : f32 to vector<16xf32>
      %parallel_loop3A_75 = arith.mulf %parallel_loop3A_69, %parallel_loop3A_74 : vector<16xf32>
      %parallel_loop3A_76 = arith.select %parallel_loop3A_72, %parallel_loop3A_69, %parallel_loop3A_75 : vector<16xi1>, vector<16xf32>
      %parallel_loop3A_77 = math.exp %parallel_loop3A_76 : vector<16xf32>
      %parallel_loop3A_78 = tpu.vector_load_idx %arg15[%parallel_loop3A_66] : memref<1008xf32, #tpu.memory_space<vmem>>[vector<16xi32>], vector<16xf32>,
      %parallel_loop3A_79 = arith.divf %parallel_loop3A_77, %parallel_loop3A_78 : vector<16xf32>
      %parallel_loop3A_80 = arith.constant 24576 : i32
      %parallel_loop3A_81 = arith.muli %scan3A_45, %parallel_loop3A_80 : i32
      %parallel_loop3A_82 = arith.constant 16 : i32
      %parallel_loop3A_83 = arith.muli %parallel_loop3A_58, %parallel_loop3A_82 : i32
      %parallel_loop3A_84 = arith.addi %parallel_loop3A_81, %parallel_loop3A_83 : i32
      %parallel_loop3A_85 = vector.broadcast %parallel_loop3A_84 : i32 to vector<16xi32>
      %parallel_loop3A_86 = arith.addi %parallel_loop3A_85, %iota3A : vector<16xi32>
      %parallel_loop3A_87 = arith.constant 21000 : i32
      %parallel_loop3A_88 = vector.broadcast %parallel_loop3A_87 : i32 to vector<16xi32>
      %parallel_loop3A_89 = arith.cmpi slt, %parallel_loop3A_86, %parallel_loop3A_88 : vector<16xi32>
      %parallel_loop3A_90 = arith.constant 0 : i32
      %parallel_loop3A_91 = vector.broadcast %parallel_loop3A_90 : i32 to vector<16xi32>
      %parallel_loop3A_92 = arith.addi %parallel_loop3A_62, %parallel_loop3A_91 : vector<16xi32>
      %parallel_loop3A_93 = tpu.vector_load_idx %arg16[%parallel_loop3A_92] : memref<16128xf32, #tpu.memory_space<vmem>>[vector<16xi32>], vector<16xf32>,
      %parallel_loop3A_94 = arith.constant 0 : i32
      %parallel_loop3A_95 = vector.broadcast %parallel_loop3A_94 : i32 to vector<16xi32>
      %parallel_loop3A_96 = arith.addi %parallel_loop3A_66, %parallel_loop3A_95 : vector<16xi32>
      %parallel_loop3A_97 = arith.mulf %parallel_loop3A_93, %parallel_loop3A_79 : vector<16xf32>
      tpu.vector_store_idx %arg17[%parallel_loop3A_96], %parallel_loop3A_97 masked %parallel_loop3A_89 {add = true} : memref<16128xf32, #tpu.memory_space<vmem>>[vector<16xi32>], vector<16xf32>, vector<16xi1>
      %parallel_loop3A_98 = arith.constant 1008 : i32
      %parallel_loop3A_99 = vector.broadcast %parallel_loop3A_98 : i32 to vector<16xi32>
      %parallel_loop3A_100 = arith.addi %parallel_loop3A_62, %parallel_loop3A_99 : vector<16xi32>
      %parallel_loop3A_101 = tpu.vector_load_idx %arg16[%parallel_loop3A_100] : memref<16128xf32, #tpu.memory_space<vmem>>[vector<16xi32>], vector<16xf32>,
      %parallel_loop3A_102 = arith.constant 1008 : i32
      %parallel_loop3A_103 = vector.broadcast %parallel_loop3A_102 : i32 to vector<16xi32>
      %parallel_loop3A_104 = arith.addi %parallel_loop3A_66, %parallel_loop3A_103 : vector<16xi32>
      %parallel_loop3A_105 = arith.mulf %parallel_loop3A_101, %parallel_loop3A_79 : vector<16xf32>
      tpu.vector_store_idx %arg17[%parallel_loop3A_104], %parallel_loop3A_105 masked %parallel_loop3A_89 {add = true} : memref<16128xf32, #tpu.memory_space<vmem>>[vector<16xi32>], vector<16xf32>, vector<16xi1>
      %parallel_loop3A_106 = arith.constant 2016 : i32
      %parallel_loop3A_107 = vector.broadcast %parallel_loop3A_106 : i32 to vector<16xi32>
      %parallel_loop3A_108 = arith.addi %parallel_loop3A_62, %parallel_loop3A_107 : vector<16xi32>
      %parallel_loop3A_109 = tpu.vector_load_idx %arg16[%parallel_loop3A_108] : memref<16128xf32, #tpu.memory_space<vmem>>[vector<16xi32>], vector<16xf32>,
      %parallel_loop3A_110 = arith.constant 2016 : i32
      %parallel_loop3A_111 = vector.broadcast %parallel_loop3A_110 : i32 to vector<16xi32>
      %parallel_loop3A_112 = arith.addi %parallel_loop3A_66, %parallel_loop3A_111 : vector<16xi32>
      %parallel_loop3A_113 = arith.mulf %parallel_loop3A_109, %parallel_loop3A_79 : vector<16xf32>
      tpu.vector_store_idx %arg17[%parallel_loop3A_112], %parallel_loop3A_113 masked %parallel_loop3A_89 {add = true} : memref<16128xf32, #tpu.memory_space<vmem>>[vector<16xi32>], vector<16xf32>, vector<16xi1>
      %parallel_loop3A_114 = arith.constant 3024 : i32
      %parallel_loop3A_115 = vector.broadcast %parallel_loop3A_114 : i32 to vector<16xi32>
      %parallel_loop3A_116 = arith.addi %parallel_loop3A_62, %parallel_loop3A_115 : vector<16xi32>
      %parallel_loop3A_117 = tpu.vector_load_idx %arg16[%parallel_loop3A_116] : memref<16128xf32, #tpu.memory_space<vmem>>[vector<16xi32>], vector<16xf32>,
      %parallel_loop3A_118 = arith.constant 3024 : i32
      %parallel_loop3A_119 = vector.broadcast %parallel_loop3A_118 : i32 to vector<16xi32>
      %parallel_loop3A_120 = arith.addi %parallel_loop3A_66, %parallel_loop3A_119 : vector<16xi32>
      %parallel_loop3A_121 = arith.mulf %parallel_loop3A_117, %parallel_loop3A_79 : vector<16xf32>
      tpu.vector_store_idx %arg17[%parallel_loop3A_120], %parallel_loop3A_121 masked %parallel_loop3A_89 {add = true} : memref<16128xf32, #tpu.memory_space<vmem>>[vector<16xi32>], vector<16xf32>, vector<16xi1>
      %parallel_loop3A_122 = arith.constant 4032 : i32
      %parallel_loop3A_123 = vector.broadcast %parallel_loop3A_122 : i32 to vector<16xi32>
      %parallel_loop3A_124 = arith.addi %parallel_loop3A_62, %parallel_loop3A_123 : vector<16xi32>
      %parallel_loop3A_125 = tpu.vector_load_idx %arg16[%parallel_loop3A_124] : memref<16128xf32, #tpu.memory_space<vmem>>[vector<16xi32>], vector<16xf32>,
      %parallel_loop3A_126 = arith.constant 4032 : i32
      %parallel_loop3A_127 = vector.broadcast %parallel_loop3A_126 : i32 to vector<16xi32>
      %parallel_loop3A_128 = arith.addi %parallel_loop3A_66, %parallel_loop3A_127 : vector<16xi32>
      %parallel_loop3A_129 = arith.mulf %parallel_loop3A_125, %parallel_loop3A_79 : vector<16xf32>
      tpu.vector_store_idx %arg17[%parallel_loop3A_128], %parallel_loop3A_129 masked %parallel_loop3A_89 {add = true} : memref<16128xf32, #tpu.memory_space<vmem>>[vector<16xi32>], vector<16xf32>, vector<16xi1>
      %parallel_loop3A_130 = arith.constant 5040 : i32
      %parallel_loop3A_131 = vector.broadcast %parallel_loop3A_130 : i32 to vector<16xi32>
      %parallel_loop3A_132 = arith.addi %parallel_loop3A_62, %parallel_loop3A_131 : vector<16xi32>
      %parallel_loop3A_133 = tpu.vector_load_idx %arg16[%parallel_loop3A_132] : memref<16128xf32, #tpu.memory_space<vmem>>[vector<16xi32>], vector<16xf32>,
      %parallel_loop3A_134 = arith.constant 5040 : i32
      %parallel_loop3A_135 = vector.broadcast %parallel_loop3A_134 : i32 to vector<16xi32>
      %parallel_loop3A_136 = arith.addi %parallel_loop3A_66, %parallel_loop3A_135 : vector<16xi32>
      %parallel_loop3A_137 = arith.mulf %parallel_loop3A_133, %parallel_loop3A_79 : vector<16xf32>
      tpu.vector_store_idx %arg17[%parallel_loop3A_136], %parallel_loop3A_137 masked %parallel_loop3A_89 {add = true} : memref<16128xf32, #tpu.memory_space<vmem>>[vector<16xi32>], vector<16xf32>, vector<16xi1>
      %parallel_loop3A_138 = arith.constant 6048 : i32
      %parallel_loop3A_139 = vector.broadcast %parallel_loop3A_138 : i32 to vector<16xi32>
      %parallel_loop3A_140 = arith.addi %parallel_loop3A_62, %parallel_loop3A_139 : vector<16xi32>
      %parallel_loop3A_141 = tpu.vector_load_idx %arg16[%parallel_loop3A_140] : memref<16128xf32, #tpu.memory_space<vmem>>[vector<16xi32>], vector<16xf32>,
      %parallel_loop3A_142 = arith.constant 6048 : i32
      %parallel_loop3A_143 = vector.broadcast %parallel_loop3A_142 : i32 to vector<16xi32>
      %parallel_loop3A_144 = arith.addi %parallel_loop3A_66, %parallel_loop3A_143 : vector<16xi32>
      %parallel_loop3A_145 = arith.mulf %parallel_loop3A_141, %parallel_loop3A_79 : vector<16xf32>
      tpu.vector_store_idx %arg17[%parallel_loop3A_144], %parallel_loop3A_145 masked %parallel_loop3A_89 {add = true} : memref<16128xf32, #tpu.memory_space<vmem>>[vector<16xi32>], vector<16xf32>, vector<16xi1>
      %parallel_loop3A_146 = arith.constant 7056 : i32
      %parallel_loop3A_147 = vector.broadcast %parallel_loop3A_146 : i32 to vector<16xi32>
      %parallel_loop3A_148 = arith.addi %parallel_loop3A_62, %parallel_loop3A_147 : vector<16xi32>
      %parallel_loop3A_149 = tpu.vector_load_idx %arg16[%parallel_loop3A_148] : memref<16128xf32, #tpu.memory_space<vmem>>[vector<16xi32>], vector<16xf32>,
      %parallel_loop3A_150 = arith.constant 7056 : i32
      %parallel_loop3A_151 = vector.broadcast %parallel_loop3A_150 : i32 to vector<16xi32>
      %parallel_loop3A_152 = arith.addi %parallel_loop3A_66, %parallel_loop3A_151 : vector<16xi32>
      %parallel_loop3A_153 = arith.mulf %parallel_loop3A_149, %parallel_loop3A_79 : vector<16xf32>
      tpu.vector_store_idx %arg17[%parallel_loop3A_152], %parallel_loop3A_153 masked %parallel_loop3A_89 {add = true} : memref<16128xf32, #tpu.memory_space<vmem>>[vector<16xi32>], vector<16xf32>, vector<16xi1>
      %parallel_loop3A_154 = arith.constant 8064 : i32
      %parallel_loop3A_155 = vector.broadcast %parallel_loop3A_154 : i32 to vector<16xi32>
      %parallel_loop3A_156 = arith.addi %parallel_loop3A_62, %parallel_loop3A_155 : vector<16xi32>
      %parallel_loop3A_157 = tpu.vector_load_idx %arg16[%parallel_loop3A_156] : memref<16128xf32, #tpu.memory_space<vmem>>[vector<16xi32>], vector<16xf32>,
      %parallel_loop3A_158 = arith.constant 8064 : i32
      %parallel_loop3A_159 = vector.broadcast %parallel_loop3A_158 : i32 to vector<16xi32>
      %parallel_loop3A_160 = arith.addi %parallel_loop3A_66, %parallel_loop3A_159 : vector<16xi32>
      %parallel_loop3A_161 = arith.mulf %parallel_loop3A_157, %parallel_loop3A_79 : vector<16xf32>
      tpu.vector_store_idx %arg17[%parallel_loop3A_160], %parallel_loop3A_161 masked %parallel_loop3A_89 {add = true} : memref<16128xf32, #tpu.memory_space<vmem>>[vector<16xi32>], vector<16xf32>, vector<16xi1>
      %parallel_loop3A_162 = arith.constant 9072 : i32
      %parallel_loop3A_163 = vector.broadcast %parallel_loop3A_162 : i32 to vector<16xi32>
      %parallel_loop3A_164 = arith.addi %parallel_loop3A_62, %parallel_loop3A_163 : vector<16xi32>
      %parallel_loop3A_165 = tpu.vector_load_idx %arg16[%parallel_loop3A_164] : memref<16128xf32, #tpu.memory_space<vmem>>[vector<16xi32>], vector<16xf32>,
      %parallel_loop3A_166 = arith.constant 9072 : i32
      %parallel_loop3A_167 = vector.broadcast %parallel_loop3A_166 : i32 to vector<16xi32>
      %parallel_loop3A_168 = arith.addi %parallel_loop3A_66, %parallel_loop3A_167 : vector<16xi32>
      %parallel_loop3A_169 = arith.mulf %parallel_loop3A_165, %parallel_loop3A_79 : vector<16xf32>
      tpu.vector_store_idx %arg17[%parallel_loop3A_168], %parallel_loop3A_169 masked %parallel_loop3A_89 {add = true} : memref<16128xf32, #tpu.memory_space<vmem>>[vector<16xi32>], vector<16xf32>, vector<16xi1>
      %parallel_loop3A_170 = arith.constant 10080 : i32
      %parallel_loop3A_171 = vector.broadcast %parallel_loop3A_170 : i32 to vector<16xi32>
      %parallel_loop3A_172 = arith.addi %parallel_loop3A_62, %parallel_loop3A_171 : vector<16xi32>
      %parallel_loop3A_173 = tpu.vector_load_idx %arg16[%parallel_loop3A_172] : memref<16128xf32, #tpu.memory_space<vmem>>[vector<16xi32>], vector<16xf32>,
      %parallel_loop3A_174 = arith.constant 10080 : i32
      %parallel_loop3A_175 = vector.broadcast %parallel_loop3A_174 : i32 to vector<16xi32>
      %parallel_loop3A_176 = arith.addi %parallel_loop3A_66, %parallel_loop3A_175 : vector<16xi32>
      %parallel_loop3A_177 = arith.mulf %parallel_loop3A_173, %parallel_loop3A_79 : vector<16xf32>
      tpu.vector_store_idx %arg17[%parallel_loop3A_176], %parallel_loop3A_177 masked %parallel_loop3A_89 {add = true} : memref<16128xf32, #tpu.memory_space<vmem>>[vector<16xi32>], vector<16xf32>, vector<16xi1>
      %parallel_loop3A_178 = arith.constant 11088 : i32
      %parallel_loop3A_179 = vector.broadcast %parallel_loop3A_178 : i32 to vector<16xi32>
      %parallel_loop3A_180 = arith.addi %parallel_loop3A_62, %parallel_loop3A_179 : vector<16xi32>
      %parallel_loop3A_181 = tpu.vector_load_idx %arg16[%parallel_loop3A_180] : memref<16128xf32, #tpu.memory_space<vmem>>[vector<16xi32>], vector<16xf32>,
      %parallel_loop3A_182 = arith.constant 11088 : i32
      %parallel_loop3A_183 = vector.broadcast %parallel_loop3A_182 : i32 to vector<16xi32>
      %parallel_loop3A_184 = arith.addi %parallel_loop3A_66, %parallel_loop3A_183 : vector<16xi32>
      %parallel_loop3A_185 = arith.mulf %parallel_loop3A_181, %parallel_loop3A_79 : vector<16xf32>
      tpu.vector_store_idx %arg17[%parallel_loop3A_184], %parallel_loop3A_185 masked %parallel_loop3A_89 {add = true} : memref<16128xf32, #tpu.memory_space<vmem>>[vector<16xi32>], vector<16xf32>, vector<16xi1>
      %parallel_loop3A_186 = arith.constant 12096 : i32
      %parallel_loop3A_187 = vector.broadcast %parallel_loop3A_186 : i32 to vector<16xi32>
      %parallel_loop3A_188 = arith.addi %parallel_loop3A_62, %parallel_loop3A_187 : vector<16xi32>
      %parallel_loop3A_189 = tpu.vector_load_idx %arg16[%parallel_loop3A_188] : memref<16128xf32, #tpu.memory_space<vmem>>[vector<16xi32>], vector<16xf32>,
      %parallel_loop3A_190 = arith.constant 12096 : i32
      %parallel_loop3A_191 = vector.broadcast %parallel_loop3A_190 : i32 to vector<16xi32>
      %parallel_loop3A_192 = arith.addi %parallel_loop3A_66, %parallel_loop3A_191 : vector<16xi32>
      %parallel_loop3A_193 = arith.mulf %parallel_loop3A_189, %parallel_loop3A_79 : vector<16xf32>
      tpu.vector_store_idx %arg17[%parallel_loop3A_192], %parallel_loop3A_193 masked %parallel_loop3A_89 {add = true} : memref<16128xf32, #tpu.memory_space<vmem>>[vector<16xi32>], vector<16xf32>, vector<16xi1>
      %parallel_loop3A_194 = arith.constant 13104 : i32
      %parallel_loop3A_195 = vector.broadcast %parallel_loop3A_194 : i32 to vector<16xi32>
      %parallel_loop3A_196 = arith.addi %parallel_loop3A_62, %parallel_loop3A_195 : vector<16xi32>
      %parallel_loop3A_197 = tpu.vector_load_idx %arg16[%parallel_loop3A_196] : memref<16128xf32, #tpu.memory_space<vmem>>[vector<16xi32>], vector<16xf32>,
      %parallel_loop3A_198 = arith.constant 13104 : i32
      %parallel_loop3A_199 = vector.broadcast %parallel_loop3A_198 : i32 to vector<16xi32>
      %parallel_loop3A_200 = arith.addi %parallel_loop3A_66, %parallel_loop3A_199 : vector<16xi32>
      %parallel_loop3A_201 = arith.mulf %parallel_loop3A_197, %parallel_loop3A_79 : vector<16xf32>
      tpu.vector_store_idx %arg17[%parallel_loop3A_200], %parallel_loop3A_201 masked %parallel_loop3A_89 {add = true} : memref<16128xf32, #tpu.memory_space<vmem>>[vector<16xi32>], vector<16xf32>, vector<16xi1>
      %parallel_loop3A_202 = arith.constant 14112 : i32
      %parallel_loop3A_203 = vector.broadcast %parallel_loop3A_202 : i32 to vector<16xi32>
      %parallel_loop3A_204 = arith.addi %parallel_loop3A_62, %parallel_loop3A_203 : vector<16xi32>
      %parallel_loop3A_205 = tpu.vector_load_idx %arg16[%parallel_loop3A_204] : memref<16128xf32, #tpu.memory_space<vmem>>[vector<16xi32>], vector<16xf32>,
      %parallel_loop3A_206 = arith.constant 14112 : i32
      %parallel_loop3A_207 = vector.broadcast %parallel_loop3A_206 : i32 to vector<16xi32>
      %parallel_loop3A_208 = arith.addi %parallel_loop3A_66, %parallel_loop3A_207 : vector<16xi32>
      %parallel_loop3A_209 = arith.mulf %parallel_loop3A_205, %parallel_loop3A_79 : vector<16xf32>
      tpu.vector_store_idx %arg17[%parallel_loop3A_208], %parallel_loop3A_209 masked %parallel_loop3A_89 {add = true} : memref<16128xf32, #tpu.memory_space<vmem>>[vector<16xi32>], vector<16xf32>, vector<16xi1>
      %parallel_loop3A_210 = arith.constant 15120 : i32
      %parallel_loop3A_211 = vector.broadcast %parallel_loop3A_210 : i32 to vector<16xi32>
      %parallel_loop3A_212 = arith.addi %parallel_loop3A_62, %parallel_loop3A_211 : vector<16xi32>
      %parallel_loop3A_213 = tpu.vector_load_idx %arg16[%parallel_loop3A_212] : memref<16128xf32, #tpu.memory_space<vmem>>[vector<16xi32>], vector<16xf32>,
      %parallel_loop3A_214 = arith.constant 15120 : i32
      %parallel_loop3A_215 = vector.broadcast %parallel_loop3A_214 : i32 to vector<16xi32>
      %parallel_loop3A_216 = arith.addi %parallel_loop3A_66, %parallel_loop3A_215 : vector<16xi32>
      %parallel_loop3A_217 = arith.mulf %parallel_loop3A_213, %parallel_loop3A_79 : vector<16xf32>
      tpu.vector_store_idx %arg17[%parallel_loop3A_216], %parallel_loop3A_217 masked %parallel_loop3A_89 {add = true} : memref<16128xf32, #tpu.memory_space<vmem>>[vector<16xi32>], vector<16xf32>, vector<16xi1>
    } {sc.loop_unroll_factor = 3 : i64, sc.parallel_access}
    %scan3A_53 = arith.constant 1 : i32
    %mul3A_54 = arith.constant 16128 : i32
    %mul3A_55 = arith.muli %add3A, %mul3A_54 : i32
    "tpu.region"() ({
      %run_scoped3A = tpu.sem_alloc : memref<!tpu.dma_semaphore, #tpu.memory_space<semaphore_mem>>
      %dma_start3A = tpu.memref_slice %arg7[%mul3A_55] : memref<516096xf32, #tpu.memory_space<hbm>> -> memref<16128xf32, #tpu.memory_space<hbm>>
      %dma_start3A_58 = tpu.memref_slice %arg7[%mul3A_55] : memref<516096xf32, #tpu.memory_space<hbm>> -> memref<16128xf32, #tpu.memory_space<hbm>>
      tpu.enqueue_dma source(%arg17 : memref<16128xf32, #tpu.memory_space<vmem>>) target(%dma_start3A_58 : memref<16128xf32, #tpu.memory_space<hbm>>) target_semaphore(%run_scoped3A : memref<!tpu.dma_semaphore, #tpu.memory_space<semaphore_mem>>)
      %dma_wait3A = tpu.memref_slice %arg7[%mul3A_55] : memref<516096xf32, #tpu.memory_space<hbm>> -> memref<16128xf32, #tpu.memory_space<hbm>>
      %dma_wait3A_59 = tpu.memref_slice %arg7[%mul3A_55] : memref<516096xf32, #tpu.memory_space<hbm>> -> memref<16128xf32, #tpu.memory_space<hbm>>
      tpu.wait_dma2 semaphore(%run_scoped3A : memref<!tpu.dma_semaphore, #tpu.memory_space<semaphore_mem>>) src(%arg17 : memref<16128xf32, #tpu.memory_space<vmem>>) dst(%dma_wait3A_59 : memref<16128xf32, #tpu.memory_space<hbm>>)
      tpu.yield
    }) : () -> ()
    %mul3A_56 = arith.constant 1008 : i32
    %mul3A_57 = arith.muli %add3A, %mul3A_56 : i32
    "tpu.region"() ({
      %run_scoped3A = tpu.sem_alloc : memref<!tpu.dma_semaphore, #tpu.memory_space<semaphore_mem>>
      %dma_start3A = tpu.memref_slice %arg8[%mul3A_57] : memref<32256xf32, #tpu.memory_space<hbm>> -> memref<1008xf32, #tpu.memory_space<hbm>>
      %dma_start3A_58 = tpu.memref_slice %arg8[%mul3A_57] : memref<32256xf32, #tpu.memory_space<hbm>> -> memref<1008xf32, #tpu.memory_space<hbm>>
      tpu.enqueue_dma source(%arg15 : memref<1008xf32, #tpu.memory_space<vmem>>) target(%dma_start3A_58 : memref<1008xf32, #tpu.memory_space<hbm>>) target_semaphore(%run_scoped3A : memref<!tpu.dma_semaphore, #tpu.memory_space<semaphore_mem>>)
      %dma_wait3A = tpu.memref_slice %arg8[%mul3A_57] : memref<32256xf32, #tpu.memory_space<hbm>> -> memref<1008xf32, #tpu.memory_space<hbm>>
      %dma_wait3A_59 = tpu.memref_slice %arg8[%mul3A_57] : memref<32256xf32, #tpu.memory_space<hbm>> -> memref<1008xf32, #tpu.memory_space<hbm>>
      tpu.wait_dma2 semaphore(%run_scoped3A : memref<!tpu.dma_semaphore, #tpu.memory_space<semaphore_mem>>) src(%arg15 : memref<1008xf32, #tpu.memory_space<vmem>>) dst(%dma_wait3A_59 : memref<1008xf32, #tpu.memory_space<hbm>>)
      tpu.yield
    }) : () -> ()
    return
  }
}

module attributes {stable_mosaic.version = 14 : i64} {
  func.func @_route_lstm_body(%arg0: i32, %arg1: memref<800x9x128xf32, #tpu.memory_space<vmem>>, %arg2: memref<800x1xi32, #tpu.memory_space<vmem>>, %arg3: memref<256x512xf32, #tpu.memory_space<vmem>>, %arg4: memref<1x512xf32, #tpu.memory_space<vmem>>, %arg5: memref<800x128xf32, #tpu.memory_space<vmem>>) attributes {dimension_semantics = [#tpu.dimension_semantics<arbitrary>], iteration_bounds = array<i64: 4>, scalar_prefetch = 0 : i64, scratch_operands = 0 : i64, tpu.core_type = #tpu.core_type<tc>, window_params = [{transform_indices = @transform_0, window_bounds = array<i64: 800, 9, 128>}, {transform_indices = @transform_1, window_bounds = array<i64: 800, 1>}, {pipeline_mode = #tpu.pipeline_mode<synchronous>, transform_indices = @transform_2, window_bounds = array<i64: 256, 512>}, {pipeline_mode = #tpu.pipeline_mode<synchronous>, transform_indices = @transform_3, window_bounds = array<i64: 1, 512>}, {transform_indices = @transform_4, window_bounds = array<i64: 800, 128>}]} {
    %get3A = arith.constant 0 : index
    %get3A_0 = arith.constant 0 : index
    %get3A_1 = arith.constant 0 : index
    %get3A_2 = vector.load %arg1[%get3A, %get3A_0, %get3A_1] : memref<800x9x128xf32, #tpu.memory_space<vmem>>, vector<800x9x128xf32>
    %get3A_3 = arith.constant 0 : index
    %get3A_4 = arith.constant 0 : index
    %get3A_5 = vector.load %arg3[%get3A_3, %get3A_4] : memref<256x512xf32, #tpu.memory_space<vmem>>, vector<256x512xf32>
    %convert_element_type3A = arith.truncf %get3A_5 : vector<256x512xf32> to vector<256x512xbf16>
    %get3A_6 = arith.constant 0 : index
    %get3A_7 = arith.constant 0 : index
    %get3A_8 = vector.load %arg4[%get3A_6, %get3A_7] : memref<1x512xf32, #tpu.memory_space<vmem>>, vector<1x512xf32>
    %get3A_9 = arith.constant 0 : index
    %get3A_10 = arith.constant 0 : index
    %get3A_11 = vector.load %arg2[%get3A_9, %get3A_10] : memref<800x1xi32, #tpu.memory_space<vmem>>, vector<800x1xi32>
    %broadcast_in_dim3A = arith.constant 0.000000e+00 : f32
    %broadcast_in_dim3A_12 = vector.broadcast %broadcast_in_dim3A : f32 to vector<800x128xf32>
    %broadcast_in_dim3A_13 = arith.constant 0.000000e+00 : f32
    %broadcast_in_dim3A_14 = vector.broadcast %broadcast_in_dim3A_13 : f32 to vector<800x128xf32>
    %broadcast_in_dim3A_15 = arith.constant 0.000000e+00 : f32
    %broadcast_in_dim3A_16 = vector.broadcast %broadcast_in_dim3A_15 : f32 to vector<800x128xf32>
    %slice3A = vector.extract_strided_slice %get3A_2 {offsets = [0, 0, 0], sizes = [800, 1, 128], strides = [1, 1, 1]} : vector<800x9x128xf32> to vector<800x1x128xf32>
    %squeeze3A = vector.shape_cast %slice3A : vector<800x1x128xf32> to vector<800x128xf32>
    %concatenate3A = tpu.concatenate %squeeze3A, %broadcast_in_dim3A_12 in 1 : vector<800x128xf32>, vector<800x128xf32> -> vector<800x256xf32>
    %convert_element_type3A_17 = arith.truncf %concatenate3A : vector<800x256xf32> to vector<800x256xbf16>
    %dot_general3A = arith.constant dense<0.000000e+00> : vector<800x512xf32>
    %dot_general3A_18 = tpu.matmul %convert_element_type3A_17, %convert_element_type3A, %dot_general3A {dimension_numbers = #tpu.dot_dimension_numbers<[1], [0], [0], [1], [0, 0, 1, 1], [], []>, transpose_lhs_hint = false} : vector<800x256xbf16>, vector<256x512xbf16>, vector<800x512xf32> -> vector<800x512xf32>
    %add3A = vector.broadcast %get3A_8 : vector<1x512xf32> to vector<800x512xf32>
    %add3A_19 = arith.addf %dot_general3A_18, %add3A : vector<800x512xf32>
    %slice3A_20 = vector.extract_strided_slice %add3A_19 {offsets = [0, 0], sizes = [800, 128], strides = [1, 1]} : vector<800x512xf32> to vector<800x128xf32>
    %logistic3A = arith.negf %slice3A_20 : vector<800x128xf32>
    %logistic3A_21 = math.exp %logistic3A : vector<800x128xf32>
    %logistic3A_22 = arith.constant 1.000000e+00 : f32
    %logistic3A_23 = vector.broadcast %logistic3A_22 : f32 to vector<800x128xf32>
    %logistic3A_24 = arith.addf %logistic3A_23, %logistic3A_21 : vector<800x128xf32>
    %logistic3A_25 = arith.divf %logistic3A_23, %logistic3A_24 : vector<800x128xf32>
    %slice3A_26 = vector.extract_strided_slice %add3A_19 {offsets = [0, 128], sizes = [800, 128], strides = [1, 1]} : vector<800x512xf32> to vector<800x128xf32>
    %logistic3A_27 = arith.negf %slice3A_26 : vector<800x128xf32>
    %logistic3A_28 = math.exp %logistic3A_27 : vector<800x128xf32>
    %logistic3A_29 = arith.constant 1.000000e+00 : f32
    %logistic3A_30 = vector.broadcast %logistic3A_29 : f32 to vector<800x128xf32>
    %logistic3A_31 = arith.addf %logistic3A_30, %logistic3A_28 : vector<800x128xf32>
    %logistic3A_32 = arith.divf %logistic3A_30, %logistic3A_31 : vector<800x128xf32>
    %slice3A_33 = vector.extract_strided_slice %add3A_19 {offsets = [0, 256], sizes = [800, 128], strides = [1, 1]} : vector<800x512xf32> to vector<800x128xf32>
    %tanh3A = math.tanh %slice3A_33 : vector<800x128xf32>
    %slice3A_34 = vector.extract_strided_slice %add3A_19 {offsets = [0, 384], sizes = [800, 128], strides = [1, 1]} : vector<800x512xf32> to vector<800x128xf32>
    %logistic3A_35 = arith.negf %slice3A_34 : vector<800x128xf32>
    %logistic3A_36 = math.exp %logistic3A_35 : vector<800x128xf32>
    %logistic3A_37 = arith.constant 1.000000e+00 : f32
    %logistic3A_38 = vector.broadcast %logistic3A_37 : f32 to vector<800x128xf32>
    %logistic3A_39 = arith.addf %logistic3A_38, %logistic3A_36 : vector<800x128xf32>
    %logistic3A_40 = arith.divf %logistic3A_38, %logistic3A_39 : vector<800x128xf32>
    %mul3A = arith.mulf %logistic3A_32, %broadcast_in_dim3A_14 : vector<800x128xf32>
    %mul3A_41 = arith.mulf %logistic3A_25, %tanh3A : vector<800x128xf32>
    %add3A_42 = arith.addf %mul3A, %mul3A_41 : vector<800x128xf32>
    %tanh3A_43 = math.tanh %add3A_42 : vector<800x128xf32>
    %mul3A_44 = arith.mulf %logistic3A_40, %tanh3A_43 : vector<800x128xf32>
    %eq3A = arith.constant 0 : i32
    %eq3A_45 = vector.broadcast %eq3A : i32 to vector<800x1xi32>
    %eq3A_46 = arith.cmpi eq, %get3A_11, %eq3A_45 : vector<800x1xi32>
    %broadcast_in_dim3A_47 = vector.shape_cast %eq3A_46 : vector<800x1xi1> to vector<800x1xi1>
    %broadcast_in_dim3A_48 = vector.broadcast %broadcast_in_dim3A_47 : vector<800x1xi1> to vector<800x128xi1>
    %select_n3A = arith.select %broadcast_in_dim3A_48, %mul3A_44, %broadcast_in_dim3A_16 : vector<800x128xi1>, vector<800x128xf32>
    %slice3A_49 = vector.extract_strided_slice %get3A_2 {offsets = [0, 1, 0], sizes = [800, 1, 128], strides = [1, 1, 1]} : vector<800x9x128xf32> to vector<800x1x128xf32>
    %squeeze3A_50 = vector.shape_cast %slice3A_49 : vector<800x1x128xf32> to vector<800x128xf32>
    %concatenate3A_51 = tpu.concatenate %squeeze3A_50, %mul3A_44 in 1 : vector<800x128xf32>, vector<800x128xf32> -> vector<800x256xf32>
    %convert_element_type3A_52 = arith.truncf %concatenate3A_51 : vector<800x256xf32> to vector<800x256xbf16>
    %dot_general3A_53 = arith.constant dense<0.000000e+00> : vector<800x512xf32>
    %dot_general3A_54 = tpu.matmul %convert_element_type3A_52, %convert_element_type3A, %dot_general3A_53 {dimension_numbers = #tpu.dot_dimension_numbers<[1], [0], [0], [1], [0, 0, 1, 1], [], []>, transpose_lhs_hint = false} : vector<800x256xbf16>, vector<256x512xbf16>, vector<800x512xf32> -> vector<800x512xf32>
    %add3A_55 = vector.broadcast %get3A_8 : vector<1x512xf32> to vector<800x512xf32>
    %add3A_56 = arith.addf %dot_general3A_54, %add3A_55 : vector<800x512xf32>
    %slice3A_57 = vector.extract_strided_slice %add3A_56 {offsets = [0, 0], sizes = [800, 128], strides = [1, 1]} : vector<800x512xf32> to vector<800x128xf32>
    %logistic3A_58 = arith.negf %slice3A_57 : vector<800x128xf32>
    %logistic3A_59 = math.exp %logistic3A_58 : vector<800x128xf32>
    %logistic3A_60 = arith.constant 1.000000e+00 : f32
    %logistic3A_61 = vector.broadcast %logistic3A_60 : f32 to vector<800x128xf32>
    %logistic3A_62 = arith.addf %logistic3A_61, %logistic3A_59 : vector<800x128xf32>
    %logistic3A_63 = arith.divf %logistic3A_61, %logistic3A_62 : vector<800x128xf32>
    %slice3A_64 = vector.extract_strided_slice %add3A_56 {offsets = [0, 128], sizes = [800, 128], strides = [1, 1]} : vector<800x512xf32> to vector<800x128xf32>
    %logistic3A_65 = arith.negf %slice3A_64 : vector<800x128xf32>
    %logistic3A_66 = math.exp %logistic3A_65 : vector<800x128xf32>
    %logistic3A_67 = arith.constant 1.000000e+00 : f32
    %logistic3A_68 = vector.broadcast %logistic3A_67 : f32 to vector<800x128xf32>
    %logistic3A_69 = arith.addf %logistic3A_68, %logistic3A_66 : vector<800x128xf32>
    %logistic3A_70 = arith.divf %logistic3A_68, %logistic3A_69 : vector<800x128xf32>
    %slice3A_71 = vector.extract_strided_slice %add3A_56 {offsets = [0, 256], sizes = [800, 128], strides = [1, 1]} : vector<800x512xf32> to vector<800x128xf32>
    %tanh3A_72 = math.tanh %slice3A_71 : vector<800x128xf32>
    %slice3A_73 = vector.extract_strided_slice %add3A_56 {offsets = [0, 384], sizes = [800, 128], strides = [1, 1]} : vector<800x512xf32> to vector<800x128xf32>
    %logistic3A_74 = arith.negf %slice3A_73 : vector<800x128xf32>
    %logistic3A_75 = math.exp %logistic3A_74 : vector<800x128xf32>
    %logistic3A_76 = arith.constant 1.000000e+00 : f32
    %logistic3A_77 = vector.broadcast %logistic3A_76 : f32 to vector<800x128xf32>
    %logistic3A_78 = arith.addf %logistic3A_77, %logistic3A_75 : vector<800x128xf32>
    %logistic3A_79 = arith.divf %logistic3A_77, %logistic3A_78 : vector<800x128xf32>
    %mul3A_80 = arith.mulf %logistic3A_70, %add3A_42 : vector<800x128xf32>
    %mul3A_81 = arith.mulf %logistic3A_63, %tanh3A_72 : vector<800x128xf32>
    %add3A_82 = arith.addf %mul3A_80, %mul3A_81 : vector<800x128xf32>
    %tanh3A_83 = math.tanh %add3A_82 : vector<800x128xf32>
    %mul3A_84 = arith.mulf %logistic3A_79, %tanh3A_83 : vector<800x128xf32>
    %eq3A_85 = arith.constant 1 : i32
    %eq3A_86 = vector.broadcast %eq3A_85 : i32 to vector<800x1xi32>
    %eq3A_87 = arith.cmpi eq, %get3A_11, %eq3A_86 : vector<800x1xi32>
    %broadcast_in_dim3A_88 = vector.shape_cast %eq3A_87 : vector<800x1xi1> to vector<800x1xi1>
    %broadcast_in_dim3A_89 = vector.broadcast %broadcast_in_dim3A_88 : vector<800x1xi1> to vector<800x128xi1>
    %select_n3A_90 = arith.select %broadcast_in_dim3A_89, %mul3A_84, %select_n3A : vector<800x128xi1>, vector<800x128xf32>
    %slice3A_91 = vector.extract_strided_slice %get3A_2 {offsets = [0, 2, 0], sizes = [800, 1, 128], strides = [1, 1, 1]} : vector<800x9x128xf32> to vector<800x1x128xf32>
    %squeeze3A_92 = vector.shape_cast %slice3A_91 : vector<800x1x128xf32> to vector<800x128xf32>
    %concatenate3A_93 = tpu.concatenate %squeeze3A_92, %mul3A_84 in 1 : vector<800x128xf32>, vector<800x128xf32> -> vector<800x256xf32>
    %convert_element_type3A_94 = arith.truncf %concatenate3A_93 : vector<800x256xf32> to vector<800x256xbf16>
    %dot_general3A_95 = arith.constant dense<0.000000e+00> : vector<800x512xf32>
    %dot_general3A_96 = tpu.matmul %convert_element_type3A_94, %convert_element_type3A, %dot_general3A_95 {dimension_numbers = #tpu.dot_dimension_numbers<[1], [0], [0], [1], [0, 0, 1, 1], [], []>, transpose_lhs_hint = false} : vector<800x256xbf16>, vector<256x512xbf16>, vector<800x512xf32> -> vector<800x512xf32>
    %add3A_97 = vector.broadcast %get3A_8 : vector<1x512xf32> to vector<800x512xf32>
    %add3A_98 = arith.addf %dot_general3A_96, %add3A_97 : vector<800x512xf32>
    %slice3A_99 = vector.extract_strided_slice %add3A_98 {offsets = [0, 0], sizes = [800, 128], strides = [1, 1]} : vector<800x512xf32> to vector<800x128xf32>
    %logistic3A_100 = arith.negf %slice3A_99 : vector<800x128xf32>
    %logistic3A_101 = math.exp %logistic3A_100 : vector<800x128xf32>
    %logistic3A_102 = arith.constant 1.000000e+00 : f32
    %logistic3A_103 = vector.broadcast %logistic3A_102 : f32 to vector<800x128xf32>
    %logistic3A_104 = arith.addf %logistic3A_103, %logistic3A_101 : vector<800x128xf32>
    %logistic3A_105 = arith.divf %logistic3A_103, %logistic3A_104 : vector<800x128xf32>
    %slice3A_106 = vector.extract_strided_slice %add3A_98 {offsets = [0, 128], sizes = [800, 128], strides = [1, 1]} : vector<800x512xf32> to vector<800x128xf32>
    %logistic3A_107 = arith.negf %slice3A_106 : vector<800x128xf32>
    %logistic3A_108 = math.exp %logistic3A_107 : vector<800x128xf32>
    %logistic3A_109 = arith.constant 1.000000e+00 : f32
    %logistic3A_110 = vector.broadcast %logistic3A_109 : f32 to vector<800x128xf32>
    %logistic3A_111 = arith.addf %logistic3A_110, %logistic3A_108 : vector<800x128xf32>
    %logistic3A_112 = arith.divf %logistic3A_110, %logistic3A_111 : vector<800x128xf32>
    %slice3A_113 = vector.extract_strided_slice %add3A_98 {offsets = [0, 256], sizes = [800, 128], strides = [1, 1]} : vector<800x512xf32> to vector<800x128xf32>
    %tanh3A_114 = math.tanh %slice3A_113 : vector<800x128xf32>
    %slice3A_115 = vector.extract_strided_slice %add3A_98 {offsets = [0, 384], sizes = [800, 128], strides = [1, 1]} : vector<800x512xf32> to vector<800x128xf32>
    %logistic3A_116 = arith.negf %slice3A_115 : vector<800x128xf32>
    %logistic3A_117 = math.exp %logistic3A_116 : vector<800x128xf32>
    %logistic3A_118 = arith.constant 1.000000e+00 : f32
    %logistic3A_119 = vector.broadcast %logistic3A_118 : f32 to vector<800x128xf32>
    %logistic3A_120 = arith.addf %logistic3A_119, %logistic3A_117 : vector<800x128xf32>
    %logistic3A_121 = arith.divf %logistic3A_119, %logistic3A_120 : vector<800x128xf32>
    %mul3A_122 = arith.mulf %logistic3A_112, %add3A_82 : vector<800x128xf32>
    %mul3A_123 = arith.mulf %logistic3A_105, %tanh3A_114 : vector<800x128xf32>
    %add3A_124 = arith.addf %mul3A_122, %mul3A_123 : vector<800x128xf32>
    %tanh3A_125 = math.tanh %add3A_124 : vector<800x128xf32>
    %mul3A_126 = arith.mulf %logistic3A_121, %tanh3A_125 : vector<800x128xf32>
    %eq3A_127 = arith.constant 2 : i32
    %eq3A_128 = vector.broadcast %eq3A_127 : i32 to vector<800x1xi32>
    %eq3A_129 = arith.cmpi eq, %get3A_11, %eq3A_128 : vector<800x1xi32>
    %broadcast_in_dim3A_130 = vector.shape_cast %eq3A_129 : vector<800x1xi1> to vector<800x1xi1>
    %broadcast_in_dim3A_131 = vector.broadcast %broadcast_in_dim3A_130 : vector<800x1xi1> to vector<800x128xi1>
    %select_n3A_132 = arith.select %broadcast_in_dim3A_131, %mul3A_126, %select_n3A_90 : vector<800x128xi1>, vector<800x128xf32>
    %slice3A_133 = vector.extract_strided_slice %get3A_2 {offsets = [0, 3, 0], sizes = [800, 1, 128], strides = [1, 1, 1]} : vector<800x9x128xf32> to vector<800x1x128xf32>
    %squeeze3A_134 = vector.shape_cast %slice3A_133 : vector<800x1x128xf32> to vector<800x128xf32>
    %concatenate3A_135 = tpu.concatenate %squeeze3A_134, %mul3A_126 in 1 : vector<800x128xf32>, vector<800x128xf32> -> vector<800x256xf32>
    %convert_element_type3A_136 = arith.truncf %concatenate3A_135 : vector<800x256xf32> to vector<800x256xbf16>
    %dot_general3A_137 = arith.constant dense<0.000000e+00> : vector<800x512xf32>
    %dot_general3A_138 = tpu.matmul %convert_element_type3A_136, %convert_element_type3A, %dot_general3A_137 {dimension_numbers = #tpu.dot_dimension_numbers<[1], [0], [0], [1], [0, 0, 1, 1], [], []>, transpose_lhs_hint = false} : vector<800x256xbf16>, vector<256x512xbf16>, vector<800x512xf32> -> vector<800x512xf32>
    %add3A_139 = vector.broadcast %get3A_8 : vector<1x512xf32> to vector<800x512xf32>
    %add3A_140 = arith.addf %dot_general3A_138, %add3A_139 : vector<800x512xf32>
    %slice3A_141 = vector.extract_strided_slice %add3A_140 {offsets = [0, 0], sizes = [800, 128], strides = [1, 1]} : vector<800x512xf32> to vector<800x128xf32>
    %logistic3A_142 = arith.negf %slice3A_141 : vector<800x128xf32>
    %logistic3A_143 = math.exp %logistic3A_142 : vector<800x128xf32>
    %logistic3A_144 = arith.constant 1.000000e+00 : f32
    %logistic3A_145 = vector.broadcast %logistic3A_144 : f32 to vector<800x128xf32>
    %logistic3A_146 = arith.addf %logistic3A_145, %logistic3A_143 : vector<800x128xf32>
    %logistic3A_147 = arith.divf %logistic3A_145, %logistic3A_146 : vector<800x128xf32>
    %slice3A_148 = vector.extract_strided_slice %add3A_140 {offsets = [0, 128], sizes = [800, 128], strides = [1, 1]} : vector<800x512xf32> to vector<800x128xf32>
    %logistic3A_149 = arith.negf %slice3A_148 : vector<800x128xf32>
    %logistic3A_150 = math.exp %logistic3A_149 : vector<800x128xf32>
    %logistic3A_151 = arith.constant 1.000000e+00 : f32
    %logistic3A_152 = vector.broadcast %logistic3A_151 : f32 to vector<800x128xf32>
    %logistic3A_153 = arith.addf %logistic3A_152, %logistic3A_150 : vector<800x128xf32>
    %logistic3A_154 = arith.divf %logistic3A_152, %logistic3A_153 : vector<800x128xf32>
    %slice3A_155 = vector.extract_strided_slice %add3A_140 {offsets = [0, 256], sizes = [800, 128], strides = [1, 1]} : vector<800x512xf32> to vector<800x128xf32>
    %tanh3A_156 = math.tanh %slice3A_155 : vector<800x128xf32>
    %slice3A_157 = vector.extract_strided_slice %add3A_140 {offsets = [0, 384], sizes = [800, 128], strides = [1, 1]} : vector<800x512xf32> to vector<800x128xf32>
    %logistic3A_158 = arith.negf %slice3A_157 : vector<800x128xf32>
    %logistic3A_159 = math.exp %logistic3A_158 : vector<800x128xf32>
    %logistic3A_160 = arith.constant 1.000000e+00 : f32
    %logistic3A_161 = vector.broadcast %logistic3A_160 : f32 to vector<800x128xf32>
    %logistic3A_162 = arith.addf %logistic3A_161, %logistic3A_159 : vector<800x128xf32>
    %logistic3A_163 = arith.divf %logistic3A_161, %logistic3A_162 : vector<800x128xf32>
    %mul3A_164 = arith.mulf %logistic3A_154, %add3A_124 : vector<800x128xf32>
    %mul3A_165 = arith.mulf %logistic3A_147, %tanh3A_156 : vector<800x128xf32>
    %add3A_166 = arith.addf %mul3A_164, %mul3A_165 : vector<800x128xf32>
    %tanh3A_167 = math.tanh %add3A_166 : vector<800x128xf32>
    %mul3A_168 = arith.mulf %logistic3A_163, %tanh3A_167 : vector<800x128xf32>
    %eq3A_169 = arith.constant 3 : i32
    %eq3A_170 = vector.broadcast %eq3A_169 : i32 to vector<800x1xi32>
    %eq3A_171 = arith.cmpi eq, %get3A_11, %eq3A_170 : vector<800x1xi32>
    %broadcast_in_dim3A_172 = vector.shape_cast %eq3A_171 : vector<800x1xi1> to vector<800x1xi1>
    %broadcast_in_dim3A_173 = vector.broadcast %broadcast_in_dim3A_172 : vector<800x1xi1> to vector<800x128xi1>
    %select_n3A_174 = arith.select %broadcast_in_dim3A_173, %mul3A_168, %select_n3A_132 : vector<800x128xi1>, vector<800x128xf32>
    %slice3A_175 = vector.extract_strided_slice %get3A_2 {offsets = [0, 4, 0], sizes = [800, 1, 128], strides = [1, 1, 1]} : vector<800x9x128xf32> to vector<800x1x128xf32>
    %squeeze3A_176 = vector.shape_cast %slice3A_175 : vector<800x1x128xf32> to vector<800x128xf32>
    %concatenate3A_177 = tpu.concatenate %squeeze3A_176, %mul3A_168 in 1 : vector<800x128xf32>, vector<800x128xf32> -> vector<800x256xf32>
    %convert_element_type3A_178 = arith.truncf %concatenate3A_177 : vector<800x256xf32> to vector<800x256xbf16>
    %dot_general3A_179 = arith.constant dense<0.000000e+00> : vector<800x512xf32>
    %dot_general3A_180 = tpu.matmul %convert_element_type3A_178, %convert_element_type3A, %dot_general3A_179 {dimension_numbers = #tpu.dot_dimension_numbers<[1], [0], [0], [1], [0, 0, 1, 1], [], []>, transpose_lhs_hint = false} : vector<800x256xbf16>, vector<256x512xbf16>, vector<800x512xf32> -> vector<800x512xf32>
    %add3A_181 = vector.broadcast %get3A_8 : vector<1x512xf32> to vector<800x512xf32>
    %add3A_182 = arith.addf %dot_general3A_180, %add3A_181 : vector<800x512xf32>
    %slice3A_183 = vector.extract_strided_slice %add3A_182 {offsets = [0, 0], sizes = [800, 128], strides = [1, 1]} : vector<800x512xf32> to vector<800x128xf32>
    %logistic3A_184 = arith.negf %slice3A_183 : vector<800x128xf32>
    %logistic3A_185 = math.exp %logistic3A_184 : vector<800x128xf32>
    %logistic3A_186 = arith.constant 1.000000e+00 : f32
    %logistic3A_187 = vector.broadcast %logistic3A_186 : f32 to vector<800x128xf32>
    %logistic3A_188 = arith.addf %logistic3A_187, %logistic3A_185 : vector<800x128xf32>
    %logistic3A_189 = arith.divf %logistic3A_187, %logistic3A_188 : vector<800x128xf32>
    %slice3A_190 = vector.extract_strided_slice %add3A_182 {offsets = [0, 128], sizes = [800, 128], strides = [1, 1]} : vector<800x512xf32> to vector<800x128xf32>
    %logistic3A_191 = arith.negf %slice3A_190 : vector<800x128xf32>
    %logistic3A_192 = math.exp %logistic3A_191 : vector<800x128xf32>
    %logistic3A_193 = arith.constant 1.000000e+00 : f32
    %logistic3A_194 = vector.broadcast %logistic3A_193 : f32 to vector<800x128xf32>
    %logistic3A_195 = arith.addf %logistic3A_194, %logistic3A_192 : vector<800x128xf32>
    %logistic3A_196 = arith.divf %logistic3A_194, %logistic3A_195 : vector<800x128xf32>
    %slice3A_197 = vector.extract_strided_slice %add3A_182 {offsets = [0, 256], sizes = [800, 128], strides = [1, 1]} : vector<800x512xf32> to vector<800x128xf32>
    %tanh3A_198 = math.tanh %slice3A_197 : vector<800x128xf32>
    %slice3A_199 = vector.extract_strided_slice %add3A_182 {offsets = [0, 384], sizes = [800, 128], strides = [1, 1]} : vector<800x512xf32> to vector<800x128xf32>
    %logistic3A_200 = arith.negf %slice3A_199 : vector<800x128xf32>
    %logistic3A_201 = math.exp %logistic3A_200 : vector<800x128xf32>
    %logistic3A_202 = arith.constant 1.000000e+00 : f32
    %logistic3A_203 = vector.broadcast %logistic3A_202 : f32 to vector<800x128xf32>
    %logistic3A_204 = arith.addf %logistic3A_203, %logistic3A_201 : vector<800x128xf32>
    %logistic3A_205 = arith.divf %logistic3A_203, %logistic3A_204 : vector<800x128xf32>
    %mul3A_206 = arith.mulf %logistic3A_196, %add3A_166 : vector<800x128xf32>
    %mul3A_207 = arith.mulf %logistic3A_189, %tanh3A_198 : vector<800x128xf32>
    %add3A_208 = arith.addf %mul3A_206, %mul3A_207 : vector<800x128xf32>
    %tanh3A_209 = math.tanh %add3A_208 : vector<800x128xf32>
    %mul3A_210 = arith.mulf %logistic3A_205, %tanh3A_209 : vector<800x128xf32>
    %eq3A_211 = arith.constant 4 : i32
    %eq3A_212 = vector.broadcast %eq3A_211 : i32 to vector<800x1xi32>
    %eq3A_213 = arith.cmpi eq, %get3A_11, %eq3A_212 : vector<800x1xi32>
    %broadcast_in_dim3A_214 = vector.shape_cast %eq3A_213 : vector<800x1xi1> to vector<800x1xi1>
    %broadcast_in_dim3A_215 = vector.broadcast %broadcast_in_dim3A_214 : vector<800x1xi1> to vector<800x128xi1>
    %select_n3A_216 = arith.select %broadcast_in_dim3A_215, %mul3A_210, %select_n3A_174 : vector<800x128xi1>, vector<800x128xf32>
    %slice3A_217 = vector.extract_strided_slice %get3A_2 {offsets = [0, 5, 0], sizes = [800, 1, 128], strides = [1, 1, 1]} : vector<800x9x128xf32> to vector<800x1x128xf32>
    %squeeze3A_218 = vector.shape_cast %slice3A_217 : vector<800x1x128xf32> to vector<800x128xf32>
    %concatenate3A_219 = tpu.concatenate %squeeze3A_218, %mul3A_210 in 1 : vector<800x128xf32>, vector<800x128xf32> -> vector<800x256xf32>
    %convert_element_type3A_220 = arith.truncf %concatenate3A_219 : vector<800x256xf32> to vector<800x256xbf16>
    %dot_general3A_221 = arith.constant dense<0.000000e+00> : vector<800x512xf32>
    %dot_general3A_222 = tpu.matmul %convert_element_type3A_220, %convert_element_type3A, %dot_general3A_221 {dimension_numbers = #tpu.dot_dimension_numbers<[1], [0], [0], [1], [0, 0, 1, 1], [], []>, transpose_lhs_hint = false} : vector<800x256xbf16>, vector<256x512xbf16>, vector<800x512xf32> -> vector<800x512xf32>
    %add3A_223 = vector.broadcast %get3A_8 : vector<1x512xf32> to vector<800x512xf32>
    %add3A_224 = arith.addf %dot_general3A_222, %add3A_223 : vector<800x512xf32>
    %slice3A_225 = vector.extract_strided_slice %add3A_224 {offsets = [0, 0], sizes = [800, 128], strides = [1, 1]} : vector<800x512xf32> to vector<800x128xf32>
    %logistic3A_226 = arith.negf %slice3A_225 : vector<800x128xf32>
    %logistic3A_227 = math.exp %logistic3A_226 : vector<800x128xf32>
    %logistic3A_228 = arith.constant 1.000000e+00 : f32
    %logistic3A_229 = vector.broadcast %logistic3A_228 : f32 to vector<800x128xf32>
    %logistic3A_230 = arith.addf %logistic3A_229, %logistic3A_227 : vector<800x128xf32>
    %logistic3A_231 = arith.divf %logistic3A_229, %logistic3A_230 : vector<800x128xf32>
    %slice3A_232 = vector.extract_strided_slice %add3A_224 {offsets = [0, 128], sizes = [800, 128], strides = [1, 1]} : vector<800x512xf32> to vector<800x128xf32>
    %logistic3A_233 = arith.negf %slice3A_232 : vector<800x128xf32>
    %logistic3A_234 = math.exp %logistic3A_233 : vector<800x128xf32>
    %logistic3A_235 = arith.constant 1.000000e+00 : f32
    %logistic3A_236 = vector.broadcast %logistic3A_235 : f32 to vector<800x128xf32>
    %logistic3A_237 = arith.addf %logistic3A_236, %logistic3A_234 : vector<800x128xf32>
    %logistic3A_238 = arith.divf %logistic3A_236, %logistic3A_237 : vector<800x128xf32>
    %slice3A_239 = vector.extract_strided_slice %add3A_224 {offsets = [0, 256], sizes = [800, 128], strides = [1, 1]} : vector<800x512xf32> to vector<800x128xf32>
    %tanh3A_240 = math.tanh %slice3A_239 : vector<800x128xf32>
    %slice3A_241 = vector.extract_strided_slice %add3A_224 {offsets = [0, 384], sizes = [800, 128], strides = [1, 1]} : vector<800x512xf32> to vector<800x128xf32>
    %logistic3A_242 = arith.negf %slice3A_241 : vector<800x128xf32>
    %logistic3A_243 = math.exp %logistic3A_242 : vector<800x128xf32>
    %logistic3A_244 = arith.constant 1.000000e+00 : f32
    %logistic3A_245 = vector.broadcast %logistic3A_244 : f32 to vector<800x128xf32>
    %logistic3A_246 = arith.addf %logistic3A_245, %logistic3A_243 : vector<800x128xf32>
    %logistic3A_247 = arith.divf %logistic3A_245, %logistic3A_246 : vector<800x128xf32>
    %mul3A_248 = arith.mulf %logistic3A_238, %add3A_208 : vector<800x128xf32>
    %mul3A_249 = arith.mulf %logistic3A_231, %tanh3A_240 : vector<800x128xf32>
    %add3A_250 = arith.addf %mul3A_248, %mul3A_249 : vector<800x128xf32>
    %tanh3A_251 = math.tanh %add3A_250 : vector<800x128xf32>
    %mul3A_252 = arith.mulf %logistic3A_247, %tanh3A_251 : vector<800x128xf32>
    %eq3A_253 = arith.constant 5 : i32
    %eq3A_254 = vector.broadcast %eq3A_253 : i32 to vector<800x1xi32>
    %eq3A_255 = arith.cmpi eq, %get3A_11, %eq3A_254 : vector<800x1xi32>
    %broadcast_in_dim3A_256 = vector.shape_cast %eq3A_255 : vector<800x1xi1> to vector<800x1xi1>
    %broadcast_in_dim3A_257 = vector.broadcast %broadcast_in_dim3A_256 : vector<800x1xi1> to vector<800x128xi1>
    %select_n3A_258 = arith.select %broadcast_in_dim3A_257, %mul3A_252, %select_n3A_216 : vector<800x128xi1>, vector<800x128xf32>
    %slice3A_259 = vector.extract_strided_slice %get3A_2 {offsets = [0, 6, 0], sizes = [800, 1, 128], strides = [1, 1, 1]} : vector<800x9x128xf32> to vector<800x1x128xf32>
    %squeeze3A_260 = vector.shape_cast %slice3A_259 : vector<800x1x128xf32> to vector<800x128xf32>
    %concatenate3A_261 = tpu.concatenate %squeeze3A_260, %mul3A_252 in 1 : vector<800x128xf32>, vector<800x128xf32> -> vector<800x256xf32>
    %convert_element_type3A_262 = arith.truncf %concatenate3A_261 : vector<800x256xf32> to vector<800x256xbf16>
    %dot_general3A_263 = arith.constant dense<0.000000e+00> : vector<800x512xf32>
    %dot_general3A_264 = tpu.matmul %convert_element_type3A_262, %convert_element_type3A, %dot_general3A_263 {dimension_numbers = #tpu.dot_dimension_numbers<[1], [0], [0], [1], [0, 0, 1, 1], [], []>, transpose_lhs_hint = false} : vector<800x256xbf16>, vector<256x512xbf16>, vector<800x512xf32> -> vector<800x512xf32>
    %add3A_265 = vector.broadcast %get3A_8 : vector<1x512xf32> to vector<800x512xf32>
    %add3A_266 = arith.addf %dot_general3A_264, %add3A_265 : vector<800x512xf32>
    %slice3A_267 = vector.extract_strided_slice %add3A_266 {offsets = [0, 0], sizes = [800, 128], strides = [1, 1]} : vector<800x512xf32> to vector<800x128xf32>
    %logistic3A_268 = arith.negf %slice3A_267 : vector<800x128xf32>
    %logistic3A_269 = math.exp %logistic3A_268 : vector<800x128xf32>
    %logistic3A_270 = arith.constant 1.000000e+00 : f32
    %logistic3A_271 = vector.broadcast %logistic3A_270 : f32 to vector<800x128xf32>
    %logistic3A_272 = arith.addf %logistic3A_271, %logistic3A_269 : vector<800x128xf32>
    %logistic3A_273 = arith.divf %logistic3A_271, %logistic3A_272 : vector<800x128xf32>
    %slice3A_274 = vector.extract_strided_slice %add3A_266 {offsets = [0, 128], sizes = [800, 128], strides = [1, 1]} : vector<800x512xf32> to vector<800x128xf32>
    %logistic3A_275 = arith.negf %slice3A_274 : vector<800x128xf32>
    %logistic3A_276 = math.exp %logistic3A_275 : vector<800x128xf32>
    %logistic3A_277 = arith.constant 1.000000e+00 : f32
    %logistic3A_278 = vector.broadcast %logistic3A_277 : f32 to vector<800x128xf32>
    %logistic3A_279 = arith.addf %logistic3A_278, %logistic3A_276 : vector<800x128xf32>
    %logistic3A_280 = arith.divf %logistic3A_278, %logistic3A_279 : vector<800x128xf32>
    %slice3A_281 = vector.extract_strided_slice %add3A_266 {offsets = [0, 256], sizes = [800, 128], strides = [1, 1]} : vector<800x512xf32> to vector<800x128xf32>
    %tanh3A_282 = math.tanh %slice3A_281 : vector<800x128xf32>
    %slice3A_283 = vector.extract_strided_slice %add3A_266 {offsets = [0, 384], sizes = [800, 128], strides = [1, 1]} : vector<800x512xf32> to vector<800x128xf32>
    %logistic3A_284 = arith.negf %slice3A_283 : vector<800x128xf32>
    %logistic3A_285 = math.exp %logistic3A_284 : vector<800x128xf32>
    %logistic3A_286 = arith.constant 1.000000e+00 : f32
    %logistic3A_287 = vector.broadcast %logistic3A_286 : f32 to vector<800x128xf32>
    %logistic3A_288 = arith.addf %logistic3A_287, %logistic3A_285 : vector<800x128xf32>
    %logistic3A_289 = arith.divf %logistic3A_287, %logistic3A_288 : vector<800x128xf32>
    %mul3A_290 = arith.mulf %logistic3A_280, %add3A_250 : vector<800x128xf32>
    %mul3A_291 = arith.mulf %logistic3A_273, %tanh3A_282 : vector<800x128xf32>
    %add3A_292 = arith.addf %mul3A_290, %mul3A_291 : vector<800x128xf32>
    %tanh3A_293 = math.tanh %add3A_292 : vector<800x128xf32>
    %mul3A_294 = arith.mulf %logistic3A_289, %tanh3A_293 : vector<800x128xf32>
    %eq3A_295 = arith.constant 6 : i32
    %eq3A_296 = vector.broadcast %eq3A_295 : i32 to vector<800x1xi32>
    %eq3A_297 = arith.cmpi eq, %get3A_11, %eq3A_296 : vector<800x1xi32>
    %broadcast_in_dim3A_298 = vector.shape_cast %eq3A_297 : vector<800x1xi1> to vector<800x1xi1>
    %broadcast_in_dim3A_299 = vector.broadcast %broadcast_in_dim3A_298 : vector<800x1xi1> to vector<800x128xi1>
    %select_n3A_300 = arith.select %broadcast_in_dim3A_299, %mul3A_294, %select_n3A_258 : vector<800x128xi1>, vector<800x128xf32>
    %slice3A_301 = vector.extract_strided_slice %get3A_2 {offsets = [0, 7, 0], sizes = [800, 1, 128], strides = [1, 1, 1]} : vector<800x9x128xf32> to vector<800x1x128xf32>
    %squeeze3A_302 = vector.shape_cast %slice3A_301 : vector<800x1x128xf32> to vector<800x128xf32>
    %concatenate3A_303 = tpu.concatenate %squeeze3A_302, %mul3A_294 in 1 : vector<800x128xf32>, vector<800x128xf32> -> vector<800x256xf32>
    %convert_element_type3A_304 = arith.truncf %concatenate3A_303 : vector<800x256xf32> to vector<800x256xbf16>
    %dot_general3A_305 = arith.constant dense<0.000000e+00> : vector<800x512xf32>
    %dot_general3A_306 = tpu.matmul %convert_element_type3A_304, %convert_element_type3A, %dot_general3A_305 {dimension_numbers = #tpu.dot_dimension_numbers<[1], [0], [0], [1], [0, 0, 1, 1], [], []>, transpose_lhs_hint = false} : vector<800x256xbf16>, vector<256x512xbf16>, vector<800x512xf32> -> vector<800x512xf32>
    %add3A_307 = vector.broadcast %get3A_8 : vector<1x512xf32> to vector<800x512xf32>
    %add3A_308 = arith.addf %dot_general3A_306, %add3A_307 : vector<800x512xf32>
    %slice3A_309 = vector.extract_strided_slice %add3A_308 {offsets = [0, 0], sizes = [800, 128], strides = [1, 1]} : vector<800x512xf32> to vector<800x128xf32>
    %logistic3A_310 = arith.negf %slice3A_309 : vector<800x128xf32>
    %logistic3A_311 = math.exp %logistic3A_310 : vector<800x128xf32>
    %logistic3A_312 = arith.constant 1.000000e+00 : f32
    %logistic3A_313 = vector.broadcast %logistic3A_312 : f32 to vector<800x128xf32>
    %logistic3A_314 = arith.addf %logistic3A_313, %logistic3A_311 : vector<800x128xf32>
    %logistic3A_315 = arith.divf %logistic3A_313, %logistic3A_314 : vector<800x128xf32>
    %slice3A_316 = vector.extract_strided_slice %add3A_308 {offsets = [0, 128], sizes = [800, 128], strides = [1, 1]} : vector<800x512xf32> to vector<800x128xf32>
    %logistic3A_317 = arith.negf %slice3A_316 : vector<800x128xf32>
    %logistic3A_318 = math.exp %logistic3A_317 : vector<800x128xf32>
    %logistic3A_319 = arith.constant 1.000000e+00 : f32
    %logistic3A_320 = vector.broadcast %logistic3A_319 : f32 to vector<800x128xf32>
    %logistic3A_321 = arith.addf %logistic3A_320, %logistic3A_318 : vector<800x128xf32>
    %logistic3A_322 = arith.divf %logistic3A_320, %logistic3A_321 : vector<800x128xf32>
    %slice3A_323 = vector.extract_strided_slice %add3A_308 {offsets = [0, 256], sizes = [800, 128], strides = [1, 1]} : vector<800x512xf32> to vector<800x128xf32>
    %tanh3A_324 = math.tanh %slice3A_323 : vector<800x128xf32>
    %slice3A_325 = vector.extract_strided_slice %add3A_308 {offsets = [0, 384], sizes = [800, 128], strides = [1, 1]} : vector<800x512xf32> to vector<800x128xf32>
    %logistic3A_326 = arith.negf %slice3A_325 : vector<800x128xf32>
    %logistic3A_327 = math.exp %logistic3A_326 : vector<800x128xf32>
    %logistic3A_328 = arith.constant 1.000000e+00 : f32
    %logistic3A_329 = vector.broadcast %logistic3A_328 : f32 to vector<800x128xf32>
    %logistic3A_330 = arith.addf %logistic3A_329, %logistic3A_327 : vector<800x128xf32>
    %logistic3A_331 = arith.divf %logistic3A_329, %logistic3A_330 : vector<800x128xf32>
    %mul3A_332 = arith.mulf %logistic3A_322, %add3A_292 : vector<800x128xf32>
    %mul3A_333 = arith.mulf %logistic3A_315, %tanh3A_324 : vector<800x128xf32>
    %add3A_334 = arith.addf %mul3A_332, %mul3A_333 : vector<800x128xf32>
    %tanh3A_335 = math.tanh %add3A_334 : vector<800x128xf32>
    %mul3A_336 = arith.mulf %logistic3A_331, %tanh3A_335 : vector<800x128xf32>
    %eq3A_337 = arith.constant 7 : i32
    %eq3A_338 = vector.broadcast %eq3A_337 : i32 to vector<800x1xi32>
    %eq3A_339 = arith.cmpi eq, %get3A_11, %eq3A_338 : vector<800x1xi32>
    %broadcast_in_dim3A_340 = vector.shape_cast %eq3A_339 : vector<800x1xi1> to vector<800x1xi1>
    %broadcast_in_dim3A_341 = vector.broadcast %broadcast_in_dim3A_340 : vector<800x1xi1> to vector<800x128xi1>
    %select_n3A_342 = arith.select %broadcast_in_dim3A_341, %mul3A_336, %select_n3A_300 : vector<800x128xi1>, vector<800x128xf32>
    %slice3A_343 = vector.extract_strided_slice %get3A_2 {offsets = [0, 8, 0], sizes = [800, 1, 128], strides = [1, 1, 1]} : vector<800x9x128xf32> to vector<800x1x128xf32>
    %squeeze3A_344 = vector.shape_cast %slice3A_343 : vector<800x1x128xf32> to vector<800x128xf32>
    %concatenate3A_345 = tpu.concatenate %squeeze3A_344, %mul3A_336 in 1 : vector<800x128xf32>, vector<800x128xf32> -> vector<800x256xf32>
    %convert_element_type3A_346 = arith.truncf %concatenate3A_345 : vector<800x256xf32> to vector<800x256xbf16>
    %dot_general3A_347 = arith.constant dense<0.000000e+00> : vector<800x512xf32>
    %dot_general3A_348 = tpu.matmul %convert_element_type3A_346, %convert_element_type3A, %dot_general3A_347 {dimension_numbers = #tpu.dot_dimension_numbers<[1], [0], [0], [1], [0, 0, 1, 1], [], []>, transpose_lhs_hint = false} : vector<800x256xbf16>, vector<256x512xbf16>, vector<800x512xf32> -> vector<800x512xf32>
    %add3A_349 = vector.broadcast %get3A_8 : vector<1x512xf32> to vector<800x512xf32>
    %add3A_350 = arith.addf %dot_general3A_348, %add3A_349 : vector<800x512xf32>
    %slice3A_351 = vector.extract_strided_slice %add3A_350 {offsets = [0, 0], sizes = [800, 128], strides = [1, 1]} : vector<800x512xf32> to vector<800x128xf32>
    %logistic3A_352 = arith.negf %slice3A_351 : vector<800x128xf32>
    %logistic3A_353 = math.exp %logistic3A_352 : vector<800x128xf32>
    %logistic3A_354 = arith.constant 1.000000e+00 : f32
    %logistic3A_355 = vector.broadcast %logistic3A_354 : f32 to vector<800x128xf32>
    %logistic3A_356 = arith.addf %logistic3A_355, %logistic3A_353 : vector<800x128xf32>
    %logistic3A_357 = arith.divf %logistic3A_355, %logistic3A_356 : vector<800x128xf32>
    %slice3A_358 = vector.extract_strided_slice %add3A_350 {offsets = [0, 128], sizes = [800, 128], strides = [1, 1]} : vector<800x512xf32> to vector<800x128xf32>
    %logistic3A_359 = arith.negf %slice3A_358 : vector<800x128xf32>
    %logistic3A_360 = math.exp %logistic3A_359 : vector<800x128xf32>
    %logistic3A_361 = arith.constant 1.000000e+00 : f32
    %logistic3A_362 = vector.broadcast %logistic3A_361 : f32 to vector<800x128xf32>
    %logistic3A_363 = arith.addf %logistic3A_362, %logistic3A_360 : vector<800x128xf32>
    %logistic3A_364 = arith.divf %logistic3A_362, %logistic3A_363 : vector<800x128xf32>
    %slice3A_365 = vector.extract_strided_slice %add3A_350 {offsets = [0, 256], sizes = [800, 128], strides = [1, 1]} : vector<800x512xf32> to vector<800x128xf32>
    %tanh3A_366 = math.tanh %slice3A_365 : vector<800x128xf32>
    %slice3A_367 = vector.extract_strided_slice %add3A_350 {offsets = [0, 384], sizes = [800, 128], strides = [1, 1]} : vector<800x512xf32> to vector<800x128xf32>
    %logistic3A_368 = arith.negf %slice3A_367 : vector<800x128xf32>
    %logistic3A_369 = math.exp %logistic3A_368 : vector<800x128xf32>
    %logistic3A_370 = arith.constant 1.000000e+00 : f32
    %logistic3A_371 = vector.broadcast %logistic3A_370 : f32 to vector<800x128xf32>
    %logistic3A_372 = arith.addf %logistic3A_371, %logistic3A_369 : vector<800x128xf32>
    %logistic3A_373 = arith.divf %logistic3A_371, %logistic3A_372 : vector<800x128xf32>
    %mul3A_374 = arith.mulf %logistic3A_364, %add3A_334 : vector<800x128xf32>
    %mul3A_375 = arith.mulf %logistic3A_357, %tanh3A_366 : vector<800x128xf32>
    %add3A_376 = arith.addf %mul3A_374, %mul3A_375 : vector<800x128xf32>
    %tanh3A_377 = math.tanh %add3A_376 : vector<800x128xf32>
    %mul3A_378 = arith.mulf %logistic3A_373, %tanh3A_377 : vector<800x128xf32>
    %eq3A_379 = arith.constant 8 : i32
    %eq3A_380 = vector.broadcast %eq3A_379 : i32 to vector<800x1xi32>
    %eq3A_381 = arith.cmpi eq, %get3A_11, %eq3A_380 : vector<800x1xi32>
    %broadcast_in_dim3A_382 = vector.shape_cast %eq3A_381 : vector<800x1xi1> to vector<800x1xi1>
    %broadcast_in_dim3A_383 = vector.broadcast %broadcast_in_dim3A_382 : vector<800x1xi1> to vector<800x128xi1>
    %select_n3A_384 = arith.select %broadcast_in_dim3A_383, %mul3A_378, %select_n3A_342 : vector<800x128xi1>, vector<800x128xf32>
    %swap3A = arith.constant 0 : index
    %swap3A_385 = arith.constant 0 : index
    %swap3A_386 = vector.load %arg5[%swap3A, %swap3A_385] : memref<800x128xf32, #tpu.memory_space<vmem>>, vector<800x128xf32>
    tpu.vector_store %arg5[%swap3A, %swap3A_385], %select_n3A_384 {strides = array<i32>} : memref<800x128xf32, #tpu.memory_space<vmem>>, vector<800x128xf32>,
    return
  }
  func.func @transform_0(%arg0: i32) -> (i32, i32, i32) {
    %c0_i32 = arith.constant 0 : i32
    %c0_i32_0 = arith.constant 0 : i32
    %c0_i32_1 = arith.constant 0 : i32
    return %arg0, %c0_i32, %c0_i32_0 : i32, i32, i32
  }
  func.func @transform_1(%arg0: i32) -> (i32, i32) {
    %c0_i32 = arith.constant 0 : i32
    %c0_i32_0 = arith.constant 0 : i32
    return %arg0, %c0_i32 : i32, i32
  }
  func.func @transform_2(%arg0: i32) -> (i32, i32) {
    %c0_i32 = arith.constant 0 : i32
    %c0_i32_0 = arith.constant 0 : i32
    %c0_i32_1 = arith.constant 0 : i32
    return %c0_i32, %c0_i32_0 : i32, i32
  }
  func.func @transform_3(%arg0: i32) -> (i32, i32) {
    %c0_i32 = arith.constant 0 : i32
    %c0_i32_0 = arith.constant 0 : i32
    %c0_i32_1 = arith.constant 0 : i32
    return %c0_i32, %c0_i32_0 : i32, i32
  }
  func.func @transform_4(%arg0: i32) -> (i32, i32) {
    %c0_i32 = arith.constant 0 : i32
    %c0_i32_0 = arith.constant 0 : i32
    return %arg0, %c0_i32 : i32, i32
  }
}

module attributes {stable_mosaic.version = 14 : i64} {
  func.func @_kt_body(%arg0: memref<16x200x384xf32, #tpu.memory_space<vmem>>, %arg1: memref<384x128xf32, #tpu.memory_space<vmem>>, %arg2: memref<1x128xf32, #tpu.memory_space<vmem>>, %arg3: memref<128x512xf32, #tpu.memory_space<vmem>>, %arg4: memref<128x512xf32, #tpu.memory_space<vmem>>, %arg5: memref<1x512xf32, #tpu.memory_space<vmem>>, %arg6: memref<128x1000xf32, #tpu.memory_space<vmem>>, %arg7: memref<1x1000xf32, #tpu.memory_space<vmem>>, %arg8: memref<16x199x1000xf32, #tpu.memory_space<vmem>>, %arg9: memref<16x200x1000xf32, #tpu.memory_space<vmem>>, %arg10: memref<16x199xf32, #tpu.memory_space<vmem>>, %arg11: memref<16x200x512xf32, #tpu.memory_space<vmem>>, %arg12: memref<16x200x128xf32, #tpu.memory_space<vmem>>) attributes {dimension_semantics = [], scalar_prefetch = 0 : i64, scratch_operands = 2 : i64, tpu.core_type = #tpu.core_type<tc>} {
    %get3A = arith.constant 0 : index
    %get3A_0 = arith.constant 0 : index
    %get3A_1 = arith.constant 0 : index
    %get3A_2 = vector.load %arg0[%get3A, %get3A_0, %get3A_1] : memref<16x200x384xf32, #tpu.memory_space<vmem>>, vector<16x200x384xf32>
    %reshape3A = vector.shape_cast %get3A_2 : vector<16x200x384xf32> to vector<3200x384xf32>
    %convert_element_type3A = arith.truncf %reshape3A : vector<3200x384xf32> to vector<3200x384xbf16>
    %get3A_3 = arith.constant 0 : index
    %get3A_4 = arith.constant 0 : index
    %get3A_5 = vector.load %arg1[%get3A_3, %get3A_4] : memref<384x128xf32, #tpu.memory_space<vmem>>, vector<384x128xf32>
    %convert_element_type3A_6 = arith.truncf %get3A_5 : vector<384x128xf32> to vector<384x128xbf16>
    %dot_general3A = arith.constant dense<0.000000e+00> : vector<3200x128xf32>
    %dot_general3A_7 = tpu.matmul %convert_element_type3A, %convert_element_type3A_6, %dot_general3A {dimension_numbers = #tpu.dot_dimension_numbers<[1], [0], [0], [1], [0, 0, 1, 1], [], []>, transpose_lhs_hint = false} : vector<3200x384xbf16>, vector<384x128xbf16>, vector<3200x128xf32> -> vector<3200x128xf32>
    %get3A_8 = arith.constant 0 : index
    %get3A_9 = arith.constant 0 : index
    %get3A_10 = vector.load %arg2[%get3A_8, %get3A_9] : memref<1x128xf32, #tpu.memory_space<vmem>>, vector<1x128xf32>
    %add3A = vector.broadcast %get3A_10 : vector<1x128xf32> to vector<3200x128xf32>
    %add3A_11 = arith.addf %dot_general3A_7, %add3A : vector<3200x128xf32>
    %max3A = arith.constant 0.000000e+00 : f32
    %max3A_12 = vector.broadcast %max3A : f32 to vector<3200x128xf32>
    %max3A_13 = arith.maximumf %add3A_11, %max3A_12 : vector<3200x128xf32>
    %convert_element_type3A_14 = arith.truncf %max3A_13 : vector<3200x128xf32> to vector<3200x128xbf16>
    %get3A_15 = arith.constant 0 : index
    %get3A_16 = arith.constant 0 : index
    %get3A_17 = vector.load %arg3[%get3A_15, %get3A_16] : memref<128x512xf32, #tpu.memory_space<vmem>>, vector<128x512xf32>
    %convert_element_type3A_18 = arith.truncf %get3A_17 : vector<128x512xf32> to vector<128x512xbf16>
    %dot_general3A_19 = arith.constant dense<0.000000e+00> : vector<3200x512xf32>
    %dot_general3A_20 = tpu.matmul %convert_element_type3A_14, %convert_element_type3A_18, %dot_general3A_19 {dimension_numbers = #tpu.dot_dimension_numbers<[1], [0], [0], [1], [0, 0, 1, 1], [], []>, transpose_lhs_hint = false} : vector<3200x128xbf16>, vector<128x512xbf16>, vector<3200x512xf32> -> vector<3200x512xf32>
    %get3A_21 = arith.constant 0 : index
    %get3A_22 = arith.constant 0 : index
    %get3A_23 = vector.load %arg5[%get3A_21, %get3A_22] : memref<1x512xf32, #tpu.memory_space<vmem>>, vector<1x512xf32>
    %add3A_24 = vector.broadcast %get3A_23 : vector<1x512xf32> to vector<3200x512xf32>
    %add3A_25 = arith.addf %dot_general3A_20, %add3A_24 : vector<3200x512xf32>
    %reshape3A_26 = vector.shape_cast %add3A_25 : vector<3200x512xf32> to vector<16x200x512xf32>
    %swap3A = arith.constant 0 : index
    %swap3A_27 = arith.constant 0 : index
    %swap3A_28 = arith.constant 0 : index
    %swap3A_29 = vector.load %arg11[%swap3A, %swap3A_27, %swap3A_28] : memref<16x200x512xf32, #tpu.memory_space<vmem>>, vector<16x200x512xf32>
    tpu.vector_store %arg11[%swap3A, %swap3A_27, %swap3A_28], %reshape3A_26 {strides = array<i32>} : memref<16x200x512xf32, #tpu.memory_space<vmem>>, vector<16x200x512xf32>,
    %get3A_30 = arith.constant 0 : index
    %get3A_31 = arith.constant 0 : index
    %get3A_32 = vector.load %arg4[%get3A_30, %get3A_31] : memref<128x512xf32, #tpu.memory_space<vmem>>, vector<128x512xf32>
    %broadcast_in_dim3A = arith.constant 0.000000e+00 : f32
    %broadcast_in_dim3A_33 = vector.broadcast %broadcast_in_dim3A : f32 to vector<16x128xf32>
    %broadcast_in_dim3A_34 = arith.constant 0.000000e+00 : f32
    %broadcast_in_dim3A_35 = vector.broadcast %broadcast_in_dim3A_34 : f32 to vector<16x128xf32>
    %scan3A = arith.constant 0 : i32
    %scan3A_36 = arith.constant 200 : i32
    %scan3A_37 = arith.addi %scan3A, %scan3A_36 : i32
    %scan3A_38 = arith.constant 1 : i32
    %scan3A_39:2 = scf.for %scan3A_81 = %scan3A to %scan3A_37 step %scan3A_38 iter_args(%scan3A_82 = %broadcast_in_dim3A_33, %scan3A_83 = %broadcast_in_dim3A_35) -> (vector<16x128xf32>, vector<16x128xf32>)  : i32 {
      %get3A_84 = arith.constant 0 : index
      %get3A_85 = arith.index_cast %scan3A_81 : i32 to index
      %get3A_86 = arith.constant 0 : index
      %get3A_87 = vector.load %arg11[%get3A_84, %get3A_85, %get3A_86] : memref<16x200x512xf32, #tpu.memory_space<vmem>>, vector<16x1x512xf32>
      %get3A_88 = vector.shape_cast %get3A_87 : vector<16x1x512xf32> to vector<16x512xf32>
      %dot_general3A_89 = arith.constant dense<0.000000e+00> : vector<16x512xf32>
      %dot_general3A_90 = tpu.matmul %scan3A_82, %get3A_32, %dot_general3A_89 {dimension_numbers = #tpu.dot_dimension_numbers<[1], [0], [0], [1], [0, 0, 1, 1], [], []>, transpose_lhs_hint = false} : vector<16x128xf32>, vector<128x512xf32>, vector<16x512xf32> -> vector<16x512xf32>
      %add3A_91 = arith.addf %get3A_88, %dot_general3A_90 : vector<16x512xf32>
      %slice3A_92 = vector.extract_strided_slice %add3A_91 {offsets = [0, 0], sizes = [16, 128], strides = [1, 1]} : vector<16x512xf32> to vector<16x128xf32>
      %logistic3A_93 = arith.negf %slice3A_92 : vector<16x128xf32>
      %logistic3A_94 = math.exp %logistic3A_93 : vector<16x128xf32>
      %logistic3A_95 = arith.constant 1.000000e+00 : f32
      %logistic3A_96 = vector.broadcast %logistic3A_95 : f32 to vector<16x128xf32>
      %logistic3A_97 = arith.addf %logistic3A_96, %logistic3A_94 : vector<16x128xf32>
      %logistic3A_98 = arith.divf %logistic3A_96, %logistic3A_97 : vector<16x128xf32>
      %slice3A_99 = vector.extract_strided_slice %add3A_91 {offsets = [0, 128], sizes = [16, 128], strides = [1, 1]} : vector<16x512xf32> to vector<16x128xf32>
      %logistic3A_100 = arith.negf %slice3A_99 : vector<16x128xf32>
      %logistic3A_101 = math.exp %logistic3A_100 : vector<16x128xf32>
      %logistic3A_102 = arith.constant 1.000000e+00 : f32
      %logistic3A_103 = vector.broadcast %logistic3A_102 : f32 to vector<16x128xf32>
      %logistic3A_104 = arith.addf %logistic3A_103, %logistic3A_101 : vector<16x128xf32>
      %logistic3A_105 = arith.divf %logistic3A_103, %logistic3A_104 : vector<16x128xf32>
      %slice3A_106 = vector.extract_strided_slice %add3A_91 {offsets = [0, 256], sizes = [16, 128], strides = [1, 1]} : vector<16x512xf32> to vector<16x128xf32>
      %tanh3A = math.tanh %slice3A_106 : vector<16x128xf32>
      %slice3A_107 = vector.extract_strided_slice %add3A_91 {offsets = [0, 384], sizes = [16, 128], strides = [1, 1]} : vector<16x512xf32> to vector<16x128xf32>
      %logistic3A_108 = arith.negf %slice3A_107 : vector<16x128xf32>
      %logistic3A_109 = math.exp %logistic3A_108 : vector<16x128xf32>
      %logistic3A_110 = arith.constant 1.000000e+00 : f32
      %logistic3A_111 = vector.broadcast %logistic3A_110 : f32 to vector<16x128xf32>
      %logistic3A_112 = arith.addf %logistic3A_111, %logistic3A_109 : vector<16x128xf32>
      %logistic3A_113 = arith.divf %logistic3A_111, %logistic3A_112 : vector<16x128xf32>
      %mul3A_114 = arith.mulf %logistic3A_105, %scan3A_83 : vector<16x128xf32>
      %mul3A_115 = arith.mulf %logistic3A_98, %tanh3A : vector<16x128xf32>
      %add3A_116 = arith.addf %mul3A_114, %mul3A_115 : vector<16x128xf32>
      %tanh3A_117 = math.tanh %add3A_116 : vector<16x128xf32>
      %mul3A_118 = arith.mulf %logistic3A_113, %tanh3A_117 : vector<16x128xf32>
      %swap3A_119 = arith.constant 0 : index
      %swap3A_120 = arith.index_cast %scan3A_81 : i32 to index
      %swap3A_121 = arith.constant 0 : index
      %swap3A_122 = vector.load %arg12[%swap3A_119, %swap3A_120, %swap3A_121] : memref<16x200x128xf32, #tpu.memory_space<vmem>>, vector<16x1x128xf32>
      %swap3A_123 = vector.shape_cast %swap3A_122 : vector<16x1x128xf32> to vector<16x128xf32>
      %swap3A_124 = vector.shape_cast %mul3A_118 : vector<16x128xf32> to vector<16x1x128xf32>
      tpu.vector_store %arg12[%swap3A_119, %swap3A_120, %swap3A_121], %swap3A_124 {strides = array<i32>} : memref<16x200x128xf32, #tpu.memory_space<vmem>>, vector<16x1x128xf32>,
      scf.yield %mul3A_118, %add3A_116 : vector<16x128xf32>, vector<16x128xf32>
    }
    %scan3A_40 = arith.constant 200 : i32
    %get3A_41 = arith.constant 0 : index
    %get3A_42 = arith.constant 0 : index
    %get3A_43 = arith.constant 0 : index
    %get3A_44 = vector.load %arg12[%get3A_41, %get3A_42, %get3A_43] : memref<16x200x128xf32, #tpu.memory_space<vmem>>, vector<16x200x128xf32>
    %reshape3A_45 = vector.shape_cast %get3A_44 : vector<16x200x128xf32> to vector<3200x128xf32>
    %convert_element_type3A_46 = arith.truncf %reshape3A_45 : vector<3200x128xf32> to vector<3200x128xbf16>
    %get3A_47 = arith.constant 0 : index
    %get3A_48 = arith.constant 0 : index
    %get3A_49 = vector.load %arg6[%get3A_47, %get3A_48] : memref<128x1000xf32, #tpu.memory_space<vmem>>, vector<128x1000xf32>
    %convert_element_type3A_50 = arith.truncf %get3A_49 : vector<128x1000xf32> to vector<128x1000xbf16>
    %dot_general3A_51 = arith.constant dense<0.000000e+00> : vector<3200x1000xf32>
    %dot_general3A_52 = tpu.matmul %convert_element_type3A_46, %convert_element_type3A_50, %dot_general3A_51 {dimension_numbers = #tpu.dot_dimension_numbers<[1], [0], [0], [1], [0, 0, 1, 1], [], []>, transpose_lhs_hint = false} : vector<3200x128xbf16>, vector<128x1000xbf16>, vector<3200x1000xf32> -> vector<3200x1000xf32>
    %get3A_53 = arith.constant 0 : index
    %get3A_54 = arith.constant 0 : index
    %get3A_55 = vector.load %arg7[%get3A_53, %get3A_54] : memref<1x1000xf32, #tpu.memory_space<vmem>>, vector<1x1000xf32>
    %add3A_56 = vector.broadcast %get3A_55 : vector<1x1000xf32> to vector<3200x1000xf32>
    %add3A_57 = arith.addf %dot_general3A_52, %add3A_56 : vector<3200x1000xf32>
    %logistic3A = arith.negf %add3A_57 : vector<3200x1000xf32>
    %logistic3A_58 = math.exp %logistic3A : vector<3200x1000xf32>
    %logistic3A_59 = arith.constant 1.000000e+00 : f32
    %logistic3A_60 = vector.broadcast %logistic3A_59 : f32 to vector<3200x1000xf32>
    %logistic3A_61 = arith.addf %logistic3A_60, %logistic3A_58 : vector<3200x1000xf32>
    %logistic3A_62 = arith.divf %logistic3A_60, %logistic3A_61 : vector<3200x1000xf32>
    %reshape3A_63 = vector.shape_cast %logistic3A_62 : vector<3200x1000xf32> to vector<16x200x1000xf32>
    %swap3A_64 = arith.constant 0 : index
    %swap3A_65 = arith.constant 0 : index
    %swap3A_66 = arith.constant 0 : index
    %swap3A_67 = vector.load %arg9[%swap3A_64, %swap3A_65, %swap3A_66] : memref<16x200x1000xf32, #tpu.memory_space<vmem>>, vector<16x200x1000xf32>
    tpu.vector_store %arg9[%swap3A_64, %swap3A_65, %swap3A_66], %reshape3A_63 {strides = array<i32>} : memref<16x200x1000xf32, #tpu.memory_space<vmem>>, vector<16x200x1000xf32>,
    %get3A_68 = arith.constant 0 : index
    %get3A_69 = arith.constant 0 : index
    %get3A_70 = arith.constant 0 : index
    %get3A_71 = vector.load %arg8[%get3A_68, %get3A_69, %get3A_70] : memref<16x199x1000xf32, #tpu.memory_space<vmem>>, vector<16x199x1000xf32>
    %reduce_sum3A = arith.constant dense<0.000000e+00> : vector<16x199xf32>
    %reduce_sum3A_72 = vector.multi_reduction <add>, %get3A_71, %reduce_sum3A [2] : vector<16x199x1000xf32> to vector<16x199xf32>
    %gt3A = arith.constant 0.000000e+00 : f32
    %gt3A_73 = vector.broadcast %gt3A : f32 to vector<16x199xf32>
    %gt3A_74 = arith.cmpf ogt, %reduce_sum3A_72, %gt3A_73 : vector<16x199xf32>
    %jit3A = arith.constant 1.000000e+00 : f32
    %broadcast_in_dim3A_75 = vector.broadcast %jit3A : f32 to vector<16x199xf32>
    %select_n3A = arith.select %gt3A_74, %reduce_sum3A_72, %broadcast_in_dim3A_75 : vector<16x199xi1>, vector<16x199xf32>
    %slice3A = vector.extract_strided_slice %reshape3A_63 {offsets = [0, 0, 0], sizes = [16, 199, 1000], strides = [1, 1, 1]} : vector<16x200x1000xf32> to vector<16x199x1000xf32>
    %mul3A = arith.mulf %slice3A, %get3A_71 : vector<16x199x1000xf32>
    %reduce_sum3A_76 = arith.constant dense<0.000000e+00> : vector<16x199xf32>
    %reduce_sum3A_77 = vector.multi_reduction <add>, %mul3A, %reduce_sum3A_76 [2] : vector<16x199x1000xf32> to vector<16x199xf32>
    %div3A = arith.divf %reduce_sum3A_77, %select_n3A : vector<16x199xf32>
    %swap3A_78 = arith.constant 0 : index
    %swap3A_79 = arith.constant 0 : index
    %swap3A_80 = vector.load %arg10[%swap3A_78, %swap3A_79] : memref<16x199xf32, #tpu.memory_space<vmem>>, vector<16x199xf32>
    tpu.vector_store %arg10[%swap3A_78, %swap3A_79], %div3A {strides = array<i32>} : memref<16x199xf32, #tpu.memory_space<vmem>>, vector<16x199xf32>,
    return
  }
}

</mosaic_0001>

<sc_bundles>
// kernel: gather_offload_async_start.1
scs
__scs_entry_jumppad:
0x0: {  	(pc) =	sbr.rel $0x88, $3  }
0x1: {  	(tag) =	ssettag $0x0;
	lr =	simm.s32 $0x1  }
0x2: {  	[smem:$0x3F82] =	sst lr;
	_ =	strace $0xD0000000  }
0x3: {  	_ = 	snop  }
0x4: {  	_ = 	snop  }
0x5: {  	_ = 	snop  }
0x6: {  	_ = 	snop  }
0x7: {  	_ = 	snop  }
__scs_overlays_trampoline_lowered:
0x8: {  	[smem:$0x3F91] =	sst s0  }
0x9: {  	[smem:$0x3F92] =	sst s1  }
0xa: {  	[smem:$0x3F93] =	sst s2  }
0xb: {  	[smem:$0x3F94] =	sst s3  }
0xc: {  	[smem:$0x3F95] =	sst s4  }
0xd: {  	[smem:$0x3F96] =	sst s5  }
0xe: {  	[smem:$0x3F97] =	sst s6  }
0xf: {  	[smem:$0x3F98] =	sst s7  }
0x10: {  	[smem:$0x3F99] =	sst s8  }
0x11: {  	[smem:$0x3F9A] =	sst s9;
	s0 =	simm.s32 @!p0 $0x0  }
0x12: {  	s1 =	sld [smem:$0x3F80];
	s0 =	simm.s32 @p0 $0x1  }
0x13: {  	[smem:$0x3F9B] =	sst s0;
	s0 =	simm.s32 @!p1 $0x0  }
0x14: {  	s2 =	sld [smem:$0x3F7F];
	s0 =	simm.s32 @p1 $0x1  }
0x15: {  	[smem:$0x3F9C] =	sst s0;
	s0 =	simm.s32 @!p2 $0x0  }
0x16: {  	s3 =	sld [smem:$0x3FDB];
	s0 =	simm.s32 @p2 $0x1  }
0x17: {  	s4 =	simm.s32 $0x1BF5;
	[smem:$0x3F9E] =	sst s0  }
0x18: {  	s0 =	sld [smem:$0x3F81];
	_ =	swait.ge [sflag:s4], $0x0  }
0x19: {  	s7 =	sld [smem:$0x3F82]  }
0x1a: {  	s8 =	sadd.s32 $0xFFFFE003, lr  }
0x1b: {  	s9 =	sadd.s32 $0xFFFFFEF7, lr;
	s5 =	simm.s32 $0xFFFFFFFF;
	p2 =	slt.u32 s8, $0xFFFFF086  }
0x1c: {  	p1 =	slt.u32 s9, $0xF7A;
	s5 =	simm.s32 @!p2 $0x0  }
0x1d: {  	s5 =	simm.s32 @p1 $0x1;
	p0 =	seq.s32 s7, s2  }
0x1e: {  	s7 =	smul.u32 @!p0 $0xF7A, s2;
	p2 =	seq.s32 @!p0 s5, $0x0  }
0x1f: {  	s9 =	smul.u32 $0xF7A, s1;
	s8 =	simm.s32 @!p0 $0x1BF5;
	p2 =	por !p2, p0  }
0x20: {  	[sflag:s8] =	ssyncset.s32 @!p0 $0xFFFFF086;
	s6 =	sadd.s32 @!p0 s3, s7;
	s7 =	simm.s32 @!p0 $0x108  }
0x21: {  	s3 =	sadd.s32 s3, s9;
	s6 =	sadd.s32 @!p0 $0x88, s6;
	s7 =	simm.s32 @p2 $0x1082  }
0x22: {  	[simem:s7], [sflag:s8] =	dma.local @!p0 [hbm:s6], $0xF7A  }
0x23: {  	s9 =	sor.u32 $0xD0000000, s2;
	s6 =	simm.s32 $0x108;
	_ =	swait.ge @!p0 [sflag:s8], $0x0  }
0x24: {  	s3 =	sadd.s32 $0x88, s3;
	s6 =	simm.s32 @!p1 $0x1082;
	[sflag:s4] =	ssyncset.s32 $0xFFFFF086  }
0x25: {  	[simem:s6], [sflag:s4] =	dma.local [hbm:s3], $0xF7A  }
0x26: {  	[smem:$0x3F82] =	sst s1;
	(tag) =	ssettag s2;
	_ =	strace s9  }
0x27: {  	s1 =	sld [smem:$0x3F92]  }
0x28: {  	s2 =	sld [smem:$0x3F93]  }
0x29: {  	s4 =	sld [smem:$0x3F95]  }
0x2a: {  	p0 =	seq.s32 s5, $0x0;
	s5 =	sld [smem:$0x3F96]  }
0x2b: {  	s6 =	sld [smem:$0x3F97]  }
0x2c: {  	s7 =	sld [smem:$0x3F98]  }
0x2d: {  	s3 =	simm.s32 $0x108;
	s8 =	sld [smem:$0x3F99]  }
0x2e: {  	s3 =	simm.s32 @!p0 $0x1082;
	s9 =	sld [smem:$0x3F9A]  }
0x2f: {  	lr =	sadd.s32 s0, s3;
	s0 =	sld [smem:$0x3F91]  }
0x30: {  	s3 =	sld [smem:$0x3F94]  }
0x31: {  	[smem:$0x3F9D] =	sst s10  }
0x32: {  	s10 =	sld [smem:$0x3F9B];
	_ =	sdelay $0x3  }
0x33: {  	p0 =	seq.s32 s10, $0x1;
	s10 =	sld [smem:$0x3F9D];
	_ =	sdelay $0x3  }
0x34: {  	[smem:$0x3F9D] =	sst s10  }
0x35: {  	s10 =	sld [smem:$0x3F9C];
	_ =	sdelay $0x3  }
0x36: {  	p1 =	seq.s32 s10, $0x1;
	s10 =	sld [smem:$0x3F9D];
	_ =	sdelay $0x3  }
0x37: {  	[smem:$0x3F9D] =	sst s10  }
0x38: {  	s10 =	sld [smem:$0x3F9E]  }
0x39: {  	_ = 	snop;
	(pc) =	sbr.ind lr, $3  }
0x3a: {  	_ = 	snop  }
0x3b: {  	_ = 	snop  }
0x3c: {  	p2 =	seq.s32 s10, $0x1;
	s10 =	sld [smem:$0x3F9D]  }
0x3d: {  	_ =	shalt  }
0x3e: {  	_ =	shalt  }
0x3f: {  	_ =	shalt  }
0x40: {  	_ =	shalt  }
0x41: {  	_ =	shalt  }
0x42: {  	_ =	shalt  }
0x43: {  	_ =	shalt  }
0x44: {  	_ =	shalt  }
0x45: {  	_ =	shalt  }
0x46: {  	_ =	shalt  }
0x47: {  	_ =	shalt  }
0x48: {  	_ =	shalt  }
0x49: {  	_ =	shalt  }
0x4a: {  	_ =	shalt  }
0x4b: {  	_ =	shalt  }
0x4c: {  	_ =	shalt  }
0x4d: {  	_ =	shalt  }
0x4e: {  	_ =	shalt  }
0x4f: {  	_ =	shalt  }
0x50: {  	_ =	shalt  }
0x51: {  	_ =	shalt  }
0x52: {  	_ =	shalt  }
0x53: {  	_ =	shalt  }
0x54: {  	_ =	shalt  }
0x55: {  	_ =	shalt  }
0x56: {  	_ =	shalt  }
0x57: {  	_ =	shalt  }
0x58: {  	_ =	shalt  }
0x59: {  	_ =	shalt  }
0x5a: {  	_ =	shalt  }
0x5b: {  	_ =	shalt  }
0x5c: {  	_ =	shalt  }
0x5d: {  	_ =	shalt  }
0x5e: {  	_ =	shalt  }
0x5f: {  	_ =	shalt  }
0x60: {  	_ =	shalt  }
0x61: {  	_ =	shalt  }
0x62: {  	_ =	shalt  }
0x63: {  	_ =	shalt  }
0x64: {  	_ =	shalt  }
0x65: {  	_ =	shalt  }
0x66: {  	_ =	shalt  }
0x67: {  	_ =	shalt  }
0x68: {  	_ =	shalt  }
0x69: {  	_ =	shalt  }
0x6a: {  	_ =	shalt  }
0x6b: {  	_ =	shalt  }
0x6c: {  	_ =	shalt  }
0x6d: {  	_ =	shalt  }
0x6e: {  	_ =	shalt  }
0x6f: {  	_ =	shalt  }
0x70: {  	_ =	shalt  }
0x71: {  	_ =	shalt  }
0x72: {  	_ =	shalt  }
0x73: {  	_ =	shalt  }
0x74: {  	_ =	shalt  }
0x75: {  	_ =	shalt  }
0x76: {  	_ =	shalt  }
0x77: {  	_ =	shalt  }
0x78: {  	_ =	shalt  }
0x79: {  	_ =	shalt  }
0x7a: {  	_ =	shalt  }
0x7b: {  	_ =	shalt  }
0x7c: {  	_ =	shalt  }
0x7d: {  	_ =	shalt  }
0x7e: {  	_ =	shalt  }
0x7f: {  	_ =	shalt  }
0x80: {  	_ =	shalt  }
0x81: {  	_ =	shalt  }
0x82: {  	_ =	shalt  }
0x83: {  	_ =	shalt  }
0x84: {  	_ =	shalt  }
0x85: {  	_ =	shalt  }
0x86: {  	_ =	shalt  }
0x87: {  	_ =	shalt  }
.Lfunc_end0:
.L_simem_size_0:
called_computation.1_lowered:
.L_overlay_start_0:
0x88: {  	s0 =	sld [smem:$0x3FD9]  }
0x89: {  	s1 =	sld [smem:$0x3FFE];
	_ =	sdelay $0x3  }
0x8a: {  	s0 =	sadd.s32 s1, s0  }
0x8b: {  	[smem:$0x3FA9] =	sst s0  }
0x8c: {  	_ = 	snop  }
0x8d: {  	s0 =	sld [smem:$0x3FD0];
	_ =	sdelay $0x2  }
0x8e: {  	s13 =	simm.s32 $0xB;
	s2 =	simm.s32 $0x10  }
0x8f: {  	[smem:s2], [sflag:s13] =	dma.local [hbm:s0], $0x1  }
0x90: {  	_ =	swait.eq [sflag:s13], $0x1  }
0x91: {  	[sflag:s13] =	ssyncset.done $0x0  }
0x92: {  	s14 =	sld [smem:$0x10];
	[sflag:s13] =	ssyncadd.s32 $0xFFFFFFFF  }
0x93: {  	s15 =	sld [smem:$0x11];
	(tm) =	ssettm $0x1  }
0x94: {  	s16 =	sld [smem:$0x3FFB];
	_ =	sdelay $0x3  }
0x95: {  	_ =	strace s16  }
0x96: {  	s2 =	sld [smem:$0x3FFC];
	_ =	sdelay $0x3  }
0x97: {  	_ =	strace s2  }
0x98: {  	s2 =	sld [smem:$0x3FFD];
	_ =	sdelay $0x3  }
0x99: {  	_ =	strace s2  }
0x9a: {  	_ =	strace $0x8FFFFFFF  }
0x9b: {  	s17 =	sld [smem:$0x3FDB];
	_ =	sdelay $0x1  }
0x9c: {  	s3 =	simm.s32 $_scs_section_size  }
0x9d: {  	s4 =	simm.s32 $_size__tile_overlayer_lowered;
	s5 =	simm.s32 $_tile_overlayer_lowered  }
0x9e: {  	s20 =	simm.s32 $0x1BFF;
	s19 =	sshll.u32 s5, $0x1;
	s2 =	sadd.s32 s3, s17  }
0x9f: {  	s6 =	simm.s32 $0x0;
	s18 =	sshll.u32 s4, $0x1;
	s4 =	sadd.s32 s19, s2  }
0xa0: {  	[timem:s6], [sflag:s20] =	dma.local [hbm:s4], s18  }
0xa1: {  	_ =	swait.ge [sflag:s20], s18  }
0xa2: {  	s3 =	ssub.s32 $0x0, s18;
	[sflag:s20] =	ssyncset.done $0x0  }
0xa3: {  	[sflag:s20] =	ssyncadd.s32 s3;
	_ =	sdelay $0x1  }
0xa4: {  	s21 =	simm.s32 $0x1B8B  }
0xa5: {  	_ =	swait.ge [sflag:s21], $0x1  }
0xa6: {  	[sflag:s21] =	ssyncset.done $0x0  }
0xa7: {  	s23 =	simm.s32 $0x1B8E;
	s22 =	sld [smem:$0x3FFE];
	[sflag:s21] =	ssyncadd.s32 $0xFFFFFFFF  }
0xa8: {  	s24 =	simm.s32 $execute0_lowered;
	[smem:$0x3FD2] =	sst s23  }
0xa9: {  	s4 =	sshll.u32 s24, $0x1;
	_ =	strace $0x8000004F;
	[dreg:$0x1] =	wrdreg $0xFFFFFFFF  }
0xaa: {  	s25 =	simm.s32 $_size_execute0_lowered;
	s2 =	sadd.s32 s2, s4;
	[dreg:$0x0] =	wrdreg $0x0  }
0xab: {  	s4 =	sshll.u32 s25, $0x1;
	[dreg:$0x2] =	wrdreg s2  }
0xac: {  	[dreg:$0x3] =	wrdreg s4  }
0xad: {  	[dreg:$0x4] =	wrdreg $0xC0  }
0xae: {  	_ =	task [dreg:s6], $0x5FFFF  }
0xaf: {  	[dreg:$0x1] =	wrdreg $0xFFFFFFFF  }
0xb0: {  	[dreg:$0x0] =	wrdreg $0x60  }
0xb1: {  	[dreg:$0x2] =	wrdreg s14  }
0xb2: {  	[dreg:$0x3] =	wrdreg s22  }
0xb3: {  	[dreg:$0x4] =	wrdreg s15  }
0xb4: {  	[dreg:$0x5] =	wrdreg $0x9  }
0xb5: {  	_ =	task.clear_ibuf [dreg:s6], $0x6FFFF;
	_ =	strace $0x9000004F  }
0xb6: {  	s26 =	simm.s32 $0x9;
	_ =	strace $0x80000051  }
0xb7: {  	_ =	swait.ge [sflag:s26], $0x1  }
0xb8: {  	[sflag:s26] =	ssyncadd.s32 $0xFFFFFFFF  }
0xb9: {  	_ =	strace $0x90000051  }
0xba: {  	_ =	sfence  }
0xbb: {  	s28 =	sld [smem:$0x0];
	_ =	sdelay $0x1  }
0xbc: {  	s29 =	srdreg.scid  }
0xbd: {  	s30 =	sshll.u32 s29, $0xD;
	s31 =	sshrl.u32 s29, $0x2  }
0xbe: {  	s1 =	sand.u32 $0x1, s29;
	s2 =	sand.u32 $0x4000, s30;
	s0 =	sadd.s32 s31, s28  }
0xbf: {  	s1 =	sor.u32 s2, s1;
	s0 =	sshll.u32 s0, $0x11  }
0xc0: {  	s0 =	sor.u32 s0, s1  }
0xc1: {  	s0 =	sadd.s32 $0x8F2B, s0  }
0xc2: {  	[sflag:s0] =	ssyncadd.remote.s32 $0x1  }
0xc3: {  	_ =	sfence.sel $0xFFFF  }
0xc4: {  	[dreg:$0x0] =	wrdreg $0xFFFFFFFF;
	(pc) =	sbr.abs _section_cstart, $3  }
0xc5: {  	[dreg:$0x1] =	wrdreg $0xFFFFFFFF  }
0xc6: {  	_ =	task.clear_ibuf [dreg:s6], $0x2FFFF;
	_ =	strace $0x9FFFFFFF  }
0xc7: {  	(tm) =	ssettm $0x7FFFFFFF  }
tec
execute0_lowered:
.L_overlay_start_1:
0x0: {  	(tag) =	ssettag $0x1  }
0x1: {  	s0 =	stileid.u32  }
0x2: {  	s1 =	smul.u32 $0xC, s0  }
0x3: {  	s4 =	simm.s32 $0xD0;
	s9 =	rddreg [dreg:$0x1];
	s2 =	smin.u32 s0, $0x7  }
0x4: {  	s6 =	simm.s32 $0x1;
	p0 =	slt.u32 s0, $0x7;
	s1 =	sadd.s32 s2, s1  }
0x5: {  	s7 =	simm.s32 $0x2;
	s4 =	simm.s32 @!p0 $0xC0;
	s3 =	sshll.u32 s1, $0x4  }
0x6: {  	s10 =	simm.s32 $0x3;
	s13 =	simm.s32 $0x0;
	s1 =	sadd.s32 s4, s3  }
0x7: {  	s12 =	simm.s32 $0x0;
	s2 =	rddreg [dreg:$0x0];
	s5 =	smin.u32 s1, $0xC70  }
.Ltmp0:
0x8: {  	s4 =	rddreg [dreg:$0x2];
	s8 =	ssub.s32 s5, s3;
	(pc) =	sbr.rel .LBB2_1-.Ltmp0, $4  }
0x9: {  	s1 =	rddreg [dreg:$0x3];
	_ =	strace $0x80000050;
	p0 =	sgt.s32 s8, $0x0  }
0xa: {  	s9 =	sadd.s32 $0x1A000, s9;
	[sflag:s6] =	ssyncpa.u1 $0x0;
	s8 =	simm.s32 @!p0 $0x0  }
0xb: {  	s11 =	smov.u32 s3;
	[sflag:s7] =	ssyncpa.u1 $0x0;
	s8 =	sshrl.u32 s8, $0x4  }
0xc: {  	vm0 =	vmmov $0xff;
	vm1 =	vcmask $0x3F20;
	[sflag:s10] =	ssyncpa.u1 $0x0;
	p0 =	por $0x0, $0x0;
	s10 =	sadd.s32 $0x1, s8  }
.LBB2_4:
0xd: {  	_ =	sdelay $0x3  }
0xe: {  	[tilespmem:s18], [sflag:$0x1] =	stream.indirect_vreg.gather [hbm:s2], $0x80, v0, vm1, $0x38;
	[tilespmem:$0x8020] =	vst v63  }
0xf: {  	s16 =	sshll.u32 s13, $0x4  }
0x10: {  	s31 =	sshll.u32 s13, $0x7;
	_ =	swait.ge [sflag:s6], $0x4000;
	s16 =	sand.u32 $0x70, s16  }
0x11: {  	s13 =	sand.u32 $0xFFFFFC00, s31;
	[sflag:s6] =	ssyncset.done $0x0;
	s16 =	sadd.s32 s4, s16  }
0x12: {  	[sflag:s6] =	ssyncadd.s32 $0xFFFFC000;
	s13 =	sadd.s32 s13, s16  }
0x13: {  	[hbm:s13] =	stream.linear.scatter [tilespmem:s15], [sflag:$0x3], $0x2000, $0x38;
	[tilespmem:$0x8020] =	vst v63  }
0x14: {  	s14 =	sadd.s32 $0x2020, s14;
	s13 =	sadd.s32 $0x400, s13  }
0x15: {  	[hbm:s13] =	stream.linear.scatter [tilespmem:s14], [sflag:$0x3], $0x2000, $0x38;
	[tilespmem:$0x8020] =	vst v63  }
.LBB2_5:
0x16: {  	s13 =	sadd.s32 $0x10, s11  }
0x17: {  	s15 =	smov.u32 s3;
	p2 =	slt.s32 s13, s5  }
0x18: {  	s15 =	smov.u32 @p2 s13;
	p2 =	sne.s32 s12, s10  }
.Ltmp1:
0x19: {  	p1 =	slt.u32 s12, $0x2;
	(pc) =	sbr.rel @!p2 .LBB2_6-.Ltmp1, $4  }
0x1a: {  	s14 =	simm.s32 @!p1 $0x3  }
0x1b: {  	s16 =	sadd.s32 $0x1, s12;
	_ =	swait.ge @!p1 [sflag:s14], $0x4000  }
0x1c: {  	p0 =	por !p0, !p0;
	s13 =	smov.u32 s11;
	[sflag:s14] =	ssyncset.done @!p1 $0x0  }
0x1d: {  	s12 =	smov.u32 s16;
	s11 =	smov.u32 s15;
	[sflag:s14] =	ssyncadd.s32 @!p1 $0xFFFFC000  }
.LBB2_1:
0x1e: {  	p1 =	sge.u32 s12, s8  }
0x1f: {  	s14 =	sxor.u32 @!p1 $0xFFFFFFFF, s12  }
0x20: {  	s31 =	sadd.s32 $0xFFFFFFFF, s12;
	s15 =	sshrl.u32 @!p1 s11, $0x3;
	s14 =	sshll.u32 @!p1 s14, $0x4  }
0x21: {  	s16 =	sand.u32 @!p1 $0x7, s11;
	s15 =	sadd.s32 @!p1 s9, s15;
	s14 =	sand.u32 @!p1 $0x10, s14  }
0x22: {  	[tilespmem:s14], [sflag:$0x2] =	stream.linear.gather @!p1 [hbm4b:s15+s16], $0x10, $0x38;
	[tilespmem:$0x8020] =	vst v63  }
0x23: {  	p1 =	sge.u32 s31, s8  }
.Ltmp2:
0x24: {  	_ = 	snop;
	(pc) =	sbr.rel @p1 .LBB2_5-.Ltmp2, $1  }
0x25: {  	_ =	sdelay $0x3  }
0x26: {  	_ =	swait.ge [sflag:s7], $0x10  }
0x27: {  	s14 =	sand.u32 $0x1, s12;
	[sflag:s7] =	ssyncset.done $0x0  }
0x28: {  	s15 =	sshll.u32 s14, $0x4;
	[sflag:s7] =	ssyncadd.s32 $0xFFFFFFF0  }
0x29: {  	v0 =	vld.msk [tilespmem:s15+$0x0 ss:$0x1], $0xffff;
	_ =	sdelay $0x4  }
0x2a: {  	vm2 =	vgt.s32 v0, $0x0  }
0x2b: {  	v0 =	vnsel vm2, $0x0, v0  }
0x2c: {  	v0 =	vmin.u32 v0, $0xF9F  }
0x2d: {  	v1 =	vshll.u32 v0, $0x7;
	v0 =	vshll.u32 v0, $0x4  }
0x2e: {  	v1 =	vand.u32 $0x7FC00, v1;
	v0 =	vand.u32 $0x70, v0  }
0x2f: {  	s15 =	simm.s32 $0x1;
	v0 =	vor.u32 v0, v1  }
0x30: {  	s15 =	simm.s32 @!p0 $0x0  }
0x31: {  	s15 =	sshll.u32 s15, $0xE  }
0x32: {  	s16 =	sor.u32 $0x20, s15  }
0x33: {  	s14 =	sshll.u32 s14, $0xE;
	s18 =	sadd.s32 $0x0, s16  }
0x34: {  	[tilespmem:s18], [sflag:$0x1] =	stream.indirect_vreg.gather [hbm:s2], $0x80, v0, vm0, $0x38;
	[tilespmem:$0x8020] =	vst v63  }
0x35: {  	s17 =	simm.s32 $0x1000;
	s15 =	sor.u32 $0x20, s14;
	v1 =	vadd.s32 $0x80, v0;
	s18 =	sadd.s32 $0x2000, s18  }
.LBB2_3:
0x36: {  	[tilespmem:s18], [sflag:$0x1] =	stream.indirect_vreg.gather [hbm:s2], $0x80, v0, vm1, $0x38;
	[tilespmem:$0x8020] =	vst v63  }
0x37: {  	v0 =	vmov v1;
	s18 =	smov.u32 s17;
	p1 =	sne.s32 s17, $0x7000  }
.Ltmp3:
0x38: {  	s17 =	sadd.s32 $0x1000, s17;
	(pc) =	sbr.rel @p1 .LBB2_3-.Ltmp3, $4  }
0x39: {  	s18 =	sshra.s32 s18, $0x2  }
0x3a: {  	s18 =	sadd.s32 s18, s16  }
0x3b: {  	[tilespmem:s18], [sflag:$0x1] =	stream.indirect_vreg.gather [hbm:s2], $0x80, v1, vm0, $0x38;
	[tilespmem:$0x8020] =	vst v63  }
0x3c: {  	s18 =	sadd.s32 $0x2000, s18;
	v1 =	vadd.s32 $0x80, v1  }
.Ltmp4:
0x3d: {  	_ = 	snop;
	(pc) =	sbr.rel .LBB2_4-.Ltmp4, $1  }
0x3e: {  	_ =	sdelay $0x3  }
.LBB2_6:
0x3f: {  	_ =	sfence.sel $0x180000  }
0x40: {  	s2 =	simm.s32 $0x2;
	[bflag:$0x0] =	sbarrier.arrive $0xFFFF  }
0x41: {  	s30 =	simm.s32 $0x3;
	[sflag:s2] =	ssyncpa.u1 $0x1  }
0x42: {  	s31 =	simm.s32 $0x1;
	[sflag:s30] =	ssyncpa.u1 $0x1  }
0x43: {  	[sflag:s31] =	ssyncpa.u1 $0x1  }
0x44: {  	p0 =	sne.s32 s0, $0x0;
	_ =	strace $0x90000050  }
0x45: {  	s0 =	sadd.s32 @!p0 $0x100000, s1;
	[bflag:$0x2] =	sbarrier.arrive $0xFFFF  }
0x46: {  	[sflag:s0] =	ssyncadd.tile.s32 @!p0 $0x1;
	_ =	shalt  }
.Lfunc_end2:
_tile_overlayer_lowered:
.L_overlay_start_2:
0x47: {  	(tag) =	ssettag $0x2  }
0x48: {  	s0 =	rddreg [dreg:$0x0];
	s2 =	stileid.u32  }
0x49: {  	s1 =	rddreg [dreg:$0x1];
	p0 =	sne.s32 s2, $0x0  }
0x4a: {  	s3 =	rddreg [dreg:$0x2];
	[bflag:$0x3] =	sbarrier.arrive $0xFFFF;
	s2 =	simm.s32 @!p0 $0x1C01  }
0x4b: {  	[timem:s3], [sflag:s2] =	dma.local @!p0 [hbm:s0], s1  }
0x4c: {  	s0 =	simm.s32 @!p0 $0x1  }
0x4d: {  	_ =	swait.ge @!p0 [sflag:s0], s1  }
0x4e: {  	s1 =	ssub.s32 @!p0 $0x0, s1;
	[sflag:s0] =	ssyncset.done @!p0 $0x0  }
0x4f: {  	[sflag:s0] =	ssyncadd.s32 @!p0 s1  }
0x50: {  	[bflag:$0x3] =	sbarrier.arrive $0xFFFF  }
0x51: {  	_ =	shalt  }

// kernel: gather_offload_async_start
scs
__scs_entry_jumppad:
0x0: {  	(pc) =	sbr.rel $0x88, $3  }
0x1: {  	(tag) =	ssettag $0x0;
	lr =	simm.s32 $0x1  }
0x2: {  	[smem:$0x3F82] =	sst lr;
	_ =	strace $0xD0000000  }
0x3: {  	_ = 	snop  }
0x4: {  	_ = 	snop  }
0x5: {  	_ = 	snop  }
0x6: {  	_ = 	snop  }
0x7: {  	_ = 	snop  }
__scs_overlays_trampoline_lowered:
0x8: {  	[smem:$0x3F91] =	sst s0  }
0x9: {  	[smem:$0x3F92] =	sst s1  }
0xa: {  	[smem:$0x3F93] =	sst s2  }
0xb: {  	[smem:$0x3F94] =	sst s3  }
0xc: {  	[smem:$0x3F95] =	sst s4  }
0xd: {  	[smem:$0x3F96] =	sst s5  }
0xe: {  	[smem:$0x3F97] =	sst s6  }
0xf: {  	[smem:$0x3F98] =	sst s7  }
0x10: {  	[smem:$0x3F99] =	sst s8  }
0x11: {  	[smem:$0x3F9A] =	sst s9;
	s0 =	simm.s32 @!p0 $0x0  }
0x12: {  	s1 =	sld [smem:$0x3F80];
	s0 =	simm.s32 @p0 $0x1  }
0x13: {  	[smem:$0x3F9B] =	sst s0;
	s0 =	simm.s32 @!p1 $0x0  }
0x14: {  	s2 =	sld [smem:$0x3F7F];
	s0 =	simm.s32 @p1 $0x1  }
0x15: {  	[smem:$0x3F9C] =	sst s0;
	s0 =	simm.s32 @!p2 $0x0  }
0x16: {  	s3 =	sld [smem:$0x3FDB];
	s0 =	simm.s32 @p2 $0x1  }
0x17: {  	s4 =	simm.s32 $0x1BF5;
	[smem:$0x3F9E] =	sst s0  }
0x18: {  	s0 =	sld [smem:$0x3F81];
	_ =	swait.ge [sflag:s4], $0x0  }
0x19: {  	s7 =	sld [smem:$0x3F82]  }
0x1a: {  	s8 =	sadd.s32 $0xFFFFE003, lr  }
0x1b: {  	s9 =	sadd.s32 $0xFFFFFEF7, lr;
	s5 =	simm.s32 $0xFFFFFFFF;
	p2 =	slt.u32 s8, $0xFFFFF086  }
0x1c: {  	p1 =	slt.u32 s9, $0xF7A;
	s5 =	simm.s32 @!p2 $0x0  }
0x1d: {  	s5 =	simm.s32 @p1 $0x1;
	p0 =	seq.s32 s7, s2  }
0x1e: {  	s7 =	smul.u32 @!p0 $0xF7A, s2;
	p2 =	seq.s32 @!p0 s5, $0x0  }
0x1f: {  	s9 =	smul.u32 $0xF7A, s1;
	s8 =	simm.s32 @!p0 $0x1BF5;
	p2 =	por !p2, p0  }
0x20: {  	[sflag:s8] =	ssyncset.s32 @!p0 $0xFFFFF086;
	s6 =	sadd.s32 @!p0 s3, s7;
	s7 =	simm.s32 @!p0 $0x108  }
0x21: {  	s3 =	sadd.s32 s3, s9;
	s6 =	sadd.s32 @!p0 $0x88, s6;
	s7 =	simm.s32 @p2 $0x1082  }
0x22: {  	[simem:s7], [sflag:s8] =	dma.local @!p0 [hbm:s6], $0xF7A  }
0x23: {  	s9 =	sor.u32 $0xD0000000, s2;
	s6 =	simm.s32 $0x108;
	_ =	swait.ge @!p0 [sflag:s8], $0x0  }
0x24: {  	s3 =	sadd.s32 $0x88, s3;
	s6 =	simm.s32 @!p1 $0x1082;
	[sflag:s4] =	ssyncset.s32 $0xFFFFF086  }
0x25: {  	[simem:s6], [sflag:s4] =	dma.local [hbm:s3], $0xF7A  }
0x26: {  	[smem:$0x3F82] =	sst s1;
	(tag) =	ssettag s2;
	_ =	strace s9  }
0x27: {  	s1 =	sld [smem:$0x3F92]  }
0x28: {  	s2 =	sld [smem:$0x3F93]  }
0x29: {  	s4 =	sld [smem:$0x3F95]  }
0x2a: {  	p0 =	seq.s32 s5, $0x0;
	s5 =	sld [smem:$0x3F96]  }
0x2b: {  	s6 =	sld [smem:$0x3F97]  }
0x2c: {  	s7 =	sld [smem:$0x3F98]  }
0x2d: {  	s3 =	simm.s32 $0x108;
	s8 =	sld [smem:$0x3F99]  }
0x2e: {  	s3 =	simm.s32 @!p0 $0x1082;
	s9 =	sld [smem:$0x3F9A]  }
0x2f: {  	lr =	sadd.s32 s0, s3;
	s0 =	sld [smem:$0x3F91]  }
0x30: {  	s3 =	sld [smem:$0x3F94]  }
0x31: {  	[smem:$0x3F9D] =	sst s10  }
0x32: {  	s10 =	sld [smem:$0x3F9B];
	_ =	sdelay $0x3  }
0x33: {  	p0 =	seq.s32 s10, $0x1;
	s10 =	sld [smem:$0x3F9D];
	_ =	sdelay $0x3  }
0x34: {  	[smem:$0x3F9D] =	sst s10  }
0x35: {  	s10 =	sld [smem:$0x3F9C];
	_ =	sdelay $0x3  }
0x36: {  	p1 =	seq.s32 s10, $0x1;
	s10 =	sld [smem:$0x3F9D];
	_ =	sdelay $0x3  }
0x37: {  	[smem:$0x3F9D] =	sst s10  }
0x38: {  	s10 =	sld [smem:$0x3F9E]  }
0x39: {  	_ = 	snop;
	(pc) =	sbr.ind lr, $3  }
0x3a: {  	_ = 	snop  }
0x3b: {  	_ = 	snop  }
0x3c: {  	p2 =	seq.s32 s10, $0x1;
	s10 =	sld [smem:$0x3F9D]  }
0x3d: {  	_ =	shalt  }
0x3e: {  	_ =	shalt  }
0x3f: {  	_ =	shalt  }
0x40: {  	_ =	shalt  }
0x41: {  	_ =	shalt  }
0x42: {  	_ =	shalt  }
0x43: {  	_ =	shalt  }
0x44: {  	_ =	shalt  }
0x45: {  	_ =	shalt  }
0x46: {  	_ =	shalt  }
0x47: {  	_ =	shalt  }
0x48: {  	_ =	shalt  }
0x49: {  	_ =	shalt  }
0x4a: {  	_ =	shalt  }
0x4b: {  	_ =	shalt  }
0x4c: {  	_ =	shalt  }
0x4d: {  	_ =	shalt  }
0x4e: {  	_ =	shalt  }
0x4f: {  	_ =	shalt  }
0x50: {  	_ =	shalt  }
0x51: {  	_ =	shalt  }
0x52: {  	_ =	shalt  }
0x53: {  	_ =	shalt  }
0x54: {  	_ =	shalt  }
0x55: {  	_ =	shalt  }
0x56: {  	_ =	shalt  }
0x57: {  	_ =	shalt  }
0x58: {  	_ =	shalt  }
0x59: {  	_ =	shalt  }
0x5a: {  	_ =	shalt  }
0x5b: {  	_ =	shalt  }
0x5c: {  	_ =	shalt  }
0x5d: {  	_ =	shalt  }
0x5e: {  	_ =	shalt  }
0x5f: {  	_ =	shalt  }
0x60: {  	_ =	shalt  }
0x61: {  	_ =	shalt  }
0x62: {  	_ =	shalt  }
0x63: {  	_ =	shalt  }
0x64: {  	_ =	shalt  }
0x65: {  	_ =	shalt  }
0x66: {  	_ =	shalt  }
0x67: {  	_ =	shalt  }
0x68: {  	_ =	shalt  }
0x69: {  	_ =	shalt  }
0x6a: {  	_ =	shalt  }
0x6b: {  	_ =	shalt  }
0x6c: {  	_ =	shalt  }
0x6d: {  	_ =	shalt  }
0x6e: {  	_ =	shalt  }
0x6f: {  	_ =	shalt  }
0x70: {  	_ =	shalt  }
0x71: {  	_ =	shalt  }
0x72: {  	_ =	shalt  }
0x73: {  	_ =	shalt  }
0x74: {  	_ =	shalt  }
0x75: {  	_ =	shalt  }
0x76: {  	_ =	shalt  }
0x77: {  	_ =	shalt  }
0x78: {  	_ =	shalt  }
0x79: {  	_ =	shalt  }
0x7a: {  	_ =	shalt  }
0x7b: {  	_ =	shalt  }
0x7c: {  	_ =	shalt  }
0x7d: {  	_ =	shalt  }
0x7e: {  	_ =	shalt  }
0x7f: {  	_ =	shalt  }
0x80: {  	_ =	shalt  }
0x81: {  	_ =	shalt  }
0x82: {  	_ =	shalt  }
0x83: {  	_ =	shalt  }
0x84: {  	_ =	shalt  }
0x85: {  	_ =	shalt  }
0x86: {  	_ =	shalt  }
0x87: {  	_ =	shalt  }
.Lfunc_end0:
.L_simem_size_0:
called_computation_lowered:
.L_overlay_start_0:
0x88: {  	s2 =	sld [smem:$0x3FD9]  }
0x89: {  	s3 =	sld [smem:$0x3FFE];
	_ =	sdelay $0x1  }
0x8a: {  	s1 =	srdreg.scid  }
0x8b: {  	s0 =	sand.u32 $0x1, s1  }
0x8c: {  	s14 =	sshll.u32 s0, $0xA;
	s2 =	sadd.s32 s3, s2  }
0x8d: {  	s2 =	sadd.s32 s2, s14  }
0x8e: {  	[smem:$0x3FA9] =	sst s2  }
0x8f: {  	_ = 	snop  }
0x90: {  	s2 =	sld [smem:$0x3FD0];
	_ =	sdelay $0x2  }
0x91: {  	s15 =	simm.s32 $0xB;
	s4 =	simm.s32 $0x10  }
0x92: {  	[smem:s4], [sflag:s15] =	dma.local [hbm:s2], $0x1  }
0x93: {  	_ =	swait.eq [sflag:s15], $0x1  }
0x94: {  	[sflag:s15] =	ssyncset.done $0x0  }
0x95: {  	[sflag:s15] =	ssyncadd.s32 $0xFFFFFFFF  }
0x96: {  	s16 =	sld [smem:$0x11];
	(tm) =	ssettm $0x1  }
0x97: {  	s17 =	sld [smem:$0x3FFB];
	_ =	sdelay $0x3  }
0x98: {  	_ =	strace s17  }
0x99: {  	s3 =	sld [smem:$0x3FFC];
	_ =	sdelay $0x3  }
0x9a: {  	_ =	strace s3  }
0x9b: {  	s3 =	sld [smem:$0x3FFD];
	_ =	sdelay $0x3  }
0x9c: {  	_ =	strace s3  }
0x9d: {  	_ =	strace $0x8FFFFFFF  }
0x9e: {  	s18 =	sld [smem:$0x3FDB];
	_ =	sdelay $0x1  }
0x9f: {  	s19 =	simm.s32 $_scs_section_size  }
0xa0: {  	s5 =	simm.s32 $_size__tile_overlayer_lowered;
	s6 =	simm.s32 $_tile_overlayer_lowered  }
0xa1: {  	s22 =	simm.s32 $0x1BFF;
	s21 =	sshll.u32 s6, $0x1;
	s3 =	sadd.s32 s19, s18  }
0xa2: {  	s7 =	simm.s32 $0x0;
	s20 =	sshll.u32 s5, $0x1;
	s5 =	sadd.s32 s21, s3  }
0xa3: {  	[timem:s7], [sflag:s22] =	dma.local [hbm:s5], s20  }
0xa4: {  	_ =	swait.ge [sflag:s22], s20  }
0xa5: {  	s4 =	ssub.s32 $0x0, s20;
	[sflag:s22] =	ssyncset.done $0x0  }
0xa6: {  	[sflag:s22] =	ssyncadd.s32 s4;
	_ =	sdelay $0x1  }
0xa7: {  	s23 =	simm.s32 $0x1B8B  }
0xa8: {  	_ =	swait.ge [sflag:s23], $0x1  }
0xa9: {  	[sflag:s23] =	ssyncset.done $0x0  }
0xaa: {  	s25 =	simm.s32 $0x1B8E;
	s24 =	sld [smem:$0x3FFE];
	[sflag:s23] =	ssyncadd.s32 $0xFFFFFFFF  }
0xab: {  	s26 =	simm.s32 $execute0_lowered;
	[smem:$0x3FD2] =	sst s25  }
0xac: {  	s5 =	sshll.u32 s26, $0x1;
	_ =	strace $0x80000055;
	[dreg:$0x1] =	wrdreg $0xFFFFFFFF  }
0xad: {  	s28 =	simm.s32 $_size_execute0_lowered;
	s3 =	sadd.s32 s3, s5;
	[dreg:$0x0] =	wrdreg $0x0  }
0xae: {  	s5 =	sshll.u32 s28, $0x1;
	[dreg:$0x2] =	wrdreg s3  }
0xaf: {  	[dreg:$0x3] =	wrdreg s5  }
0xb0: {  	[dreg:$0x4] =	wrdreg $0xC0  }
0xb1: {  	_ =	task [dreg:s7], $0x5FFFF  }
0xb2: {  	[dreg:$0x1] =	wrdreg $0xFFFFFFFF  }
0xb3: {  	[dreg:$0x0] =	wrdreg $0x60  }
0xb4: {  	[dreg:$0x2] =	wrdreg s24  }
0xb5: {  	[dreg:$0x3] =	wrdreg s16  }
0xb6: {  	[dreg:$0x4] =	wrdreg $0x9  }
0xb7: {  	_ =	task.clear_ibuf [dreg:s7], $0x5FFFF;
	_ =	strace $0x90000055  }
0xb8: {  	s29 =	simm.s32 $0x9;
	_ =	strace $0x80000057  }
0xb9: {  	_ =	swait.ge [sflag:s29], $0x1  }
0xba: {  	[sflag:s29] =	ssyncadd.s32 $0xFFFFFFFF  }
0xbb: {  	_ =	strace $0x90000057  }
0xbc: {  	_ =	sfence  }
0xbd: {  	s30 =	sld [smem:$0x0];
	_ =	sdelay $0x2  }
0xbe: {  	s31 =	sshll.u32 s1, $0xD;
	s1 =	sshrl.u32 s1, $0x2  }
0xbf: {  	s3 =	sand.u32 $0x4000, s31;
	s1 =	sadd.s32 s1, s30  }
0xc0: {  	s0 =	sor.u32 s3, s0;
	s1 =	sshll.u32 s1, $0x11  }
0xc1: {  	s0 =	sor.u32 s1, s0  }
0xc2: {  	s0 =	sadd.s32 $0x8F2B, s0  }
0xc3: {  	[sflag:s0] =	ssyncadd.remote.s32 $0x1  }
0xc4: {  	_ =	sfence.sel $0xFFFF  }
0xc5: {  	[dreg:$0x0] =	wrdreg $0xFFFFFFFF;
	(pc) =	sbr.abs _section_cstart, $3  }
0xc6: {  	[dreg:$0x1] =	wrdreg $0xFFFFFFFF  }
0xc7: {  	_ =	task.clear_ibuf [dreg:s7], $0x2FFFF;
	_ =	strace $0x9FFFFFFF  }
0xc8: {  	(tm) =	ssettm $0x7FFFFFFF  }
0xc9: {  	_ =	shalt  }
tec
execute0_lowered:
.L_overlay_start_1:
0x0: {  	(tag) =	ssettag $0x1  }
0x1: {  	s0 =	srdreg.scid  }
0x2: {  	s1 =	sshll.u32 s0, $0x4  }
0x3: {  	s0 =	stileid.u32;
	s1 =	sand.u32 $0x10, s1  }
0x4: {  	s9 =	rddreg [dreg:$0x0];
	s1 =	sor.u32 s0, s1  }
0x5: {  	s3 =	rddreg [dreg:$0x1];
	s2 =	smin.u32 s1, $0x12  }
0x6: {  	p0 =	slt.u32 s1, $0x12;
	s2 =	sadd.s32 s1, s2;
	s1 =	simm.s32 $0x80  }
0x7: {  	s6 =	simm.s32 $0x1;
	s2 =	sshll.u32 s2, $0x6;
	s1 =	simm.s32 @!p0 $0x40  }
0x8: {  	s7 =	simm.s32 $0x2;
	s10 =	simm.s32 $0x3;
	s4 =	sadd.s32 s1, s2  }
0x9: {  	s13 =	simm.s32 $0x0;
	s12 =	simm.s32 $0x0;
	s4 =	smin.u32 s4, $0xC80  }
.Ltmp0:
0xa: {  	s5 =	sadd.s32 $0x5400, s9;
	s8 =	ssub.s32 s4, s2;
	(pc) =	sbr.rel .LBB2_1-.Ltmp0, $4  }
0xb: {  	s1 =	rddreg [dreg:$0x2];
	_ =	strace $0x80000056;
	p0 =	sgt.s32 s8, $0x0  }
0xc: {  	s9 =	sadd.s32 $0x51A00, s9;
	[sflag:s6] =	ssyncpa.u1 $0x0;
	s8 =	simm.s32 @!p0 $0x0  }
0xd: {  	s11 =	smov.u32 s2;
	[sflag:s7] =	ssyncpa.u1 $0x0;
	s8 =	sshrl.u32 s8, $0x6  }
0xe: {  	vm0 =	vmmov $0xff;
	vm1 =	vcmask $0x3F20;
	[sflag:s10] =	ssyncpa.u1 $0x0;
	p0 =	por $0x0, $0x0;
	s10 =	sadd.s32 $0x1, s8  }
.LBB2_6:
0xf: {  	[hbm:s17] =	stream.linear.scatter [tilespmem:s14], [sflag:$0x3], $0x400, $0x38;
	[tilespmem:$0x4080] =	vst v63  }
.LBB2_7:
0x10: {  	s13 =	sadd.s32 $0x40, s11  }
0x11: {  	s15 =	smov.u32 s2;
	p2 =	slt.s32 s13, s4  }
0x12: {  	s15 =	smov.u32 @p2 s13;
	p2 =	sne.s32 s12, s10  }
.Ltmp1:
0x13: {  	p1 =	slt.u32 s12, $0x2;
	(pc) =	sbr.rel @!p2 .LBB2_8-.Ltmp1, $4  }
0x14: {  	s14 =	simm.s32 @!p1 $0x3  }
0x15: {  	s16 =	sadd.s32 $0x1, s12;
	_ =	swait.ge @!p1 [sflag:s14], $0x2000  }
0x16: {  	p0 =	por !p0, !p0;
	s13 =	smov.u32 s11;
	[sflag:s14] =	ssyncset.done @!p1 $0x0  }
0x17: {  	s12 =	smov.u32 s16;
	s11 =	smov.u32 s15;
	[sflag:s14] =	ssyncadd.s32 @!p1 $0xFFFFE000  }
.LBB2_1:
0x18: {  	p1 =	sge.u32 s12, s8  }
0x19: {  	s14 =	sxor.u32 @!p1 $0xFFFFFFFF, s12  }
0x1a: {  	s31 =	sadd.s32 $0xFFFFFFFF, s12;
	s15 =	sshrl.u32 @!p1 s11, $0x3;
	s14 =	sshll.u32 @!p1 s14, $0x6  }
0x1b: {  	s16 =	sand.u32 @!p1 $0x7, s11;
	s15 =	sadd.s32 @!p1 s9, s15;
	s14 =	sand.u32 @!p1 $0x40, s14  }
0x1c: {  	[tilespmem:s14], [sflag:$0x2] =	stream.linear.gather @!p1 [hbm4b:s15+s16], $0x40, $0x38;
	[tilespmem:$0x4080] =	vst v63  }
0x1d: {  	p1 =	sge.u32 s31, s8  }
.Ltmp2:
0x1e: {  	_ = 	snop;
	(pc) =	sbr.rel @p1 .LBB2_7-.Ltmp2, $1  }
0x1f: {  	_ =	sdelay $0x3  }
0x20: {  	s14 =	simm.s32 $0x1  }
0x21: {  	_ =	swait.ge [sflag:s7], $0x40;
	s14 =	simm.s32 @!p0 $0x0  }
0x22: {  	[sflag:s7] =	ssyncset.done $0x0;
	s16 =	sshll.u32 s14, $0x6  }
0x23: {  	[sflag:s7] =	ssyncadd.s32 $0xFFFFFFC0;
	s15 =	sadd.s32 $0x0, s16  }
0x24: {  	v0 =	vld.msk [tilespmem:s15+$0x0 ss:$0x1], $0xffff;
	_ =	sdelay $0x4  }
0x25: {  	vm2 =	vgt.s32 v0, $0x0  }
0x26: {  	v0 =	vnsel vm2, $0x0, v0  }
0x27: {  	v0 =	vmin.u32 v0, $0x1387  }
0x28: {  	v0 =	vshll.u32 v0, $0x4;
	_ =	sdelay $0x2  }
0x29: {  	s14 =	sshll.u32 s14, $0xD  }
0x2a: {  	s14 =	sor.u32 $0x80, s14  }
0x2b: {  	[tilespmem:s14], [sflag:$0x1] =	stream.indirect_vreg.gather [hbm:s5], $0x80, v0, vm0, $0x38;
	[tilespmem:$0x4080] =	vst v63  }
0x2c: {  	s17 =	sadd.s32 $0x10, s16;
	s15 =	sadd.s32 $0x400, s14  }
0x2d: {  	[tilespmem:s15], [sflag:$0x1] =	stream.indirect_vreg.gather [hbm:s5], $0x80, v0, vm1, $0x38;
	[tilespmem:$0x4080] =	vst v63  }
0x2e: {  	s18 =	simm.s32 $0x80;
	v0 =	vld.msk [tilespmem:s17+$0x0 ss:$0x1], $0xffff;
	s17 =	smov.u32 s14  }
.LBB2_3:
0x2f: {  	p1 =	sne.s32 s18, $0xC0;
	_ =	sdelay $0x4  }
0x30: {  	vm2 =	vgt.s32 v0, $0x0  }
0x31: {  	v0 =	vnsel vm2, $0x0, v0  }
0x32: {  	v0 =	vmin.u32 v0, $0x1387  }
0x33: {  	v0 =	vshll.u32 v0, $0x4;
	_ =	sdelay $0x3  }
.Ltmp3:
0x34: {  	s19 =	sshra.s32 s18, $0x2;
	s17 =	sadd.s32 $0x800, s17;
	(pc) =	sbr.rel @p1 .LBB2_3-.Ltmp3, $4  }
0x35: {  	[tilespmem:s17], [sflag:$0x1] =	stream.indirect_vreg.gather [hbm:s5], $0x80, v0, vm0, $0x38;
	[tilespmem:$0x4080] =	vst v63  }
0x36: {  	s19 =	sadd.s32 s19, s16;
	s20 =	sadd.s32 $0x400, s17  }
0x37: {  	[tilespmem:s20], [sflag:$0x1] =	stream.indirect_vreg.gather [hbm:s5], $0x80, v0, vm1, $0x38;
	[tilespmem:$0x4080] =	vst v63  }
0x38: {  	s18 =	sadd.s32 $0x40, s18;
	v0 =	vld.msk [tilespmem:s19+$0x0 ss:$0x1], $0xffff  }
0x39: {  	_ =	sdelay $0x3  }
0x3a: {  	vm2 =	vgt.s32 v0, $0x0  }
0x3b: {  	v0 =	vnsel vm2, $0x0, v0  }
0x3c: {  	v0 =	vmin.u32 v0, $0x1387  }
0x3d: {  	v0 =	vshll.u32 v0, $0x4;
	_ =	sdelay $0x3  }
0x3e: {  	s16 =	sadd.s32 $0x800, s17  }
0x3f: {  	[tilespmem:s16], [sflag:$0x1] =	stream.indirect_vreg.gather [hbm:s5], $0x80, v0, vm0, $0x38;
	[tilespmem:$0x4080] =	vst v63  }
0x40: {  	s16 =	sadd.s32 $0x400, s16  }
0x41: {  	[tilespmem:s16], [sflag:$0x1] =	stream.indirect_vreg.gather [hbm:s5], $0x80, v0, vm1, $0x38;
	[tilespmem:$0x4080] =	vst v63  }
0x42: {  	s13 =	sshll.u32 s13, $0x4;
	_ =	swait.ge [sflag:s6], $0x2000  }
0x43: {  	s13 =	sadd.s32 s13, s3;
	[sflag:s6] =	ssyncset.done $0x0  }
0x44: {  	s17 =	sadd.s32 $0x0, s13;
	s16 =	simm.s32 $0x80;
	[sflag:s6] =	ssyncadd.s32 $0xFFFFE000  }
.LBB2_5:
0x45: {  	[hbm:s17] =	stream.linear.scatter [tilespmem:s14], [sflag:$0x3], $0x400, $0x38;
	[tilespmem:$0x4080] =	vst v63  }
0x46: {  	s17 =	smov.u32 s16;
	s14 =	smov.u32 s15;
	p1 =	sne.s32 s16, $0x380  }
.Ltmp4:
0x47: {  	s16 =	sadd.s32 $0x80, s16;
	(pc) =	sbr.rel @p1 .LBB2_5-.Ltmp4, $2  }
0x48: {  	_ =	sdelay $0x2  }
0x49: {  	s15 =	sadd.s32 $0x400, s15;
	s17 =	sadd.s32 s17, s13  }
.Ltmp5:
0x4a: {  	_ = 	snop;
	(pc) =	sbr.rel .LBB2_6-.Ltmp5, $1  }
0x4b: {  	_ =	sdelay $0x3  }
.LBB2_8:
0x4c: {  	_ =	sfence.sel $0x180000  }
0x4d: {  	s2 =	simm.s32 $0x2;
	[bflag:$0x0] =	sbarrier.arrive $0xFFFF  }
0x4e: {  	s30 =	simm.s32 $0x3;
	[sflag:s2] =	ssyncpa.u1 $0x1  }
0x4f: {  	s31 =	simm.s32 $0x1;
	[sflag:s30] =	ssyncpa.u1 $0x1  }
0x50: {  	[sflag:s31] =	ssyncpa.u1 $0x1  }
0x51: {  	p0 =	sne.s32 s0, $0x0;
	_ =	strace $0x90000056  }
0x52: {  	s0 =	sadd.s32 @!p0 $0x100000, s1;
	[bflag:$0x2] =	sbarrier.arrive $0xFFFF  }
0x53: {  	[sflag:s0] =	ssyncadd.tile.s32 @!p0 $0x1;
	_ =	shalt  }
.Lfunc_end2:
_tile_overlayer_lowered:
.L_overlay_start_2:
0x54: {  	(tag) =	ssettag $0x2  }
0x55: {  	s0 =	rddreg [dreg:$0x0];
	s2 =	stileid.u32  }
0x56: {  	s1 =	rddreg [dreg:$0x1];
	p0 =	sne.s32 s2, $0x0  }
0x57: {  	s3 =	rddreg [dreg:$0x2];
	[bflag:$0x3] =	sbarrier.arrive $0xFFFF;
	s2 =	simm.s32 @!p0 $0x1C01  }
0x58: {  	[timem:s3], [sflag:s2] =	dma.local @!p0 [hbm:s0], s1  }
0x59: {  	s0 =	simm.s32 @!p0 $0x1  }
0x5a: {  	_ =	swait.ge @!p0 [sflag:s0], s1  }
0x5b: {  	s1 =	ssub.s32 @!p0 $0x0, s1;
	[sflag:s0] =	ssyncset.done @!p0 $0x0  }
0x5c: {  	[sflag:s0] =	ssyncadd.s32 @!p0 s1  }
0x5d: {  	[bflag:$0x3] =	sbarrier.arrive $0xFFFF  }
0x5e: {  	_ =	shalt  }

// kernel: kernel.11.cloned.1.call-start
scs
__scs_entry_jumppad:
0x0: {  	(pc) =	sbr.rel $0x88, $3  }
0x1: {  	(tag) =	ssettag $0x0;
	lr =	simm.s32 $0x1  }
0x2: {  	[smem:$0x3F82] =	sst lr;
	_ =	strace $0xD0000000  }
0x3: {  	_ = 	snop  }
0x4: {  	_ = 	snop  }
0x5: {  	_ = 	snop  }
0x6: {  	_ = 	snop  }
0x7: {  	_ = 	snop  }
__scs_overlays_trampoline_lowered:
0x8: {  	[smem:$0x3F91] =	sst s0  }
0x9: {  	[smem:$0x3F92] =	sst s1  }
0xa: {  	[smem:$0x3F93] =	sst s2  }
0xb: {  	[smem:$0x3F94] =	sst s3  }
0xc: {  	[smem:$0x3F95] =	sst s4  }
0xd: {  	[smem:$0x3F96] =	sst s5  }
0xe: {  	[smem:$0x3F97] =	sst s6  }
0xf: {  	[smem:$0x3F98] =	sst s7  }
0x10: {  	[smem:$0x3F99] =	sst s8  }
0x11: {  	[smem:$0x3F9A] =	sst s9;
	s0 =	simm.s32 @!p0 $0x0  }
0x12: {  	s1 =	sld [smem:$0x3F80];
	s0 =	simm.s32 @p0 $0x1  }
0x13: {  	[smem:$0x3F9B] =	sst s0;
	s0 =	simm.s32 @!p1 $0x0  }
0x14: {  	s2 =	sld [smem:$0x3F7F];
	s0 =	simm.s32 @p1 $0x1  }
0x15: {  	[smem:$0x3F9C] =	sst s0;
	s0 =	simm.s32 @!p2 $0x0  }
0x16: {  	s3 =	sld [smem:$0x3FDB];
	s0 =	simm.s32 @p2 $0x1  }
0x17: {  	s4 =	simm.s32 $0x1BF5;
	[smem:$0x3F9E] =	sst s0  }
0x18: {  	s0 =	sld [smem:$0x3F81];
	_ =	swait.ge [sflag:s4], $0x0  }
0x19: {  	s7 =	sld [smem:$0x3F82]  }
0x1a: {  	s8 =	sadd.s32 $0xFFFFE003, lr  }
0x1b: {  	s9 =	sadd.s32 $0xFFFFFEF7, lr;
	s5 =	simm.s32 $0xFFFFFFFF;
	p2 =	slt.u32 s8, $0xFFFFF086  }
0x1c: {  	p1 =	slt.u32 s9, $0xF7A;
	s5 =	simm.s32 @!p2 $0x0  }
0x1d: {  	s5 =	simm.s32 @p1 $0x1;
	p0 =	seq.s32 s7, s2  }
0x1e: {  	s7 =	smul.u32 @!p0 $0xF7A, s2;
	p2 =	seq.s32 @!p0 s5, $0x0  }
0x1f: {  	s9 =	smul.u32 $0xF7A, s1;
	s8 =	simm.s32 @!p0 $0x1BF5;
	p2 =	por !p2, p0  }
0x20: {  	[sflag:s8] =	ssyncset.s32 @!p0 $0xFFFFF086;
	s6 =	sadd.s32 @!p0 s3, s7;
	s7 =	simm.s32 @!p0 $0x108  }
0x21: {  	s3 =	sadd.s32 s3, s9;
	s6 =	sadd.s32 @!p0 $0x88, s6;
	s7 =	simm.s32 @p2 $0x1082  }
0x22: {  	[simem:s7], [sflag:s8] =	dma.local @!p0 [hbm:s6], $0xF7A  }
0x23: {  	s9 =	sor.u32 $0xD0000000, s2;
	s6 =	simm.s32 $0x108;
	_ =	swait.ge @!p0 [sflag:s8], $0x0  }
0x24: {  	s3 =	sadd.s32 $0x88, s3;
	s6 =	simm.s32 @!p1 $0x1082;
	[sflag:s4] =	ssyncset.s32 $0xFFFFF086  }
0x25: {  	[simem:s6], [sflag:s4] =	dma.local [hbm:s3], $0xF7A  }
0x26: {  	[smem:$0x3F82] =	sst s1;
	(tag) =	ssettag s2;
	_ =	strace s9  }
0x27: {  	s1 =	sld [smem:$0x3F92]  }
0x28: {  	s2 =	sld [smem:$0x3F93]  }
0x29: {  	s4 =	sld [smem:$0x3F95]  }
0x2a: {  	p0 =	seq.s32 s5, $0x0;
	s5 =	sld [smem:$0x3F96]  }
0x2b: {  	s6 =	sld [smem:$0x3F97]  }
0x2c: {  	s7 =	sld [smem:$0x3F98]  }
0x2d: {  	s3 =	simm.s32 $0x108;
	s8 =	sld [smem:$0x3F99]  }
0x2e: {  	s3 =	simm.s32 @!p0 $0x1082;
	s9 =	sld [smem:$0x3F9A]  }
0x2f: {  	lr =	sadd.s32 s0, s3;
	s0 =	sld [smem:$0x3F91]  }
0x30: {  	s3 =	sld [smem:$0x3F94]  }
0x31: {  	[smem:$0x3F9D] =	sst s10  }
0x32: {  	s10 =	sld [smem:$0x3F9B];
	_ =	sdelay $0x3  }
0x33: {  	p0 =	seq.s32 s10, $0x1;
	s10 =	sld [smem:$0x3F9D];
	_ =	sdelay $0x3  }
0x34: {  	[smem:$0x3F9D] =	sst s10  }
0x35: {  	s10 =	sld [smem:$0x3F9C];
	_ =	sdelay $0x3  }
0x36: {  	p1 =	seq.s32 s10, $0x1;
	s10 =	sld [smem:$0x3F9D];
	_ =	sdelay $0x3  }
0x37: {  	[smem:$0x3F9D] =	sst s10  }
0x38: {  	s10 =	sld [smem:$0x3F9E]  }
0x39: {  	_ = 	snop;
	(pc) =	sbr.ind lr, $3  }
0x3a: {  	_ = 	snop  }
0x3b: {  	_ = 	snop  }
0x3c: {  	p2 =	seq.s32 s10, $0x1;
	s10 =	sld [smem:$0x3F9D]  }
0x3d: {  	_ =	shalt  }
0x3e: {  	_ =	shalt  }
0x3f: {  	_ =	shalt  }
0x40: {  	_ =	shalt  }
0x41: {  	_ =	shalt  }
0x42: {  	_ =	shalt  }
0x43: {  	_ =	shalt  }
0x44: {  	_ =	shalt  }
0x45: {  	_ =	shalt  }
0x46: {  	_ =	shalt  }
0x47: {  	_ =	shalt  }
0x48: {  	_ =	shalt  }
0x49: {  	_ =	shalt  }
0x4a: {  	_ =	shalt  }
0x4b: {  	_ =	shalt  }
0x4c: {  	_ =	shalt  }
0x4d: {  	_ =	shalt  }
0x4e: {  	_ =	shalt  }
0x4f: {  	_ =	shalt  }
0x50: {  	_ =	shalt  }
0x51: {  	_ =	shalt  }
0x52: {  	_ =	shalt  }
0x53: {  	_ =	shalt  }
0x54: {  	_ =	shalt  }
0x55: {  	_ =	shalt  }
0x56: {  	_ =	shalt  }
0x57: {  	_ =	shalt  }
0x58: {  	_ =	shalt  }
0x59: {  	_ =	shalt  }
0x5a: {  	_ =	shalt  }
0x5b: {  	_ =	shalt  }
0x5c: {  	_ =	shalt  }
0x5d: {  	_ =	shalt  }
0x5e: {  	_ =	shalt  }
0x5f: {  	_ =	shalt  }
0x60: {  	_ =	shalt  }
0x61: {  	_ =	shalt  }
0x62: {  	_ =	shalt  }
0x63: {  	_ =	shalt  }
0x64: {  	_ =	shalt  }
0x65: {  	_ =	shalt  }
0x66: {  	_ =	shalt  }
0x67: {  	_ =	shalt  }
0x68: {  	_ =	shalt  }
0x69: {  	_ =	shalt  }
0x6a: {  	_ =	shalt  }
0x6b: {  	_ =	shalt  }
0x6c: {  	_ =	shalt  }
0x6d: {  	_ =	shalt  }
0x6e: {  	_ =	shalt  }
0x6f: {  	_ =	shalt  }
0x70: {  	_ =	shalt  }
0x71: {  	_ =	shalt  }
0x72: {  	_ =	shalt  }
0x73: {  	_ =	shalt  }
0x74: {  	_ =	shalt  }
0x75: {  	_ =	shalt  }
0x76: {  	_ =	shalt  }
0x77: {  	_ =	shalt  }
0x78: {  	_ =	shalt  }
0x79: {  	_ =	shalt  }
0x7a: {  	_ =	shalt  }
0x7b: {  	_ =	shalt  }
0x7c: {  	_ =	shalt  }
0x7d: {  	_ =	shalt  }
0x7e: {  	_ =	shalt  }
0x7f: {  	_ =	shalt  }
0x80: {  	_ =	shalt  }
0x81: {  	_ =	shalt  }
0x82: {  	_ =	shalt  }
0x83: {  	_ =	shalt  }
0x84: {  	_ =	shalt  }
0x85: {  	_ =	shalt  }
0x86: {  	_ =	shalt  }
0x87: {  	_ =	shalt  }
.Lfunc_end0:
.L_simem_size_0:
called_computation.3_lowered:
.L_overlay_start_0:
0x88: {  	s2 =	sld [smem:$0x3FD9]  }
0x89: {  	s3 =	sld [smem:$0x3FFE];
	_ =	sdelay $0x1  }
0x8a: {  	s1 =	srdreg.scid  }
0x8b: {  	s0 =	sand.u32 $0x1, s1  }
0x8c: {  	s14 =	sshll.u32 s0, $0xA;
	s2 =	sadd.s32 s3, s2  }
0x8d: {  	s2 =	sadd.s32 s2, s14  }
0x8e: {  	[smem:$0x3FA9] =	sst s2  }
0x8f: {  	_ = 	snop  }
0x90: {  	s2 =	sld [smem:$0x3FD0];
	_ =	sdelay $0x2  }
0x91: {  	s15 =	simm.s32 $0xB;
	s4 =	simm.s32 $0x10  }
0x92: {  	[smem:s4], [sflag:s15] =	dma.local [hbm:s2], $0x1  }
0x93: {  	_ =	swait.eq [sflag:s15], $0x1  }
0x94: {  	[sflag:s15] =	ssyncset.done $0x0  }
0x95: {  	[sflag:s15] =	ssyncadd.s32 $0xFFFFFFFF  }
0x96: {  	s16 =	sld [smem:$0x11];
	(tm) =	ssettm $0x1  }
0x97: {  	s17 =	sld [smem:$0x3FFB];
	_ =	sdelay $0x3  }
0x98: {  	_ =	strace s17  }
0x99: {  	s3 =	sld [smem:$0x3FFC];
	_ =	sdelay $0x3  }
0x9a: {  	_ =	strace s3  }
0x9b: {  	s3 =	sld [smem:$0x3FFD];
	_ =	sdelay $0x3  }
0x9c: {  	_ =	strace s3  }
0x9d: {  	_ =	strace $0x8FFFFFFF  }
0x9e: {  	s18 =	sld [smem:$0x3FDB];
	_ =	sdelay $0x1  }
0x9f: {  	s19 =	simm.s32 $_scs_section_size  }
0xa0: {  	s5 =	simm.s32 $_size__tile_overlayer_lowered;
	s6 =	simm.s32 $_tile_overlayer_lowered  }
0xa1: {  	s22 =	simm.s32 $0x1BFF;
	s21 =	sshll.u32 s6, $0x1;
	s3 =	sadd.s32 s19, s18  }
0xa2: {  	s7 =	simm.s32 $0x0;
	s20 =	sshll.u32 s5, $0x1;
	s5 =	sadd.s32 s21, s3  }
0xa3: {  	[timem:s7], [sflag:s22] =	dma.local [hbm:s5], s20  }
0xa4: {  	_ =	swait.ge [sflag:s22], s20  }
0xa5: {  	s4 =	ssub.s32 $0x0, s20;
	[sflag:s22] =	ssyncset.done $0x0  }
0xa6: {  	[sflag:s22] =	ssyncadd.s32 s4;
	_ =	sdelay $0x1  }
0xa7: {  	s23 =	simm.s32 $0x1B8B  }
0xa8: {  	_ =	swait.ge [sflag:s23], $0x1  }
0xa9: {  	[sflag:s23] =	ssyncset.done $0x0  }
0xaa: {  	s25 =	simm.s32 $0x1B8E;
	s24 =	sld [smem:$0x3FFE];
	[sflag:s23] =	ssyncadd.s32 $0xFFFFFFFF  }
0xab: {  	s26 =	simm.s32 $execute0_lowered;
	[smem:$0x3FD2] =	sst s25  }
0xac: {  	s5 =	sshll.u32 s26, $0x1;
	_ =	strace $0x80000049;
	[dreg:$0x1] =	wrdreg $0xFFFFFFFF  }
0xad: {  	s28 =	simm.s32 $_size_execute0_lowered;
	s3 =	sadd.s32 s3, s5;
	[dreg:$0x0] =	wrdreg $0x0  }
0xae: {  	s5 =	sshll.u32 s28, $0x1;
	[dreg:$0x2] =	wrdreg s3  }
0xaf: {  	[dreg:$0x3] =	wrdreg s5  }
0xb0: {  	[dreg:$0x4] =	wrdreg $0xC0  }
0xb1: {  	_ =	task [dreg:s7], $0x5FFFF  }
0xb2: {  	[dreg:$0x1] =	wrdreg $0xFFFFFFFF  }
0xb3: {  	[dreg:$0x0] =	wrdreg $0x60  }
0xb4: {  	[dreg:$0x2] =	wrdreg s24  }
0xb5: {  	[dreg:$0x3] =	wrdreg s16  }
0xb6: {  	[dreg:$0x4] =	wrdreg $0x9  }
0xb7: {  	_ =	task.clear_ibuf [dreg:s7], $0x5FFFF;
	_ =	strace $0x90000049  }
0xb8: {  	s29 =	simm.s32 $0x9;
	_ =	strace $0x8000004B  }
0xb9: {  	_ =	swait.ge [sflag:s29], $0x1  }
0xba: {  	[sflag:s29] =	ssyncadd.s32 $0xFFFFFFFF  }
0xbb: {  	_ =	strace $0x9000004B  }
0xbc: {  	_ =	sfence  }
0xbd: {  	s30 =	sld [smem:$0x0];
	_ =	sdelay $0x2  }
0xbe: {  	s31 =	sshll.u32 s1, $0xD;
	s1 =	sshrl.u32 s1, $0x2  }
0xbf: {  	s3 =	sand.u32 $0x4000, s31;
	s1 =	sadd.s32 s1, s30  }
0xc0: {  	s0 =	sor.u32 s3, s0;
	s1 =	sshll.u32 s1, $0x11  }
0xc1: {  	s0 =	sor.u32 s1, s0  }
0xc2: {  	s0 =	sadd.s32 $0x8F2B, s0  }
0xc3: {  	[sflag:s0] =	ssyncadd.remote.s32 $0x1  }
0xc4: {  	_ =	sfence.sel $0xFFFF  }
0xc5: {  	[dreg:$0x0] =	wrdreg $0xFFFFFFFF;
	(pc) =	sbr.abs _section_cstart, $3  }
0xc6: {  	[dreg:$0x1] =	wrdreg $0xFFFFFFFF  }
0xc7: {  	_ =	task.clear_ibuf [dreg:s7], $0x2FFFF;
	_ =	strace $0x9FFFFFFF  }
0xc8: {  	(tm) =	ssettm $0x7FFFFFFF  }
0xc9: {  	_ =	shalt  }
tec
execute0_lowered:
.L_overlay_start_1:
0x0: {  	(tag) =	ssettag $0x1  }
0x1: {  	s5 =	rddreg [dreg:$0x0];
	s1 =	srdreg.scid  }
0x2: {  	s0 =	stileid.u32;
	s2 =	rddreg [dreg:$0x1]  }
0x3: {  	s3 =	simm.s32 $0x0;
	s4 =	sand.u32 $0x1, s1;
	s6 =	sshll.u32 s0, $0x1  }
0x4: {  	s10 =	simm.s32 $0x0;
	s1 =	rddreg [dreg:$0x2];
	s6 =	sor.u32 s4, s6  }
0x5: {  	[smem:$0x7FF] =	sst s3;
	s7 =	ssub.s32 $0x2, s4;
	s6 =	smul.u32 $0x1E850, s6  }
0x6: {  	_ =	strace $0x8000004A;
	s4 =	sadd.s32 $0x20600, s5;
	s9 =	sshrl.u32 s7, $0x1  }
0x7: {  	s7 =	ssub.s32 s7, s9;
	s9 =	simm.s32 $0x1000;
	s8 =	sshrl.u32 s6, $0x3  }
0x8: {  	s31 =	sadd.s32 $0x1E850, s6;
	v0 =	vmov s6;
	s6 =	smax.u32 s7, $0x1;
	s5 =	sadd.s32 s8, s5  }
0x9: {  	v2 =	vimm.f32 $0.0e+00;
	vm0 =	vmxor vm0, vm0;
	s7 =	simm.s32 $0x1;
	v1 =	vmov s31;
	s8 =	simm.s32 $0x800;
	s5 =	sadd.s32 $0x22000, s5  }
.LBB2_1:
0xa: {  	s11 =	simm.s32 $0x1040  }
0xb: {  	[tilespmem:s11+$0xFFFFFFC0] =	vst v2  }
0xc: {  	[tilespmem:s11+$0x30] =	vst v2  }
0xd: {  	[tilespmem:s11+$0x20] =	vst v2  }
0xe: {  	[tilespmem:s11+$0x10] =	vst v2  }
0xf: {  	[tilespmem:s11+$0x0] =	vst v2  }
0x10: {  	[tilespmem:s11+$0xFFFFFFF0] =	vst v2  }
0x11: {  	s12 =	simm.s32 $0x0;
	[tilespmem:s11+$0xFFFFFFE0] =	vst v2  }
.LBB2_2:
0x12: {  	s12 =	sadd.s32 $0x8, s12;
	[tilespmem:s11+$0xFFFFFFD0] =	vst v2;
	s11 =	sadd.s32 $0x80, s11  }
0x13: {  	[tilespmem:s11+$0xFFFFFFC0] =	vst v2;
	p0 =	slt.u32 s12, $0x1E78  }
0x14: {  	[tilespmem:s11+$0x30] =	vst v2  }
.Ltmp0:
0x15: {  	[tilespmem:s11+$0x20] =	vst v2;
	(pc) =	sbr.rel @p0 .LBB2_2-.Ltmp0, $4  }
0x16: {  	[tilespmem:s11+$0x10] =	vst v2  }
0x17: {  	[tilespmem:s11+$0x0] =	vst v2  }
0x18: {  	[tilespmem:s11+$0xFFFFFFF0] =	vst v2  }
0x19: {  	[tilespmem:s11+$0xFFFFFFE0] =	vst v2  }
0x1a: {  	[tilespmem:s11+$0xFFFFFFD0] =	vst v2;
	s11 =	simm.s32 $0x0;
	s12 =	simm.s32 $0x0  }
.LBB2_4:
0x1b: {  	p0 =	sne.s32 s12, $0x100  }
.Ltmp1:
0x1c: {  	_ = 	snop;
	(pc) =	sbr.rel @p0 .LBB2_4-.Ltmp1, $3  }
0x1d: {  	_ =	sdelay $0x1  }
0x1e: {  	s13 =	sshra.s32 s12, $0x2  }
0x1f: {  	s12 =	sadd.s32 $0x40, s12;
	[tilespmem:s13+$0x1F800] =	vst v2  }
0x20: {  	s12 =	simm.s32 $0x30  }
.LBB2_6:
0x21: {  	s13 =	sshll.u32 s11, $0x8  }
0x22: {  	s14 =	sadd.s32 s4, s13  }
0x23: {  	[tilespmem:s3], [sflag:$0x1] =	stream.linear.gather [hbm4b:s14+s3], $0x800, $0x38;
	[tilespmem:$0x1F880] =	vst v63  }
0x24: {  	_ =	swait.ge [sflag:s7], $0x800  }
0x25: {  	[sflag:s7] =	ssyncset.done $0x0  }
0x26: {  	s13 =	sadd.s32 s2, s13;
	[sflag:s7] =	ssyncadd.s32 $0xFFFFF800  }
0x27: {  	[tilespmem:s8], [sflag:$0x1] =	stream.linear.gather [hbm4b:s13+s3], $0x800, $0x38;
	[tilespmem:$0x1F880] =	vst v63  }
0x28: {  	_ =	swait.ge [sflag:s7], $0x800  }
0x29: {  	[sflag:s7] =	ssyncset.done $0x0  }
0x2a: {  	s29 =	simm.s32 $0x20;
	[sflag:s7] =	ssyncadd.s32 $0xFFFFF800  }
0x2b: {  	v5 =	vld [tilespmem:s29+$0x0]  }
0x2c: {  	v4 =	vld [tilespmem:s29+$0xFFFFFFE0];
	_ =	sdelay $0x1  }
0x2d: {  	v7 =	vld [tilespmem:s29+$0x10];
	_ =	sdelay $0x1  }
0x2e: {  	vm7 =	vmmov vm0;
	v8 =	vld [tilespmem:s29+$0xFFFFFFF0];
	vm1 =	vge.s32 v5, v0  }
0x2f: {  	s31 =	sadd.s32 $0xFFFFFFD0, s12;
	s16 =	sadd.s32 $0xFFFFFFE0, s12;
	vm2 =	vlt.s32 v5, v1;
	vm3 =	vge.s32 v4, v0;
	vm4 =	vlt.s32 v4, v1  }
0x30: {  	s30 =	simm.s32 $0x820;
	p0 =	slt.u32 s31, $0xC350;
	p1 =	slt.u32 s16, $0xC350;
	vm1 =	vmand vm1, vm2;
	vm2 =	vmand vm3, vm4;
	vm3 =	vmmov vm0  }
0x31: {  	vm7 =	vmneg @p1 vm7;
	v13 =	vld [tilespmem:s30+$0xFFFFFFE0];
	vm5 =	vge.s32 v7, v0;
	vm3 =	vmneg @p0 vm3  }
0x32: {  	s15 =	sadd.s32 $0xFFFFFFF0, s12;
	v3 =	vld [tilespmem:s30+$0xFFFFFFF0];
	vm6 =	vlt.s32 v7, v1;
	v4 =	vsub.s32 v4, v0;
	vm4 =	vmand vm3, vm2  }
0x33: {  	s14 =	simm.s32 $0x60;
	v6 =	vld [tilespmem:s30+$0x10];
	p0 =	slt.u32 s15, $0xC350;
	vm3 =	vmand vm5, vm6;
	vm2 =	vge.s32 v8, v0;
	vm6 =	vmmov vm0  }
0x34: {  	vm5 =	vlt.s32 v8, v1;
	v14 =	vnsel vm4, $0x0, v4;
	v4 =	vld [tilespmem:s14+$0x0];
	vm6 =	vmneg @p0 vm6  }
0x35: {  	v10 =	vld [tilespmem:s14+$0xFFFFFFE0];
	vm5 =	vmand vm2, vm5;
	p0 =	slt.u32 s12, $0xC350;
	vm2 =	vmand vm6, vm1;
	vm6 =	vmmov vm0  }
0x36: {  	v11 =	vld [tilespmem:s14+$0x10];
	v12 =	vsub.s32 v8, v0;
	v15 =	vsub.s32 v7, v0;
	vm6 =	vmneg @p0 vm6  }
0x37: {  	v5 =	vsub.s32 v5, v0;
	v7 =	vld [tilespmem:s14+$0xFFFFFFF0];
	vm1 =	vmand vm7, vm5;
	vm3 =	vmand vm6, vm3  }
0x38: {  	s15 =	sadd.s32 $0x40, s12;
	v8 =	vld [tilespmem:s30+$0x0];
	v9 =	vnsel vm2, $0x0, v5;
	v5 =	vnsel vm1, $0x0, v12;
	v12 =	vnsel vm3, $0x0, v15  }
0x39: {  	s16 =	simm.s32 $0x4;
	s13 =	simm.s32 $0x860;
	s17 =	sadd.s32 $0xFFFFFFD0, s15;
	vm5 =	vge.s32 v4, v0;
	vm6 =	vlt.s32 v4, v1;
	[tilespmem:v14+s9+$0x0] =	vst.idx.add.f32.msk vm4, v13  }
.LBB2_7:
0x3a: {  	vm4 =	vge.s32 v10, v0  }
0x3b: {  	vm7 =	vlt.s32 v10, v1;
	p1 =	slt.u32 s17, $0xC350;
	vm5 =	vmand vm5, vm6;
	vm6 =	vmmov vm0  }
0x3c: {  	s16 =	sadd.s32 $0x4, s16;
	v13 =	vld [tilespmem:s13+$0xFFFFFFE0];
	v10 =	vsub.s32 v10, v0;
	vm4 =	vmand vm4, vm7;
	vm6 =	vmneg @p1 vm6  }
0x3d: {  	p0 =	slt.u32 s16, $0x7C;
	[tilespmem:v12+s9+$0x0] =	vst.idx.add.f32.msk vm3, v6;
	vm4 =	vmand vm6, vm4;
	vm3 =	vge.s32 v11, v0;
	vm6 =	vlt.s32 v11, v1  }
0x3e: {  	p1 =	slt.u32 s15, $0xC350;
	[tilespmem:v9+s9+$0x0] =	vst.idx.add.f32.msk vm2, v8;
	v11 =	vsub.s32 v11, v0;
	v8 =	vsub.s32 v7, v0  }
0x3f: {  	s18 =	sadd.s32 $0xFFFFFFF0, s15;
	[tilespmem:v5+s9+$0x0] =	vst.idx.add.f32.msk vm1, v3;
	vm1 =	vge.s32 v7, v0;
	vm2 =	vlt.s32 v7, v1  }
0x40: {  	s17 =	sadd.s32 $0xFFFFFFE0, s15;
	p3 =	slt.u32 s18, $0xC350;
	vm3 =	vmand vm3, vm6;
	vm1 =	vmand vm1, vm2;
	vm2 =	vmmov vm0  }
0x41: {  	p2 =	slt.u32 s17, $0xC350;
	v14 =	vnsel vm4, $0x0, v10;
	v5 =	vsub.s32 v4, v0;
	v3 =	vld [tilespmem:s13+$0xFFFFFFF0];
	vm2 =	vmneg @p3 vm2  }
0x42: {  	s14 =	sadd.s32 $0x40, s14;
	vm6 =	vmmov vm0;
	v6 =	vld [tilespmem:s13+$0x10];
	vm2 =	vmand vm2, vm5;
	vm5 =	vmmov vm0  }
0x43: {  	vm6 =	vmneg @p2 vm6;
	v4 =	vld [tilespmem:s14+$0x0];
	vm5 =	vmneg @p1 vm5  }
.Ltmp2:
0x44: {  	vm1 =	vmand vm6, vm1;
	v9 =	vnsel vm2, $0x0, v5;
	v10 =	vld [tilespmem:s14+$0xFFFFFFE0];
	vm3 =	vmand vm5, vm3;
	(pc) =	sbr.rel @p0 .LBB2_7-.Ltmp2, $4  }
0x45: {  	v5 =	vnsel vm1, $0x0, v8;
	v8 =	vld [tilespmem:s13+$0x0];
	v12 =	vnsel vm3, $0x0, v11  }
0x46: {  	v11 =	vld [tilespmem:s14+$0x10]  }
0x47: {  	s15 =	sadd.s32 $0x40, s15;
	v7 =	vld [tilespmem:s14+$0xFFFFFFF0]  }
0x48: {  	s17 =	sadd.s32 $0xFFFFFFD0, s15;
	s13 =	sadd.s32 $0x40, s13;
	vm5 =	vge.s32 v4, v0;
	vm6 =	vlt.s32 v4, v1;
	[tilespmem:v14+s9+$0x0] =	vst.idx.add.f32.msk vm4, v13  }
0x49: {  	_ = 	snop  }
0x4a: {  	vm4 =	vge.s32 v10, v0;
	vm7 =	vlt.s32 v10, v1  }
0x4b: {  	p0 =	slt.u32 s17, $0xC350;
	vm5 =	vmand vm5, vm6;
	vm6 =	vmmov vm0;
	v56 =	vsub.s32 v10, v0  }
0x4c: {  	v4 =	vsub.s32 v4, v0;
	vm4 =	vmand vm4, vm7;
	vm6 =	vmneg @p0 vm6  }
0x4d: {  	vm7 =	vmmov vm0;
	vm12 =	vge.s32 v11, v0;
	vm8 =	vlt.s32 v11, v1  }
0x4e: {  	[tilespmem:v12+s9+$0x0] =	vst.idx.add.f32.msk vm3, v6;
	s14 =	sadd.s32 $0xFFFFFFF0, s15;
	vm3 =	vmand vm6, vm4;
	v57 =	vsub.s32 v11, v0;
	vm6 =	vmmov vm0  }
0x4f: {  	p1 =	slt.u32 s14, $0xC350;
	vm13 =	vmand vm12, vm8;
	vm14 =	vge.s32 v7, v0;
	vm15 =	vlt.s32 v7, v1  }
0x50: {  	s31 =	sadd.s32 $0xFFFFFFE0, s15;
	v59 =	vld [tilespmem:s13+$0xFFFFFFE0];
	p0 =	slt.u32 s15, $0xC350;
	vm8 =	vmmov vm0;
	v58 =	vnsel vm3, $0x0, v56;
	vm6 =	vmneg @p1 vm6  }
0x51: {  	[tilespmem:v9+s9+$0x0] =	vst.idx.add.f32.msk vm2, v8;
	vm2 =	vmand vm14, vm15;
	vm8 =	vmneg @p0 vm8;
	p0 =	slt.u32 s31, $0xC350;
	vm5 =	vmand vm6, vm5  }
0x52: {  	v62 =	vld [tilespmem:s13+$0x0];
	vm4 =	vmand vm8, vm13;
	vm7 =	vmneg @p0 vm7;
	v4 =	vnsel vm5, $0x0, v4  }
0x53: {  	v60 =	vld [tilespmem:s13+$0x10];
	s11 =	sadd.s32 $0x1, s11;
	v61 =	vsub.s32 v7, v0;
	v6 =	vnsel vm4, $0x0, v57;
	vm2 =	vmand vm7, vm2  }
0x54: {  	v63 =	vld [tilespmem:s13+$0xFFFFFFF0];
	p0 =	sne.s32 s11, $0x19;
	v7 =	vnsel vm2, $0x0, v61  }
.Ltmp3:
0x55: {  	[tilespmem:v5+s9+$0x0] =	vst.idx.add.f32.msk vm1, v3;
	(pc) =	sbr.rel @p0 .LBB2_6-.Ltmp3, $4  }
0x56: {  	[tilespmem:v58+s9+$0x0] =	vst.idx.add.f32.msk vm3, v59  }
0x57: {  	[tilespmem:v4+s9+$0x0] =	vst.idx.add.f32.msk vm5, v62  }
0x58: {  	[tilespmem:v6+s9+$0x0] =	vst.idx.add.f32.msk vm4, v60  }
0x59: {  	s12 =	sadd.s32 $0x800, s12;
	[tilespmem:v7+s9+$0x0] =	vst.idx.add.f32.msk vm2, v63  }
0x5a: {  	s10 =	sadd.s32 $0x1, s10  }
0x5b: {  	p0 =	sne.s32 s10, s6  }
.Ltmp4:
0x5c: {  	_ = 	snop;
	(pc) =	sbr.rel @p0 .LBB2_1-.Ltmp4, $4  }
0x5d: {  	[hbm4b:s5+s3] =	stream.linear.scatter [tilespmem:s9], [sflag:$0x1], $0x1E850, $0x38;
	[tilespmem:$0x1F880] =	vst v63  }
0x5e: {  	_ =	swait.ge [sflag:s7], $0x1E850  }
0x5f: {  	[sflag:s7] =	ssyncset.done $0x0  }
0x60: {  	[sflag:s7] =	ssyncadd.s32 $0xFFFE17B0  }
0x61: {  	_ =	sfence.sel $0x180000  }
0x62: {  	[bflag:$0x0] =	sbarrier.arrive $0xFFFF  }
0x63: {  	p0 =	sne.s32 s0, $0x0;
	_ =	strace $0x9000004A  }
0x64: {  	s0 =	sadd.s32 @!p0 $0x100000, s1;
	[bflag:$0x2] =	sbarrier.arrive $0xFFFF  }
0x65: {  	[sflag:s0] =	ssyncadd.tile.s32 @!p0 $0x1;
	_ =	shalt  }
.Lfunc_end2:
_tile_overlayer_lowered:
.L_overlay_start_2:
0x66: {  	(tag) =	ssettag $0x2  }
0x67: {  	s0 =	rddreg [dreg:$0x0];
	s2 =	stileid.u32  }
0x68: {  	s1 =	rddreg [dreg:$0x1];
	p0 =	sne.s32 s2, $0x0  }
0x69: {  	s3 =	rddreg [dreg:$0x2];
	[bflag:$0x3] =	sbarrier.arrive $0xFFFF;
	s2 =	simm.s32 @!p0 $0x1C01  }
0x6a: {  	[timem:s3], [sflag:s2] =	dma.local @!p0 [hbm:s0], s1  }
0x6b: {  	s0 =	simm.s32 @!p0 $0x1  }
0x6c: {  	_ =	swait.ge @!p0 [sflag:s0], s1  }
0x6d: {  	s1 =	ssub.s32 @!p0 $0x0, s1;
	[sflag:s0] =	ssyncset.done @!p0 $0x0  }
0x6e: {  	[sflag:s0] =	ssyncadd.s32 @!p0 s1  }
0x6f: {  	[bflag:$0x3] =	sbarrier.arrive $0xFFFF  }
0x70: {  	_ =	shalt  }

// kernel: kernel.14.cloned.1.call-start
scs
__scs_entry_jumppad:
0x0: {  	(pc) =	sbr.rel $0x88, $3  }
0x1: {  	(tag) =	ssettag $0x0;
	lr =	simm.s32 $0x1  }
0x2: {  	[smem:$0x3F82] =	sst lr;
	_ =	strace $0xD0000000  }
0x3: {  	_ = 	snop  }
0x4: {  	_ = 	snop  }
0x5: {  	_ = 	snop  }
0x6: {  	_ = 	snop  }
0x7: {  	_ = 	snop  }
__scs_overlays_trampoline_lowered:
0x8: {  	[smem:$0x3F91] =	sst s0  }
0x9: {  	[smem:$0x3F92] =	sst s1  }
0xa: {  	[smem:$0x3F93] =	sst s2  }
0xb: {  	[smem:$0x3F94] =	sst s3  }
0xc: {  	[smem:$0x3F95] =	sst s4  }
0xd: {  	[smem:$0x3F96] =	sst s5  }
0xe: {  	[smem:$0x3F97] =	sst s6  }
0xf: {  	[smem:$0x3F98] =	sst s7  }
0x10: {  	[smem:$0x3F99] =	sst s8  }
0x11: {  	[smem:$0x3F9A] =	sst s9;
	s0 =	simm.s32 @!p0 $0x0  }
0x12: {  	s1 =	sld [smem:$0x3F80];
	s0 =	simm.s32 @p0 $0x1  }
0x13: {  	[smem:$0x3F9B] =	sst s0;
	s0 =	simm.s32 @!p1 $0x0  }
0x14: {  	s2 =	sld [smem:$0x3F7F];
	s0 =	simm.s32 @p1 $0x1  }
0x15: {  	[smem:$0x3F9C] =	sst s0;
	s0 =	simm.s32 @!p2 $0x0  }
0x16: {  	s3 =	sld [smem:$0x3FDB];
	s0 =	simm.s32 @p2 $0x1  }
0x17: {  	s4 =	simm.s32 $0x1BF5;
	[smem:$0x3F9E] =	sst s0  }
0x18: {  	s0 =	sld [smem:$0x3F81];
	_ =	swait.ge [sflag:s4], $0x0  }
0x19: {  	s7 =	sld [smem:$0x3F82]  }
0x1a: {  	s8 =	sadd.s32 $0xFFFFE003, lr  }
0x1b: {  	s9 =	sadd.s32 $0xFFFFFEF7, lr;
	s5 =	simm.s32 $0xFFFFFFFF;
	p2 =	slt.u32 s8, $0xFFFFF086  }
0x1c: {  	p1 =	slt.u32 s9, $0xF7A;
	s5 =	simm.s32 @!p2 $0x0  }
0x1d: {  	s5 =	simm.s32 @p1 $0x1;
	p0 =	seq.s32 s7, s2  }
0x1e: {  	s7 =	smul.u32 @!p0 $0xF7A, s2;
	p2 =	seq.s32 @!p0 s5, $0x0  }
0x1f: {  	s9 =	smul.u32 $0xF7A, s1;
	s8 =	simm.s32 @!p0 $0x1BF5;
	p2 =	por !p2, p0  }
0x20: {  	[sflag:s8] =	ssyncset.s32 @!p0 $0xFFFFF086;
	s6 =	sadd.s32 @!p0 s3, s7;
	s7 =	simm.s32 @!p0 $0x108  }
0x21: {  	s3 =	sadd.s32 s3, s9;
	s6 =	sadd.s32 @!p0 $0x88, s6;
	s7 =	simm.s32 @p2 $0x1082  }
0x22: {  	[simem:s7], [sflag:s8] =	dma.local @!p0 [hbm:s6], $0xF7A  }
0x23: {  	s9 =	sor.u32 $0xD0000000, s2;
	s6 =	simm.s32 $0x108;
	_ =	swait.ge @!p0 [sflag:s8], $0x0  }
0x24: {  	s3 =	sadd.s32 $0x88, s3;
	s6 =	simm.s32 @!p1 $0x1082;
	[sflag:s4] =	ssyncset.s32 $0xFFFFF086  }
0x25: {  	[simem:s6], [sflag:s4] =	dma.local [hbm:s3], $0xF7A  }
0x26: {  	[smem:$0x3F82] =	sst s1;
	(tag) =	ssettag s2;
	_ =	strace s9  }
0x27: {  	s1 =	sld [smem:$0x3F92]  }
0x28: {  	s2 =	sld [smem:$0x3F93]  }
0x29: {  	s4 =	sld [smem:$0x3F95]  }
0x2a: {  	p0 =	seq.s32 s5, $0x0;
	s5 =	sld [smem:$0x3F96]  }
0x2b: {  	s6 =	sld [smem:$0x3F97]  }
0x2c: {  	s7 =	sld [smem:$0x3F98]  }
0x2d: {  	s3 =	simm.s32 $0x108;
	s8 =	sld [smem:$0x3F99]  }
0x2e: {  	s3 =	simm.s32 @!p0 $0x1082;
	s9 =	sld [smem:$0x3F9A]  }
0x2f: {  	lr =	sadd.s32 s0, s3;
	s0 =	sld [smem:$0x3F91]  }
0x30: {  	s3 =	sld [smem:$0x3F94]  }
0x31: {  	[smem:$0x3F9D] =	sst s10  }
0x32: {  	s10 =	sld [smem:$0x3F9B];
	_ =	sdelay $0x3  }
0x33: {  	p0 =	seq.s32 s10, $0x1;
	s10 =	sld [smem:$0x3F9D];
	_ =	sdelay $0x3  }
0x34: {  	[smem:$0x3F9D] =	sst s10  }
0x35: {  	s10 =	sld [smem:$0x3F9C];
	_ =	sdelay $0x3  }
0x36: {  	p1 =	seq.s32 s10, $0x1;
	s10 =	sld [smem:$0x3F9D];
	_ =	sdelay $0x3  }
0x37: {  	[smem:$0x3F9D] =	sst s10  }
0x38: {  	s10 =	sld [smem:$0x3F9E]  }
0x39: {  	_ = 	snop;
	(pc) =	sbr.ind lr, $3  }
0x3a: {  	_ = 	snop  }
0x3b: {  	_ = 	snop  }
0x3c: {  	p2 =	seq.s32 s10, $0x1;
	s10 =	sld [smem:$0x3F9D]  }
0x3d: {  	_ =	shalt  }
0x3e: {  	_ =	shalt  }
0x3f: {  	_ =	shalt  }
0x40: {  	_ =	shalt  }
0x41: {  	_ =	shalt  }
0x42: {  	_ =	shalt  }
0x43: {  	_ =	shalt  }
0x44: {  	_ =	shalt  }
0x45: {  	_ =	shalt  }
0x46: {  	_ =	shalt  }
0x47: {  	_ =	shalt  }
0x48: {  	_ =	shalt  }
0x49: {  	_ =	shalt  }
0x4a: {  	_ =	shalt  }
0x4b: {  	_ =	shalt  }
0x4c: {  	_ =	shalt  }
0x4d: {  	_ =	shalt  }
0x4e: {  	_ =	shalt  }
0x4f: {  	_ =	shalt  }
0x50: {  	_ =	shalt  }
0x51: {  	_ =	shalt  }
0x52: {  	_ =	shalt  }
0x53: {  	_ =	shalt  }
0x54: {  	_ =	shalt  }
0x55: {  	_ =	shalt  }
0x56: {  	_ =	shalt  }
0x57: {  	_ =	shalt  }
0x58: {  	_ =	shalt  }
0x59: {  	_ =	shalt  }
0x5a: {  	_ =	shalt  }
0x5b: {  	_ =	shalt  }
0x5c: {  	_ =	shalt  }
0x5d: {  	_ =	shalt  }
0x5e: {  	_ =	shalt  }
0x5f: {  	_ =	shalt  }
0x60: {  	_ =	shalt  }
0x61: {  	_ =	shalt  }
0x62: {  	_ =	shalt  }
0x63: {  	_ =	shalt  }
0x64: {  	_ =	shalt  }
0x65: {  	_ =	shalt  }
0x66: {  	_ =	shalt  }
0x67: {  	_ =	shalt  }
0x68: {  	_ =	shalt  }
0x69: {  	_ =	shalt  }
0x6a: {  	_ =	shalt  }
0x6b: {  	_ =	shalt  }
0x6c: {  	_ =	shalt  }
0x6d: {  	_ =	shalt  }
0x6e: {  	_ =	shalt  }
0x6f: {  	_ =	shalt  }
0x70: {  	_ =	shalt  }
0x71: {  	_ =	shalt  }
0x72: {  	_ =	shalt  }
0x73: {  	_ =	shalt  }
0x74: {  	_ =	shalt  }
0x75: {  	_ =	shalt  }
0x76: {  	_ =	shalt  }
0x77: {  	_ =	shalt  }
0x78: {  	_ =	shalt  }
0x79: {  	_ =	shalt  }
0x7a: {  	_ =	shalt  }
0x7b: {  	_ =	shalt  }
0x7c: {  	_ =	shalt  }
0x7d: {  	_ =	shalt  }
0x7e: {  	_ =	shalt  }
0x7f: {  	_ =	shalt  }
0x80: {  	_ =	shalt  }
0x81: {  	_ =	shalt  }
0x82: {  	_ =	shalt  }
0x83: {  	_ =	shalt  }
0x84: {  	_ =	shalt  }
0x85: {  	_ =	shalt  }
0x86: {  	_ =	shalt  }
0x87: {  	_ =	shalt  }
.Lfunc_end0:
.L_simem_size_0:
called_computation.4_lowered:
.L_overlay_start_0:
0x88: {  	s2 =	sld [smem:$0x3FD9]  }
0x89: {  	s3 =	sld [smem:$0x3FFE];
	_ =	sdelay $0x1  }
0x8a: {  	s1 =	srdreg.scid  }
0x8b: {  	s0 =	sand.u32 $0x1, s1  }
0x8c: {  	s15 =	sshll.u32 s0, $0xA;
	s2 =	sadd.s32 s3, s2  }
0x8d: {  	s2 =	sadd.s32 s2, s15  }
0x8e: {  	[smem:$0x3FA9] =	sst s2  }
0x8f: {  	_ = 	snop  }
0x90: {  	s2 =	sld [smem:$0x3FD0];
	_ =	sdelay $0x2  }
0x91: {  	s16 =	simm.s32 $0xB;
	s4 =	simm.s32 $0x10  }
0x92: {  	[smem:s4], [sflag:s16] =	dma.local [hbm:s2], $0x1  }
0x93: {  	_ =	swait.eq [sflag:s16], $0x1  }
0x94: {  	[sflag:s16] =	ssyncset.done $0x0  }
0x95: {  	[sflag:s16] =	ssyncadd.s32 $0xFFFFFFFF  }
0x96: {  	s17 =	sld [smem:$0x12];
	(tm) =	ssettm $0x1  }
0x97: {  	s18 =	sld [smem:$0x3FFB];
	_ =	sdelay $0x3  }
0x98: {  	_ =	strace s18  }
0x99: {  	s2 =	sld [smem:$0x3FFC];
	_ =	sdelay $0x3  }
0x9a: {  	_ =	strace s2  }
0x9b: {  	s2 =	sld [smem:$0x3FFD];
	_ =	sdelay $0x3  }
0x9c: {  	_ =	strace s2  }
0x9d: {  	_ =	strace $0x8FFFFFFF  }
0x9e: {  	s19 =	sld [smem:$0x3FDB];
	_ =	sdelay $0x1  }
0x9f: {  	s20 =	simm.s32 $_scs_section_size  }
0xa0: {  	s5 =	simm.s32 $_size__tile_overlayer_lowered;
	s6 =	simm.s32 $_tile_overlayer_lowered  }
0xa1: {  	s7 =	simm.s32 $0x1BFF;
	s21 =	sshll.u32 s6, $0x1;
	s4 =	sadd.s32 s20, s19  }
0xa2: {  	s22 =	simm.s32 $0x0;
	s5 =	sshll.u32 s5, $0x1;
	s6 =	sadd.s32 s21, s4  }
0xa3: {  	[timem:s22], [sflag:s7] =	dma.local [hbm:s6], s5  }
0xa4: {  	_ =	swait.ge [sflag:s7], s5  }
0xa5: {  	s5 =	ssub.s32 $0x0, s5;
	[sflag:s7] =	ssyncset.done $0x0  }
0xa6: {  	[sflag:s7] =	ssyncadd.s32 s5;
	_ =	sdelay $0x1  }
0xa7: {  	s23 =	simm.s32 $0x1B8B  }
0xa8: {  	_ =	swait.ge [sflag:s23], $0x1  }
0xa9: {  	[sflag:s23] =	ssyncset.done $0x0  }
0xaa: {  	[sflag:s23] =	ssyncadd.s32 $0xFFFFFFFF  }
0xab: {  	s5 =	sld [smem:$0x0]  }
0xac: {  	s6 =	sand.u32 $0xFFFFFFFE, s1  }
0xad: {  	p0 =	sne.s32 s1, s6  }
0xae: {  	s6 =	sshll.u32 @p0 s6, $0xE  }
0xaf: {  	s6 =	sadd.s32 @p0 $0x11B8D, s6;
	s7 =	sshll.u32 @p0 s5, $0x11  }
0xb0: {  	s6 =	sor.u32 @p0 s7, s6  }
0xb1: {  	[sflag:s6] =	ssyncadd.remote.s32 @p0 $0x1;
	_ =	sdelay $0x1  }
0xb2: {  	s6 =	simm.s32 @p0 $0x1B8D  }
0xb3: {  	_ =	swait.eq @p0 [sflag:s6], $0x1  }
0xb4: {  	[sflag:s6] =	ssyncadd.s32 @p0 $0xFFFFFFFF  }
0xb5: {  	s7 =	sshll.u32 @!p0 s1, $0xE  }
0xb6: {  	s7 =	sor.u32 @!p0 $0x4000, s7;
	s6 =	simm.s32 @!p0 $0x1B8D  }
0xb7: {  	s5 =	sshll.u32 @!p0 s5, $0x11;
	s7 =	sadd.s32 @!p0 $0x11B8D, s7;
	_ =	swait.eq @!p0 [sflag:s6], $0x1  }
0xb8: {  	s5 =	sor.u32 @!p0 s5, s7;
	[sflag:s6] =	ssyncadd.s32 @!p0 $0xFFFFFFFF  }
0xb9: {  	s25 =	simm.s32 $0x1B8E;
	s24 =	sld [smem:$0x3FFE];
	[sflag:s5] =	ssyncadd.remote.s32 @!p0 $0x1  }
0xba: {  	s26 =	simm.s32 $execute0_lowered;
	[smem:$0x3FD2] =	sst s25  }
0xbb: {  	s6 =	sshll.u32 s26, $0x1;
	_ =	strace $0x8000004C;
	[dreg:$0x1] =	wrdreg $0xFFFFFFFF  }
0xbc: {  	s28 =	simm.s32 $_size_execute0_lowered;
	s4 =	sadd.s32 s4, s6;
	[dreg:$0x0] =	wrdreg $0x0  }
0xbd: {  	s6 =	sshll.u32 s28, $0x1;
	[dreg:$0x2] =	wrdreg s4  }
0xbe: {  	[dreg:$0x3] =	wrdreg s6  }
0xbf: {  	[dreg:$0x4] =	wrdreg $0xC0  }
0xc0: {  	_ =	task [dreg:s22], $0x5FFFF  }
0xc1: {  	[dreg:$0x1] =	wrdreg $0xFFFFFFFF  }
0xc2: {  	[dreg:$0x0] =	wrdreg $0x60  }
0xc3: {  	[dreg:$0x2] =	wrdreg s17  }
0xc4: {  	[dreg:$0x3] =	wrdreg s24  }
0xc5: {  	[dreg:$0x4] =	wrdreg $0xA  }
0xc6: {  	_ =	task.clear_ibuf [dreg:s22], $0x5FFFF;
	_ =	strace $0x9000004C  }
0xc7: {  	s29 =	simm.s32 $0xA;
	_ =	strace $0x8000004E  }
0xc8: {  	_ =	swait.ge [sflag:s29], $0x1  }
0xc9: {  	[sflag:s29] =	ssyncadd.s32 $0xFFFFFFFF  }
0xca: {  	_ =	strace $0x9000004E  }
0xcb: {  	_ =	sfence  }
0xcc: {  	s30 =	sld [smem:$0x0];
	_ =	sdelay $0x2  }
0xcd: {  	s31 =	sshll.u32 s1, $0xD;
	s1 =	sshrl.u32 s1, $0x2  }
0xce: {  	s4 =	sand.u32 $0x4000, s31;
	s1 =	sadd.s32 s1, s30  }
0xcf: {  	s0 =	sor.u32 s4, s0;
	s1 =	sshll.u32 s1, $0x11  }
0xd0: {  	s0 =	sor.u32 s1, s0  }
0xd1: {  	s0 =	sadd.s32 $0x8F2B, s0  }
0xd2: {  	[sflag:s0] =	ssyncadd.remote.s32 $0x1  }
0xd3: {  	_ =	sfence.sel $0xFFFF  }
0xd4: {  	[dreg:$0x0] =	wrdreg $0xFFFFFFFF;
	(pc) =	sbr.abs _section_cstart, $3  }
0xd5: {  	[dreg:$0x1] =	wrdreg $0xFFFFFFFF  }
0xd6: {  	_ =	task.clear_ibuf [dreg:s22], $0x2FFFF;
	_ =	strace $0x9FFFFFFF  }
0xd7: {  	(tm) =	ssettm $0x7FFFFFFF  }
tec
execute0_lowered:
.L_overlay_start_1:
0x0: {  	(tag) =	ssettag $0x1  }
0x1: {  	s5 =	rddreg [dreg:$0x0]  }
0x2: {  	s6 =	rddreg [dreg:$0x1]  }
0x3: {  	s0 =	rddreg [dreg:$0x2];
	s1 =	stileid.u32  }
0x4: {  	s2 =	srdreg.scid;
	s13 =	simm.s32 $0xC400;
	s14 =	simm.s32 $0xCC00  }
0x5: {  	s15 =	simm.s32 $0x6000;
	s16 =	simm.s32 $0xC800;
	s17 =	simm.s32 $0x10B00  }
0x6: {  	s18 =	simm.s32 $0x0;
	s3 =	sshrl.u32 s1, $0x2;
	s7 =	sand.u32 $0x1, s2  }
0x7: {  	s4 =	sshll.u32 s1, $0x1;
	s2 =	simm.s32 $0x0;
	s8 =	smul.u32 $0x7E, s3  }
0x8: {  	s30 =	sor.u32 s7, s4;
	[smem:$0x7FF] =	sst s2;
	s3 =	sadd.s32 $0x4800, s6  }
0x9: {  	s4 =	sadd.s32 $0x3C00, s6;
	s7 =	ssub.s32 $0x2, s7;
	s9 =	smul.u32 $0x7E0, s30  }
0xa: {  	_ =	strace $0x8000004D;
	s11 =	smul.u32 $0x7E, s30;
	s31 =	sshrl.u32 s7, $0x1  }
0xb: {  	v0 =	vlaneseq.u32;
	s10 =	sadd.s32 s8, s6;
	s12 =	ssub.s32 s7, s31;
	s5 =	sadd.s32 s5, s8  }
0xc: {  	v0 =	vmul.u32 $0xFFFFFFFF, v0;
	s9 =	sadd.s32 s9, s6;
	s11 =	sadd.s32 s11, s6;
	s6 =	sadd.s32 $0x18E00, s10  }
0xd: {  	s10 =	smax.u32 s12, $0x1;
	s12 =	simm.s32 $0x1;
	s7 =	sadd.s32 $0x9C200, s9  }
0xe: {  	v1 =	vimm.f32 $0.0e+00;
	v62 =	vadd.s32 $0x5208, v0;
	s8 =	sadd.s32 $0xC3E00, s9;
	s9 =	sadd.s32 $0x19000, s11;
	s11 =	simm.s32 $0xC000  }
.LBB2_1:
0xf: {  	[tilespmem:s11], [sflag:$0x1] =	stream.linear.gather [hbm4b:s5+s2], $0x3F0, $0x38;
	[tilespmem:$0x14A00] =	vst v63  }
0x10: {  	_ =	swait.ge [sflag:s12], $0x3F0  }
0x11: {  	[sflag:s12] =	ssyncset.done $0x0  }
0x12: {  	[sflag:s12] =	ssyncadd.s32 $0xFFFFFC10  }
0x13: {  	[tilespmem:s13], [sflag:$0x1] =	stream.linear.gather [hbm4b:s6+s2], $0x3F0, $0x38;
	[tilespmem:$0x14A00] =	vst v63  }
0x14: {  	_ =	swait.ge [sflag:s12], $0x3F0  }
0x15: {  	[sflag:s12] =	ssyncset.done $0x0  }
0x16: {  	[sflag:s12] =	ssyncadd.s32 $0xFFFFFC10  }
0x17: {  	[tilespmem:s14], [sflag:$0x1] =	stream.linear.gather [hbm4b:s7+s2], $0x3F00, $0x38;
	[tilespmem:$0x14A00] =	vst v63  }
0x18: {  	_ =	swait.ge [sflag:s12], $0x3F00  }
0x19: {  	[sflag:s12] =	ssyncset.done $0x0  }
0x1a: {  	s19 =	simm.s32 $0x0;
	[sflag:s12] =	ssyncadd.s32 $0xFFFFC100  }
.LBB2_2:
0x1b: {  	p0 =	sne.s32 s19, $0xF80  }
.Ltmp0:
0x1c: {  	_ = 	snop;
	(pc) =	sbr.rel @p0 .LBB2_2-.Ltmp0, $3  }
0x1d: {  	_ =	sdelay $0x1  }
0x1e: {  	s20 =	sshra.s32 s19, $0x2  }
0x1f: {  	s19 =	sadd.s32 $0x40, s19;
	[tilespmem:s20+$0xC800] =	vst v1  }
0x20: {  	s19 =	simm.s32 $0x40;
	s20 =	simm.s32 $0x0  }
.LBB2_4:
0x21: {  	p0 =	sne.s32 s19, $0xFBC0;
	[tilespmem:s20+$0x10B00] =	vst v1;
	s20 =	smov.u32 s19;
	s19 =	sadd.s32 $0x40, s19  }
.Ltmp1:
0x22: {  	(pc) =	sbr.rel @p0 .LBB2_4-.Ltmp1, $2  }
0x23: {  	_ =	sdelay $0x2  }
0x24: {  	s20 =	sshra.s32 s20, $0x2  }
0x25: {  	[tilespmem:s20+$0x10B00] =	vst v1;
	s19 =	simm.s32 $0x0  }
0x26: {  	[tilespmem:s19], [sflag:$0x1] =	stream.linear.gather [hbm4b:s3+s19], $0x6000, $0x38;
	[tilespmem:$0x14A00] =	vst v63  }
0x27: {  	_ =	swait.ge [sflag:s12], $0x6000  }
0x28: {  	[sflag:s12] =	ssyncset.done $0x0  }
0x29: {  	[sflag:s12] =	ssyncadd.s32 $0xFFFFA000  }
0x2a: {  	[tilespmem:s15], [sflag:$0x1] =	stream.linear.gather [hbm4b:s4+s19], $0x6000, $0x38;
	[tilespmem:$0x14A00] =	vst v63  }
0x2b: {  	_ =	swait.ge [sflag:s12], $0x6000  }
0x2c: {  	[sflag:s12] =	ssyncset.done $0x0  }
0x2d: {  	s28 =	simm.s32 $0x20;
	[sflag:s12] =	ssyncadd.s32 $0xFFFFA000  }
0x2e: {  	s21 =	simm.s32 $0x6020;
	v0 =	vld [tilespmem:s28+$0x10]  }
0x2f: {  	v5 =	vld [tilespmem:s21+$0x10]  }
0x30: {  	v8 =	vld [tilespmem:s21+$0xFFFFFFE0]  }
0x31: {  	v1 =	vld [tilespmem:s28+$0xFFFFFFF0]  }
0x32: {  	v9 =	vld [tilespmem:s21+$0xFFFFFFF0]  }
0x33: {  	v2 =	vld [tilespmem:s28+$0x0]  }
0x34: {  	v3 =	vld [tilespmem:s28+$0xFFFFFFE0]  }
0x35: {  	v10 =	vld [tilespmem:s21+$0x0]  }
0x36: {  	v0 =	vld.idx.msk [tilespmem:v0+s11+$0x0], $0xffff  }
0x37: {  	v4 =	vld.idx.msk [tilespmem:v5+s13+$0x0], $0xffff  }
0x38: {  	v6 =	vld.idx.msk [tilespmem:v8+s13+$0x0], $0xffff  }
0x39: {  	v1 =	vld.idx.msk [tilespmem:v1+s11+$0x0], $0xffff  }
0x3a: {  	v7 =	vld.idx.msk [tilespmem:v9+s13+$0x0], $0xffff  }
0x3b: {  	v2 =	vld.idx.msk [tilespmem:v2+s11+$0x0], $0xffff  }
0x3c: {  	v3 =	vld.idx.msk [tilespmem:v3+s11+$0x0], $0xffff;
	v0 =	vadd.f32 v4, v0  }
0x3d: {  	v4 =	vld.idx.msk [tilespmem:v10+s13+$0x0], $0xffff  }
0x3e: {  	v11 =	vmul.f32 $2.000000030e-01, v0  }
0x3f: {  	s29 =	simm.s32 $0x60;
	vm0 =	vgt.f32 v0, $0.0e+00  }
0x40: {  	v55 =	vld [tilespmem:s29+$0xFFFFFFF0];
	v7 =	vadd.f32 v7, v1;
	v0 =	vsel vm0, v0, v11  }
0x41: {  	s20 =	simm.s32 $0x6060;
	v3 =	vadd.f32 v6, v3;
	v11 =	vld [tilespmem:s29+$0x10];
	v12 =	vmul.f32 $1.442695020e+00, v0  }
0x42: {  	v6 =	vmul.f32 $2.000000030e-01, v7;
	v0 =	vld [tilespmem:s20+$0x10];
	v4 =	vadd.f32 v4, v2  }
0x43: {  	v1 =	vld [tilespmem:s20+$0xFFFFFFE0];
	vm10 =	vgt.f32 v7, $0.0e+00;
	v13 =	vmul.f32 $2.000000030e-01, v3;
	(erf) = vpow2.f32 v12  }
0x44: {  	vm11 =	vgt.f32 v3, $0.0e+00;
	v6 =	vsel vm10, v7, v6;
	v2 =	vld [tilespmem:s20+$0xFFFFFFF0];
	v7 =	vmul.f32 $2.000000030e-01, v4  }
0x45: {  	s22 =	simm.s32 $0x30;
	v14 =	vld [tilespmem:s29+$0x0];
	v13 =	vsel vm11, v3, v13;
	v6 =	vmul.f32 $1.442695020e+00, v6;
	vm1 =	vgt.f32 v4, $0.0e+00  }
0x46: {  	v15 =	vmov s22;
	v3 =	vld [tilespmem:s20+$0x0];
	v13 =	vmul.f32 $1.442695020e+00, v13;
	v4 =	vsel vm1, v4, v7  }
0x47: {  	vm12 =	vlt.u32 v15, v62;
	(erf) = vpow2.f32 v6;
	v7 =	vld [tilespmem:s29+$0xFFFFFFE0];
	v4 =	vmul.f32 $1.442695020e+00, v4  }
0x48: {  	v12 =	vld.idx.msk [tilespmem:v55+s11+$0x0], $0xffff;
	(erf) = vpow2.f32 v13  }
0x49: {  	s30 =	simm.s32 $0x10;
	v6 =	vld.idx.msk [tilespmem:v11+s11+$0x0], $0xffff;
	(erf) = vpow2.f32 v4  }
0x4a: {  	v56 =	vmov s30;
	v11 =	vld.idx.msk [tilespmem:v0+s13+$0x0], $0xffff  }
0x4b: {  	s31 =	simm.s32 $0x20;
	v57 =	vmov s19;
	vm13 =	vlt.u32 v56, v62;
	v4 =	vld.idx.msk [tilespmem:v1+s13+$0x0], $0xffff  }
0x4c: {  	v16 =	vmov s31;
	vm2 =	vlt.u32 v57, v62;
	v59 =	vld.idx.msk [tilespmem:v2+s13+$0x0], $0xffff;
	v58 =	vpop (erf)  }
0x4d: {  	vm14 =	vlt.u32 v16, v62;
	[tilespmem:v5+s16+$0x0] =	vst.idx.add.f32.msk vm12, v58  }
0x4e: {  	v5 =	vld.idx.msk [tilespmem:v14+s11+$0x0], $0xffff  }
0x4f: {  	v7 =	vld.idx.msk [tilespmem:v7+s11+$0x0], $0xffff;
	v11 =	vadd.f32 v11, v6  }
0x50: {  	v60 =	vpop (erf);
	v6 =	vld.idx.msk [tilespmem:v3+s13+$0x0], $0xffff  }
0x51: {  	[tilespmem:v9+s16+$0x0] =	vst.idx.add.f32.msk vm13, v60;
	v9 =	vpop (erf);
	v61 =	vmul.f32 $2.000000030e-01, v11  }
0x52: {  	[tilespmem:v8+s16+$0x0] =	vst.idx.add.f32.msk vm2, v9;
	vm15 =	vgt.f32 v11, $0.0e+00;
	v63 =	vpop (erf)  }
0x53: {  	s22 =	simm.s32 $0xA0;
	s21 =	simm.s32 $0x4;
	v8 =	vadd.f32 v59, v12;
	v9 =	vsel vm15, v11, v61;
	[tilespmem:v10+s16+$0x0] =	vst.idx.add.f32.msk vm14, v63  }
.LBB2_6:
0x54: {  	v10 =	vld [tilespmem:s22+$0x10];
	v9 =	vmul.f32 $1.442695020e+00, v9;
	s20 =	sadd.s32 $0x40, s20  }
0x55: {  	s21 =	sadd.s32 $0x4, s21;
	v4 =	vadd.f32 v4, v7;
	v11 =	vld [tilespmem:s20+$0x10];
	vm0 =	vgt.f32 v8, $0.0e+00;
	v7 =	vmul.f32 $2.000000030e-01, v8  }
0x56: {  	p0 =	slt.u32 s21, $0x5FC;
	v5 =	vadd.f32 v6, v5;
	v12 =	vld [tilespmem:s20+$0xFFFFFFE0];
	(erf) = vpow2.f32 v9  }
0x57: {  	s19 =	sadd.s32 $0x40, s19;
	vm1 =	vgt.f32 v4, $0.0e+00;
	v9 =	vmul.f32 $2.000000030e-01, v4;
	v6 =	vld [tilespmem:s22+$0xFFFFFFF0];
	v7 =	vsel vm0, v8, v7  }
0x58: {  	s23 =	sadd.s32 $0x10, s19;
	s24 =	sadd.s32 $0x20, s19;
	s25 =	sadd.s32 $0x30, s19;
	vm0 =	vgt.f32 v5, $0.0e+00;
	v13 =	vmul.f32 $2.000000030e-01, v5;
	v8 =	vld [tilespmem:s20+$0xFFFFFFF0];
	v7 =	vmul.f32 $1.442695020e+00, v7  }
0x59: {  	v15 =	vmov s25;
	v4 =	vsel vm1, v4, v9;
	v9 =	vmov s23;
	v14 =	vld [tilespmem:s22+$0x0]  }
0x5a: {  	vm1 =	vlt.u32 v15, v62;
	v4 =	vmul.f32 $1.442695020e+00, v4;
	v5 =	vsel vm0, v5, v13;
	v16 =	vld [tilespmem:s20+$0x0]  }
0x5b: {  	v15 =	vmov s24;
	v5 =	vmul.f32 $1.442695020e+00, v5;
	v13 =	vld [tilespmem:s22+$0xFFFFFFE0];
	(erf) = vpow2.f32 v7  }
0x5c: {  	vm2 =	vlt.u32 v9, v62;
	v7 =	vmov s19;
	v10 =	vld.idx.msk [tilespmem:v10+s11+$0x0], $0xffff;
	(erf) = vpow2.f32 v4  }
0x5d: {  	vm0 =	vlt.u32 v15, v62;
	vm3 =	vlt.u32 v7, v62;
	v9 =	vld.idx.msk [tilespmem:v11+s13+$0x0], $0xffff;
	(erf) = vpow2.f32 v5  }
0x5e: {  	v4 =	vld.idx.msk [tilespmem:v12+s13+$0x0], $0xffff  }
0x5f: {  	v15 =	vld.idx.msk [tilespmem:v6+s11+$0x0], $0xffff;
	v5 =	vpop (erf)  }
0x60: {  	[tilespmem:v0+s16+$0x0] =	vst.idx.add.f32.msk vm1, v5;
	v0 =	vmov v11  }
0x61: {  	v11 =	vld.idx.msk [tilespmem:v8+s13+$0x0], $0xffff  }
0x62: {  	v5 =	vld.idx.msk [tilespmem:v14+s11+$0x0], $0xffff  }
.Ltmp2:
0x63: {  	v9 =	vadd.f32 v9, v10;
	v7 =	vld.idx.msk [tilespmem:v13+s11+$0x0], $0xffff;
	(pc) =	sbr.rel @p0 .LBB2_6-.Ltmp2, $4  }
0x64: {  	v6 =	vld.idx.msk [tilespmem:v16+s13+$0x0], $0xffff;
	v10 =	vpop (erf)  }
0x65: {  	v13 =	vmul.f32 $2.000000030e-01, v9;
	[tilespmem:v2+s16+$0x0] =	vst.idx.add.f32.msk vm2, v10;
	v10 =	vpop (erf);
	v2 =	vmov v8  }
0x66: {  	vm1 =	vgt.f32 v9, $0.0e+00;
	[tilespmem:v1+s16+$0x0] =	vst.idx.add.f32.msk vm3, v10;
	v10 =	vpop (erf);
	v1 =	vmov v12  }
0x67: {  	s22 =	sadd.s32 $0x40, s22;
	v8 =	vadd.f32 v11, v15;
	v9 =	vsel vm1, v9, v13;
	[tilespmem:v3+s16+$0x0] =	vst.idx.add.f32.msk vm0, v10;
	v3 =	vmov v16  }
0x68: {  	v4 =	vadd.f32 v4, v7  }
0x69: {  	v7 =	vmul.f32 $2.000000030e-01, v8;
	v5 =	vadd.f32 v6, v5  }
0x6a: {  	v6 =	vmul.f32 $1.442695020e+00, v9;
	vm0 =	vgt.f32 v8, $0.0e+00;
	v9 =	vmul.f32 $2.000000030e-01, v4  }
0x6b: {  	vm1 =	vgt.f32 v4, $0.0e+00;
	v7 =	vsel vm0, v8, v7;
	v8 =	vmul.f32 $2.000000030e-01, v5  }
0x6c: {  	vm0 =	vgt.f32 v5, $0.0e+00;
	v7 =	vmul.f32 $1.442695020e+00, v7;
	v4 =	vsel vm1, v4, v9  }
0x6d: {  	(erf) = vpow2.f32 v6;
	v4 =	vmul.f32 $1.442695020e+00, v4;
	v5 =	vsel vm0, v5, v8  }
0x6e: {  	s19 =	sadd.s32 $0x40, s19;
	v5 =	vmul.f32 $1.442695020e+00, v5;
	(erf) = vpow2.f32 v7  }
0x6f: {  	s20 =	sadd.s32 $0x30, s19;
	(erf) = vpow2.f32 v4  }
0x70: {  	s21 =	sadd.s32 $0x10, s19;
	v4 =	vmov s20;
	(erf) = vpow2.f32 v5  }
0x71: {  	v5 =	vmov s21;
	vm0 =	vlt.u32 v4, v62  }
0x72: {  	s28 =	sadd.s32 $0x20, s19;
	v4 =	vmov s19;
	vm1 =	vlt.u32 v5, v62  }
0x73: {  	v5 =	vmov s28;
	vm2 =	vlt.u32 v4, v62  }
0x74: {  	vm3 =	vlt.u32 v5, v62;
	_ =	sdelay $0x1  }
0x75: {  	v4 =	vpop (erf)  }
0x76: {  	[tilespmem:v0+s16+$0x0] =	vst.idx.add.f32.msk vm0, v4;
	v0 =	vpop (erf)  }
0x77: {  	[tilespmem:v2+s16+$0x0] =	vst.idx.add.f32.msk vm1, v0;
	v0 =	vpop (erf)  }
0x78: {  	[tilespmem:v1+s16+$0x0] =	vst.idx.add.f32.msk vm2, v0;
	v0 =	vpop (erf)  }
0x79: {  	s29 =	simm.s32 $0x0;
	[tilespmem:v3+s16+$0x0] =	vst.idx.add.f32.msk vm3, v0  }
0x7a: {  	[tilespmem:s29], [sflag:$0x1] =	stream.linear.gather [hbm4b:s3+s29], $0x6000, $0x38;
	[tilespmem:$0x14A00] =	vst v63  }
0x7b: {  	_ =	swait.ge [sflag:s12], $0x6000  }
0x7c: {  	[sflag:s12] =	ssyncset.done $0x0  }
0x7d: {  	[sflag:s12] =	ssyncadd.s32 $0xFFFFA000  }
0x7e: {  	[tilespmem:s15], [sflag:$0x1] =	stream.linear.gather [hbm4b:s4+s29], $0x6000, $0x38;
	[tilespmem:$0x14A00] =	vst v63  }
0x7f: {  	_ =	swait.ge [sflag:s12], $0x6000  }
0x80: {  	[sflag:s12] =	ssyncset.done $0x0  }
0x81: {  	s30 =	simm.s32 $0x10;
	[sflag:s12] =	ssyncadd.s32 $0xFFFFA000  }
0x82: {  	s31 =	simm.s32 $0x6010;
	v17 =	vld [tilespmem:s30+$0x10]  }
0x83: {  	v4 =	vld [tilespmem:s31+$0x10];
	_ =	sdelay $0x1  }
0x84: {  	v5 =	vld [tilespmem:s31+$0xFFFFFFF0]  }
0x85: {  	v6 =	vld [tilespmem:s30+$0x0]  }
0x86: {  	v9 =	vld [tilespmem:s31+$0x0];
	_ =	sdelay $0x1  }
0x87: {  	v3 =	vld [tilespmem:s30+$0xFFFFFFF0]  }
0x88: {  	v0 =	vld.idx.msk [tilespmem:v17+s11+$0x0], $0xffff  }
0x89: {  	v1 =	vld.idx.msk [tilespmem:v4+s13+$0x0], $0xffff;
	_ =	sdelay $0x1  }
0x8a: {  	v2 =	vld.idx.msk [tilespmem:v5+s13+$0x0], $0xffff  }
0x8b: {  	v7 =	vld.idx.msk [tilespmem:v6+s11+$0x0], $0xffff  }
0x8c: {  	v8 =	vld.idx.msk [tilespmem:v9+s13+$0x0], $0xffff  }
0x8d: {  	v10 =	vld.idx.msk [tilespmem:v4+s16+$0x0], $0xffff;
	v0 =	vadd.f32 v1, v0  }
0x8e: {  	v1 =	vld.idx.msk [tilespmem:v3+s11+$0x0], $0xffff  }
0x8f: {  	v11 =	vmul.f32 $2.000000030e-01, v0  }
0x90: {  	vm0 =	vgt.f32 v0, $0.0e+00  }
0x91: {  	v12 =	vld.idx.msk [tilespmem:v5+s16+$0x0], $0xffff;
	v7 =	vadd.f32 v8, v7;
	v0 =	vsel vm0, v0, v11  }
0x92: {  	v8 =	vld.idx.msk [tilespmem:v9+s16+$0x0], $0xffff;
	v0 =	vmul.f32 $1.442695020e+00, v0  }
0x93: {  	(erf) = vrcp.f32 v10;
	v11 =	vmul.f32 $2.000000030e-01, v7;
	v1 =	vadd.f32 v2, v1  }
0x94: {  	vm0 =	vgt.f32 v7, $0.0e+00;
	(erf) = vpow2.f32 v0  }
0x95: {  	v0 =	vsel vm0, v7, v11;
	v2 =	vmul.f32 $2.000000030e-01, v1  }
0x96: {  	vm0 =	vgt.f32 v1, $0.0e+00;
	v0 =	vmul.f32 $1.442695020e+00, v0;
	(erf) = vrcp.f32 v12  }
0x97: {  	(erf) = vrcp.f32 v8;
	v1 =	vsel vm0, v1, v2  }
0x98: {  	s21 =	simm.s32 $0x20;
	(erf) = vpow2.f32 v0;
	v0 =	vmul.f32 $1.442695020e+00, v1  }
0x99: {  	v1 =	vmov s21  }
0x9a: {  	(erf) = vpow2.f32 v0  }
0x9b: {  	v0 =	vld.idx.msk [tilespmem:v17+s14+$0x0], $0xffff  }
0x9c: {  	s22 =	simm.s32 $0x10;
	vm1 =	vlt.u32 v1, v62;
	v1 =	vpop (erf)  }
0x9d: {  	v7 =	vmov s22;
	v2 =	vpop (erf)  }
0x9e: {  	v18 =	vmul.f32 v2, v1;
	v1 =	vadd.s32 $0x3F0, v17  }
0x9f: {  	v2 =	vld.idx.msk [tilespmem:v6+s14+$0x0], $0xffff;
	v10 =	vpop (erf)  }
0xa0: {  	vm0 =	vlt.u32 v7, v62;
	v7 =	vpop (erf);
	v0 =	vmul.f32 v18, v0  }
0xa1: {  	v11 =	vld.idx.msk [tilespmem:v3+s14+$0x0], $0xffff;
	v8 =	vmov s29;
	v12 =	vpop (erf)  }
0xa2: {  	v13 =	vadd.s32 $0x3F0, v6;
	vm2 =	vlt.u32 v8, v62;
	v8 =	vmul.f32 v12, v7;
	[tilespmem:v4+s17+$0x0] =	vst.idx.add.f32.msk vm1, v0  }
0xa3: {  	v0 =	vld.idx.msk [tilespmem:v1+s14+$0x0], $0xffff;
	v1 =	vpop (erf)  }
0xa4: {  	v12 =	vadd.s32 $0x3F0, v3;
	v2 =	vmul.f32 v8, v2;
	v7 =	vmul.f32 v1, v10  }
0xa5: {  	v1 =	vadd.s32 $0x3F0, v4  }
0xa6: {  	v10 =	vadd.s32 $0x7E0, v17;
	[tilespmem:v9+s17+$0x0] =	vst.idx.add.f32.msk vm0, v2;
	v2 =	vmul.f32 v7, v11  }
0xa7: {  	v11 =	vld.idx.msk [tilespmem:v13+s14+$0x0], $0xffff  }
0xa8: {  	[tilespmem:v5+s17+$0x0] =	vst.idx.add.f32.msk vm2, v2;
	v0 =	vmul.f32 v18, v0  }
0xa9: {  	v2 =	vadd.s32 $0x3F0, v9;
	v12 =	vld.idx.msk [tilespmem:v12+s14+$0x0], $0xffff  }
0xaa: {  	v13 =	vadd.s32 $0x7E0, v6;
	[tilespmem:v1+s17+$0x0] =	vst.idx.add.f32.msk vm1, v0  }
0xab: {  	v0 =	vadd.s32 $0x3F0, v5;
	v1 =	vld.idx.msk [tilespmem:v10+s14+$0x0], $0xffff  }
0xac: {  	v10 =	vadd.s32 $0x7E0, v3;
	v11 =	vmul.f32 v8, v11  }
0xad: {  	v14 =	vadd.s32 $0x7E0, v4  }
0xae: {  	[tilespmem:v2+s17+$0x0] =	vst.idx.add.f32.msk vm0, v11;
	v11 =	vadd.s32 $0xBD0, v17;
	v2 =	vmul.f32 v7, v12  }
0xaf: {  	v12 =	vld.idx.msk [tilespmem:v13+s14+$0x0], $0xffff  }
0xb0: {  	vm0 =	vmmov vm0;
	[tilespmem:v0+s17+$0x0] =	vst.idx.add.f32.msk vm2, v2;
	v0 =	vmul.f32 v18, v1  }
0xb1: {  	v1 =	vadd.s32 $0x7E0, v9;
	v2 =	vld.idx.msk [tilespmem:v10+s14+$0x0], $0xffff  }
0xb2: {  	vm2 =	vmmov vm2;
	v10 =	vadd.s32 $0xBD0, v6;
	[tilespmem:v14+s17+$0x0] =	vst.idx.add.f32.msk vm1, v0  }
0xb3: {  	v0 =	vadd.s32 $0x7E0, v5;
	v11 =	vld.idx.msk [tilespmem:v11+s14+$0x0], $0xffff  }
0xb4: {  	v13 =	vadd.s32 $0xBD0, v3;
	v12 =	vmul.f32 v8, v12  }
0xb5: {  	v14 =	vadd.s32 $0xBD0, v4  }
0xb6: {  	[tilespmem:v1+s17+$0x0] =	vst.idx.add.f32.msk vm0, v12;
	v1 =	vmul.f32 v7, v2;
	v2 =	vadd.s32 $0xFC0, v17  }
0xb7: {  	v10 =	vld.idx.msk [tilespmem:v10+s14+$0x0], $0xffff  }
0xb8: {  	[tilespmem:v0+s17+$0x0] =	vst.idx.add.f32.msk vm2, v1;
	v0 =	vmul.f32 v11, v18  }
0xb9: {  	v1 =	vadd.s32 $0xBD0, v9;
	v11 =	vld.idx.msk [tilespmem:v13+s14+$0x0], $0xffff  }
0xba: {  	v12 =	vadd.s32 $0xFC0, v6;
	[tilespmem:v14+s17+$0x0] =	vst.idx.add.f32.msk vm1, v0  }
0xbb: {  	v0 =	vadd.s32 $0xBD0, v5;
	v2 =	vld.idx.msk [tilespmem:v2+s14+$0x0], $0xffff  }
0xbc: {  	v13 =	vadd.s32 $0xFC0, v3;
	v10 =	vmul.f32 v10, v8  }
0xbd: {  	v14 =	vadd.s32 $0xFC0, v4  }
0xbe: {  	[tilespmem:v1+s17+$0x0] =	vst.idx.add.f32.msk vm0, v10;
	v10 =	vadd.s32 $0x13B0, v17;
	v1 =	vmul.f32 v11, v7  }
0xbf: {  	v11 =	vld.idx.msk [tilespmem:v12+s14+$0x0], $0xffff  }
0xc0: {  	[tilespmem:v0+s17+$0x0] =	vst.idx.add.f32.msk vm2, v1;
	v0 =	vmul.f32 v2, v18  }
0xc1: {  	v1 =	vadd.s32 $0xFC0, v9;
	v2 =	vld.idx.msk [tilespmem:v13+s14+$0x0], $0xffff  }
0xc2: {  	v12 =	vadd.s32 $0x13B0, v6;
	[tilespmem:v14+s17+$0x0] =	vst.idx.add.f32.msk vm1, v0  }
0xc3: {  	v0 =	vadd.s32 $0xFC0, v5;
	v10 =	vld.idx.msk [tilespmem:v10+s14+$0x0], $0xffff  }
0xc4: {  	v13 =	vadd.s32 $0x13B0, v3;
	v11 =	vmul.f32 v11, v8  }
0xc5: {  	v14 =	vadd.s32 $0x13B0, v4  }
0xc6: {  	[tilespmem:v1+s17+$0x0] =	vst.idx.add.f32.msk vm0, v11;
	v1 =	vmul.f32 v2, v7;
	v2 =	vadd.s32 $0x17A0, v17  }
0xc7: {  	v11 =	vld.idx.msk [tilespmem:v12+s14+$0x0], $0xffff  }
0xc8: {  	[tilespmem:v0+s17+$0x0] =	vst.idx.add.f32.msk vm2, v1;
	v0 =	vmul.f32 v10, v18  }
0xc9: {  	v1 =	vadd.s32 $0x13B0, v9;
	v10 =	vld.idx.msk [tilespmem:v13+s14+$0x0], $0xffff  }
0xca: {  	v12 =	vadd.s32 $0x17A0, v6;
	[tilespmem:v14+s17+$0x0] =	vst.idx.add.f32.msk vm1, v0  }
0xcb: {  	v0 =	vadd.s32 $0x13B0, v5;
	v2 =	vld.idx.msk [tilespmem:v2+s14+$0x0], $0xffff  }
0xcc: {  	v13 =	vadd.s32 $0x17A0, v3;
	v11 =	vmul.f32 v11, v8  }
0xcd: {  	v14 =	vadd.s32 $0x17A0, v4  }
0xce: {  	[tilespmem:v1+s17+$0x0] =	vst.idx.add.f32.msk vm0, v11;
	v1 =	vmul.f32 v10, v7;
	v10 =	vadd.s32 $0x1B90, v17  }
0xcf: {  	v11 =	vld.idx.msk [tilespmem:v12+s14+$0x0], $0xffff  }
0xd0: {  	[tilespmem:v0+s17+$0x0] =	vst.idx.add.f32.msk vm2, v1;
	v0 =	vmul.f32 v2, v18  }
0xd1: {  	v1 =	vadd.s32 $0x17A0, v9;
	v2 =	vld.idx.msk [tilespmem:v13+s14+$0x0], $0xffff  }
0xd2: {  	v12 =	vadd.s32 $0x1B90, v6;
	[tilespmem:v14+s17+$0x0] =	vst.idx.add.f32.msk vm1, v0  }
0xd3: {  	v0 =	vadd.s32 $0x17A0, v5;
	v10 =	vld.idx.msk [tilespmem:v10+s14+$0x0], $0xffff  }
0xd4: {  	vm3 =	vmmov vm1;
	v13 =	vadd.s32 $0x1B90, v3;
	v11 =	vmul.f32 v11, v8  }
0xd5: {  	v14 =	vadd.s32 $0x1B90, v4  }
0xd6: {  	[tilespmem:v1+s17+$0x0] =	vst.idx.add.f32.msk vm0, v11;
	v1 =	vmul.f32 v2, v7;
	v2 =	vadd.s32 $0x1F80, v17  }
0xd7: {  	v11 =	vld.idx.msk [tilespmem:v12+s14+$0x0], $0xffff  }
0xd8: {  	[tilespmem:v0+s17+$0x0] =	vst.idx.add.f32.msk vm2, v1;
	v0 =	vmul.f32 v10, v18  }
0xd9: {  	v1 =	vld.idx.msk [tilespmem:v13+s14+$0x0], $0xffff  }
0xda: {  	[tilespmem:v14+s17+$0x0] =	vst.idx.add.f32.msk vm3, v0  }
0xdb: {  	v10 =	vadd.s32 $0x1B90, v9;
	v2 =	vld.idx.msk [tilespmem:v2+s14+$0x0], $0xffff  }
0xdc: {  	v12 =	vadd.s32 $0x1B90, v5  }
0xdd: {  	v13 =	vadd.s32 $0x1F80, v4  }
0xde: {  	s23 =	simm.s32 $0x40;
	v14 =	vadd.s32 $0x2370, v17;
	v11 =	vmul.f32 v11, v8  }
0xdf: {  	v16 =	vld [tilespmem:s23+$0x10];
	v1 =	vmul.f32 v1, v7  }
0xe0: {  	[tilespmem:v10+s17+$0x0] =	vst.idx.add.f32.msk vm0, v11;
	v2 =	vmul.f32 v2, v18  }
0xe1: {  	[tilespmem:v12+s17+$0x0] =	vst.idx.add.f32.msk vm2, v1  }
0xe2: {  	v15 =	vadd.s32 $0x1F80, v3;
	[tilespmem:v13+s17+$0x0] =	vst.idx.add.f32.msk vm3, v2  }
0xe3: {  	s24 =	simm.s32 $0x6040;
	v0 =	vadd.s32 $0x1F80, v6;
	v1 =	vld.idx.msk [tilespmem:v14+s14+$0x0], $0xffff  }
0xe4: {  	v10 =	vld [tilespmem:s24+$0xFFFFFFF0]  }
0xe5: {  	v12 =	vadd.s32 $0x2370, v4;
	v13 =	vld [tilespmem:s24+$0x10]  }
0xe6: {  	v11 =	vld [tilespmem:s23+$0x0]  }
0xe7: {  	v2 =	vld.idx.msk [tilespmem:v15+s14+$0x0], $0xffff;
	v15 =	vadd.s32 $0x2760, v17  }
0xe8: {  	v0 =	vld.idx.msk [tilespmem:v0+s14+$0x0], $0xffff;
	v1 =	vmul.f32 v1, v18  }
0xe9: {  	v14 =	vld [tilespmem:s24+$0x0]  }
0xea: {  	[tilespmem:v12+s17+$0x0] =	vst.idx.add.f32.msk vm3, v1  }
0xeb: {  	v12 =	vld [tilespmem:s23+$0xFFFFFFF0]  }
0xec: {  	v1 =	vld.idx.msk [tilespmem:v15+s14+$0x0], $0xffff  }
0xed: {  	v19 =	vld.idx.msk [tilespmem:v13+s13+$0x0], $0xffff  }
0xee: {  	v20 =	vadd.s32 $0x2760, v4;
	v15 =	vld.idx.msk [tilespmem:v16+s11+$0x0], $0xffff  }
0xef: {  	v21 =	vld.idx.msk [tilespmem:v10+s13+$0x0], $0xffff  }
0xf0: {  	v22 =	vadd.s32 $0x2B50, v17;
	v23 =	vld.idx.msk [tilespmem:v11+s11+$0x0], $0xffff  }
0xf1: {  	v24 =	vld.idx.msk [tilespmem:v14+s13+$0x0], $0xffff;
	v1 =	vmul.f32 v1, v18  }
0xf2: {  	v25 =	vld.idx.msk [tilespmem:v13+s16+$0x0], $0xffff  }
0xf3: {  	[tilespmem:v20+s17+$0x0] =	vst.idx.add.f32.msk vm3, v1;
	v1 =	vadd.f32 v19, v15  }
0xf4: {  	v26 =	vadd.s32 $0x2370, v6;
	v15 =	vadd.s32 $0x1F80, v5;
	v27 =	vld.idx.msk [tilespmem:v12+s11+$0x0], $0xffff  }
0xf5: {  	v30 =	vadd.s32 $0x2B50, v4;
	v0 =	vmul.f32 v0, v8;
	v20 =	vld.idx.msk [tilespmem:v22+s14+$0x0], $0xffff;
	v28 =	vmul.f32 $2.000000030e-01, v1  }
0xf6: {  	v29 =	vld.idx.msk [tilespmem:v10+s16+$0x0], $0xffff;
	v23 =	vadd.f32 v24, v23;
	v19 =	vadd.s32 $0x2370, v3;
	vm1 =	vgt.f32 v1, $0.0e+00  }
0xf7: {  	v2 =	vmul.f32 v2, v7;
	(erf) = vrcp.f32 v25;
	v24 =	vld.idx.msk [tilespmem:v14+s16+$0x0], $0xffff;
	v1 =	vsel vm1, v1, v28  }
0xf8: {  	v31 =	vmul.f32 $2.000000030e-01, v23;
	v28 =	vadd.s32 $0x2F40, v17;
	v1 =	vmul.f32 $1.442695020e+00, v1  }
0xf9: {  	s19 =	simm.s32 $0x6070;
	v22 =	vadd.s32 $0x1F80, v9;
	vm1 =	vgt.f32 v23, $0.0e+00;
	[tilespmem:v15+s17+$0x0] =	vst.idx.add.f32.msk vm2, v2;
	v2 =	vadd.f32 v21, v27  }
0xfa: {  	v40 =	vld [tilespmem:s19+$0xFFFFFFF0];
	v15 =	vsel vm1, v23, v31;
	v20 =	vmul.f32 v20, v18;
	(erf) = vpow2.f32 v1  }
0xfb: {  	v15 =	vmul.f32 $1.442695020e+00, v15;
	v1 =	vld.idx.msk [tilespmem:v19+s14+$0x0], $0xffff;
	(erf) = vrcp.f32 v29  }
0xfc: {  	v19 =	vmul.f32 $2.000000030e-01, v2;
	[tilespmem:v30+s17+$0x0] =	vst.idx.add.f32.msk vm3, v20;
	(erf) = vrcp.f32 v24  }
0xfd: {  	vm1 =	vgt.f32 v2, $0.0e+00;
	v20 =	vld.idx.msk [tilespmem:v28+s14+$0x0], $0xffff;
	(erf) = vpow2.f32 v15  }
0xfe: {  	s25 =	simm.s32 $0x50;
	[tilespmem:v22+s17+$0x0] =	vst.idx.add.f32.msk vm0, v0;
	v0 =	vsel vm1, v2, v19;
	v15 =	vadd.s32 $0x2370, v5  }
0xff: {  	v25 =	vmov s25;
	v2 =	vld.idx.msk [tilespmem:v26+s14+$0x0], $0xffff;
	v19 =	vadd.s32 $0x2F40, v4;
	v0 =	vmul.f32 $1.442695020e+00, v0  }
0x100: {  	v23 =	vadd.s32 $0x3330, v17;
	v22 =	vld.idx.msk [tilespmem:v12+s14+$0x0], $0xffff  }
0x101: {  	v21 =	vadd.s32 $0x2370, v9;
	v24 =	vld.idx.msk [tilespmem:v16+s14+$0x0], $0xffff;
	v1 =	vmul.f32 v1, v7;
	(erf) = vpow2.f32 v0  }
0x102: {  	s26 =	simm.s32 $0x40;
	vm4 =	vlt.u32 v25, v62;
	v25 =	vpop (erf);
	v26 =	vld.idx.msk [tilespmem:v11+s14+$0x0], $0xffff;
	v0 =	vadd.s32 $0x2760, v3;
	v20 =	vmul.f32 v20, v18  }
0x103: {  	v27 =	vmov s26;
	[tilespmem:v15+s17+$0x0] =	vst.idx.add.f32.msk vm2, v1;
	v28 =	vpop (erf)  }
0x104: {  	v1 =	vmul.f32 v2, v8;
	[tilespmem:v19+s17+$0x0] =	vst.idx.add.f32.msk vm3, v20;
	v15 =	vmul.f32 v28, v25;
	v25 =	vadd.s32 $0x3F0, v16;
	v28 =	vpop (erf)  }
0x105: {  	vm1 =	vlt.u32 v27, v62;
	v19 =	vadd.s32 $0x2760, v6;
	v20 =	vld.idx.msk [tilespmem:v23+s14+$0x0], $0xffff;
	v2 =	vpop (erf)  }
0x106: {  	[tilespmem:v21+s17+$0x0] =	vst.idx.add.f32.msk vm0, v1;
	v23 =	vmul.f32 v15, v24;
	v24 =	vpop (erf)  }
0x107: {  	s28 =	simm.s32 $0x30;
	v1 =	vadd.s32 $0x3F0, v11;
	v0 =	vld.idx.msk [tilespmem:v0+s14+$0x0], $0xffff;
	v48 =	vmul.f32 v24, v2  }
0x108: {  	v21 =	vmov s28;
	[tilespmem:v13+s17+$0x0] =	vst.idx.add.f32.msk vm4, v23;
	v23 =	vadd.s32 $0x3330, v4  }
0x109: {  	vm6 =	vlt.u32 v21, v62;
	v21 =	vmul.f32 v48, v26;
	v24 =	vld.idx.msk [tilespmem:v25+s14+$0x0], $0xffff;
	v25 =	vadd.s32 $0x3720, v17  }
0x10a: {  	v19 =	vld.idx.msk [tilespmem:v19+s14+$0x0], $0xffff;
	v26 =	vpop (erf)  }
0x10b: {  	v27 =	vadd.s32 $0x3F0, v12;
	v20 =	vmul.f32 v20, v18;
	v32 =	vmul.f32 v26, v28;
	[tilespmem:v14+s17+$0x0] =	vst.idx.add.f32.msk vm1, v21  }
0x10c: {  	v21 =	vadd.s32 $0x3F0, v13;
	v1 =	vld.idx.msk [tilespmem:v1+s14+$0x0], $0xffff  }
0x10d: {  	v26 =	vadd.s32 $0x7E0, v16;
	v22 =	vmul.f32 v32, v22;
	[tilespmem:v23+s17+$0x0] =	vst.idx.add.f32.msk vm3, v20  }
0x10e: {  	v20 =	vadd.s32 $0x2760, v5;
	v23 =	vld.idx.msk [tilespmem:v25+s14+$0x0], $0xffff  }
0x10f: {  	v25 =	vadd.s32 $0x3F0, v14;
	[tilespmem:v10+s17+$0x0] =	vst.idx.add.f32.msk vm6, v22;
	v22 =	vmul.f32 v15, v24  }
0x110: {  	v24 =	vadd.s32 $0x7E0, v11;
	v27 =	vld.idx.msk [tilespmem:v27+s14+$0x0], $0xffff  }
0x111: {  	v0 =	vmul.f32 v0, v7;
	[tilespmem:v21+s17+$0x0] =	vst.idx.add.f32.msk vm4, v22;
	v21 =	vadd.s32 $0x3720, v4  }
0x112: {  	v17 =	vadd.s32 $0x3B10, v17;
	v1 =	vmul.f32 v48, v1;
	v22 =	vld.idx.msk [tilespmem:v26+s14+$0x0], $0xffff  }
0x113: {  	v26 =	vadd.s32 $0x3F0, v10;
	[tilespmem:v20+s17+$0x0] =	vst.idx.add.f32.msk vm2, v0  }
0x114: {  	v0 =	vadd.s32 $0x7E0, v12;
	[tilespmem:v25+s17+$0x0] =	vst.idx.add.f32.msk vm1, v1;
	v1 =	vmul.f32 v23, v18  }
0x115: {  	v23 =	vadd.s32 $0x7E0, v13;
	v20 =	vld.idx.msk [tilespmem:v24+s14+$0x0], $0xffff  }
0x116: {  	vm5 =	vmmov vm0;
	v25 =	vadd.s32 $0xBD0, v16;
	v24 =	vmul.f32 v32, v27;
	[tilespmem:v21+s17+$0x0] =	vst.idx.add.f32.msk vm3, v1  }
0x117: {  	vm0 =	vmmov vm1;
	v1 =	vadd.s32 $0x2760, v9;
	v17 =	vld.idx.msk [tilespmem:v17+s14+$0x0], $0xffff  }
0x118: {  	v21 =	vadd.s32 $0x7E0, v14;
	[tilespmem:v26+s17+$0x0] =	vst.idx.add.f32.msk vm6, v24;
	v22 =	vmul.f32 v15, v22  }
0x119: {  	v24 =	vadd.s32 $0xBD0, v11;
	v0 =	vld.idx.msk [tilespmem:v0+s14+$0x0], $0xffff  }
0x11a: {  	v19 =	vmul.f32 v19, v8;
	v4 =	vadd.s32 $0x3B10, v4;
	[tilespmem:v23+s17+$0x0] =	vst.idx.add.f32.msk vm4, v22  }
0x11b: {  	v22 =	vadd.s32 $0x2B50, v3;
	v20 =	vmul.f32 v48, v20;
	v23 =	vld.idx.msk [tilespmem:v25+s14+$0x0], $0xffff  }
0x11c: {  	v25 =	vadd.s32 $0x7E0, v10;
	[tilespmem:v1+s17+$0x0] =	vst.idx.add.f32.msk vm5, v19  }
0x11d: {  	v1 =	vadd.s32 $0xBD0, v12;
	[tilespmem:v21+s17+$0x0] =	vst.idx.add.f32.msk vm0, v20;
	v17 =	vmul.f32 v17, v18  }
0x11e: {  	v19 =	vadd.s32 $0xBD0, v13;
	v18 =	vld.idx.msk [tilespmem:v24+s14+$0x0], $0xffff  }
0x11f: {  	v20 =	vadd.s32 $0xFC0, v16;
	v0 =	vmul.f32 v32, v0;
	[tilespmem:v4+s17+$0x0] =	vst.idx.add.f32.msk vm3, v17  }
0x120: {  	v4 =	vadd.s32 $0x2B50, v6;
	v17 =	vld.idx.msk [tilespmem:v22+s14+$0x0], $0xffff  }
0x121: {  	v21 =	vadd.s32 $0xBD0, v14;
	[tilespmem:v25+s17+$0x0] =	vst.idx.add.f32.msk vm6, v0;
	v0 =	vmul.f32 v23, v15  }
0x122: {  	vm2 =	vmmov vm2;
	v22 =	vadd.s32 $0xFC0, v11;
	v1 =	vld.idx.msk [tilespmem:v1+s14+$0x0], $0xffff  }
0x123: {  	v23 =	vadd.s32 $0x2B50, v5;
	[tilespmem:v19+s17+$0x0] =	vst.idx.add.f32.msk vm4, v0  }
0x124: {  	vm1 =	vmmov vm6;
	v0 =	vadd.s32 $0x2F40, v3;
	v18 =	vmul.f32 v18, v48;
	v19 =	vld.idx.msk [tilespmem:v20+s14+$0x0], $0xffff  }
0x125: {  	v20 =	vadd.s32 $0xBD0, v10;
	v4 =	vld.idx.msk [tilespmem:v4+s14+$0x0], $0xffff  }
0x126: {  	v24 =	vadd.s32 $0xFC0, v12;
	v17 =	vmul.f32 v17, v7;
	[tilespmem:v21+s17+$0x0] =	vst.idx.add.f32.msk vm0, v18  }
0x127: {  	v21 =	vadd.s32 $0xFC0, v13;
	v18 =	vld.idx.msk [tilespmem:v22+s14+$0x0], $0xffff  }
0x128: {  	v1 =	vmul.f32 v1, v32;
	v22 =	vadd.s32 $0x13B0, v16;
	[tilespmem:v23+s17+$0x0] =	vst.idx.add.f32.msk vm2, v17  }
0x129: {  	v17 =	vadd.s32 $0x2B50, v9;
	v0 =	vld.idx.msk [tilespmem:v0+s14+$0x0], $0xffff  }
0x12a: {  	v23 =	vadd.s32 $0xFC0, v14;
	[tilespmem:v20+s17+$0x0] =	vst.idx.add.f32.msk vm1, v1;
	v1 =	vmul.f32 v19, v15  }
0x12b: {  	v19 =	vadd.s32 $0x13B0, v11;
	v20 =	vld.idx.msk [tilespmem:v24+s14+$0x0], $0xffff  }
0x12c: {  	v24 =	vadd.s32 $0x2F40, v6;
	v4 =	vmul.f32 v4, v8;
	[tilespmem:v21+s17+$0x0] =	vst.idx.add.f32.msk vm4, v1  }
0x12d: {  	v1 =	vadd.s32 $0x2F40, v5;
	v18 =	vmul.f32 v18, v48;
	v21 =	vld.idx.msk [tilespmem:v22+s14+$0x0], $0xffff  }
0x12e: {  	v22 =	vadd.s32 $0xFC0, v10;
	[tilespmem:v17+s17+$0x0] =	vst.idx.add.f32.msk vm5, v4  }
0x12f: {  	v4 =	vadd.s32 $0x13B0, v12;
	[tilespmem:v23+s17+$0x0] =	vst.idx.add.f32.msk vm0, v18  }
0x130: {  	v0 =	vmul.f32 v0, v7;
	v18 =	vadd.s32 $0x13B0, v13;
	v17 =	vld.idx.msk [tilespmem:v19+s14+$0x0], $0xffff  }
0x131: {  	v19 =	vmul.f32 v20, v32;
	v20 =	vadd.s32 $0x17A0, v16;
	v23 =	vld.idx.msk [tilespmem:v24+s14+$0x0], $0xffff  }
0x132: {  	v24 =	vadd.s32 $0x3330, v3;
	[tilespmem:v1+s17+$0x0] =	vst.idx.add.f32.msk vm2, v0  }
0x133: {  	v0 =	vadd.s32 $0x13B0, v14;
	[tilespmem:v22+s17+$0x0] =	vst.idx.add.f32.msk vm1, v19;
	v1 =	vmul.f32 v21, v15  }
0x134: {  	v21 =	vadd.s32 $0x2F40, v9;
	v4 =	vld.idx.msk [tilespmem:v4+s14+$0x0], $0xffff  }
0x135: {  	v19 =	vadd.s32 $0x17A0, v11;
	[tilespmem:v18+s17+$0x0] =	vst.idx.add.f32.msk vm4, v1  }
0x136: {  	v1 =	vadd.s32 $0x3330, v6;
	v17 =	vmul.f32 v17, v48;
	v18 =	vld.idx.msk [tilespmem:v20+s14+$0x0], $0xffff  }
0x137: {  	v20 =	vadd.s32 $0x13B0, v10;
	v22 =	vld.idx.msk [tilespmem:v24+s14+$0x0], $0xffff;
	v23 =	vmul.f32 v23, v8  }
0x138: {  	vm6 =	vmmov vm4;
	v24 =	vadd.s32 $0x17A0, v12;
	[tilespmem:v0+s17+$0x0] =	vst.idx.add.f32.msk vm0, v17  }
0x139: {  	v17 =	vadd.s32 $0x17A0, v13;
	[tilespmem:v21+s17+$0x0] =	vst.idx.add.f32.msk vm5, v23  }
0x13a: {  	v21 =	vadd.s32 $0x3330, v5;
	v0 =	vld.idx.msk [tilespmem:v19+s14+$0x0], $0xffff;
	v4 =	vmul.f32 v4, v32  }
0x13b: {  	v19 =	vadd.s32 $0x1B90, v16;
	v1 =	vld.idx.msk [tilespmem:v1+s14+$0x0], $0xffff  }
0x13c: {  	v23 =	vadd.s32 $0x17A0, v14;
	[tilespmem:v20+s17+$0x0] =	vst.idx.add.f32.msk vm1, v4;
	v4 =	vmul.f32 v18, v15  }
0x13d: {  	v18 =	vadd.s32 $0x1B90, v11;
	v22 =	vmul.f32 v22, v7;
	v20 =	vld.idx.msk [tilespmem:v24+s14+$0x0], $0xffff  }
0x13e: {  	v24 =	vadd.s32 $0x3330, v9;
	[tilespmem:v17+s17+$0x0] =	vst.idx.add.f32.msk vm6, v4  }
0x13f: {  	v4 =	vadd.s32 $0x3720, v3;
	[tilespmem:v21+s17+$0x0] =	vst.idx.add.f32.msk vm2, v22;
	v0 =	vmul.f32 v0, v48  }
0x140: {  	v17 =	vld.idx.msk [tilespmem:v19+s14+$0x0], $0xffff;
	v19 =	vadd.s32 $0x17A0, v10  }
0x141: {  	v21 =	vadd.s32 $0x1B90, v12;
	[tilespmem:v23+s17+$0x0] =	vst.idx.add.f32.msk vm0, v0;
	v0 =	vmul.f32 v1, v8  }
0x142: {  	v1 =	vld.idx.msk [tilespmem:v18+s14+$0x0], $0xffff;
	v18 =	vadd.s32 $0x1B90, v13  }
0x143: {  	v22 =	vadd.s32 $0x1F80, v16;
	v20 =	vmul.f32 v20, v32;
	[tilespmem:v24+s17+$0x0] =	vst.idx.add.f32.msk vm5, v0  }
0x144: {  	v4 =	vld.idx.msk [tilespmem:v4+s14+$0x0], $0xffff  }
0x145: {  	v23 =	vadd.s32 $0x1B90, v14;
	[tilespmem:v19+s17+$0x0] =	vst.idx.add.f32.msk vm1, v20;
	v17 =	vmul.f32 v17, v15  }
0x146: {  	v0 =	vadd.s32 $0x3720, v6;
	v20 =	vld.idx.msk [tilespmem:v21+s14+$0x0], $0xffff  }
0x147: {  	v21 =	vadd.s32 $0x3720, v5;
	[tilespmem:v18+s17+$0x0] =	vst.idx.add.f32.msk vm6, v17  }
0x148: {  	s29 =	simm.s32 $0x70;
	v3 =	vadd.s32 $0x3B10, v3;
	v1 =	vmul.f32 v1, v48;
	v17 =	vld.idx.msk [tilespmem:v22+s14+$0x0], $0xffff  }
0x149: {  	v2 =	vld [tilespmem:s29+$0xFFFFFFF0];
	v18 =	vadd.s32 $0x1B90, v10  }
0x14a: {  	[tilespmem:v23+s17+$0x0] =	vst.idx.add.f32.msk vm0, v1;
	v1 =	vmul.f32 v4, v7;
	v4 =	vadd.s32 $0x1F80, v13  }
0x14b: {  	v0 =	vld.idx.msk [tilespmem:v0+s14+$0x0], $0xffff  }
0x14c: {  	v23 =	vadd.s32 $0x2370, v16;
	v20 =	vmul.f32 v20, v32;
	[tilespmem:v21+s17+$0x0] =	vst.idx.add.f32.msk vm2, v1  }
0x14d: {  	v21 =	vld.idx.msk [tilespmem:v3+s14+$0x0], $0xffff;
	v3 =	vmul.f32 v17, v15  }
0x14e: {  	v1 =	vadd.s32 $0x3720, v9;
	[tilespmem:v18+s17+$0x0] =	vst.idx.add.f32.msk vm1, v20  }
0x14f: {  	[tilespmem:v4+s17+$0x0] =	vst.idx.add.f32.msk vm6, v3  }
0x150: {  	v4 =	vld [tilespmem:s29+$0x10]  }
0x151: {  	v0 =	vmul.f32 v0, v8;
	v18 =	vld.idx.msk [tilespmem:v23+s14+$0x0], $0xffff  }
0x152: {  	v22 =	vadd.s32 $0x1F80, v12;
	v3 =	vld [tilespmem:s19+$0x10]  }
0x153: {  	[tilespmem:v1+s17+$0x0] =	vst.idx.add.f32.msk vm5, v0;
	v0 =	vadd.s32 $0x2370, v13  }
0x154: {  	v41 =	vld [tilespmem:s29+$0x0];
	v20 =	vadd.s32 $0x2760, v16  }
0x155: {  	v29 =	vld.idx.msk [tilespmem:v2+s11+$0x0], $0xffff  }
0x156: {  	v1 =	vld [tilespmem:s19+$0x0];
	v18 =	vmul.f32 v18, v15  }
0x157: {  	v19 =	vadd.s32 $0x1F80, v11;
	v17 =	vld.idx.msk [tilespmem:v22+s14+$0x0], $0xffff  }
0x158: {  	[tilespmem:v0+s17+$0x0] =	vst.idx.add.f32.msk vm6, v18  }
0x159: {  	v0 =	vld.idx.msk [tilespmem:v20+s14+$0x0], $0xffff  }
0x15a: {  	v18 =	vld.idx.msk [tilespmem:v4+s11+$0x0], $0xffff  }
0x15b: {  	v22 =	vadd.s32 $0x2760, v13;
	v20 =	vld.idx.msk [tilespmem:v3+s13+$0x0], $0xffff  }
0x15c: {  	v19 =	vld.idx.msk [tilespmem:v19+s14+$0x0], $0xffff  }
0x15d: {  	v25 =	vld.idx.msk [tilespmem:v41+s11+$0x0], $0xffff;
	v24 =	vadd.s32 $0x2B50, v16  }
0x15e: {  	v26 =	vld.idx.msk [tilespmem:v1+s13+$0x0], $0xffff;
	v0 =	vmul.f32 v0, v15  }
0x15f: {  	v27 =	vld.idx.msk [tilespmem:v3+s16+$0x0], $0xffff  }
0x160: {  	v28 =	vadd.s32 $0x1F80, v14;
	[tilespmem:v22+s17+$0x0] =	vst.idx.add.f32.msk vm6, v0;
	v0 =	vadd.f32 v20, v18  }
0x161: {  	v33 =	vadd.s32 $0x2B50, v13;
	v19 =	vmul.f32 v19, v48;
	v23 =	vld.idx.msk [tilespmem:v40+s13+$0x0], $0xffff;
	v18 =	vadd.s32 $0x1F80, v10  }
0x162: {  	v5 =	vadd.s32 $0x3B10, v5;
	v7 =	vmul.f32 v21, v7;
	v20 =	vld.idx.msk [tilespmem:v24+s14+$0x0], $0xffff;
	v30 =	vmul.f32 $2.000000030e-01, v0  }
0x163: {  	v31 =	vld.idx.msk [tilespmem:v40+s16+$0x0], $0xffff;
	v25 =	vadd.f32 v26, v25;
	v22 =	vadd.s32 $0x2370, v12;
	vm3 =	vgt.f32 v0, $0.0e+00  }
0x164: {  	v17 =	vmul.f32 v17, v32;
	(erf) = vrcp.f32 v27;
	v26 =	vld.idx.msk [tilespmem:v1+s16+$0x0], $0xffff;
	v0 =	vsel vm3, v0, v30  }
0x165: {  	[tilespmem:v28+s17+$0x0] =	vst.idx.add.f32.msk vm0, v19;
	v19 =	vadd.s32 $0x2F40, v16;
	v28 =	vmul.f32 $2.000000030e-01, v25;
	v0 =	vmul.f32 $1.442695020e+00, v0  }
0x166: {  	v24 =	vadd.s32 $0x2370, v11;
	vm3 =	vgt.f32 v25, $0.0e+00;
	[tilespmem:v18+s17+$0x0] =	vst.idx.add.f32.msk vm1, v17;
	v17 =	vadd.f32 v23, v29  }
0x167: {  	[tilespmem:v5+s17+$0x0] =	vst.idx.add.f32.msk vm2, v7;
	v18 =	vsel vm3, v25, v28;
	v20 =	vmul.f32 v20, v15;
	(erf) = vpow2.f32 v0  }
0x168: {  	v18 =	vmul.f32 $1.442695020e+00, v18;
	v0 =	vadd.s32 $0x3B10, v6;
	v6 =	vld.idx.msk [tilespmem:v22+s14+$0x0], $0xffff;
	(erf) = vrcp.f32 v31  }
0x169: {  	[tilespmem:v33+s17+$0x0] =	vst.idx.add.f32.msk vm6, v20;
	v20 =	vmul.f32 $2.000000030e-01, v17;
	(erf) = vrcp.f32 v26  }
0x16a: {  	vm3 =	vgt.f32 v17, $0.0e+00;
	v19 =	vld.idx.msk [tilespmem:v19+s14+$0x0], $0xffff;
	(erf) = vpow2.f32 v18  }
0x16b: {  	v30 =	vld.idx.msk [tilespmem:v2+s14+$0x0], $0xffff;
	v18 =	vadd.s32 $0x2370, v10;
	v17 =	vsel vm3, v17, v20  }
0x16c: {  	s30 =	simm.s32 $0x80;
	v23 =	vadd.s32 $0x2F40, v13;
	v20 =	vld.idx.msk [tilespmem:v24+s14+$0x0], $0xffff;
	v17 =	vmul.f32 $1.442695020e+00, v17  }
0x16d: {  	v21 =	vadd.s32 $0x3330, v16;
	v25 =	vld.idx.msk [tilespmem:v4+s14+$0x0], $0xffff;
	v26 =	vmov s30;
	v24 =	vadd.s32 $0x2370, v14  }
0x16e: {  	s31 =	simm.s32 $0x70;
	v22 =	vld.idx.msk [tilespmem:v41+s14+$0x0], $0xffff;
	vm7 =	vlt.u32 v26, v62;
	v6 =	vmul.f32 v6, v32;
	(erf) = vpow2.f32 v17  }
0x16f: {  	v5 =	vpop (erf);
	v0 =	vld.idx.msk [tilespmem:v0+s14+$0x0], $0xffff;
	v17 =	vadd.s32 $0x2760, v12;
	v7 =	vmul.f32 v19, v15;
	v19 =	vmov s31  }
0x170: {  	[tilespmem:v18+s17+$0x0] =	vst.idx.add.f32.msk vm1, v6;
	v26 =	vpop (erf)  }
0x171: {  	v6 =	vmul.f32 v20, v48;
	[tilespmem:v23+s17+$0x0] =	vst.idx.add.f32.msk vm6, v7;
	v7 =	vadd.s32 $0x2760, v11;
	v5 =	vmul.f32 v26, v5;
	v20 =	vpop (erf)  }
0x172: {  	v18 =	vadd.s32 $0x3F0, v4;
	vm2 =	vlt.u32 v19, v62;
	v21 =	vld.idx.msk [tilespmem:v21+s14+$0x0], $0xffff;
	v19 =	vpop (erf)  }
0x173: {  	[tilespmem:v24+s17+$0x0] =	vst.idx.add.f32.msk vm0, v6;
	v23 =	vmul.f32 v5, v25;
	v25 =	vpop (erf)  }
0x174: {  	s20 =	simm.s32 $0x60;
	v24 =	vadd.s32 $0x3F0, v41;
	v17 =	vld.idx.msk [tilespmem:v17+s14+$0x0], $0xffff;
	v6 =	vmul.f32 v25, v19  }
0x175: {  	v19 =	vmov s20;
	[tilespmem:v3+s17+$0x0] =	vst.idx.add.f32.msk vm7, v23;
	v23 =	vadd.s32 $0x3330, v13  }
0x176: {  	vm4 =	vlt.u32 v19, v62;
	v26 =	vld.idx.msk [tilespmem:v7+s14+$0x0], $0xffff;
	v19 =	vmul.f32 v6, v22;
	v22 =	vadd.s32 $0x3720, v16  }
0x177: {  	v18 =	vld.idx.msk [tilespmem:v18+s14+$0x0], $0xffff;
	v25 =	vpop (erf)  }
0x178: {  	v27 =	vadd.s32 $0x3F0, v2;
	v7 =	vmul.f32 v25, v20;
	[tilespmem:v1+s17+$0x0] =	vst.idx.add.f32.msk vm2, v19;
	v19 =	vmul.f32 v21, v15  }
0x179: {  	v21 =	vadd.s32 $0x3F0, v3;
	v20 =	vld.idx.msk [tilespmem:v24+s14+$0x0], $0xffff  }
0x17a: {  	v25 =	vadd.s32 $0x7E0, v4;
	v24 =	vmul.f32 v7, v30;
	[tilespmem:v23+s17+$0x0] =	vst.idx.add.f32.msk vm6, v19  }
0x17b: {  	v19 =	vadd.s32 $0x2760, v10;
	v22 =	vld.idx.msk [tilespmem:v22+s14+$0x0], $0xffff  }
0x17c: {  	v23 =	vadd.s32 $0x3F0, v1;
	[tilespmem:v40+s17+$0x0] =	vst.idx.add.f32.msk vm4, v24;
	v18 =	vmul.f32 v5, v18  }
0x17d: {  	v24 =	vadd.s32 $0x7E0, v41;
	v27 =	vld.idx.msk [tilespmem:v27+s14+$0x0], $0xffff  }
0x17e: {  	v17 =	vmul.f32 v17, v32;
	[tilespmem:v21+s17+$0x0] =	vst.idx.add.f32.msk vm7, v18;
	v18 =	vadd.s32 $0x3720, v13  }
0x17f: {  	v16 =	vadd.s32 $0x3B10, v16;
	v20 =	vmul.f32 v6, v20;
	v21 =	vld.idx.msk [tilespmem:v25+s14+$0x0], $0xffff  }
0x180: {  	v25 =	vadd.s32 $0x3F0, v40;
	[tilespmem:v19+s17+$0x0] =	vst.idx.add.f32.msk vm1, v17  }
0x181: {  	v17 =	vadd.s32 $0x7E0, v2;
	[tilespmem:v23+s17+$0x0] =	vst.idx.add.f32.msk vm2, v20;
	v19 =	vmul.f32 v22, v15  }
0x182: {  	v22 =	vadd.s32 $0x7E0, v3;
	v20 =	vld.idx.msk [tilespmem:v24+s14+$0x0], $0xffff  }
0x183: {  	vm0 =	vmmov vm0;
	v23 =	vmul.f32 v7, v27;
	v24 =	vadd.s32 $0xBD0, v4;
	[tilespmem:v18+s17+$0x0] =	vst.idx.add.f32.msk vm6, v19  }
0x184: {  	vm3 =	vmmov vm2;
	v18 =	vadd.s32 $0x2760, v14;
	v16 =	vld.idx.msk [tilespmem:v16+s14+$0x0], $0xffff  }
0x185: {  	v19 =	vadd.s32 $0x7E0, v1;
	[tilespmem:v25+s17+$0x0] =	vst.idx.add.f32.msk vm4, v23;
	v21 =	vmul.f32 v5, v21  }
0x186: {  	v25 =	vadd.s32 $0x2B50, v12;
	v17 =	vld.idx.msk [tilespmem:v17+s14+$0x0], $0xffff  }
0x187: {  	v26 =	vmul.f32 v26, v48;
	v23 =	vadd.s32 $0xBD0, v41;
	[tilespmem:v22+s17+$0x0] =	vst.idx.add.f32.msk vm7, v21  }
0x188: {  	v13 =	vadd.s32 $0x3B10, v13;
	v20 =	vmul.f32 v6, v20;
	v22 =	vld.idx.msk [tilespmem:v24+s14+$0x0], $0xffff  }
0x189: {  	v21 =	vadd.s32 $0x7E0, v40;
	[tilespmem:v18+s17+$0x0] =	vst.idx.add.f32.msk vm0, v26  }
0x18a: {  	v24 =	vadd.s32 $0xBD0, v2;
	[tilespmem:v19+s17+$0x0] =	vst.idx.add.f32.msk vm3, v20  }
0x18b: {  	v18 =	vadd.s32 $0xBD0, v3;
	v25 =	vld.idx.msk [tilespmem:v25+s14+$0x0], $0xffff;
	v15 =	vmul.f32 v16, v15  }
0x18c: {  	v20 =	vadd.s32 $0xFC0, v4;
	v19 =	vld.idx.msk [tilespmem:v23+s14+$0x0], $0xffff;
	v17 =	vmul.f32 v7, v17  }
0x18d: {  	v23 =	vadd.s32 $0x2B50, v11;
	[tilespmem:v13+s17+$0x0] =	vst.idx.add.f32.msk vm6, v15  }
0x18e: {  	v26 =	vadd.s32 $0xBD0, v1;
	[tilespmem:v21+s17+$0x0] =	vst.idx.add.f32.msk vm4, v17;
	v17 =	vmul.f32 v22, v5  }
0x18f: {  	vm2 =	vmmov vm4;
	v21 =	vadd.s32 $0xFC0, v41;
	vm4 =	vmmov vm1;
	v22 =	vld.idx.msk [tilespmem:v24+s14+$0x0], $0xffff  }
0x190: {  	v24 =	vadd.s32 $0x2B50, v10;
	[tilespmem:v18+s17+$0x0] =	vst.idx.add.f32.msk vm7, v17  }
0x191: {  	v17 =	vadd.s32 $0x2F40, v12;
	v18 =	vmul.f32 v19, v6;
	v19 =	vld.idx.msk [tilespmem:v20+s14+$0x0], $0xffff  }
0x192: {  	v20 =	vadd.s32 $0xBD0, v40;
	v23 =	vld.idx.msk [tilespmem:v23+s14+$0x0], $0xffff  }
0x193: {  	v27 =	vadd.s32 $0xFC0, v2;
	[tilespmem:v26+s17+$0x0] =	vst.idx.add.f32.msk vm3, v18;
	v18 =	vmul.f32 v25, v32  }
0x194: {  	v25 =	vadd.s32 $0xFC0, v3;
	v21 =	vld.idx.msk [tilespmem:v21+s14+$0x0], $0xffff  }
0x195: {  	v26 =	vadd.s32 $0x13B0, v4;
	v22 =	vmul.f32 v22, v7;
	[tilespmem:v24+s17+$0x0] =	vst.idx.add.f32.msk vm4, v18  }
0x196: {  	v18 =	vadd.s32 $0x2B50, v14;
	v17 =	vld.idx.msk [tilespmem:v17+s14+$0x0], $0xffff  }
0x197: {  	v24 =	vadd.s32 $0xFC0, v1;
	[tilespmem:v20+s17+$0x0] =	vst.idx.add.f32.msk vm2, v22;
	v19 =	vmul.f32 v19, v5  }
0x198: {  	v20 =	vadd.s32 $0x13B0, v41;
	v22 =	vld.idx.msk [tilespmem:v27+s14+$0x0], $0xffff  }
0x199: {  	v23 =	vmul.f32 v23, v48;
	v27 =	vadd.s32 $0x2F40, v11;
	[tilespmem:v25+s17+$0x0] =	vst.idx.add.f32.msk vm7, v19  }
0x19a: {  	v19 =	vadd.s32 $0x2F40, v10;
	v21 =	vmul.f32 v21, v6;
	v25 =	vld.idx.msk [tilespmem:v26+s14+$0x0], $0xffff  }
0x19b: {  	v26 =	vadd.s32 $0xFC0, v40;
	[tilespmem:v18+s17+$0x0] =	vst.idx.add.f32.msk vm0, v23  }
0x19c: {  	v18 =	vadd.s32 $0x13B0, v2;
	[tilespmem:v24+s17+$0x0] =	vst.idx.add.f32.msk vm3, v21  }
0x19d: {  	v17 =	vmul.f32 v17, v32;
	v21 =	vadd.s32 $0x13B0, v3;
	v20 =	vld.idx.msk [tilespmem:v20+s14+$0x0], $0xffff  }
0x19e: {  	v23 =	vadd.s32 $0x17A0, v4;
	v22 =	vmul.f32 v22, v7;
	v24 =	vld.idx.msk [tilespmem:v27+s14+$0x0], $0xffff  }
0x19f: {  	v27 =	vadd.s32 $0x3330, v12;
	[tilespmem:v19+s17+$0x0] =	vst.idx.add.f32.msk vm4, v17  }
0x1a0: {  	v17 =	vadd.s32 $0x13B0, v1;
	[tilespmem:v26+s17+$0x0] =	vst.idx.add.f32.msk vm2, v22;
	v19 =	vmul.f32 v25, v5  }
0x1a1: {  	v25 =	vadd.s32 $0x2F40, v14;
	v18 =	vld.idx.msk [tilespmem:v18+s14+$0x0], $0xffff  }
0x1a2: {  	v22 =	vadd.s32 $0x17A0, v41;
	[tilespmem:v21+s17+$0x0] =	vst.idx.add.f32.msk vm7, v19  }
0x1a3: {  	v19 =	vadd.s32 $0x3330, v11;
	v20 =	vmul.f32 v20, v6;
	v21 =	vld.idx.msk [tilespmem:v23+s14+$0x0], $0xffff  }
0x1a4: {  	v23 =	vadd.s32 $0x13B0, v40;
	v26 =	vld.idx.msk [tilespmem:v27+s14+$0x0], $0xffff;
	v24 =	vmul.f32 v24, v48  }
0x1a5: {  	vm1 =	vmmov vm7;
	v27 =	vadd.s32 $0x17A0, v2;
	[tilespmem:v17+s17+$0x0] =	vst.idx.add.f32.msk vm3, v20  }
0x1a6: {  	v20 =	vadd.s32 $0x17A0, v3;
	[tilespmem:v25+s17+$0x0] =	vst.idx.add.f32.msk vm0, v24  }
0x1a7: {  	v24 =	vadd.s32 $0x3330, v10;
	v17 =	vld.idx.msk [tilespmem:v22+s14+$0x0], $0xffff;
	v18 =	vmul.f32 v18, v7  }
0x1a8: {  	v22 =	vadd.s32 $0x1B90, v4;
	v19 =	vld.idx.msk [tilespmem:v19+s14+$0x0], $0xffff  }
0x1a9: {  	v25 =	vadd.s32 $0x17A0, v1;
	[tilespmem:v23+s17+$0x0] =	vst.idx.add.f32.msk vm2, v18;
	v18 =	vmul.f32 v21, v5  }
0x1aa: {  	v21 =	vadd.s32 $0x1B90, v41;
	v26 =	vmul.f32 v26, v32;
	v23 =	vld.idx.msk [tilespmem:v27+s14+$0x0], $0xffff  }
0x1ab: {  	v27 =	vadd.s32 $0x3330, v14;
	[tilespmem:v20+s17+$0x0] =	vst.idx.add.f32.msk vm1, v18  }
0x1ac: {  	v18 =	vadd.s32 $0x3720, v12;
	[tilespmem:v24+s17+$0x0] =	vst.idx.add.f32.msk vm4, v26;
	v17 =	vmul.f32 v17, v6  }
0x1ad: {  	v63 =	vadd.s32 $0x3B10, v9;
	v38 =	vadd.s32 $0x2370, v40;
	v9 =	vadd.s32 $0x17A0, v40;
	v20 =	vld.idx.msk [tilespmem:v22+s14+$0x0], $0xffff  }
0x1ae: {  	v52 =	vadd.s32 $0x2760, v40;
	v24 =	vadd.s32 $0x1B90, v2;
	[tilespmem:v25+s17+$0x0] =	vst.idx.add.f32.msk vm3, v17;
	v17 =	vmul.f32 v19, v48  }
0x1af: {  	v42 =	vadd.s32 $0x2F40, v40;
	v37 =	vadd.s32 $0x2760, v41;
	v25 =	vadd.s32 $0x1B90, v3;
	v21 =	vld.idx.msk [tilespmem:v21+s14+$0x0], $0xffff  }
0x1b0: {  	v39 =	vadd.s32 $0x3720, v14;
	v26 =	vadd.s32 $0x1F80, v4;
	v23 =	vmul.f32 v23, v7;
	[tilespmem:v27+s17+$0x0] =	vst.idx.add.f32.msk vm0, v17  }
0x1b1: {  	v28 =	vadd.s32 $0x3B10, v10;
	v22 =	vadd.s32 $0x3720, v11;
	v19 =	vadd.s32 $0x3720, v10;
	v10 =	vld.idx.msk [tilespmem:v18+s14+$0x0], $0xffff  }
0x1b2: {  	v27 =	vadd.s32 $0x3B10, v14;
	v14 =	vadd.s32 $0x1B90, v1;
	[tilespmem:v9+s17+$0x0] =	vst.idx.add.f32.msk vm2, v23;
	v9 =	vmul.f32 v20, v5  }
0x1b3: {  	v43 =	vadd.s32 $0x2B50, v41;
	v45 =	vadd.s32 $0x3B10, v11;
	v17 =	vadd.s32 $0x1F80, v41;
	v18 =	vld.idx.msk [tilespmem:v24+s14+$0x0], $0xffff  }
0x1b4: {  	v50 =	vadd.s32 $0x2370, v2;
	v35 =	vadd.s32 $0x2760, v2;
	v47 =	vadd.s32 $0x2B50, v2;
	[tilespmem:v25+s17+$0x0] =	vst.idx.add.f32.msk vm1, v9  }
0x1b5: {  	v49 =	vadd.s32 $0x3330, v2;
	v12 =	vadd.s32 $0x3B10, v12;
	v9 =	vmul.f32 v21, v6;
	v20 =	vld.idx.msk [tilespmem:v26+s14+$0x0], $0xffff  }
0x1b6: {  	vm5 =	vmmov vm5;
	v44 =	vadd.s32 $0x1F80, v1;
	v11 =	vadd.s32 $0x1B90, v40;
	v25 =	vld.idx.msk [tilespmem:v22+s14+$0x0], $0xffff  }
0x1b7: {  	v34 =	vadd.s32 $0x2370, v1;
	[tilespmem:v14+s17+$0x0] =	vst.idx.add.f32.msk vm3, v9;
	v9 =	vmul.f32 v10, v32;
	v14 =	vadd.s32 $0x1F80, v3  }
0x1b8: {  	v29 =	vadd.s32 $0x2370, v41;
	v33 =	vadd.s32 $0x1F80, v40;
	v31 =	vadd.s32 $0x2760, v1;
	v10 =	vld.idx.msk [tilespmem:v17+s14+$0x0], $0xffff  }
0x1b9: {  	v30 =	vadd.s32 $0x2F40, v41;
	v23 =	vadd.s32 $0x1F80, v2;
	v13 =	vmul.f32 v18, v7;
	[tilespmem:v19+s17+$0x0] =	vst.idx.add.f32.msk vm4, v9  }
0x1ba: {  	v16 =	vadd.s32 $0x3330, v1;
	v15 =	vadd.s32 $0x2F40, v1;
	v9 =	vld.idx.msk [tilespmem:v12+s14+$0x0], $0xffff;
	v12 =	vmul.f32 v20, v5  }
0x1bb: {  	v24 =	vadd.s32 $0x2B50, v1;
	[tilespmem:v11+s17+$0x0] =	vst.idx.add.f32.msk vm2, v13;
	v11 =	vadd.s32 $0x2370, v4;
	v13 =	vmul.f32 v25, v48  }
0x1bc: {  	v22 =	vadd.s32 $0x2F40, v2;
	v26 =	vadd.s32 $0x2B50, v40;
	v17 =	vadd.s32 $0x3330, v40;
	[tilespmem:v14+s17+$0x0] =	vst.idx.add.f32.msk vm1, v12  }
0x1bd: {  	v18 =	vadd.s32 $0x3720, v41;
	v19 =	vadd.s32 $0x3720, v2;
	[tilespmem:v39+s17+$0x0] =	vst.idx.add.f32.msk vm0, v13;
	v10 =	vmul.f32 v10, v6  }
0x1be: {  	v2 =	vadd.s32 $0x3B10, v2;
	v25 =	vadd.s32 $0x3330, v41;
	v39 =	vmul.f32 v0, v8;
	v8 =	vld.idx.msk [tilespmem:v23+s14+$0x0], $0xffff  }
0x1bf: {  	v41 =	vadd.s32 $0x3B10, v41;
	v14 =	vadd.s32 $0x3720, v40;
	v12 =	vadd.s32 $0x3720, v1;
	[tilespmem:v44+s17+$0x0] =	vst.idx.add.f32.msk vm3, v10  }
0x1c0: {  	s22 =	simm.s32 $0xA0;
	s21 =	simm.s32 $0x6;
	v40 =	vadd.s32 $0x3B10, v40;
	v46 =	vmul.f32 v9, v32;
	v32 =	vadd.s32 $0x3B10, v1;
	v1 =	vld.idx.msk [tilespmem:v11+s14+$0x0], $0xffff  }
.LBB2_8:
0x1c1: {  	v44 =	vld [tilespmem:s22+$0x10];
	s19 =	sadd.s32 $0x30, s19  }
0x1c2: {  	[tilespmem:$0x1FD50] =	vst v52;
	v9 =	vadd.s32 $0x2370, v3;
	v0 =	vld [tilespmem:s19+$0x10]  }
0x1c3: {  	[tilespmem:$0x1FD80] =	vst v31;
	v10 =	vadd.s32 $0x2760, v4;
	v31 =	vmov v48;
	v48 =	vld [tilespmem:s19+$0xFFFFFFF0]  }
0x1c4: {  	[tilespmem:$0x1FF20] =	vst v16;
	v51 =	vld [tilespmem:s22+$0xFFFFFFF0]  }
0x1c5: {  	[tilespmem:$0x1FEC0] =	vst v15;
	v54 =	vld [tilespmem:s22+$0x0];
	v1 =	vmul.f32 v1, v5  }
0x1c6: {  	[tilespmem:$0x1FF90] =	vst v14;
	v52 =	vld [tilespmem:s19+$0x0]  }
0x1c7: {  	[tilespmem:v9+s17+$0x0] =	vst.idx.add.f32.msk vm1, v1  }
0x1c8: {  	[tilespmem:$0x1FFD0] =	vst v12;
	v1 =	vadd.s32 $0x3F0, v48;
	v9 =	vld.idx.msk [tilespmem:v10+s14+$0x0], $0xffff  }
0x1c9: {  	[tilespmem:$0x1FD70] =	vst v1;
	v1 =	vadd.s32 $0x7E0, v48  }
0x1ca: {  	v13 =	vadd.s32 $0x2760, v3;
	[tilespmem:$0x1FDC0] =	vst v1;
	v1 =	vadd.s32 $0xBD0, v48;
	v10 =	vld.idx.msk [tilespmem:v44+s11+$0x0], $0xffff  }
0x1cb: {  	[tilespmem:$0x1FE10] =	vst v1;
	v1 =	vadd.s32 $0x7E0, v54;
	v12 =	vld.idx.msk [tilespmem:v0+s13+$0x0], $0xffff  }
0x1cc: {  	v14 =	vld.idx.msk [tilespmem:v51+s14+$0x0], $0xffff;
	[tilespmem:$0x1FD60] =	vst v1;
	v1 =	vadd.s32 $0xBD0, v54  }
0x1cd: {  	v55 =	vld.idx.msk [tilespmem:v48+s13+$0x0], $0xffff;
	[tilespmem:$0x1FDA0] =	vst v1;
	v1 =	vadd.s32 $0x7E0, v52;
	v9 =	vmul.f32 v9, v5  }
0x1ce: {  	v59 =	vld.idx.msk [tilespmem:v0+s16+$0x0], $0xffff;
	[tilespmem:$0x1FD90] =	vst v1  }
0x1cf: {  	v56 =	vadd.s32 $0x2B50, v4;
	v1 =	vadd.s32 $0xBD0, v52;
	[tilespmem:v13+s17+$0x0] =	vst.idx.add.f32.msk vm1, v9  }
0x1d0: {  	v8 =	vmul.f32 v8, v7;
	[tilespmem:$0x1FDF0] =	vst v1;
	v1 =	vadd.s32 $0xFC0, v54;
	v9 =	vadd.f32 v12, v10;
	v12 =	vld.idx.msk [tilespmem:v51+s11+$0x0], $0xffff  }
0x1d1: {  	[tilespmem:$0x1FE00] =	vst v1;
	v13 =	vld.idx.msk [tilespmem:v48+s16+$0x0], $0xffff  }
0x1d2: {  	v1 =	vadd.s32 $0xFC0, v48;
	[tilespmem:v33+s17+$0x0] =	vst.idx.add.f32.msk vm2, v8  }
0x1d3: {  	[tilespmem:$0x1FE80] =	vst v1;
	v1 =	vadd.s32 $0xFC0, v52  }
0x1d4: {  	[tilespmem:$0x1FE30] =	vst v1;
	v1 =	vadd.s32 $0x13B0, v54;
	v36 =	vmul.f32 $2.000000030e-01, v9  }
0x1d5: {  	v10 =	vld.idx.msk [tilespmem:v56+s14+$0x0], $0xffff;
	vm6 =	vgt.f32 v9, $0.0e+00;
	[tilespmem:$0x1FE40] =	vst v1;
	v1 =	vadd.s32 $0xBD0, v51  }
0x1d6: {  	[tilespmem:$0x1FDD0] =	vst v1;
	v1 =	vadd.s32 $0xFC0, v51;
	v9 =	vsel vm6, v9, v36  }
0x1d7: {  	v60 =	vadd.s32 $0x2B50, v3;
	[tilespmem:$0x1FE20] =	vst v1;
	v1 =	vadd.s32 $0x13B0, v51;
	v9 =	vmul.f32 $1.442695020e+00, v9  }
0x1d8: {  	v57 =	vld.idx.msk [tilespmem:v54+s11+$0x0], $0xffff;
	(erf) = vrcp.f32 v59;
	[tilespmem:$0x1FE90] =	vst v1;
	v1 =	vadd.s32 $0x13B0, v48  }
0x1d9: {  	[tilespmem:$0x1FED0] =	vst v1;
	(erf) = vpow2.f32 v9;
	v9 =	vld.idx.msk [tilespmem:v50+s14+$0x0], $0xffff  }
0x1da: {  	v8 =	vmul.f32 v10, v5;
	v1 =	vadd.s32 $0x17A0, v51;
	[tilespmem:v28+s17+$0x0] =	vst.idx.add.f32.msk vm4, v46  }
0x1db: {  	v58 =	vld.idx.msk [tilespmem:v52+s13+$0x0], $0xffff;
	[tilespmem:$0x1FEE0] =	vst v1  }
0x1dc: {  	v1 =	vadd.s32 $0x13B0, v52;
	[tilespmem:v60+s17+$0x0] =	vst.idx.add.f32.msk vm1, v8  }
0x1dd: {  	[tilespmem:$0x1FEA0] =	vst v1;
	v1 =	vadd.s32 $0x17A0, v48  }
0x1de: {  	[tilespmem:$0x1FF40] =	vst v1;
	v1 =	vadd.s32 $0x17A0, v54  }
0x1df: {  	[tilespmem:$0x1FEB0] =	vst v1;
	v1 =	vadd.s32 $0x1B90, v51  }
0x1e0: {  	v57 =	vadd.f32 v58, v57;
	[tilespmem:$0x1FF50] =	vst v1;
	v1 =	vadd.s32 $0x17A0, v52  }
0x1e1: {  	v58 =	vld.idx.msk [tilespmem:v52+s16+$0x0], $0xffff;
	[tilespmem:$0x1FF00] =	vst v1;
	v1 =	vadd.s32 $0x1B90, v54  }
0x1e2: {  	v61 =	vmul.f32 $2.000000030e-01, v57;
	v36 =	vadd.s32 $0x2F40, v4;
	[tilespmem:$0x1FF10] =	vst v1;
	v1 =	vadd.s32 $0x1B90, v48  }
0x1e3: {  	vm6 =	vgt.f32 v57, $0.0e+00;
	[tilespmem:$0x1FFB0] =	vst v1;
	v1 =	vadd.s32 $0x1B90, v52  }
0x1e4: {  	v10 =	vadd.f32 v55, v12;
	v12 =	vsel vm6, v57, v61;
	[tilespmem:$0x1FF70] =	vst v1;
	v1 =	vadd.s32 $0x1F80, v51  }
0x1e5: {  	v12 =	vmul.f32 $1.442695020e+00, v12;
	(erf) = vrcp.f32 v13;
	[tilespmem:$0x1FFC0] =	vst v1;
	v1 =	vadd.s32 $0x1F80, v54  }
0x1e6: {  	v8 =	vmul.f32 $2.000000030e-01, v10;
	(erf) = vrcp.f32 v58;
	[tilespmem:$0x1FF80] =	vst v1;
	v1 =	vadd.s32 $0x1F80, v48  }
0x1e7: {  	vm6 =	vgt.f32 v10, $0.0e+00;
	v13 =	vld.idx.msk [tilespmem:v36+s14+$0x0], $0xffff;
	(erf) = vpow2.f32 v12;
	[tilespmem:$0x1FE60] =	vst v1;
	v1 =	vadd.s32 $0x1F80, v52  }
0x1e8: {  	v16 =	vld.idx.msk [tilespmem:v45+s14+$0x0], $0xffff;
	v8 =	vsel vm6, v10, v8;
	[tilespmem:$0x1FFF0] =	vst v1;
	v1 =	vadd.s32 $0x2370, v54  }
0x1e9: {  	s20 =	sadd.s32 $0x30, s20;
	v15 =	vld.idx.msk [tilespmem:v54+s14+$0x0], $0xffff;
	[tilespmem:$0x1FE70] =	vst v1;
	v1 =	vmul.f32 $1.442695020e+00, v8  }
0x1ea: {  	v33 =	vmov s20;
	v55 =	vadd.s32 $0x2F40, v3;
	v12 =	vld.idx.msk [tilespmem:v29+s14+$0x0], $0xffff  }
0x1eb: {  	s24 =	sadd.s32 $0x20, s20;
	v56 =	vadd.s32 $0x3330, v4;
	v46 =	vld.idx.msk [tilespmem:v44+s14+$0x0], $0xffff;
	v9 =	vmul.f32 v9, v7;
	(erf) = vpow2.f32 v1  }
0x1ec: {  	s23 =	sadd.s32 $0x10, s20;
	v61 =	vmov s24;
	[tilespmem:v63+s17+$0x0] =	vst.idx.add.f32.msk vm5, v39;
	v13 =	vmul.f32 v13, v5;
	v8 =	vpop (erf)  }
0x1ed: {  	vm7 =	vlt.u32 v33, v62;
	v60 =	vmov s23;
	vm6 =	vlt.u32 v61, v62;
	[tilespmem:v38+s17+$0x0] =	vst.idx.add.f32.msk vm2, v9;
	v33 =	vpop (erf)  }
0x1ee: {  	[tilespmem:$0x1FEF0] =	vst v17;
	vm8 =	vlt.u32 v60, v62;
	v21 =	vld.idx.msk [tilespmem:v35+s14+$0x0], $0xffff;
	v39 =	vpop (erf)  }
0x1ef: {  	v9 =	vmul.f32 v12, v6;
	v12 =	vadd.s32 $0x3F0, v44;
	[tilespmem:v55+s17+$0x0] =	vst.idx.add.f32.msk vm1, v13;
	v17 =	vmul.f32 v33, v8;
	v8 =	vpop (erf)  }
0x1f0: {  	[tilespmem:$0x1FE50] =	vst v30;
	v45 =	vmov v41;
	v30 =	vmov v32;
	v53 =	vadd.s32 $0x3F0, v54;
	v55 =	vld.idx.msk [tilespmem:v56+s14+$0x0], $0xffff;
	v13 =	vpop (erf)  }
0x1f1: {  	v41 =	vadd.s32 $0x2370, v52;
	[tilespmem:v34+s17+$0x0] =	vst.idx.add.f32.msk vm3, v9;
	v46 =	vmul.f32 v17, v46;
	v20 =	vmul.f32 v13, v8  }
0x1f2: {  	v32 =	vadd.s32 $0x2760, v51;
	v10 =	vadd.s32 $0x2370, v48;
	v34 =	vmovc v22;
	v22 =	vld.idx.msk [tilespmem:v37+s14+$0x0], $0xffff;
	v8 =	vmovc v41;
	v41 =	vadd.s32 $0x3330, v3  }
0x1f3: {  	v56 =	vmovc v10;
	v13 =	vmov v32;
	v32 =	vadd.s32 $0x3720, v4;
	[tilespmem:v0+s17+$0x0] =	vst.idx.add.f32.msk vm6, v46;
	v10 =	vmul.f32 v20, v15  }
0x1f4: {  	[tilespmem:$0x1FF60] =	vst v18;
	v15 =	vld.idx.msk [tilespmem:v12+s14+$0x0], $0xffff;
	v9 =	vpop (erf)  }
0x1f5: {  	[tilespmem:v52+s17+$0x0] =	vst.idx.add.f32.msk vm8, v10;
	v9 =	vmul.f32 v9, v39;
	v39 =	vmul.f32 v55, v5  }
0x1f6: {  	[tilespmem:$0x1FDB0] =	vst v47;
	v35 =	vmov v24;
	v24 =	vadd.s32 $0x3F0, v0;
	v23 =	vld.idx.msk [tilespmem:v53+s14+$0x0], $0xffff  }
0x1f7: {  	v47 =	vadd.s32 $0x3F0, v52;
	v14 =	vmul.f32 v9, v14;
	[tilespmem:v41+s17+$0x0] =	vst.idx.add.f32.msk vm1, v39  }
0x1f8: {  	[tilespmem:$0x1FFA0] =	vst v2;
	v18 =	vadd.s32 $0x2760, v48;
	v57 =	vadd.s32 $0x3330, v48;
	v36 =	vmovc v40;
	v40 =	vadd.s32 $0x2760, v54;
	v37 =	vmovc v26;
	v26 =	vld.idx.msk [tilespmem:v32+s14+$0x0], $0xffff  }
0x1f9: {  	v61 =	vadd.s32 $0x2B50, v48;
	v2 =	vmovc v40;
	v40 =	vadd.s32 $0x3B10, v48;
	[tilespmem:v48+s17+$0x0] =	vst.idx.add.f32.msk vm7, v14;
	v14 =	vmul.f32 v17, v15  }
0x1fa: {  	v38 =	vmovc v25;
	v25 =	vadd.s32 $0x7E0, v44;
	v33 =	vadd.s32 $0x2F40, v48;
	v53 =	vadd.s32 $0x3720, v48  }
0x1fb: {  	v15 =	vmul.f32 v22, v6;
	v48 =	vmovc v6;
	v6 =	vmov v20;
	[tilespmem:v24+s17+$0x0] =	vst.idx.add.f32.msk vm6, v14;
	v14 =	vadd.s32 $0x3720, v3  }
0x1fc: {  	v39 =	vmul.f32 v16, v31;
	v16 =	vmul.f32 v6, v23  }
0x1fd: {  	v11 =	vadd.s32 $0x3F0, v51;
	v23 =	vld [tilespmem:$0x1FD50]  }
0x1fe: {  	[tilespmem:v47+s17+$0x0] =	vst.idx.add.f32.msk vm8, v16;
	v16 =	vmul.f32 v26, v5  }
0x1ff: {  	v20 =	vld.idx.msk [tilespmem:v25+s14+$0x0], $0xffff  }
0x200: {  	[tilespmem:v14+s17+$0x0] =	vst.idx.add.f32.msk vm1, v16  }
0x201: {  	v16 =	vld [tilespmem:$0x1FD70]  }
0x202: {  	v11 =	vld.idx.msk [tilespmem:v11+s14+$0x0], $0xffff  }
0x203: {  	v60 =	vadd.s32 $0x2B50, v52;
	v58 =	vadd.s32 $0x2F40, v52;
	v1 =	vadd.s32 $0x2760, v52  }
0x204: {  	v10 =	vadd.s32 $0x3330, v52;
	v41 =	vadd.s32 $0x3720, v52;
	v32 =	vadd.s32 $0x3B10, v52;
	v52 =	vmovc v18;
	v18 =	vld [tilespmem:$0x1FD60];
	_ =	sdelay $0x1  }
0x205: {  	v21 =	vmul.f32 v21, v7  }
0x206: {  	v11 =	vmul.f32 v9, v11  }
0x207: {  	[tilespmem:v23+s17+$0x0] =	vst.idx.add.f32.msk vm2, v21  }
0x208: {  	v22 =	vadd.s32 $0x3B10, v4;
	[tilespmem:v16+s17+$0x0] =	vst.idx.add.f32.msk vm7, v11  }
0x209: {  	v11 =	vmul.f32 v17, v20;
	v20 =	vld [tilespmem:$0x1FD80]  }
0x20a: {  	v31 =	vmov v1;
	v1 =	vld [tilespmem:$0x1FD90];
	v21 =	vadd.s32 $0x7E0, v0  }
0x20b: {  	vm5 =	vmmov vm0;
	vm0 =	vmmov vm3;
	v18 =	vld.idx.msk [tilespmem:v18+s14+$0x0], $0xffff;
	_ =	sdelay $0x1  }
0x20c: {  	v4 =	vmov v44;
	v14 =	vld.idx.msk [tilespmem:v22+s14+$0x0], $0xffff  }
0x20d: {  	v23 =	vadd.s32 $0xBD0, v4  }
0x20e: {  	[tilespmem:v21+s17+$0x0] =	vst.idx.add.f32.msk vm6, v11;
	v11 =	vadd.s32 $0x3B10, v3  }
0x20f: {  	[tilespmem:$0x1FDE0] =	vst v43;
	v3 =	vmov v0;
	v0 =	vmul.f32 v6, v18  }
0x210: {  	[tilespmem:v20+s17+$0x0] =	vst.idx.add.f32.msk vm0, v15  }
0x211: {  	v43 =	vadd.s32 $0x7E0, v51;
	[tilespmem:v1+s17+$0x0] =	vst.idx.add.f32.msk vm8, v0;
	v0 =	vmul.f32 v14, v5  }
0x212: {  	v18 =	vld.idx.msk [tilespmem:v23+s14+$0x0], $0xffff  }
0x213: {  	[tilespmem:v11+s17+$0x0] =	vst.idx.add.f32.msk vm1, v0  }
0x214: {  	v0 =	vld [tilespmem:$0x1FDB0]  }
0x215: {  	v11 =	vld [tilespmem:$0x1FDC0]  }
0x216: {  	v16 =	vld.idx.msk [tilespmem:v43+s14+$0x0], $0xffff;
	_ =	sdelay $0x4  }
0x217: {  	v15 =	vmul.f32 v9, v16  }
0x218: {  	v0 =	vld.idx.msk [tilespmem:v0+s14+$0x0], $0xffff  }
0x219: {  	[tilespmem:v11+s17+$0x0] =	vst.idx.add.f32.msk vm7, v15  }
0x21a: {  	v15 =	vld [tilespmem:$0x1FDD0]  }
0x21b: {  	v14 =	vadd.s32 $0xBD0, v3;
	_ =	sdelay $0x1  }
0x21c: {  	vm4 =	vmmov vm2;
	v5 =	vmov v17  }
0x21d: {  	v11 =	vmul.f32 v18, v5  }
0x21e: {  	v1 =	vld [tilespmem:$0x1FDA0]  }
0x21f: {  	v16 =	vadd.s32 $0xFC0, v4;
	[tilespmem:v14+s17+$0x0] =	vst.idx.add.f32.msk vm6, v11  }
0x220: {  	v14 =	vld [tilespmem:$0x1FDE0];
	v0 =	vmul.f32 v0, v7  }
0x221: {  	v15 =	vld.idx.msk [tilespmem:v15+s14+$0x0], $0xffff  }
0x222: {  	[tilespmem:v37+s17+$0x0] =	vst.idx.add.f32.msk vm4, v0  }
0x223: {  	v37 =	vmov v2;
	v2 =	vld [tilespmem:$0x1FE10]  }
0x224: {  	v11 =	vld.idx.msk [tilespmem:v16+s14+$0x0], $0xffff  }
0x225: {  	vm2 =	vmmov vm7;
	v16 =	vld [tilespmem:$0x1FDF0]  }
0x226: {  	v1 =	vld.idx.msk [tilespmem:v1+s14+$0x0], $0xffff  }
0x227: {  	vm3 =	vmmov vm8;
	_ =	sdelay $0x1  }
0x228: {  	v0 =	vld.idx.msk [tilespmem:v34+s14+$0x0], $0xffff;
	v15 =	vmul.f32 v15, v9  }
0x229: {  	v14 =	vld.idx.msk [tilespmem:v14+s14+$0x0], $0xffff  }
0x22a: {  	v1 =	vmul.f32 v1, v6;
	[tilespmem:v2+s17+$0x0] =	vst.idx.add.f32.msk vm2, v15  }
0x22b: {  	v2 =	vld [tilespmem:$0x1FE20]  }
0x22c: {  	[tilespmem:v16+s17+$0x0] =	vst.idx.add.f32.msk vm3, v1  }
0x22d: {  	v1 =	vld [tilespmem:$0x1FE00];
	_ =	sdelay $0x5  }
0x22e: {  	v15 =	vld.idx.msk [tilespmem:v2+s14+$0x0], $0xffff  }
0x22f: {  	v2 =	vld [tilespmem:$0x1FE30]  }
0x230: {  	v1 =	vld.idx.msk [tilespmem:v1+s14+$0x0], $0xffff;
	_ =	sdelay $0x3  }
0x231: {  	v14 =	vmul.f32 v14, v48  }
0x232: {  	v1 =	vmul.f32 v1, v6  }
0x233: {  	[tilespmem:v35+s17+$0x0] =	vst.idx.add.f32.msk vm0, v14  }
0x234: {  	v16 =	vadd.s32 $0xFC0, v3;
	[tilespmem:v2+s17+$0x0] =	vst.idx.add.f32.msk vm3, v1  }
0x235: {  	v17 =	vadd.s32 $0x13B0, v4;
	v2 =	vld [tilespmem:$0x1FE50];
	_ =	sdelay $0x1  }
0x236: {  	v11 =	vmul.f32 v11, v5;
	_ =	sdelay $0x1  }
0x237: {  	v0 =	vmul.f32 v0, v7;
	[tilespmem:v16+s17+$0x0] =	vst.idx.add.f32.msk vm6, v11  }
0x238: {  	v11 =	vld.idx.msk [tilespmem:v17+s14+$0x0], $0xffff  }
0x239: {  	[tilespmem:v42+s17+$0x0] =	vst.idx.add.f32.msk vm4, v0  }
0x23a: {  	v0 =	vld [tilespmem:$0x1FE80]  }
0x23b: {  	v17 =	vld.idx.msk [tilespmem:v2+s14+$0x0], $0xffff  }
0x23c: {  	v2 =	vld [tilespmem:$0x1FE90];
	_ =	sdelay $0x1  }
0x23d: {  	v1 =	vld [tilespmem:$0x1FE40];
	_ =	sdelay $0x2  }
0x23e: {  	v15 =	vmul.f32 v15, v9;
	_ =	sdelay $0x1  }
0x23f: {  	[tilespmem:v0+s17+$0x0] =	vst.idx.add.f32.msk vm2, v15  }
0x240: {  	v34 =	vmov v8;
	v8 =	vld.idx.msk [tilespmem:v2+s14+$0x0], $0xffff  }
0x241: {  	vm1 =	vmmov vm6;
	v2 =	vld [tilespmem:$0x1FEA0]  }
0x242: {  	v14 =	vadd.s32 $0x13B0, v3;
	v1 =	vld.idx.msk [tilespmem:v1+s14+$0x0], $0xffff;
	_ =	sdelay $0x2  }
0x243: {  	v0 =	vmul.f32 v11, v5;
	_ =	sdelay $0x1  }
0x244: {  	[tilespmem:v14+s17+$0x0] =	vst.idx.add.f32.msk vm1, v0;
	v0 =	vmul.f32 v1, v6;
	_ =	sdelay $0x1  }
0x245: {  	[tilespmem:v2+s17+$0x0] =	vst.idx.add.f32.msk vm3, v0  }
0x246: {  	v0 =	vld [tilespmem:$0x1FEB0]  }
0x247: {  	v2 =	vld [tilespmem:$0x1FEC0];
	_ =	sdelay $0x5  }
0x248: {  	v35 =	vmov v13;
	v13 =	vmul.f32 v17, v48  }
0x249: {  	v0 =	vld.idx.msk [tilespmem:v0+s14+$0x0], $0xffff  }
0x24a: {  	[tilespmem:v2+s17+$0x0] =	vst.idx.add.f32.msk vm0, v13  }
0x24b: {  	v2 =	vld [tilespmem:$0x1FED0];
	_ =	sdelay $0x5  }
0x24c: {  	v8 =	vmul.f32 v8, v9  }
0x24d: {  	v11 =	vld.idx.msk [tilespmem:v49+s14+$0x0], $0xffff  }
0x24e: {  	[tilespmem:v2+s17+$0x0] =	vst.idx.add.f32.msk vm2, v8  }
0x24f: {  	v2 =	vld [tilespmem:$0x1FEE0];
	_ =	sdelay $0x7  }
0x250: {  	v8 =	vld.idx.msk [tilespmem:v2+s14+$0x0], $0xffff  }
0x251: {  	v2 =	vld [tilespmem:$0x1FEF0];
	_ =	sdelay $0x5  }
0x252: {  	v11 =	vmul.f32 v11, v7;
	_ =	sdelay $0x1  }
0x253: {  	[tilespmem:v2+s17+$0x0] =	vst.idx.add.f32.msk vm4, v11  }
0x254: {  	v2 =	vld [tilespmem:$0x1FF00];
	_ =	sdelay $0x5  }
0x255: {  	v0 =	vmul.f32 v0, v6  }
0x256: {  	v13 =	vld.idx.msk [tilespmem:v38+s14+$0x0], $0xffff  }
0x257: {  	[tilespmem:v2+s17+$0x0] =	vst.idx.add.f32.msk vm3, v0  }
0x258: {  	v2 =	vld [tilespmem:$0x1FF10];
	_ =	sdelay $0x7  }
0x259: {  	v11 =	vld.idx.msk [tilespmem:v2+s14+$0x0], $0xffff  }
0x25a: {  	v2 =	vld [tilespmem:$0x1FF20];
	_ =	sdelay $0x5  }
0x25b: {  	v0 =	vmul.f32 v13, v48  }
0x25c: {  	[tilespmem:$0x1FF30] =	vst v19  }
0x25d: {  	[tilespmem:v2+s17+$0x0] =	vst.idx.add.f32.msk vm0, v0  }
0x25e: {  	v0 =	vld [tilespmem:$0x1FF30]  }
0x25f: {  	v2 =	vld [tilespmem:$0x1FF40]  }
0x260: {  	v16 =	vadd.s32 $0x17A0, v4;
	_ =	sdelay $0x4  }
0x261: {  	v1 =	vld.idx.msk [tilespmem:v16+s14+$0x0], $0xffff;
	v8 =	vmul.f32 v8, v9  }
0x262: {  	v0 =	vld.idx.msk [tilespmem:v0+s14+$0x0], $0xffff  }
0x263: {  	[tilespmem:v2+s17+$0x0] =	vst.idx.add.f32.msk vm2, v8  }
0x264: {  	v12 =	vadd.s32 $0x3330, v51;
	v2 =	vld [tilespmem:$0x1FF50]  }
0x265: {  	v49 =	vmov v12;
	v12 =	vadd.s32 $0x17A0, v3  }
0x266: {  	v14 =	vadd.s32 $0x1B90, v4;
	_ =	sdelay $0x1  }
0x267: {  	v1 =	vmul.f32 v1, v5;
	_ =	sdelay $0x1  }
0x268: {  	[tilespmem:v12+s17+$0x0] =	vst.idx.add.f32.msk vm1, v1  }
0x269: {  	v1 =	vld.idx.msk [tilespmem:v14+s14+$0x0], $0xffff  }
0x26a: {  	v8 =	vld.idx.msk [tilespmem:v2+s14+$0x0], $0xffff  }
0x26b: {  	v2 =	vld [tilespmem:$0x1FF60];
	_ =	sdelay $0x1  }
0x26c: {  	v12 =	vadd.s32 $0x1B90, v3;
	_ =	sdelay $0x2  }
0x26d: {  	v1 =	vmul.f32 v1, v5;
	_ =	sdelay $0x1  }
0x26e: {  	[tilespmem:v12+s17+$0x0] =	vst.idx.add.f32.msk vm1, v1  }
0x26f: {  	v13 =	vadd.s32 $0x1F80, v4;
	v1 =	vmul.f32 v11, v6;
	v11 =	vld.idx.msk [tilespmem:v2+s14+$0x0], $0xffff  }
0x270: {  	v2 =	vld [tilespmem:$0x1FF70];
	_ =	sdelay $0x3  }
0x271: {  	v16 =	vmov v10;
	v10 =	vld.idx.msk [tilespmem:v13+s14+$0x0], $0xffff;
	_ =	sdelay $0x1  }
0x272: {  	v12 =	vadd.s32 $0x1F80, v3;
	_ =	sdelay $0x1  }
0x273: {  	[tilespmem:v2+s17+$0x0] =	vst.idx.add.f32.msk vm3, v1  }
0x274: {  	v10 =	vmul.f32 v10, v5;
	v1 =	vld [tilespmem:$0x1FF80]  }
0x275: {  	v2 =	vld [tilespmem:$0x1FF90]  }
0x276: {  	[tilespmem:v12+s17+$0x0] =	vst.idx.add.f32.msk vm1, v10  }
0x277: {  	v12 =	vld [tilespmem:$0x1FFD0];
	_ =	sdelay $0x3  }
0x278: {  	v23 =	vld [tilespmem:$0x1FFB0];
	v0 =	vmul.f32 v0, v7  }
0x279: {  	v1 =	vld.idx.msk [tilespmem:v1+s14+$0x0], $0xffff  }
0x27a: {  	v11 =	vmul.f32 v11, v48;
	[tilespmem:v2+s17+$0x0] =	vst.idx.add.f32.msk vm4, v0  }
0x27b: {  	[tilespmem:$0x1FFE0] =	vst v41;
	v0 =	vld [tilespmem:$0x1FFA0]  }
0x27c: {  	[tilespmem:v12+s17+$0x0] =	vst.idx.add.f32.msk vm0, v11  }
0x27d: {  	v11 =	vld [tilespmem:$0x1FFE0];
	_ =	sdelay $0x4  }
0x27e: {  	v8 =	vmul.f32 v8, v9;
	v12 =	vmov v11;
	v11 =	vld [tilespmem:$0x1FFF0]  }
0x27f: {  	v0 =	vld.idx.msk [tilespmem:v0+s14+$0x0], $0xffff  }
0x280: {  	[tilespmem:v23+s17+$0x0] =	vst.idx.add.f32.msk vm2, v8  }
0x281: {  	v8 =	vld [tilespmem:$0x1FFC0]  }
0x282: {  	v28 =	vmov v27;
	v27 =	vadd.s32 $0x2F40, v51;
	v13 =	vadd.s32 $0x2370, v4  }
0x283: {  	s21 =	sadd.s32 $0x3, s21;
	v19 =	vadd.s32 $0x2B50, v51;
	v59 =	vadd.s32 $0x3330, v54  }
0x284: {  	p0 =	slt.u32 s21, $0x5FD;
	v50 =	vadd.s32 $0x2370, v51;
	v63 =	vadd.s32 $0x2B50, v54;
	v29 =	vadd.s32 $0x2F40, v54  }
.Ltmp3:
0x285: {  	v46 =	vadd.s32 $0x3720, v51;
	v51 =	vadd.s32 $0x3B10, v51;
	v22 =	vmovc v27;
	v27 =	vmovc v30;
	v30 =	vmov v29;
	v29 =	vld [tilespmem:$0x1FE70];
	(pc) =	sbr.rel @p0 .LBB2_8-.Ltmp3, $4  }
0x286: {  	v55 =	vadd.s32 $0x3720, v54;
	v41 =	vadd.s32 $0x3B10, v54;
	v24 =	vmovc v60;
	v42 =	vmovc v33;
	v33 =	vld [tilespmem:$0x1FE60];
	v10 =	vmul.f32 v1, v6  }
0x287: {  	v47 =	vmovc v19;
	v25 =	vmovc v59;
	v19 =	vmov v46;
	v26 =	vmov v61;
	v43 =	vmov v63;
	v1 =	vld.idx.msk [tilespmem:v13+s14+$0x0], $0xffff  }
0x288: {  	v63 =	vmovc v28;
	v28 =	vmovc v36;
	v18 =	vmov v55;
	v15 =	vmov v58;
	v17 =	vmov v57;
	[tilespmem:v11+s17+$0x0] =	vst.idx.add.f32.msk vm3, v10  }
0x289: {  	s22 =	sadd.s32 $0x30, s22;
	v14 =	vmovc v53;
	v38 =	vmovc v56;
	v2 =	vmov v51;
	v46 =	vmul.f32 v0, v7;
	v7 =	vmov v9;
	v8 =	vld.idx.msk [tilespmem:v8+s14+$0x0], $0xffff  }
0x28a: {  	_ =	sdelay $0x3  }
0x28b: {  	v0 =	vmul.f32 v8, v7;
	_ =	sdelay $0x1  }
0x28c: {  	[tilespmem:v33+s17+$0x0] =	vst.idx.add.f32.msk vm2, v0  }
0x28d: {  	v0 =	vadd.s32 $0x2370, v3;
	v36 =	vld.idx.msk [tilespmem:v50+s14+$0x0], $0xffff  }
0x28e: {  	v9 =	vadd.s32 $0x2760, v4  }
0x28f: {  	v10 =	vld.idx.msk [tilespmem:v29+s14+$0x0], $0xffff  }
0x290: {  	v1 =	vmul.f32 v1, v5;
	_ =	sdelay $0x1  }
0x291: {  	[tilespmem:v0+s17+$0x0] =	vst.idx.add.f32.msk vm1, v1;
	v0 =	vmul.f32 v36, v7  }
0x292: {  	v1 =	vld.idx.msk [tilespmem:v9+s14+$0x0], $0xffff  }
0x293: {  	[tilespmem:v38+s17+$0x0] =	vst.idx.add.f32.msk vm2, v0;
	v0 =	vmul.f32 v10, v6  }
0x294: {  	v44 =	vadd.s32 $0x2760, v3;
	v50 =	vld.idx.msk [tilespmem:v35+s14+$0x0], $0xffff  }
0x295: {  	v51 =	vadd.s32 $0x2B50, v4;
	[tilespmem:v34+s17+$0x0] =	vst.idx.add.f32.msk vm3, v0  }
0x296: {  	v0 =	vld.idx.msk [tilespmem:v37+s14+$0x0], $0xffff  }
0x297: {  	vm14 =	vmmov vm3;
	v1 =	vmul.f32 v1, v5;
	_ =	sdelay $0x1  }
0x298: {  	[tilespmem:v44+s17+$0x0] =	vst.idx.add.f32.msk vm1, v1;
	v1 =	vmul.f32 v50, v7  }
0x299: {  	v8 =	vld.idx.msk [tilespmem:v51+s14+$0x0], $0xffff  }
0x29a: {  	v0 =	vmul.f32 v0, v6;
	[tilespmem:v52+s17+$0x0] =	vst.idx.add.f32.msk vm2, v1  }
0x29b: {  	v1 =	vadd.s32 $0x2B50, v3;
	v53 =	vld.idx.msk [tilespmem:v47+s14+$0x0], $0xffff  }
0x29c: {  	v54 =	vadd.s32 $0x2F40, v4;
	vm15 =	vmmov vm2;
	[tilespmem:v31+s17+$0x0] =	vst.idx.add.f32.msk vm14, v0  }
0x29d: {  	v0 =	vld.idx.msk [tilespmem:v43+s14+$0x0], $0xffff  }
0x29e: {  	v8 =	vmul.f32 v8, v5;
	_ =	sdelay $0x1  }
0x29f: {  	[tilespmem:v1+s17+$0x0] =	vst.idx.add.f32.msk vm1, v8;
	v1 =	vmul.f32 v53, v7  }
0x2a0: {  	v8 =	vld.idx.msk [tilespmem:v54+s14+$0x0], $0xffff  }
0x2a1: {  	[tilespmem:v26+s17+$0x0] =	vst.idx.add.f32.msk vm15, v1;
	v0 =	vmul.f32 v0, v6  }
0x2a2: {  	v1 =	vadd.s32 $0x2F40, v3;
	v55 =	vld.idx.msk [tilespmem:v22+s14+$0x0], $0xffff  }
0x2a3: {  	v56 =	vadd.s32 $0x3330, v4;
	[tilespmem:v24+s17+$0x0] =	vst.idx.add.f32.msk vm14, v0  }
0x2a4: {  	v0 =	vld.idx.msk [tilespmem:v30+s14+$0x0], $0xffff  }
0x2a5: {  	v8 =	vmul.f32 v8, v5;
	_ =	sdelay $0x1  }
0x2a6: {  	[tilespmem:v1+s17+$0x0] =	vst.idx.add.f32.msk vm1, v8;
	v1 =	vmul.f32 v55, v7  }
0x2a7: {  	v8 =	vld.idx.msk [tilespmem:v56+s14+$0x0], $0xffff  }
0x2a8: {  	[tilespmem:v42+s17+$0x0] =	vst.idx.add.f32.msk vm15, v1;
	v0 =	vmul.f32 v0, v6  }
0x2a9: {  	v1 =	vadd.s32 $0x3330, v3;
	v57 =	vld.idx.msk [tilespmem:v49+s14+$0x0], $0xffff  }
0x2aa: {  	v58 =	vadd.s32 $0x3720, v4;
	[tilespmem:v15+s17+$0x0] =	vst.idx.add.f32.msk vm14, v0  }
0x2ab: {  	v0 =	vld.idx.msk [tilespmem:v25+s14+$0x0], $0xffff  }
0x2ac: {  	v8 =	vmul.f32 v8, v5;
	_ =	sdelay $0x1  }
0x2ad: {  	[tilespmem:v1+s17+$0x0] =	vst.idx.add.f32.msk vm1, v8;
	v1 =	vmul.f32 v57, v7  }
0x2ae: {  	v8 =	vld.idx.msk [tilespmem:v58+s14+$0x0], $0xffff  }
0x2af: {  	[tilespmem:v17+s17+$0x0] =	vst.idx.add.f32.msk vm15, v1;
	v0 =	vmul.f32 v0, v6  }
0x2b0: {  	v1 =	vadd.s32 $0x3720, v3;
	v59 =	vld.idx.msk [tilespmem:v19+s14+$0x0], $0xffff  }
0x2b1: {  	v60 =	vadd.s32 $0x3B10, v4;
	[tilespmem:v16+s17+$0x0] =	vst.idx.add.f32.msk vm14, v0  }
0x2b2: {  	v0 =	vld.idx.msk [tilespmem:v18+s14+$0x0], $0xffff  }
0x2b3: {  	v8 =	vmul.f32 v8, v5  }
0x2b4: {  	v61 =	vld.idx.msk [tilespmem:v45+s14+$0x0], $0xffff  }
0x2b5: {  	[tilespmem:v1+s17+$0x0] =	vst.idx.add.f32.msk vm1, v8;
	v1 =	vmul.f32 v59, v7  }
0x2b6: {  	v4 =	vld.idx.msk [tilespmem:v60+s14+$0x0], $0xffff  }
0x2b7: {  	[tilespmem:v14+s17+$0x0] =	vst.idx.add.f32.msk vm15, v1;
	v0 =	vmul.f32 v0, v6  }
0x2b8: {  	vm0 =	vmmov vm0;
	v1 =	vld.idx.msk [tilespmem:v2+s14+$0x0], $0xffff  }
0x2b9: {  	[tilespmem:v12+s17+$0x0] =	vst.idx.add.f32.msk vm14, v0  }
0x2ba: {  	v3 =	vadd.s32 $0x3B10, v3;
	v0 =	vld.idx.msk [tilespmem:v41+s14+$0x0], $0xffff  }
0x2bb: {  	vm3 =	vmmov vm14  }
0x2bc: {  	[tilespmem:v63+s17+$0x0] =	vst.idx.add.f32.msk vm5, v39;
	v2 =	vmul.f32 v61, v48  }
0x2bd: {  	[tilespmem:v28+s17+$0x0] =	vst.idx.add.f32.msk vm4, v46;
	v4 =	vmul.f32 v4, v5  }
0x2be: {  	[tilespmem:v27+s17+$0x0] =	vst.idx.add.f32.msk vm0, v2;
	v1 =	vmul.f32 v1, v7  }
0x2bf: {  	[tilespmem:v3+s17+$0x0] =	vst.idx.add.f32.msk vm1, v4;
	v0 =	vmul.f32 v0, v6  }
0x2c0: {  	[tilespmem:v40+s17+$0x0] =	vst.idx.add.f32.msk vm15, v1  }
0x2c1: {  	[tilespmem:v32+s17+$0x0] =	vst.idx.add.f32.msk vm3, v0  }
0x2c2: {  	[hbm4b:s8+s2] =	stream.linear.scatter [tilespmem:s17], [sflag:$0x1], $0x3F00, $0x38;
	[tilespmem:$0x14A00] =	vst v63  }
0x2c3: {  	s18 =	sadd.s32 $0x1, s18;
	_ =	swait.ge [sflag:s12], $0x3F00  }
0x2c4: {  	p0 =	sne.s32 s18, s10;
	[sflag:s12] =	ssyncset.done $0x0  }
.Ltmp4:
0x2c5: {  	[sflag:s12] =	ssyncadd.s32 $0xFFFFC100;
	(pc) =	sbr.rel @p0 .LBB2_1-.Ltmp4, $4  }
0x2c6: {  	[hbm4b:s9+s2] =	stream.linear.scatter [tilespmem:s16], [sflag:$0x1], $0x3F0, $0x38;
	[tilespmem:$0x14A00] =	vst v63  }
0x2c7: {  	_ =	swait.ge [sflag:s12], $0x3F0  }
0x2c8: {  	[sflag:s12] =	ssyncset.done $0x0  }
0x2c9: {  	v1 =	vimm.f32 $0.0e+00;
	[sflag:s12] =	ssyncadd.s32 $0xFFFFFC10  }
0x2ca: {  	_ =	sfence.sel $0x180000  }
0x2cb: {  	[bflag:$0x0] =	sbarrier.arrive $0xFFFF  }
0x2cc: {  	p0 =	sne.s32 s1, $0x0;
	_ =	strace $0x9000004D  }
0x2cd: {  	s0 =	sadd.s32 @!p0 $0x100000, s0;
	[bflag:$0x2] =	sbarrier.arrive $0xFFFF  }
0x2ce: {  	[sflag:s0] =	ssyncadd.tile.s32 @!p0 $0x1;
	_ =	shalt  }
.Lfunc_end2:
_tile_overlayer_lowered:
.L_overlay_start_2:
0x2cf: {  	(tag) =	ssettag $0x2  }
0x2d0: {  	s0 =	rddreg [dreg:$0x0];
	s2 =	stileid.u32  }
0x2d1: {  	s1 =	rddreg [dreg:$0x1];
	p0 =	sne.s32 s2, $0x0  }
0x2d2: {  	s3 =	rddreg [dreg:$0x2];
	[bflag:$0x3] =	sbarrier.arrive $0xFFFF;
	s2 =	simm.s32 @!p0 $0x1C01  }
0x2d3: {  	[timem:s3], [sflag:s2] =	dma.local @!p0 [hbm:s0], s1  }
0x2d4: {  	s0 =	simm.s32 @!p0 $0x1  }
0x2d5: {  	_ =	swait.ge @!p0 [sflag:s0], s1  }
0x2d6: {  	s1 =	ssub.s32 @!p0 $0x0, s1;
	[sflag:s0] =	ssyncset.done @!p0 $0x0  }
0x2d7: {  	[sflag:s0] =	ssyncadd.s32 @!p0 s1  }
0x2d8: {  	[bflag:$0x3] =	sbarrier.arrive $0xFFFF  }
0x2d9: {  	_ =	shalt  }

// kernel: kernel.17.cloned.1.call-start
scs
__scs_entry_jumppad:
0x0: {  	(pc) =	sbr.rel $0x88, $3  }
0x1: {  	(tag) =	ssettag $0x0;
	lr =	simm.s32 $0x1  }
0x2: {  	[smem:$0x3F82] =	sst lr;
	_ =	strace $0xD0000000  }
0x3: {  	_ = 	snop  }
0x4: {  	_ = 	snop  }
0x5: {  	_ = 	snop  }
0x6: {  	_ = 	snop  }
0x7: {  	_ = 	snop  }
__scs_overlays_trampoline_lowered:
0x8: {  	[smem:$0x3F91] =	sst s0  }
0x9: {  	[smem:$0x3F92] =	sst s1  }
0xa: {  	[smem:$0x3F93] =	sst s2  }
0xb: {  	[smem:$0x3F94] =	sst s3  }
0xc: {  	[smem:$0x3F95] =	sst s4  }
0xd: {  	[smem:$0x3F96] =	sst s5  }
0xe: {  	[smem:$0x3F97] =	sst s6  }
0xf: {  	[smem:$0x3F98] =	sst s7  }
0x10: {  	[smem:$0x3F99] =	sst s8  }
0x11: {  	[smem:$0x3F9A] =	sst s9;
	s0 =	simm.s32 @!p0 $0x0  }
0x12: {  	s1 =	sld [smem:$0x3F80];
	s0 =	simm.s32 @p0 $0x1  }
0x13: {  	[smem:$0x3F9B] =	sst s0;
	s0 =	simm.s32 @!p1 $0x0  }
0x14: {  	s2 =	sld [smem:$0x3F7F];
	s0 =	simm.s32 @p1 $0x1  }
0x15: {  	[smem:$0x3F9C] =	sst s0;
	s0 =	simm.s32 @!p2 $0x0  }
0x16: {  	s3 =	sld [smem:$0x3FDB];
	s0 =	simm.s32 @p2 $0x1  }
0x17: {  	s4 =	simm.s32 $0x1BF5;
	[smem:$0x3F9E] =	sst s0  }
0x18: {  	s0 =	sld [smem:$0x3F81];
	_ =	swait.ge [sflag:s4], $0x0  }
0x19: {  	s7 =	sld [smem:$0x3F82]  }
0x1a: {  	s8 =	sadd.s32 $0xFFFFE003, lr  }
0x1b: {  	s9 =	sadd.s32 $0xFFFFFEF7, lr;
	s5 =	simm.s32 $0xFFFFFFFF;
	p2 =	slt.u32 s8, $0xFFFFF086  }
0x1c: {  	p1 =	slt.u32 s9, $0xF7A;
	s5 =	simm.s32 @!p2 $0x0  }
0x1d: {  	s5 =	simm.s32 @p1 $0x1;
	p0 =	seq.s32 s7, s2  }
0x1e: {  	s7 =	smul.u32 @!p0 $0xF7A, s2;
	p2 =	seq.s32 @!p0 s5, $0x0  }
0x1f: {  	s9 =	smul.u32 $0xF7A, s1;
	s8 =	simm.s32 @!p0 $0x1BF5;
	p2 =	por !p2, p0  }
0x20: {  	[sflag:s8] =	ssyncset.s32 @!p0 $0xFFFFF086;
	s6 =	sadd.s32 @!p0 s3, s7;
	s7 =	simm.s32 @!p0 $0x108  }
0x21: {  	s3 =	sadd.s32 s3, s9;
	s6 =	sadd.s32 @!p0 $0x88, s6;
	s7 =	simm.s32 @p2 $0x1082  }
0x22: {  	[simem:s7], [sflag:s8] =	dma.local @!p0 [hbm:s6], $0xF7A  }
0x23: {  	s9 =	sor.u32 $0xD0000000, s2;
	s6 =	simm.s32 $0x108;
	_ =	swait.ge @!p0 [sflag:s8], $0x0  }
0x24: {  	s3 =	sadd.s32 $0x88, s3;
	s6 =	simm.s32 @!p1 $0x1082;
	[sflag:s4] =	ssyncset.s32 $0xFFFFF086  }
0x25: {  	[simem:s6], [sflag:s4] =	dma.local [hbm:s3], $0xF7A  }
0x26: {  	[smem:$0x3F82] =	sst s1;
	(tag) =	ssettag s2;
	_ =	strace s9  }
0x27: {  	s1 =	sld [smem:$0x3F92]  }
0x28: {  	s2 =	sld [smem:$0x3F93]  }
0x29: {  	s4 =	sld [smem:$0x3F95]  }
0x2a: {  	p0 =	seq.s32 s5, $0x0;
	s5 =	sld [smem:$0x3F96]  }
0x2b: {  	s6 =	sld [smem:$0x3F97]  }
0x2c: {  	s7 =	sld [smem:$0x3F98]  }
0x2d: {  	s3 =	simm.s32 $0x108;
	s8 =	sld [smem:$0x3F99]  }
0x2e: {  	s3 =	simm.s32 @!p0 $0x1082;
	s9 =	sld [smem:$0x3F9A]  }
0x2f: {  	lr =	sadd.s32 s0, s3;
	s0 =	sld [smem:$0x3F91]  }
0x30: {  	s3 =	sld [smem:$0x3F94]  }
0x31: {  	[smem:$0x3F9D] =	sst s10  }
0x32: {  	s10 =	sld [smem:$0x3F9B];
	_ =	sdelay $0x3  }
0x33: {  	p0 =	seq.s32 s10, $0x1;
	s10 =	sld [smem:$0x3F9D];
	_ =	sdelay $0x3  }
0x34: {  	[smem:$0x3F9D] =	sst s10  }
0x35: {  	s10 =	sld [smem:$0x3F9C];
	_ =	sdelay $0x3  }
0x36: {  	p1 =	seq.s32 s10, $0x1;
	s10 =	sld [smem:$0x3F9D];
	_ =	sdelay $0x3  }
0x37: {  	[smem:$0x3F9D] =	sst s10  }
0x38: {  	s10 =	sld [smem:$0x3F9E]  }
0x39: {  	_ = 	snop;
	(pc) =	sbr.ind lr, $3  }
0x3a: {  	_ = 	snop  }
0x3b: {  	_ = 	snop  }
0x3c: {  	p2 =	seq.s32 s10, $0x1;
	s10 =	sld [smem:$0x3F9D]  }
0x3d: {  	_ =	shalt  }
0x3e: {  	_ =	shalt  }
0x3f: {  	_ =	shalt  }
0x40: {  	_ =	shalt  }
0x41: {  	_ =	shalt  }
0x42: {  	_ =	shalt  }
0x43: {  	_ =	shalt  }
0x44: {  	_ =	shalt  }
0x45: {  	_ =	shalt  }
0x46: {  	_ =	shalt  }
0x47: {  	_ =	shalt  }
0x48: {  	_ =	shalt  }
0x49: {  	_ =	shalt  }
0x4a: {  	_ =	shalt  }
0x4b: {  	_ =	shalt  }
0x4c: {  	_ =	shalt  }
0x4d: {  	_ =	shalt  }
0x4e: {  	_ =	shalt  }
0x4f: {  	_ =	shalt  }
0x50: {  	_ =	shalt  }
0x51: {  	_ =	shalt  }
0x52: {  	_ =	shalt  }
0x53: {  	_ =	shalt  }
0x54: {  	_ =	shalt  }
0x55: {  	_ =	shalt  }
0x56: {  	_ =	shalt  }
0x57: {  	_ =	shalt  }
0x58: {  	_ =	shalt  }
0x59: {  	_ =	shalt  }
0x5a: {  	_ =	shalt  }
0x5b: {  	_ =	shalt  }
0x5c: {  	_ =	shalt  }
0x5d: {  	_ =	shalt  }
0x5e: {  	_ =	shalt  }
0x5f: {  	_ =	shalt  }
0x60: {  	_ =	shalt  }
0x61: {  	_ =	shalt  }
0x62: {  	_ =	shalt  }
0x63: {  	_ =	shalt  }
0x64: {  	_ =	shalt  }
0x65: {  	_ =	shalt  }
0x66: {  	_ =	shalt  }
0x67: {  	_ =	shalt  }
0x68: {  	_ =	shalt  }
0x69: {  	_ =	shalt  }
0x6a: {  	_ =	shalt  }
0x6b: {  	_ =	shalt  }
0x6c: {  	_ =	shalt  }
0x6d: {  	_ =	shalt  }
0x6e: {  	_ =	shalt  }
0x6f: {  	_ =	shalt  }
0x70: {  	_ =	shalt  }
0x71: {  	_ =	shalt  }
0x72: {  	_ =	shalt  }
0x73: {  	_ =	shalt  }
0x74: {  	_ =	shalt  }
0x75: {  	_ =	shalt  }
0x76: {  	_ =	shalt  }
0x77: {  	_ =	shalt  }
0x78: {  	_ =	shalt  }
0x79: {  	_ =	shalt  }
0x7a: {  	_ =	shalt  }
0x7b: {  	_ =	shalt  }
0x7c: {  	_ =	shalt  }
0x7d: {  	_ =	shalt  }
0x7e: {  	_ =	shalt  }
0x7f: {  	_ =	shalt  }
0x80: {  	_ =	shalt  }
0x81: {  	_ =	shalt  }
0x82: {  	_ =	shalt  }
0x83: {  	_ =	shalt  }
0x84: {  	_ =	shalt  }
0x85: {  	_ =	shalt  }
0x86: {  	_ =	shalt  }
0x87: {  	_ =	shalt  }
.Lfunc_end0:
.L_simem_size_0:
called_computation.5_lowered:
.L_overlay_start_0:
0x88: {  	s2 =	sld [smem:$0x3FD9]  }
0x89: {  	s3 =	sld [smem:$0x3FFE];
	_ =	sdelay $0x1  }
0x8a: {  	s1 =	srdreg.scid  }
0x8b: {  	s0 =	sand.u32 $0x1, s1  }
0x8c: {  	s15 =	sshll.u32 s0, $0xA;
	s2 =	sadd.s32 s3, s2  }
0x8d: {  	s2 =	sadd.s32 s2, s15  }
0x8e: {  	[smem:$0x3FA9] =	sst s2  }
0x8f: {  	_ = 	snop  }
0x90: {  	s2 =	sld [smem:$0x3FD0];
	_ =	sdelay $0x2  }
0x91: {  	s16 =	simm.s32 $0xB;
	s4 =	simm.s32 $0x10  }
0x92: {  	[smem:s4], [sflag:s16] =	dma.local [hbm:s2], $0x1  }
0x93: {  	_ =	swait.eq [sflag:s16], $0x1  }
0x94: {  	[sflag:s16] =	ssyncset.done $0x0  }
0x95: {  	[sflag:s16] =	ssyncadd.s32 $0xFFFFFFFF  }
0x96: {  	s17 =	sld [smem:$0x12];
	(tm) =	ssettm $0x1  }
0x97: {  	s18 =	sld [smem:$0x3FFB];
	_ =	sdelay $0x3  }
0x98: {  	_ =	strace s18  }
0x99: {  	s2 =	sld [smem:$0x3FFC];
	_ =	sdelay $0x3  }
0x9a: {  	_ =	strace s2  }
0x9b: {  	s2 =	sld [smem:$0x3FFD];
	_ =	sdelay $0x3  }
0x9c: {  	_ =	strace s2  }
0x9d: {  	_ =	strace $0x8FFFFFFF  }
0x9e: {  	s19 =	sld [smem:$0x3FDB];
	_ =	sdelay $0x1  }
0x9f: {  	s20 =	simm.s32 $_scs_section_size  }
0xa0: {  	s5 =	simm.s32 $_size__tile_overlayer_lowered;
	s6 =	simm.s32 $_tile_overlayer_lowered  }
0xa1: {  	s7 =	simm.s32 $0x1BFF;
	s21 =	sshll.u32 s6, $0x1;
	s4 =	sadd.s32 s20, s19  }
0xa2: {  	s22 =	simm.s32 $0x0;
	s5 =	sshll.u32 s5, $0x1;
	s6 =	sadd.s32 s21, s4  }
0xa3: {  	[timem:s22], [sflag:s7] =	dma.local [hbm:s6], s5  }
0xa4: {  	_ =	swait.ge [sflag:s7], s5  }
0xa5: {  	s5 =	ssub.s32 $0x0, s5;
	[sflag:s7] =	ssyncset.done $0x0  }
0xa6: {  	[sflag:s7] =	ssyncadd.s32 s5;
	_ =	sdelay $0x1  }
0xa7: {  	s23 =	simm.s32 $0x1B8B  }
0xa8: {  	_ =	swait.ge [sflag:s23], $0x1  }
0xa9: {  	[sflag:s23] =	ssyncset.done $0x0  }
0xaa: {  	[sflag:s23] =	ssyncadd.s32 $0xFFFFFFFF  }
0xab: {  	s5 =	sld [smem:$0x0]  }
0xac: {  	s6 =	sand.u32 $0xFFFFFFFE, s1  }
0xad: {  	p0 =	sne.s32 s1, s6  }
0xae: {  	s6 =	sshll.u32 @p0 s6, $0xE  }
0xaf: {  	s6 =	sadd.s32 @p0 $0x11B8D, s6;
	s7 =	sshll.u32 @p0 s5, $0x11  }
0xb0: {  	s6 =	sor.u32 @p0 s7, s6  }
0xb1: {  	[sflag:s6] =	ssyncadd.remote.s32 @p0 $0x1;
	_ =	sdelay $0x1  }
0xb2: {  	s6 =	simm.s32 @p0 $0x1B8D  }
0xb3: {  	_ =	swait.eq @p0 [sflag:s6], $0x1  }
0xb4: {  	[sflag:s6] =	ssyncadd.s32 @p0 $0xFFFFFFFF  }
0xb5: {  	s7 =	sshll.u32 @!p0 s1, $0xE  }
0xb6: {  	s7 =	sor.u32 @!p0 $0x4000, s7;
	s6 =	simm.s32 @!p0 $0x1B8D  }
0xb7: {  	s5 =	sshll.u32 @!p0 s5, $0x11;
	s7 =	sadd.s32 @!p0 $0x11B8D, s7;
	_ =	swait.eq @!p0 [sflag:s6], $0x1  }
0xb8: {  	s5 =	sor.u32 @!p0 s5, s7;
	[sflag:s6] =	ssyncadd.s32 @!p0 $0xFFFFFFFF  }
0xb9: {  	s25 =	simm.s32 $0x1B8E;
	s24 =	sld [smem:$0x3FFE];
	[sflag:s5] =	ssyncadd.remote.s32 @!p0 $0x1  }
0xba: {  	s26 =	simm.s32 $execute0_lowered;
	[smem:$0x3FD2] =	sst s25  }
0xbb: {  	s6 =	sshll.u32 s26, $0x1;
	_ =	strace $0x80000052;
	[dreg:$0x1] =	wrdreg $0xFFFFFFFF  }
0xbc: {  	s28 =	simm.s32 $_size_execute0_lowered;
	s4 =	sadd.s32 s4, s6;
	[dreg:$0x0] =	wrdreg $0x0  }
0xbd: {  	s6 =	sshll.u32 s28, $0x1;
	[dreg:$0x2] =	wrdreg s4  }
0xbe: {  	[dreg:$0x3] =	wrdreg s6  }
0xbf: {  	[dreg:$0x4] =	wrdreg $0xC0  }
0xc0: {  	_ =	task [dreg:s22], $0x5FFFF  }
0xc1: {  	[dreg:$0x1] =	wrdreg $0xFFFFFFFF  }
0xc2: {  	[dreg:$0x0] =	wrdreg $0x60  }
0xc3: {  	[dreg:$0x2] =	wrdreg s17  }
0xc4: {  	[dreg:$0x3] =	wrdreg s24  }
0xc5: {  	[dreg:$0x4] =	wrdreg $0xA  }
0xc6: {  	_ =	task.clear_ibuf [dreg:s22], $0x5FFFF;
	_ =	strace $0x90000052  }
0xc7: {  	s29 =	simm.s32 $0xA;
	_ =	strace $0x80000054  }
0xc8: {  	_ =	swait.ge [sflag:s29], $0x1  }
0xc9: {  	[sflag:s29] =	ssyncadd.s32 $0xFFFFFFFF  }
0xca: {  	_ =	strace $0x90000054  }
0xcb: {  	_ =	sfence  }
0xcc: {  	s30 =	sld [smem:$0x0];
	_ =	sdelay $0x2  }
0xcd: {  	s31 =	sshll.u32 s1, $0xD;
	s1 =	sshrl.u32 s1, $0x2  }
0xce: {  	s4 =	sand.u32 $0x4000, s31;
	s1 =	sadd.s32 s1, s30  }
0xcf: {  	s0 =	sor.u32 s4, s0;
	s1 =	sshll.u32 s1, $0x11  }
0xd0: {  	s0 =	sor.u32 s1, s0  }
0xd1: {  	s0 =	sadd.s32 $0x8F2B, s0  }
0xd2: {  	[sflag:s0] =	ssyncadd.remote.s32 $0x1  }
0xd3: {  	_ =	sfence.sel $0xFFFF  }
0xd4: {  	[dreg:$0x0] =	wrdreg $0xFFFFFFFF;
	(pc) =	sbr.abs _section_cstart, $3  }
0xd5: {  	[dreg:$0x1] =	wrdreg $0xFFFFFFFF  }
0xd6: {  	_ =	task.clear_ibuf [dreg:s22], $0x2FFFF;
	_ =	strace $0x9FFFFFFF  }
0xd7: {  	(tm) =	ssettm $0x7FFFFFFF  }
tec
execute0_lowered:
.L_overlay_start_1:
0x0: {  	(tag) =	ssettag $0x1  }
0x1: {  	s5 =	rddreg [dreg:$0x0]  }
0x2: {  	s6 =	rddreg [dreg:$0x1]  }
0x3: {  	s0 =	rddreg [dreg:$0x2];
	s1 =	stileid.u32  }
0x4: {  	s2 =	srdreg.scid;
	s13 =	simm.s32 $0xC400;
	s14 =	simm.s32 $0xCC00  }
0x5: {  	s15 =	simm.s32 $0x6000;
	s16 =	simm.s32 $0xC800;
	s17 =	simm.s32 $0x10B00  }
0x6: {  	s18 =	simm.s32 $0x0;
	s3 =	sshrl.u32 s1, $0x2;
	s7 =	sand.u32 $0x1, s2  }
0x7: {  	s4 =	sshll.u32 s1, $0x1;
	s2 =	simm.s32 $0x0;
	s8 =	smul.u32 $0x7E, s3  }
0x8: {  	s30 =	sor.u32 s7, s4;
	[smem:$0x7FF] =	sst s2;
	s3 =	sadd.s32 $0x4800, s6  }
0x9: {  	s4 =	sadd.s32 $0x3C00, s6;
	s7 =	ssub.s32 $0x2, s7;
	s9 =	smul.u32 $0x7E0, s30  }
0xa: {  	_ =	strace $0x80000053;
	s11 =	smul.u32 $0x7E, s30;
	s31 =	sshrl.u32 s7, $0x1  }
0xb: {  	v0 =	vlaneseq.u32;
	s10 =	sadd.s32 s8, s6;
	s12 =	ssub.s32 s7, s31;
	s5 =	sadd.s32 s5, s8  }
0xc: {  	v0 =	vmul.u32 $0xFFFFFFFF, v0;
	s9 =	sadd.s32 s9, s6;
	s11 =	sadd.s32 s11, s6;
	s6 =	sadd.s32 $0x18E00, s10  }
0xd: {  	s10 =	smax.u32 s12, $0x1;
	s12 =	simm.s32 $0x1;
	s7 =	sadd.s32 $0x1A200, s9  }
0xe: {  	v1 =	vimm.f32 $0.0e+00;
	v62 =	vadd.s32 $0x5208, v0;
	s8 =	sadd.s32 $0x41E00, s9;
	s9 =	sadd.s32 $0x19000, s11;
	s11 =	simm.s32 $0xC000  }
.LBB2_1:
0xf: {  	[tilespmem:s11], [sflag:$0x1] =	stream.linear.gather [hbm4b:s5+s2], $0x3F0, $0x38;
	[tilespmem:$0x14A00] =	vst v63  }
0x10: {  	_ =	swait.ge [sflag:s12], $0x3F0  }
0x11: {  	[sflag:s12] =	ssyncset.done $0x0  }
0x12: {  	[sflag:s12] =	ssyncadd.s32 $0xFFFFFC10  }
0x13: {  	[tilespmem:s13], [sflag:$0x1] =	stream.linear.gather [hbm4b:s6+s2], $0x3F0, $0x38;
	[tilespmem:$0x14A00] =	vst v63  }
0x14: {  	_ =	swait.ge [sflag:s12], $0x3F0  }
0x15: {  	[sflag:s12] =	ssyncset.done $0x0  }
0x16: {  	[sflag:s12] =	ssyncadd.s32 $0xFFFFFC10  }
0x17: {  	[tilespmem:s14], [sflag:$0x1] =	stream.linear.gather [hbm4b:s7+s2], $0x3F00, $0x38;
	[tilespmem:$0x14A00] =	vst v63  }
0x18: {  	_ =	swait.ge [sflag:s12], $0x3F00  }
0x19: {  	[sflag:s12] =	ssyncset.done $0x0  }
0x1a: {  	s19 =	simm.s32 $0x0;
	[sflag:s12] =	ssyncadd.s32 $0xFFFFC100  }
.LBB2_2:
0x1b: {  	p0 =	sne.s32 s19, $0xF80  }
.Ltmp0:
0x1c: {  	_ = 	snop;
	(pc) =	sbr.rel @p0 .LBB2_2-.Ltmp0, $3  }
0x1d: {  	_ =	sdelay $0x1  }
0x1e: {  	s20 =	sshra.s32 s19, $0x2  }
0x1f: {  	s19 =	sadd.s32 $0x40, s19;
	[tilespmem:s20+$0xC800] =	vst v1  }
0x20: {  	s19 =	simm.s32 $0x40;
	s20 =	simm.s32 $0x0  }
.LBB2_4:
0x21: {  	p0 =	sne.s32 s19, $0xFBC0;
	[tilespmem:s20+$0x10B00] =	vst v1;
	s20 =	smov.u32 s19;
	s19 =	sadd.s32 $0x40, s19  }
.Ltmp1:
0x22: {  	(pc) =	sbr.rel @p0 .LBB2_4-.Ltmp1, $2  }
0x23: {  	_ =	sdelay $0x2  }
0x24: {  	s20 =	sshra.s32 s20, $0x2  }
0x25: {  	[tilespmem:s20+$0x10B00] =	vst v1;
	s19 =	simm.s32 $0x0  }
0x26: {  	[tilespmem:s19], [sflag:$0x1] =	stream.linear.gather [hbm4b:s3+s19], $0x6000, $0x38;
	[tilespmem:$0x14A00] =	vst v63  }
0x27: {  	_ =	swait.ge [sflag:s12], $0x6000  }
0x28: {  	[sflag:s12] =	ssyncset.done $0x0  }
0x29: {  	[sflag:s12] =	ssyncadd.s32 $0xFFFFA000  }
0x2a: {  	[tilespmem:s15], [sflag:$0x1] =	stream.linear.gather [hbm4b:s4+s19], $0x6000, $0x38;
	[tilespmem:$0x14A00] =	vst v63  }
0x2b: {  	_ =	swait.ge [sflag:s12], $0x6000  }
0x2c: {  	[sflag:s12] =	ssyncset.done $0x0  }
0x2d: {  	s28 =	simm.s32 $0x20;
	[sflag:s12] =	ssyncadd.s32 $0xFFFFA000  }
0x2e: {  	s21 =	simm.s32 $0x6020;
	v0 =	vld [tilespmem:s28+$0x10]  }
0x2f: {  	v5 =	vld [tilespmem:s21+$0x10]  }
0x30: {  	v8 =	vld [tilespmem:s21+$0xFFFFFFE0]  }
0x31: {  	v1 =	vld [tilespmem:s28+$0xFFFFFFF0]  }
0x32: {  	v9 =	vld [tilespmem:s21+$0xFFFFFFF0]  }
0x33: {  	v2 =	vld [tilespmem:s28+$0x0]  }
0x34: {  	v3 =	vld [tilespmem:s28+$0xFFFFFFE0]  }
0x35: {  	v10 =	vld [tilespmem:s21+$0x0]  }
0x36: {  	v0 =	vld.idx.msk [tilespmem:v0+s11+$0x0], $0xffff  }
0x37: {  	v4 =	vld.idx.msk [tilespmem:v5+s13+$0x0], $0xffff  }
0x38: {  	v6 =	vld.idx.msk [tilespmem:v8+s13+$0x0], $0xffff  }
0x39: {  	v1 =	vld.idx.msk [tilespmem:v1+s11+$0x0], $0xffff  }
0x3a: {  	v7 =	vld.idx.msk [tilespmem:v9+s13+$0x0], $0xffff  }
0x3b: {  	v2 =	vld.idx.msk [tilespmem:v2+s11+$0x0], $0xffff  }
0x3c: {  	v3 =	vld.idx.msk [tilespmem:v3+s11+$0x0], $0xffff;
	v0 =	vadd.f32 v4, v0  }
0x3d: {  	v4 =	vld.idx.msk [tilespmem:v10+s13+$0x0], $0xffff  }
0x3e: {  	v11 =	vmul.f32 $2.000000030e-01, v0  }
0x3f: {  	s29 =	simm.s32 $0x60;
	vm0 =	vgt.f32 v0, $0.0e+00  }
0x40: {  	v55 =	vld [tilespmem:s29+$0xFFFFFFF0];
	v7 =	vadd.f32 v7, v1;
	v0 =	vsel vm0, v0, v11  }
0x41: {  	s20 =	simm.s32 $0x6060;
	v3 =	vadd.f32 v6, v3;
	v11 =	vld [tilespmem:s29+$0x10];
	v12 =	vmul.f32 $1.442695020e+00, v0  }
0x42: {  	v6 =	vmul.f32 $2.000000030e-01, v7;
	v0 =	vld [tilespmem:s20+$0x10];
	v4 =	vadd.f32 v4, v2  }
0x43: {  	v1 =	vld [tilespmem:s20+$0xFFFFFFE0];
	vm10 =	vgt.f32 v7, $0.0e+00;
	v13 =	vmul.f32 $2.000000030e-01, v3;
	(erf) = vpow2.f32 v12  }
0x44: {  	vm11 =	vgt.f32 v3, $0.0e+00;
	v6 =	vsel vm10, v7, v6;
	v2 =	vld [tilespmem:s20+$0xFFFFFFF0];
	v7 =	vmul.f32 $2.000000030e-01, v4  }
0x45: {  	s22 =	simm.s32 $0x30;
	v14 =	vld [tilespmem:s29+$0x0];
	v13 =	vsel vm11, v3, v13;
	v6 =	vmul.f32 $1.442695020e+00, v6;
	vm1 =	vgt.f32 v4, $0.0e+00  }
0x46: {  	v15 =	vmov s22;
	v3 =	vld [tilespmem:s20+$0x0];
	v13 =	vmul.f32 $1.442695020e+00, v13;
	v4 =	vsel vm1, v4, v7  }
0x47: {  	vm12 =	vlt.u32 v15, v62;
	(erf) = vpow2.f32 v6;
	v7 =	vld [tilespmem:s29+$0xFFFFFFE0];
	v4 =	vmul.f32 $1.442695020e+00, v4  }
0x48: {  	v12 =	vld.idx.msk [tilespmem:v55+s11+$0x0], $0xffff;
	(erf) = vpow2.f32 v13  }
0x49: {  	s30 =	simm.s32 $0x10;
	v6 =	vld.idx.msk [tilespmem:v11+s11+$0x0], $0xffff;
	(erf) = vpow2.f32 v4  }
0x4a: {  	v56 =	vmov s30;
	v11 =	vld.idx.msk [tilespmem:v0+s13+$0x0], $0xffff  }
0x4b: {  	s31 =	simm.s32 $0x20;
	v57 =	vmov s19;
	vm13 =	vlt.u32 v56, v62;
	v4 =	vld.idx.msk [tilespmem:v1+s13+$0x0], $0xffff  }
0x4c: {  	v16 =	vmov s31;
	vm2 =	vlt.u32 v57, v62;
	v59 =	vld.idx.msk [tilespmem:v2+s13+$0x0], $0xffff;
	v58 =	vpop (erf)  }
0x4d: {  	vm14 =	vlt.u32 v16, v62;
	[tilespmem:v5+s16+$0x0] =	vst.idx.add.f32.msk vm12, v58  }
0x4e: {  	v5 =	vld.idx.msk [tilespmem:v14+s11+$0x0], $0xffff  }
0x4f: {  	v7 =	vld.idx.msk [tilespmem:v7+s11+$0x0], $0xffff;
	v11 =	vadd.f32 v11, v6  }
0x50: {  	v60 =	vpop (erf);
	v6 =	vld.idx.msk [tilespmem:v3+s13+$0x0], $0xffff  }
0x51: {  	[tilespmem:v9+s16+$0x0] =	vst.idx.add.f32.msk vm13, v60;
	v9 =	vpop (erf);
	v61 =	vmul.f32 $2.000000030e-01, v11  }
0x52: {  	[tilespmem:v8+s16+$0x0] =	vst.idx.add.f32.msk vm2, v9;
	vm15 =	vgt.f32 v11, $0.0e+00;
	v63 =	vpop (erf)  }
0x53: {  	s22 =	simm.s32 $0xA0;
	s21 =	simm.s32 $0x4;
	v8 =	vadd.f32 v59, v12;
	v9 =	vsel vm15, v11, v61;
	[tilespmem:v10+s16+$0x0] =	vst.idx.add.f32.msk vm14, v63  }
.LBB2_6:
0x54: {  	v10 =	vld [tilespmem:s22+$0x10];
	v9 =	vmul.f32 $1.442695020e+00, v9;
	s20 =	sadd.s32 $0x40, s20  }
0x55: {  	s21 =	sadd.s32 $0x4, s21;
	v4 =	vadd.f32 v4, v7;
	v11 =	vld [tilespmem:s20+$0x10];
	vm0 =	vgt.f32 v8, $0.0e+00;
	v7 =	vmul.f32 $2.000000030e-01, v8  }
0x56: {  	p0 =	slt.u32 s21, $0x5FC;
	v5 =	vadd.f32 v6, v5;
	v12 =	vld [tilespmem:s20+$0xFFFFFFE0];
	(erf) = vpow2.f32 v9  }
0x57: {  	s19 =	sadd.s32 $0x40, s19;
	vm1 =	vgt.f32 v4, $0.0e+00;
	v9 =	vmul.f32 $2.000000030e-01, v4;
	v6 =	vld [tilespmem:s22+$0xFFFFFFF0];
	v7 =	vsel vm0, v8, v7  }
0x58: {  	s23 =	sadd.s32 $0x10, s19;
	s24 =	sadd.s32 $0x20, s19;
	s25 =	sadd.s32 $0x30, s19;
	vm0 =	vgt.f32 v5, $0.0e+00;
	v13 =	vmul.f32 $2.000000030e-01, v5;
	v8 =	vld [tilespmem:s20+$0xFFFFFFF0];
	v7 =	vmul.f32 $1.442695020e+00, v7  }
0x59: {  	v15 =	vmov s25;
	v4 =	vsel vm1, v4, v9;
	v9 =	vmov s23;
	v14 =	vld [tilespmem:s22+$0x0]  }
0x5a: {  	vm1 =	vlt.u32 v15, v62;
	v4 =	vmul.f32 $1.442695020e+00, v4;
	v5 =	vsel vm0, v5, v13;
	v16 =	vld [tilespmem:s20+$0x0]  }
0x5b: {  	v15 =	vmov s24;
	v5 =	vmul.f32 $1.442695020e+00, v5;
	v13 =	vld [tilespmem:s22+$0xFFFFFFE0];
	(erf) = vpow2.f32 v7  }
0x5c: {  	vm2 =	vlt.u32 v9, v62;
	v7 =	vmov s19;
	v10 =	vld.idx.msk [tilespmem:v10+s11+$0x0], $0xffff;
	(erf) = vpow2.f32 v4  }
0x5d: {  	vm0 =	vlt.u32 v15, v62;
	vm3 =	vlt.u32 v7, v62;
	v9 =	vld.idx.msk [tilespmem:v11+s13+$0x0], $0xffff;
	(erf) = vpow2.f32 v5  }
0x5e: {  	v4 =	vld.idx.msk [tilespmem:v12+s13+$0x0], $0xffff  }
0x5f: {  	v15 =	vld.idx.msk [tilespmem:v6+s11+$0x0], $0xffff;
	v5 =	vpop (erf)  }
0x60: {  	[tilespmem:v0+s16+$0x0] =	vst.idx.add.f32.msk vm1, v5;
	v0 =	vmov v11  }
0x61: {  	v11 =	vld.idx.msk [tilespmem:v8+s13+$0x0], $0xffff  }
0x62: {  	v5 =	vld.idx.msk [tilespmem:v14+s11+$0x0], $0xffff  }
.Ltmp2:
0x63: {  	v9 =	vadd.f32 v9, v10;
	v7 =	vld.idx.msk [tilespmem:v13+s11+$0x0], $0xffff;
	(pc) =	sbr.rel @p0 .LBB2_6-.Ltmp2, $4  }
0x64: {  	v6 =	vld.idx.msk [tilespmem:v16+s13+$0x0], $0xffff;
	v10 =	vpop (erf)  }
0x65: {  	v13 =	vmul.f32 $2.000000030e-01, v9;
	[tilespmem:v2+s16+$0x0] =	vst.idx.add.f32.msk vm2, v10;
	v10 =	vpop (erf);
	v2 =	vmov v8  }
0x66: {  	vm1 =	vgt.f32 v9, $0.0e+00;
	[tilespmem:v1+s16+$0x0] =	vst.idx.add.f32.msk vm3, v10;
	v10 =	vpop (erf);
	v1 =	vmov v12  }
0x67: {  	s22 =	sadd.s32 $0x40, s22;
	v8 =	vadd.f32 v11, v15;
	v9 =	vsel vm1, v9, v13;
	[tilespmem:v3+s16+$0x0] =	vst.idx.add.f32.msk vm0, v10;
	v3 =	vmov v16  }
0x68: {  	v4 =	vadd.f32 v4, v7  }
0x69: {  	v7 =	vmul.f32 $2.000000030e-01, v8;
	v5 =	vadd.f32 v6, v5  }
0x6a: {  	v6 =	vmul.f32 $1.442695020e+00, v9;
	vm0 =	vgt.f32 v8, $0.0e+00;
	v9 =	vmul.f32 $2.000000030e-01, v4  }
0x6b: {  	vm1 =	vgt.f32 v4, $0.0e+00;
	v7 =	vsel vm0, v8, v7;
	v8 =	vmul.f32 $2.000000030e-01, v5  }
0x6c: {  	vm0 =	vgt.f32 v5, $0.0e+00;
	v7 =	vmul.f32 $1.442695020e+00, v7;
	v4 =	vsel vm1, v4, v9  }
0x6d: {  	(erf) = vpow2.f32 v6;
	v4 =	vmul.f32 $1.442695020e+00, v4;
	v5 =	vsel vm0, v5, v8  }
0x6e: {  	s19 =	sadd.s32 $0x40, s19;
	v5 =	vmul.f32 $1.442695020e+00, v5;
	(erf) = vpow2.f32 v7  }
0x6f: {  	s20 =	sadd.s32 $0x30, s19;
	(erf) = vpow2.f32 v4  }
0x70: {  	s21 =	sadd.s32 $0x10, s19;
	v4 =	vmov s20;
	(erf) = vpow2.f32 v5  }
0x71: {  	v5 =	vmov s21;
	vm0 =	vlt.u32 v4, v62  }
0x72: {  	s28 =	sadd.s32 $0x20, s19;
	v4 =	vmov s19;
	vm1 =	vlt.u32 v5, v62  }
0x73: {  	v5 =	vmov s28;
	vm2 =	vlt.u32 v4, v62  }
0x74: {  	vm3 =	vlt.u32 v5, v62;
	_ =	sdelay $0x1  }
0x75: {  	v4 =	vpop (erf)  }
0x76: {  	[tilespmem:v0+s16+$0x0] =	vst.idx.add.f32.msk vm0, v4;
	v0 =	vpop (erf)  }
0x77: {  	[tilespmem:v2+s16+$0x0] =	vst.idx.add.f32.msk vm1, v0;
	v0 =	vpop (erf)  }
0x78: {  	[tilespmem:v1+s16+$0x0] =	vst.idx.add.f32.msk vm2, v0;
	v0 =	vpop (erf)  }
0x79: {  	s29 =	simm.s32 $0x0;
	[tilespmem:v3+s16+$0x0] =	vst.idx.add.f32.msk vm3, v0  }
0x7a: {  	[tilespmem:s29], [sflag:$0x1] =	stream.linear.gather [hbm4b:s3+s29], $0x6000, $0x38;
	[tilespmem:$0x14A00] =	vst v63  }
0x7b: {  	_ =	swait.ge [sflag:s12], $0x6000  }
0x7c: {  	[sflag:s12] =	ssyncset.done $0x0  }
0x7d: {  	[sflag:s12] =	ssyncadd.s32 $0xFFFFA000  }
0x7e: {  	[tilespmem:s15], [sflag:$0x1] =	stream.linear.gather [hbm4b:s4+s29], $0x6000, $0x38;
	[tilespmem:$0x14A00] =	vst v63  }
0x7f: {  	_ =	swait.ge [sflag:s12], $0x6000  }
0x80: {  	[sflag:s12] =	ssyncset.done $0x0  }
0x81: {  	s30 =	simm.s32 $0x10;
	[sflag:s12] =	ssyncadd.s32 $0xFFFFA000  }
0x82: {  	s31 =	simm.s32 $0x6010;
	v17 =	vld [tilespmem:s30+$0x10]  }
0x83: {  	v4 =	vld [tilespmem:s31+$0x10];
	_ =	sdelay $0x1  }
0x84: {  	v5 =	vld [tilespmem:s31+$0xFFFFFFF0]  }
0x85: {  	v6 =	vld [tilespmem:s30+$0x0]  }
0x86: {  	v9 =	vld [tilespmem:s31+$0x0];
	_ =	sdelay $0x1  }
0x87: {  	v3 =	vld [tilespmem:s30+$0xFFFFFFF0]  }
0x88: {  	v0 =	vld.idx.msk [tilespmem:v17+s11+$0x0], $0xffff  }
0x89: {  	v1 =	vld.idx.msk [tilespmem:v4+s13+$0x0], $0xffff;
	_ =	sdelay $0x1  }
0x8a: {  	v2 =	vld.idx.msk [tilespmem:v5+s13+$0x0], $0xffff  }
0x8b: {  	v7 =	vld.idx.msk [tilespmem:v6+s11+$0x0], $0xffff  }
0x8c: {  	v8 =	vld.idx.msk [tilespmem:v9+s13+$0x0], $0xffff  }
0x8d: {  	v10 =	vld.idx.msk [tilespmem:v4+s16+$0x0], $0xffff;
	v0 =	vadd.f32 v1, v0  }
0x8e: {  	v1 =	vld.idx.msk [tilespmem:v3+s11+$0x0], $0xffff  }
0x8f: {  	v11 =	vmul.f32 $2.000000030e-01, v0  }
0x90: {  	vm0 =	vgt.f32 v0, $0.0e+00  }
0x91: {  	v12 =	vld.idx.msk [tilespmem:v5+s16+$0x0], $0xffff;
	v7 =	vadd.f32 v8, v7;
	v0 =	vsel vm0, v0, v11  }
0x92: {  	v8 =	vld.idx.msk [tilespmem:v9+s16+$0x0], $0xffff;
	v0 =	vmul.f32 $1.442695020e+00, v0  }
0x93: {  	(erf) = vrcp.f32 v10;
	v11 =	vmul.f32 $2.000000030e-01, v7;
	v1 =	vadd.f32 v2, v1  }
0x94: {  	vm0 =	vgt.f32 v7, $0.0e+00;
	(erf) = vpow2.f32 v0  }
0x95: {  	v0 =	vsel vm0, v7, v11;
	v2 =	vmul.f32 $2.000000030e-01, v1  }
0x96: {  	vm0 =	vgt.f32 v1, $0.0e+00;
	v0 =	vmul.f32 $1.442695020e+00, v0;
	(erf) = vrcp.f32 v12  }
0x97: {  	(erf) = vrcp.f32 v8;
	v1 =	vsel vm0, v1, v2  }
0x98: {  	s21 =	simm.s32 $0x20;
	(erf) = vpow2.f32 v0;
	v0 =	vmul.f32 $1.442695020e+00, v1  }
0x99: {  	v1 =	vmov s21  }
0x9a: {  	(erf) = vpow2.f32 v0  }
0x9b: {  	v0 =	vld.idx.msk [tilespmem:v17+s14+$0x0], $0xffff  }
0x9c: {  	s22 =	simm.s32 $0x10;
	vm1 =	vlt.u32 v1, v62;
	v1 =	vpop (erf)  }
0x9d: {  	v7 =	vmov s22;
	v2 =	vpop (erf)  }
0x9e: {  	v18 =	vmul.f32 v2, v1;
	v1 =	vadd.s32 $0x3F0, v17  }
0x9f: {  	v2 =	vld.idx.msk [tilespmem:v6+s14+$0x0], $0xffff;
	v10 =	vpop (erf)  }
0xa0: {  	vm0 =	vlt.u32 v7, v62;
	v7 =	vpop (erf);
	v0 =	vmul.f32 v18, v0  }
0xa1: {  	v11 =	vld.idx.msk [tilespmem:v3+s14+$0x0], $0xffff;
	v8 =	vmov s29;
	v12 =	vpop (erf)  }
0xa2: {  	v13 =	vadd.s32 $0x3F0, v6;
	vm2 =	vlt.u32 v8, v62;
	v8 =	vmul.f32 v12, v7;
	[tilespmem:v4+s17+$0x0] =	vst.idx.add.f32.msk vm1, v0  }
0xa3: {  	v0 =	vld.idx.msk [tilespmem:v1+s14+$0x0], $0xffff;
	v1 =	vpop (erf)  }
0xa4: {  	v12 =	vadd.s32 $0x3F0, v3;
	v2 =	vmul.f32 v8, v2;
	v7 =	vmul.f32 v1, v10  }
0xa5: {  	v1 =	vadd.s32 $0x3F0, v4  }
0xa6: {  	v10 =	vadd.s32 $0x7E0, v17;
	[tilespmem:v9+s17+$0x0] =	vst.idx.add.f32.msk vm0, v2;
	v2 =	vmul.f32 v7, v11  }
0xa7: {  	v11 =	vld.idx.msk [tilespmem:v13+s14+$0x0], $0xffff  }
0xa8: {  	[tilespmem:v5+s17+$0x0] =	vst.idx.add.f32.msk vm2, v2;
	v0 =	vmul.f32 v18, v0  }
0xa9: {  	v2 =	vadd.s32 $0x3F0, v9;
	v12 =	vld.idx.msk [tilespmem:v12+s14+$0x0], $0xffff  }
0xaa: {  	v13 =	vadd.s32 $0x7E0, v6;
	[tilespmem:v1+s17+$0x0] =	vst.idx.add.f32.msk vm1, v0  }
0xab: {  	v0 =	vadd.s32 $0x3F0, v5;
	v1 =	vld.idx.msk [tilespmem:v10+s14+$0x0], $0xffff  }
0xac: {  	v10 =	vadd.s32 $0x7E0, v3;
	v11 =	vmul.f32 v8, v11  }
0xad: {  	v14 =	vadd.s32 $0x7E0, v4  }
0xae: {  	[tilespmem:v2+s17+$0x0] =	vst.idx.add.f32.msk vm0, v11;
	v11 =	vadd.s32 $0xBD0, v17;
	v2 =	vmul.f32 v7, v12  }
0xaf: {  	v12 =	vld.idx.msk [tilespmem:v13+s14+$0x0], $0xffff  }
0xb0: {  	vm0 =	vmmov vm0;
	[tilespmem:v0+s17+$0x0] =	vst.idx.add.f32.msk vm2, v2;
	v0 =	vmul.f32 v18, v1  }
0xb1: {  	v1 =	vadd.s32 $0x7E0, v9;
	v2 =	vld.idx.msk [tilespmem:v10+s14+$0x0], $0xffff  }
0xb2: {  	vm2 =	vmmov vm2;
	v10 =	vadd.s32 $0xBD0, v6;
	[tilespmem:v14+s17+$0x0] =	vst.idx.add.f32.msk vm1, v0  }
0xb3: {  	v0 =	vadd.s32 $0x7E0, v5;
	v11 =	vld.idx.msk [tilespmem:v11+s14+$0x0], $0xffff  }
0xb4: {  	v13 =	vadd.s32 $0xBD0, v3;
	v12 =	vmul.f32 v8, v12  }
0xb5: {  	v14 =	vadd.s32 $0xBD0, v4  }
0xb6: {  	[tilespmem:v1+s17+$0x0] =	vst.idx.add.f32.msk vm0, v12;
	v1 =	vmul.f32 v7, v2;
	v2 =	vadd.s32 $0xFC0, v17  }
0xb7: {  	v10 =	vld.idx.msk [tilespmem:v10+s14+$0x0], $0xffff  }
0xb8: {  	[tilespmem:v0+s17+$0x0] =	vst.idx.add.f32.msk vm2, v1;
	v0 =	vmul.f32 v11, v18  }
0xb9: {  	v1 =	vadd.s32 $0xBD0, v9;
	v11 =	vld.idx.msk [tilespmem:v13+s14+$0x0], $0xffff  }
0xba: {  	v12 =	vadd.s32 $0xFC0, v6;
	[tilespmem:v14+s17+$0x0] =	vst.idx.add.f32.msk vm1, v0  }
0xbb: {  	v0 =	vadd.s32 $0xBD0, v5;
	v2 =	vld.idx.msk [tilespmem:v2+s14+$0x0], $0xffff  }
0xbc: {  	v13 =	vadd.s32 $0xFC0, v3;
	v10 =	vmul.f32 v10, v8  }
0xbd: {  	v14 =	vadd.s32 $0xFC0, v4  }
0xbe: {  	[tilespmem:v1+s17+$0x0] =	vst.idx.add.f32.msk vm0, v10;
	v10 =	vadd.s32 $0x13B0, v17;
	v1 =	vmul.f32 v11, v7  }
0xbf: {  	v11 =	vld.idx.msk [tilespmem:v12+s14+$0x0], $0xffff  }
0xc0: {  	[tilespmem:v0+s17+$0x0] =	vst.idx.add.f32.msk vm2, v1;
	v0 =	vmul.f32 v2, v18  }
0xc1: {  	v1 =	vadd.s32 $0xFC0, v9;
	v2 =	vld.idx.msk [tilespmem:v13+s14+$0x0], $0xffff  }
0xc2: {  	v12 =	vadd.s32 $0x13B0, v6;
	[tilespmem:v14+s17+$0x0] =	vst.idx.add.f32.msk vm1, v0  }
0xc3: {  	v0 =	vadd.s32 $0xFC0, v5;
	v10 =	vld.idx.msk [tilespmem:v10+s14+$0x0], $0xffff  }
0xc4: {  	v13 =	vadd.s32 $0x13B0, v3;
	v11 =	vmul.f32 v11, v8  }
0xc5: {  	v14 =	vadd.s32 $0x13B0, v4  }
0xc6: {  	[tilespmem:v1+s17+$0x0] =	vst.idx.add.f32.msk vm0, v11;
	v1 =	vmul.f32 v2, v7;
	v2 =	vadd.s32 $0x17A0, v17  }
0xc7: {  	v11 =	vld.idx.msk [tilespmem:v12+s14+$0x0], $0xffff  }
0xc8: {  	[tilespmem:v0+s17+$0x0] =	vst.idx.add.f32.msk vm2, v1;
	v0 =	vmul.f32 v10, v18  }
0xc9: {  	v1 =	vadd.s32 $0x13B0, v9;
	v10 =	vld.idx.msk [tilespmem:v13+s14+$0x0], $0xffff  }
0xca: {  	v12 =	vadd.s32 $0x17A0, v6;
	[tilespmem:v14+s17+$0x0] =	vst.idx.add.f32.msk vm1, v0  }
0xcb: {  	v0 =	vadd.s32 $0x13B0, v5;
	v2 =	vld.idx.msk [tilespmem:v2+s14+$0x0], $0xffff  }
0xcc: {  	v13 =	vadd.s32 $0x17A0, v3;
	v11 =	vmul.f32 v11, v8  }
0xcd: {  	v14 =	vadd.s32 $0x17A0, v4  }
0xce: {  	[tilespmem:v1+s17+$0x0] =	vst.idx.add.f32.msk vm0, v11;
	v1 =	vmul.f32 v10, v7;
	v10 =	vadd.s32 $0x1B90, v17  }
0xcf: {  	v11 =	vld.idx.msk [tilespmem:v12+s14+$0x0], $0xffff  }
0xd0: {  	[tilespmem:v0+s17+$0x0] =	vst.idx.add.f32.msk vm2, v1;
	v0 =	vmul.f32 v2, v18  }
0xd1: {  	v1 =	vadd.s32 $0x17A0, v9;
	v2 =	vld.idx.msk [tilespmem:v13+s14+$0x0], $0xffff  }
0xd2: {  	v12 =	vadd.s32 $0x1B90, v6;
	[tilespmem:v14+s17+$0x0] =	vst.idx.add.f32.msk vm1, v0  }
0xd3: {  	v0 =	vadd.s32 $0x17A0, v5;
	v10 =	vld.idx.msk [tilespmem:v10+s14+$0x0], $0xffff  }
0xd4: {  	vm3 =	vmmov vm1;
	v13 =	vadd.s32 $0x1B90, v3;
	v11 =	vmul.f32 v11, v8  }
0xd5: {  	v14 =	vadd.s32 $0x1B90, v4  }
0xd6: {  	[tilespmem:v1+s17+$0x0] =	vst.idx.add.f32.msk vm0, v11;
	v1 =	vmul.f32 v2, v7;
	v2 =	vadd.s32 $0x1F80, v17  }
0xd7: {  	v11 =	vld.idx.msk [tilespmem:v12+s14+$0x0], $0xffff  }
0xd8: {  	[tilespmem:v0+s17+$0x0] =	vst.idx.add.f32.msk vm2, v1;
	v0 =	vmul.f32 v10, v18  }
0xd9: {  	v1 =	vld.idx.msk [tilespmem:v13+s14+$0x0], $0xffff  }
0xda: {  	[tilespmem:v14+s17+$0x0] =	vst.idx.add.f32.msk vm3, v0  }
0xdb: {  	v10 =	vadd.s32 $0x1B90, v9;
	v2 =	vld.idx.msk [tilespmem:v2+s14+$0x0], $0xffff  }
0xdc: {  	v12 =	vadd.s32 $0x1B90, v5  }
0xdd: {  	v13 =	vadd.s32 $0x1F80, v4  }
0xde: {  	s23 =	simm.s32 $0x40;
	v14 =	vadd.s32 $0x2370, v17;
	v11 =	vmul.f32 v11, v8  }
0xdf: {  	v16 =	vld [tilespmem:s23+$0x10];
	v1 =	vmul.f32 v1, v7  }
0xe0: {  	[tilespmem:v10+s17+$0x0] =	vst.idx.add.f32.msk vm0, v11;
	v2 =	vmul.f32 v2, v18  }
0xe1: {  	[tilespmem:v12+s17+$0x0] =	vst.idx.add.f32.msk vm2, v1  }
0xe2: {  	v15 =	vadd.s32 $0x1F80, v3;
	[tilespmem:v13+s17+$0x0] =	vst.idx.add.f32.msk vm3, v2  }
0xe3: {  	s24 =	simm.s32 $0x6040;
	v0 =	vadd.s32 $0x1F80, v6;
	v1 =	vld.idx.msk [tilespmem:v14+s14+$0x0], $0xffff  }
0xe4: {  	v10 =	vld [tilespmem:s24+$0xFFFFFFF0]  }
0xe5: {  	v12 =	vadd.s32 $0x2370, v4;
	v13 =	vld [tilespmem:s24+$0x10]  }
0xe6: {  	v11 =	vld [tilespmem:s23+$0x0]  }
0xe7: {  	v2 =	vld.idx.msk [tilespmem:v15+s14+$0x0], $0xffff;
	v15 =	vadd.s32 $0x2760, v17  }
0xe8: {  	v0 =	vld.idx.msk [tilespmem:v0+s14+$0x0], $0xffff;
	v1 =	vmul.f32 v1, v18  }
0xe9: {  	v14 =	vld [tilespmem:s24+$0x0]  }
0xea: {  	[tilespmem:v12+s17+$0x0] =	vst.idx.add.f32.msk vm3, v1  }
0xeb: {  	v12 =	vld [tilespmem:s23+$0xFFFFFFF0]  }
0xec: {  	v1 =	vld.idx.msk [tilespmem:v15+s14+$0x0], $0xffff  }
0xed: {  	v19 =	vld.idx.msk [tilespmem:v13+s13+$0x0], $0xffff  }
0xee: {  	v20 =	vadd.s32 $0x2760, v4;
	v15 =	vld.idx.msk [tilespmem:v16+s11+$0x0], $0xffff  }
0xef: {  	v21 =	vld.idx.msk [tilespmem:v10+s13+$0x0], $0xffff  }
0xf0: {  	v22 =	vadd.s32 $0x2B50, v17;
	v23 =	vld.idx.msk [tilespmem:v11+s11+$0x0], $0xffff  }
0xf1: {  	v24 =	vld.idx.msk [tilespmem:v14+s13+$0x0], $0xffff;
	v1 =	vmul.f32 v1, v18  }
0xf2: {  	v25 =	vld.idx.msk [tilespmem:v13+s16+$0x0], $0xffff  }
0xf3: {  	[tilespmem:v20+s17+$0x0] =	vst.idx.add.f32.msk vm3, v1;
	v1 =	vadd.f32 v19, v15  }
0xf4: {  	v26 =	vadd.s32 $0x2370, v6;
	v15 =	vadd.s32 $0x1F80, v5;
	v27 =	vld.idx.msk [tilespmem:v12+s11+$0x0], $0xffff  }
0xf5: {  	v30 =	vadd.s32 $0x2B50, v4;
	v0 =	vmul.f32 v0, v8;
	v20 =	vld.idx.msk [tilespmem:v22+s14+$0x0], $0xffff;
	v28 =	vmul.f32 $2.000000030e-01, v1  }
0xf6: {  	v29 =	vld.idx.msk [tilespmem:v10+s16+$0x0], $0xffff;
	v23 =	vadd.f32 v24, v23;
	v19 =	vadd.s32 $0x2370, v3;
	vm1 =	vgt.f32 v1, $0.0e+00  }
0xf7: {  	v2 =	vmul.f32 v2, v7;
	(erf) = vrcp.f32 v25;
	v24 =	vld.idx.msk [tilespmem:v14+s16+$0x0], $0xffff;
	v1 =	vsel vm1, v1, v28  }
0xf8: {  	v31 =	vmul.f32 $2.000000030e-01, v23;
	v28 =	vadd.s32 $0x2F40, v17;
	v1 =	vmul.f32 $1.442695020e+00, v1  }
0xf9: {  	s19 =	simm.s32 $0x6070;
	v22 =	vadd.s32 $0x1F80, v9;
	vm1 =	vgt.f32 v23, $0.0e+00;
	[tilespmem:v15+s17+$0x0] =	vst.idx.add.f32.msk vm2, v2;
	v2 =	vadd.f32 v21, v27  }
0xfa: {  	v40 =	vld [tilespmem:s19+$0xFFFFFFF0];
	v15 =	vsel vm1, v23, v31;
	v20 =	vmul.f32 v20, v18;
	(erf) = vpow2.f32 v1  }
0xfb: {  	v15 =	vmul.f32 $1.442695020e+00, v15;
	v1 =	vld.idx.msk [tilespmem:v19+s14+$0x0], $0xffff;
	(erf) = vrcp.f32 v29  }
0xfc: {  	v19 =	vmul.f32 $2.000000030e-01, v2;
	[tilespmem:v30+s17+$0x0] =	vst.idx.add.f32.msk vm3, v20;
	(erf) = vrcp.f32 v24  }
0xfd: {  	vm1 =	vgt.f32 v2, $0.0e+00;
	v20 =	vld.idx.msk [tilespmem:v28+s14+$0x0], $0xffff;
	(erf) = vpow2.f32 v15  }
0xfe: {  	s25 =	simm.s32 $0x50;
	[tilespmem:v22+s17+$0x0] =	vst.idx.add.f32.msk vm0, v0;
	v0 =	vsel vm1, v2, v19;
	v15 =	vadd.s32 $0x2370, v5  }
0xff: {  	v25 =	vmov s25;
	v2 =	vld.idx.msk [tilespmem:v26+s14+$0x0], $0xffff;
	v19 =	vadd.s32 $0x2F40, v4;
	v0 =	vmul.f32 $1.442695020e+00, v0  }
0x100: {  	v23 =	vadd.s32 $0x3330, v17;
	v22 =	vld.idx.msk [tilespmem:v12+s14+$0x0], $0xffff  }
0x101: {  	v21 =	vadd.s32 $0x2370, v9;
	v24 =	vld.idx.msk [tilespmem:v16+s14+$0x0], $0xffff;
	v1 =	vmul.f32 v1, v7;
	(erf) = vpow2.f32 v0  }
0x102: {  	s26 =	simm.s32 $0x40;
	vm4 =	vlt.u32 v25, v62;
	v25 =	vpop (erf);
	v26 =	vld.idx.msk [tilespmem:v11+s14+$0x0], $0xffff;
	v0 =	vadd.s32 $0x2760, v3;
	v20 =	vmul.f32 v20, v18  }
0x103: {  	v27 =	vmov s26;
	[tilespmem:v15+s17+$0x0] =	vst.idx.add.f32.msk vm2, v1;
	v28 =	vpop (erf)  }
0x104: {  	v1 =	vmul.f32 v2, v8;
	[tilespmem:v19+s17+$0x0] =	vst.idx.add.f32.msk vm3, v20;
	v15 =	vmul.f32 v28, v25;
	v25 =	vadd.s32 $0x3F0, v16;
	v28 =	vpop (erf)  }
0x105: {  	vm1 =	vlt.u32 v27, v62;
	v19 =	vadd.s32 $0x2760, v6;
	v20 =	vld.idx.msk [tilespmem:v23+s14+$0x0], $0xffff;
	v2 =	vpop (erf)  }
0x106: {  	[tilespmem:v21+s17+$0x0] =	vst.idx.add.f32.msk vm0, v1;
	v23 =	vmul.f32 v15, v24;
	v24 =	vpop (erf)  }
0x107: {  	s28 =	simm.s32 $0x30;
	v1 =	vadd.s32 $0x3F0, v11;
	v0 =	vld.idx.msk [tilespmem:v0+s14+$0x0], $0xffff;
	v48 =	vmul.f32 v24, v2  }
0x108: {  	v21 =	vmov s28;
	[tilespmem:v13+s17+$0x0] =	vst.idx.add.f32.msk vm4, v23;
	v23 =	vadd.s32 $0x3330, v4  }
0x109: {  	vm6 =	vlt.u32 v21, v62;
	v21 =	vmul.f32 v48, v26;
	v24 =	vld.idx.msk [tilespmem:v25+s14+$0x0], $0xffff;
	v25 =	vadd.s32 $0x3720, v17  }
0x10a: {  	v19 =	vld.idx.msk [tilespmem:v19+s14+$0x0], $0xffff;
	v26 =	vpop (erf)  }
0x10b: {  	v27 =	vadd.s32 $0x3F0, v12;
	v20 =	vmul.f32 v20, v18;
	v32 =	vmul.f32 v26, v28;
	[tilespmem:v14+s17+$0x0] =	vst.idx.add.f32.msk vm1, v21  }
0x10c: {  	v21 =	vadd.s32 $0x3F0, v13;
	v1 =	vld.idx.msk [tilespmem:v1+s14+$0x0], $0xffff  }
0x10d: {  	v26 =	vadd.s32 $0x7E0, v16;
	v22 =	vmul.f32 v32, v22;
	[tilespmem:v23+s17+$0x0] =	vst.idx.add.f32.msk vm3, v20  }
0x10e: {  	v20 =	vadd.s32 $0x2760, v5;
	v23 =	vld.idx.msk [tilespmem:v25+s14+$0x0], $0xffff  }
0x10f: {  	v25 =	vadd.s32 $0x3F0, v14;
	[tilespmem:v10+s17+$0x0] =	vst.idx.add.f32.msk vm6, v22;
	v22 =	vmul.f32 v15, v24  }
0x110: {  	v24 =	vadd.s32 $0x7E0, v11;
	v27 =	vld.idx.msk [tilespmem:v27+s14+$0x0], $0xffff  }
0x111: {  	v0 =	vmul.f32 v0, v7;
	[tilespmem:v21+s17+$0x0] =	vst.idx.add.f32.msk vm4, v22;
	v21 =	vadd.s32 $0x3720, v4  }
0x112: {  	v17 =	vadd.s32 $0x3B10, v17;
	v1 =	vmul.f32 v48, v1;
	v22 =	vld.idx.msk [tilespmem:v26+s14+$0x0], $0xffff  }
0x113: {  	v26 =	vadd.s32 $0x3F0, v10;
	[tilespmem:v20+s17+$0x0] =	vst.idx.add.f32.msk vm2, v0  }
0x114: {  	v0 =	vadd.s32 $0x7E0, v12;
	[tilespmem:v25+s17+$0x0] =	vst.idx.add.f32.msk vm1, v1;
	v1 =	vmul.f32 v23, v18  }
0x115: {  	v23 =	vadd.s32 $0x7E0, v13;
	v20 =	vld.idx.msk [tilespmem:v24+s14+$0x0], $0xffff  }
0x116: {  	vm5 =	vmmov vm0;
	v25 =	vadd.s32 $0xBD0, v16;
	v24 =	vmul.f32 v32, v27;
	[tilespmem:v21+s17+$0x0] =	vst.idx.add.f32.msk vm3, v1  }
0x117: {  	vm0 =	vmmov vm1;
	v1 =	vadd.s32 $0x2760, v9;
	v17 =	vld.idx.msk [tilespmem:v17+s14+$0x0], $0xffff  }
0x118: {  	v21 =	vadd.s32 $0x7E0, v14;
	[tilespmem:v26+s17+$0x0] =	vst.idx.add.f32.msk vm6, v24;
	v22 =	vmul.f32 v15, v22  }
0x119: {  	v24 =	vadd.s32 $0xBD0, v11;
	v0 =	vld.idx.msk [tilespmem:v0+s14+$0x0], $0xffff  }
0x11a: {  	v19 =	vmul.f32 v19, v8;
	v4 =	vadd.s32 $0x3B10, v4;
	[tilespmem:v23+s17+$0x0] =	vst.idx.add.f32.msk vm4, v22  }
0x11b: {  	v22 =	vadd.s32 $0x2B50, v3;
	v20 =	vmul.f32 v48, v20;
	v23 =	vld.idx.msk [tilespmem:v25+s14+$0x0], $0xffff  }
0x11c: {  	v25 =	vadd.s32 $0x7E0, v10;
	[tilespmem:v1+s17+$0x0] =	vst.idx.add.f32.msk vm5, v19  }
0x11d: {  	v1 =	vadd.s32 $0xBD0, v12;
	[tilespmem:v21+s17+$0x0] =	vst.idx.add.f32.msk vm0, v20;
	v17 =	vmul.f32 v17, v18  }
0x11e: {  	v19 =	vadd.s32 $0xBD0, v13;
	v18 =	vld.idx.msk [tilespmem:v24+s14+$0x0], $0xffff  }
0x11f: {  	v20 =	vadd.s32 $0xFC0, v16;
	v0 =	vmul.f32 v32, v0;
	[tilespmem:v4+s17+$0x0] =	vst.idx.add.f32.msk vm3, v17  }
0x120: {  	v4 =	vadd.s32 $0x2B50, v6;
	v17 =	vld.idx.msk [tilespmem:v22+s14+$0x0], $0xffff  }
0x121: {  	v21 =	vadd.s32 $0xBD0, v14;
	[tilespmem:v25+s17+$0x0] =	vst.idx.add.f32.msk vm6, v0;
	v0 =	vmul.f32 v23, v15  }
0x122: {  	vm2 =	vmmov vm2;
	v22 =	vadd.s32 $0xFC0, v11;
	v1 =	vld.idx.msk [tilespmem:v1+s14+$0x0], $0xffff  }
0x123: {  	v23 =	vadd.s32 $0x2B50, v5;
	[tilespmem:v19+s17+$0x0] =	vst.idx.add.f32.msk vm4, v0  }
0x124: {  	vm1 =	vmmov vm6;
	v0 =	vadd.s32 $0x2F40, v3;
	v18 =	vmul.f32 v18, v48;
	v19 =	vld.idx.msk [tilespmem:v20+s14+$0x0], $0xffff  }
0x125: {  	v20 =	vadd.s32 $0xBD0, v10;
	v4 =	vld.idx.msk [tilespmem:v4+s14+$0x0], $0xffff  }
0x126: {  	v24 =	vadd.s32 $0xFC0, v12;
	v17 =	vmul.f32 v17, v7;
	[tilespmem:v21+s17+$0x0] =	vst.idx.add.f32.msk vm0, v18  }
0x127: {  	v21 =	vadd.s32 $0xFC0, v13;
	v18 =	vld.idx.msk [tilespmem:v22+s14+$0x0], $0xffff  }
0x128: {  	v1 =	vmul.f32 v1, v32;
	v22 =	vadd.s32 $0x13B0, v16;
	[tilespmem:v23+s17+$0x0] =	vst.idx.add.f32.msk vm2, v17  }
0x129: {  	v17 =	vadd.s32 $0x2B50, v9;
	v0 =	vld.idx.msk [tilespmem:v0+s14+$0x0], $0xffff  }
0x12a: {  	v23 =	vadd.s32 $0xFC0, v14;
	[tilespmem:v20+s17+$0x0] =	vst.idx.add.f32.msk vm1, v1;
	v1 =	vmul.f32 v19, v15  }
0x12b: {  	v19 =	vadd.s32 $0x13B0, v11;
	v20 =	vld.idx.msk [tilespmem:v24+s14+$0x0], $0xffff  }
0x12c: {  	v24 =	vadd.s32 $0x2F40, v6;
	v4 =	vmul.f32 v4, v8;
	[tilespmem:v21+s17+$0x0] =	vst.idx.add.f32.msk vm4, v1  }
0x12d: {  	v1 =	vadd.s32 $0x2F40, v5;
	v18 =	vmul.f32 v18, v48;
	v21 =	vld.idx.msk [tilespmem:v22+s14+$0x0], $0xffff  }
0x12e: {  	v22 =	vadd.s32 $0xFC0, v10;
	[tilespmem:v17+s17+$0x0] =	vst.idx.add.f32.msk vm5, v4  }
0x12f: {  	v4 =	vadd.s32 $0x13B0, v12;
	[tilespmem:v23+s17+$0x0] =	vst.idx.add.f32.msk vm0, v18  }
0x130: {  	v0 =	vmul.f32 v0, v7;
	v18 =	vadd.s32 $0x13B0, v13;
	v17 =	vld.idx.msk [tilespmem:v19+s14+$0x0], $0xffff  }
0x131: {  	v19 =	vmul.f32 v20, v32;
	v20 =	vadd.s32 $0x17A0, v16;
	v23 =	vld.idx.msk [tilespmem:v24+s14+$0x0], $0xffff  }
0x132: {  	v24 =	vadd.s32 $0x3330, v3;
	[tilespmem:v1+s17+$0x0] =	vst.idx.add.f32.msk vm2, v0  }
0x133: {  	v0 =	vadd.s32 $0x13B0, v14;
	[tilespmem:v22+s17+$0x0] =	vst.idx.add.f32.msk vm1, v19;
	v1 =	vmul.f32 v21, v15  }
0x134: {  	v21 =	vadd.s32 $0x2F40, v9;
	v4 =	vld.idx.msk [tilespmem:v4+s14+$0x0], $0xffff  }
0x135: {  	v19 =	vadd.s32 $0x17A0, v11;
	[tilespmem:v18+s17+$0x0] =	vst.idx.add.f32.msk vm4, v1  }
0x136: {  	v1 =	vadd.s32 $0x3330, v6;
	v17 =	vmul.f32 v17, v48;
	v18 =	vld.idx.msk [tilespmem:v20+s14+$0x0], $0xffff  }
0x137: {  	v20 =	vadd.s32 $0x13B0, v10;
	v22 =	vld.idx.msk [tilespmem:v24+s14+$0x0], $0xffff;
	v23 =	vmul.f32 v23, v8  }
0x138: {  	vm6 =	vmmov vm4;
	v24 =	vadd.s32 $0x17A0, v12;
	[tilespmem:v0+s17+$0x0] =	vst.idx.add.f32.msk vm0, v17  }
0x139: {  	v17 =	vadd.s32 $0x17A0, v13;
	[tilespmem:v21+s17+$0x0] =	vst.idx.add.f32.msk vm5, v23  }
0x13a: {  	v21 =	vadd.s32 $0x3330, v5;
	v0 =	vld.idx.msk [tilespmem:v19+s14+$0x0], $0xffff;
	v4 =	vmul.f32 v4, v32  }
0x13b: {  	v19 =	vadd.s32 $0x1B90, v16;
	v1 =	vld.idx.msk [tilespmem:v1+s14+$0x0], $0xffff  }
0x13c: {  	v23 =	vadd.s32 $0x17A0, v14;
	[tilespmem:v20+s17+$0x0] =	vst.idx.add.f32.msk vm1, v4;
	v4 =	vmul.f32 v18, v15  }
0x13d: {  	v18 =	vadd.s32 $0x1B90, v11;
	v22 =	vmul.f32 v22, v7;
	v20 =	vld.idx.msk [tilespmem:v24+s14+$0x0], $0xffff  }
0x13e: {  	v24 =	vadd.s32 $0x3330, v9;
	[tilespmem:v17+s17+$0x0] =	vst.idx.add.f32.msk vm6, v4  }
0x13f: {  	v4 =	vadd.s32 $0x3720, v3;
	[tilespmem:v21+s17+$0x0] =	vst.idx.add.f32.msk vm2, v22;
	v0 =	vmul.f32 v0, v48  }
0x140: {  	v17 =	vld.idx.msk [tilespmem:v19+s14+$0x0], $0xffff;
	v19 =	vadd.s32 $0x17A0, v10  }
0x141: {  	v21 =	vadd.s32 $0x1B90, v12;
	[tilespmem:v23+s17+$0x0] =	vst.idx.add.f32.msk vm0, v0;
	v0 =	vmul.f32 v1, v8  }
0x142: {  	v1 =	vld.idx.msk [tilespmem:v18+s14+$0x0], $0xffff;
	v18 =	vadd.s32 $0x1B90, v13  }
0x143: {  	v22 =	vadd.s32 $0x1F80, v16;
	v20 =	vmul.f32 v20, v32;
	[tilespmem:v24+s17+$0x0] =	vst.idx.add.f32.msk vm5, v0  }
0x144: {  	v4 =	vld.idx.msk [tilespmem:v4+s14+$0x0], $0xffff  }
0x145: {  	v23 =	vadd.s32 $0x1B90, v14;
	[tilespmem:v19+s17+$0x0] =	vst.idx.add.f32.msk vm1, v20;
	v17 =	vmul.f32 v17, v15  }
0x146: {  	v0 =	vadd.s32 $0x3720, v6;
	v20 =	vld.idx.msk [tilespmem:v21+s14+$0x0], $0xffff  }
0x147: {  	v21 =	vadd.s32 $0x3720, v5;
	[tilespmem:v18+s17+$0x0] =	vst.idx.add.f32.msk vm6, v17  }
0x148: {  	s29 =	simm.s32 $0x70;
	v3 =	vadd.s32 $0x3B10, v3;
	v1 =	vmul.f32 v1, v48;
	v17 =	vld.idx.msk [tilespmem:v22+s14+$0x0], $0xffff  }
0x149: {  	v2 =	vld [tilespmem:s29+$0xFFFFFFF0];
	v18 =	vadd.s32 $0x1B90, v10  }
0x14a: {  	[tilespmem:v23+s17+$0x0] =	vst.idx.add.f32.msk vm0, v1;
	v1 =	vmul.f32 v4, v7;
	v4 =	vadd.s32 $0x1F80, v13  }
0x14b: {  	v0 =	vld.idx.msk [tilespmem:v0+s14+$0x0], $0xffff  }
0x14c: {  	v23 =	vadd.s32 $0x2370, v16;
	v20 =	vmul.f32 v20, v32;
	[tilespmem:v21+s17+$0x0] =	vst.idx.add.f32.msk vm2, v1  }
0x14d: {  	v21 =	vld.idx.msk [tilespmem:v3+s14+$0x0], $0xffff;
	v3 =	vmul.f32 v17, v15  }
0x14e: {  	v1 =	vadd.s32 $0x3720, v9;
	[tilespmem:v18+s17+$0x0] =	vst.idx.add.f32.msk vm1, v20  }
0x14f: {  	[tilespmem:v4+s17+$0x0] =	vst.idx.add.f32.msk vm6, v3  }
0x150: {  	v4 =	vld [tilespmem:s29+$0x10]  }
0x151: {  	v0 =	vmul.f32 v0, v8;
	v18 =	vld.idx.msk [tilespmem:v23+s14+$0x0], $0xffff  }
0x152: {  	v22 =	vadd.s32 $0x1F80, v12;
	v3 =	vld [tilespmem:s19+$0x10]  }
0x153: {  	[tilespmem:v1+s17+$0x0] =	vst.idx.add.f32.msk vm5, v0;
	v0 =	vadd.s32 $0x2370, v13  }
0x154: {  	v41 =	vld [tilespmem:s29+$0x0];
	v20 =	vadd.s32 $0x2760, v16  }
0x155: {  	v29 =	vld.idx.msk [tilespmem:v2+s11+$0x0], $0xffff  }
0x156: {  	v1 =	vld [tilespmem:s19+$0x0];
	v18 =	vmul.f32 v18, v15  }
0x157: {  	v19 =	vadd.s32 $0x1F80, v11;
	v17 =	vld.idx.msk [tilespmem:v22+s14+$0x0], $0xffff  }
0x158: {  	[tilespmem:v0+s17+$0x0] =	vst.idx.add.f32.msk vm6, v18  }
0x159: {  	v0 =	vld.idx.msk [tilespmem:v20+s14+$0x0], $0xffff  }
0x15a: {  	v18 =	vld.idx.msk [tilespmem:v4+s11+$0x0], $0xffff  }
0x15b: {  	v22 =	vadd.s32 $0x2760, v13;
	v20 =	vld.idx.msk [tilespmem:v3+s13+$0x0], $0xffff  }
0x15c: {  	v19 =	vld.idx.msk [tilespmem:v19+s14+$0x0], $0xffff  }
0x15d: {  	v25 =	vld.idx.msk [tilespmem:v41+s11+$0x0], $0xffff;
	v24 =	vadd.s32 $0x2B50, v16  }
0x15e: {  	v26 =	vld.idx.msk [tilespmem:v1+s13+$0x0], $0xffff;
	v0 =	vmul.f32 v0, v15  }
0x15f: {  	v27 =	vld.idx.msk [tilespmem:v3+s16+$0x0], $0xffff  }
0x160: {  	v28 =	vadd.s32 $0x1F80, v14;
	[tilespmem:v22+s17+$0x0] =	vst.idx.add.f32.msk vm6, v0;
	v0 =	vadd.f32 v20, v18  }
0x161: {  	v33 =	vadd.s32 $0x2B50, v13;
	v19 =	vmul.f32 v19, v48;
	v23 =	vld.idx.msk [tilespmem:v40+s13+$0x0], $0xffff;
	v18 =	vadd.s32 $0x1F80, v10  }
0x162: {  	v5 =	vadd.s32 $0x3B10, v5;
	v7 =	vmul.f32 v21, v7;
	v20 =	vld.idx.msk [tilespmem:v24+s14+$0x0], $0xffff;
	v30 =	vmul.f32 $2.000000030e-01, v0  }
0x163: {  	v31 =	vld.idx.msk [tilespmem:v40+s16+$0x0], $0xffff;
	v25 =	vadd.f32 v26, v25;
	v22 =	vadd.s32 $0x2370, v12;
	vm3 =	vgt.f32 v0, $0.0e+00  }
0x164: {  	v17 =	vmul.f32 v17, v32;
	(erf) = vrcp.f32 v27;
	v26 =	vld.idx.msk [tilespmem:v1+s16+$0x0], $0xffff;
	v0 =	vsel vm3, v0, v30  }
0x165: {  	[tilespmem:v28+s17+$0x0] =	vst.idx.add.f32.msk vm0, v19;
	v19 =	vadd.s32 $0x2F40, v16;
	v28 =	vmul.f32 $2.000000030e-01, v25;
	v0 =	vmul.f32 $1.442695020e+00, v0  }
0x166: {  	v24 =	vadd.s32 $0x2370, v11;
	vm3 =	vgt.f32 v25, $0.0e+00;
	[tilespmem:v18+s17+$0x0] =	vst.idx.add.f32.msk vm1, v17;
	v17 =	vadd.f32 v23, v29  }
0x167: {  	[tilespmem:v5+s17+$0x0] =	vst.idx.add.f32.msk vm2, v7;
	v18 =	vsel vm3, v25, v28;
	v20 =	vmul.f32 v20, v15;
	(erf) = vpow2.f32 v0  }
0x168: {  	v18 =	vmul.f32 $1.442695020e+00, v18;
	v0 =	vadd.s32 $0x3B10, v6;
	v6 =	vld.idx.msk [tilespmem:v22+s14+$0x0], $0xffff;
	(erf) = vrcp.f32 v31  }
0x169: {  	[tilespmem:v33+s17+$0x0] =	vst.idx.add.f32.msk vm6, v20;
	v20 =	vmul.f32 $2.000000030e-01, v17;
	(erf) = vrcp.f32 v26  }
0x16a: {  	vm3 =	vgt.f32 v17, $0.0e+00;
	v19 =	vld.idx.msk [tilespmem:v19+s14+$0x0], $0xffff;
	(erf) = vpow2.f32 v18  }
0x16b: {  	v30 =	vld.idx.msk [tilespmem:v2+s14+$0x0], $0xffff;
	v18 =	vadd.s32 $0x2370, v10;
	v17 =	vsel vm3, v17, v20  }
0x16c: {  	s30 =	simm.s32 $0x80;
	v23 =	vadd.s32 $0x2F40, v13;
	v20 =	vld.idx.msk [tilespmem:v24+s14+$0x0], $0xffff;
	v17 =	vmul.f32 $1.442695020e+00, v17  }
0x16d: {  	v21 =	vadd.s32 $0x3330, v16;
	v25 =	vld.idx.msk [tilespmem:v4+s14+$0x0], $0xffff;
	v26 =	vmov s30;
	v24 =	vadd.s32 $0x2370, v14  }
0x16e: {  	s31 =	simm.s32 $0x70;
	v22 =	vld.idx.msk [tilespmem:v41+s14+$0x0], $0xffff;
	vm7 =	vlt.u32 v26, v62;
	v6 =	vmul.f32 v6, v32;
	(erf) = vpow2.f32 v17  }
0x16f: {  	v5 =	vpop (erf);
	v0 =	vld.idx.msk [tilespmem:v0+s14+$0x0], $0xffff;
	v17 =	vadd.s32 $0x2760, v12;
	v7 =	vmul.f32 v19, v15;
	v19 =	vmov s31  }
0x170: {  	[tilespmem:v18+s17+$0x0] =	vst.idx.add.f32.msk vm1, v6;
	v26 =	vpop (erf)  }
0x171: {  	v6 =	vmul.f32 v20, v48;
	[tilespmem:v23+s17+$0x0] =	vst.idx.add.f32.msk vm6, v7;
	v7 =	vadd.s32 $0x2760, v11;
	v5 =	vmul.f32 v26, v5;
	v20 =	vpop (erf)  }
0x172: {  	v18 =	vadd.s32 $0x3F0, v4;
	vm2 =	vlt.u32 v19, v62;
	v21 =	vld.idx.msk [tilespmem:v21+s14+$0x0], $0xffff;
	v19 =	vpop (erf)  }
0x173: {  	[tilespmem:v24+s17+$0x0] =	vst.idx.add.f32.msk vm0, v6;
	v23 =	vmul.f32 v5, v25;
	v25 =	vpop (erf)  }
0x174: {  	s20 =	simm.s32 $0x60;
	v24 =	vadd.s32 $0x3F0, v41;
	v17 =	vld.idx.msk [tilespmem:v17+s14+$0x0], $0xffff;
	v6 =	vmul.f32 v25, v19  }
0x175: {  	v19 =	vmov s20;
	[tilespmem:v3+s17+$0x0] =	vst.idx.add.f32.msk vm7, v23;
	v23 =	vadd.s32 $0x3330, v13  }
0x176: {  	vm4 =	vlt.u32 v19, v62;
	v26 =	vld.idx.msk [tilespmem:v7+s14+$0x0], $0xffff;
	v19 =	vmul.f32 v6, v22;
	v22 =	vadd.s32 $0x3720, v16  }
0x177: {  	v18 =	vld.idx.msk [tilespmem:v18+s14+$0x0], $0xffff;
	v25 =	vpop (erf)  }
0x178: {  	v27 =	vadd.s32 $0x3F0, v2;
	v7 =	vmul.f32 v25, v20;
	[tilespmem:v1+s17+$0x0] =	vst.idx.add.f32.msk vm2, v19;
	v19 =	vmul.f32 v21, v15  }
0x179: {  	v21 =	vadd.s32 $0x3F0, v3;
	v20 =	vld.idx.msk [tilespmem:v24+s14+$0x0], $0xffff  }
0x17a: {  	v25 =	vadd.s32 $0x7E0, v4;
	v24 =	vmul.f32 v7, v30;
	[tilespmem:v23+s17+$0x0] =	vst.idx.add.f32.msk vm6, v19  }
0x17b: {  	v19 =	vadd.s32 $0x2760, v10;
	v22 =	vld.idx.msk [tilespmem:v22+s14+$0x0], $0xffff  }
0x17c: {  	v23 =	vadd.s32 $0x3F0, v1;
	[tilespmem:v40+s17+$0x0] =	vst.idx.add.f32.msk vm4, v24;
	v18 =	vmul.f32 v5, v18  }
0x17d: {  	v24 =	vadd.s32 $0x7E0, v41;
	v27 =	vld.idx.msk [tilespmem:v27+s14+$0x0], $0xffff  }
0x17e: {  	v17 =	vmul.f32 v17, v32;
	[tilespmem:v21+s17+$0x0] =	vst.idx.add.f32.msk vm7, v18;
	v18 =	vadd.s32 $0x3720, v13  }
0x17f: {  	v16 =	vadd.s32 $0x3B10, v16;
	v20 =	vmul.f32 v6, v20;
	v21 =	vld.idx.msk [tilespmem:v25+s14+$0x0], $0xffff  }
0x180: {  	v25 =	vadd.s32 $0x3F0, v40;
	[tilespmem:v19+s17+$0x0] =	vst.idx.add.f32.msk vm1, v17  }
0x181: {  	v17 =	vadd.s32 $0x7E0, v2;
	[tilespmem:v23+s17+$0x0] =	vst.idx.add.f32.msk vm2, v20;
	v19 =	vmul.f32 v22, v15  }
0x182: {  	v22 =	vadd.s32 $0x7E0, v3;
	v20 =	vld.idx.msk [tilespmem:v24+s14+$0x0], $0xffff  }
0x183: {  	vm0 =	vmmov vm0;
	v23 =	vmul.f32 v7, v27;
	v24 =	vadd.s32 $0xBD0, v4;
	[tilespmem:v18+s17+$0x0] =	vst.idx.add.f32.msk vm6, v19  }
0x184: {  	vm3 =	vmmov vm2;
	v18 =	vadd.s32 $0x2760, v14;
	v16 =	vld.idx.msk [tilespmem:v16+s14+$0x0], $0xffff  }
0x185: {  	v19 =	vadd.s32 $0x7E0, v1;
	[tilespmem:v25+s17+$0x0] =	vst.idx.add.f32.msk vm4, v23;
	v21 =	vmul.f32 v5, v21  }
0x186: {  	v25 =	vadd.s32 $0x2B50, v12;
	v17 =	vld.idx.msk [tilespmem:v17+s14+$0x0], $0xffff  }
0x187: {  	v26 =	vmul.f32 v26, v48;
	v23 =	vadd.s32 $0xBD0, v41;
	[tilespmem:v22+s17+$0x0] =	vst.idx.add.f32.msk vm7, v21  }
0x188: {  	v13 =	vadd.s32 $0x3B10, v13;
	v20 =	vmul.f32 v6, v20;
	v22 =	vld.idx.msk [tilespmem:v24+s14+$0x0], $0xffff  }
0x189: {  	v21 =	vadd.s32 $0x7E0, v40;
	[tilespmem:v18+s17+$0x0] =	vst.idx.add.f32.msk vm0, v26  }
0x18a: {  	v24 =	vadd.s32 $0xBD0, v2;
	[tilespmem:v19+s17+$0x0] =	vst.idx.add.f32.msk vm3, v20  }
0x18b: {  	v18 =	vadd.s32 $0xBD0, v3;
	v25 =	vld.idx.msk [tilespmem:v25+s14+$0x0], $0xffff;
	v15 =	vmul.f32 v16, v15  }
0x18c: {  	v20 =	vadd.s32 $0xFC0, v4;
	v19 =	vld.idx.msk [tilespmem:v23+s14+$0x0], $0xffff;
	v17 =	vmul.f32 v7, v17  }
0x18d: {  	v23 =	vadd.s32 $0x2B50, v11;
	[tilespmem:v13+s17+$0x0] =	vst.idx.add.f32.msk vm6, v15  }
0x18e: {  	v26 =	vadd.s32 $0xBD0, v1;
	[tilespmem:v21+s17+$0x0] =	vst.idx.add.f32.msk vm4, v17;
	v17 =	vmul.f32 v22, v5  }
0x18f: {  	vm2 =	vmmov vm4;
	v21 =	vadd.s32 $0xFC0, v41;
	vm4 =	vmmov vm1;
	v22 =	vld.idx.msk [tilespmem:v24+s14+$0x0], $0xffff  }
0x190: {  	v24 =	vadd.s32 $0x2B50, v10;
	[tilespmem:v18+s17+$0x0] =	vst.idx.add.f32.msk vm7, v17  }
0x191: {  	v17 =	vadd.s32 $0x2F40, v12;
	v18 =	vmul.f32 v19, v6;
	v19 =	vld.idx.msk [tilespmem:v20+s14+$0x0], $0xffff  }
0x192: {  	v20 =	vadd.s32 $0xBD0, v40;
	v23 =	vld.idx.msk [tilespmem:v23+s14+$0x0], $0xffff  }
0x193: {  	v27 =	vadd.s32 $0xFC0, v2;
	[tilespmem:v26+s17+$0x0] =	vst.idx.add.f32.msk vm3, v18;
	v18 =	vmul.f32 v25, v32  }
0x194: {  	v25 =	vadd.s32 $0xFC0, v3;
	v21 =	vld.idx.msk [tilespmem:v21+s14+$0x0], $0xffff  }
0x195: {  	v26 =	vadd.s32 $0x13B0, v4;
	v22 =	vmul.f32 v22, v7;
	[tilespmem:v24+s17+$0x0] =	vst.idx.add.f32.msk vm4, v18  }
0x196: {  	v18 =	vadd.s32 $0x2B50, v14;
	v17 =	vld.idx.msk [tilespmem:v17+s14+$0x0], $0xffff  }
0x197: {  	v24 =	vadd.s32 $0xFC0, v1;
	[tilespmem:v20+s17+$0x0] =	vst.idx.add.f32.msk vm2, v22;
	v19 =	vmul.f32 v19, v5  }
0x198: {  	v20 =	vadd.s32 $0x13B0, v41;
	v22 =	vld.idx.msk [tilespmem:v27+s14+$0x0], $0xffff  }
0x199: {  	v23 =	vmul.f32 v23, v48;
	v27 =	vadd.s32 $0x2F40, v11;
	[tilespmem:v25+s17+$0x0] =	vst.idx.add.f32.msk vm7, v19  }
0x19a: {  	v19 =	vadd.s32 $0x2F40, v10;
	v21 =	vmul.f32 v21, v6;
	v25 =	vld.idx.msk [tilespmem:v26+s14+$0x0], $0xffff  }
0x19b: {  	v26 =	vadd.s32 $0xFC0, v40;
	[tilespmem:v18+s17+$0x0] =	vst.idx.add.f32.msk vm0, v23  }
0x19c: {  	v18 =	vadd.s32 $0x13B0, v2;
	[tilespmem:v24+s17+$0x0] =	vst.idx.add.f32.msk vm3, v21  }
0x19d: {  	v17 =	vmul.f32 v17, v32;
	v21 =	vadd.s32 $0x13B0, v3;
	v20 =	vld.idx.msk [tilespmem:v20+s14+$0x0], $0xffff  }
0x19e: {  	v23 =	vadd.s32 $0x17A0, v4;
	v22 =	vmul.f32 v22, v7;
	v24 =	vld.idx.msk [tilespmem:v27+s14+$0x0], $0xffff  }
0x19f: {  	v27 =	vadd.s32 $0x3330, v12;
	[tilespmem:v19+s17+$0x0] =	vst.idx.add.f32.msk vm4, v17  }
0x1a0: {  	v17 =	vadd.s32 $0x13B0, v1;
	[tilespmem:v26+s17+$0x0] =	vst.idx.add.f32.msk vm2, v22;
	v19 =	vmul.f32 v25, v5  }
0x1a1: {  	v25 =	vadd.s32 $0x2F40, v14;
	v18 =	vld.idx.msk [tilespmem:v18+s14+$0x0], $0xffff  }
0x1a2: {  	v22 =	vadd.s32 $0x17A0, v41;
	[tilespmem:v21+s17+$0x0] =	vst.idx.add.f32.msk vm7, v19  }
0x1a3: {  	v19 =	vadd.s32 $0x3330, v11;
	v20 =	vmul.f32 v20, v6;
	v21 =	vld.idx.msk [tilespmem:v23+s14+$0x0], $0xffff  }
0x1a4: {  	v23 =	vadd.s32 $0x13B0, v40;
	v26 =	vld.idx.msk [tilespmem:v27+s14+$0x0], $0xffff;
	v24 =	vmul.f32 v24, v48  }
0x1a5: {  	vm1 =	vmmov vm7;
	v27 =	vadd.s32 $0x17A0, v2;
	[tilespmem:v17+s17+$0x0] =	vst.idx.add.f32.msk vm3, v20  }
0x1a6: {  	v20 =	vadd.s32 $0x17A0, v3;
	[tilespmem:v25+s17+$0x0] =	vst.idx.add.f32.msk vm0, v24  }
0x1a7: {  	v24 =	vadd.s32 $0x3330, v10;
	v17 =	vld.idx.msk [tilespmem:v22+s14+$0x0], $0xffff;
	v18 =	vmul.f32 v18, v7  }
0x1a8: {  	v22 =	vadd.s32 $0x1B90, v4;
	v19 =	vld.idx.msk [tilespmem:v19+s14+$0x0], $0xffff  }
0x1a9: {  	v25 =	vadd.s32 $0x17A0, v1;
	[tilespmem:v23+s17+$0x0] =	vst.idx.add.f32.msk vm2, v18;
	v18 =	vmul.f32 v21, v5  }
0x1aa: {  	v21 =	vadd.s32 $0x1B90, v41;
	v26 =	vmul.f32 v26, v32;
	v23 =	vld.idx.msk [tilespmem:v27+s14+$0x0], $0xffff  }
0x1ab: {  	v27 =	vadd.s32 $0x3330, v14;
	[tilespmem:v20+s17+$0x0] =	vst.idx.add.f32.msk vm1, v18  }
0x1ac: {  	v18 =	vadd.s32 $0x3720, v12;
	[tilespmem:v24+s17+$0x0] =	vst.idx.add.f32.msk vm4, v26;
	v17 =	vmul.f32 v17, v6  }
0x1ad: {  	v63 =	vadd.s32 $0x3B10, v9;
	v38 =	vadd.s32 $0x2370, v40;
	v9 =	vadd.s32 $0x17A0, v40;
	v20 =	vld.idx.msk [tilespmem:v22+s14+$0x0], $0xffff  }
0x1ae: {  	v52 =	vadd.s32 $0x2760, v40;
	v24 =	vadd.s32 $0x1B90, v2;
	[tilespmem:v25+s17+$0x0] =	vst.idx.add.f32.msk vm3, v17;
	v17 =	vmul.f32 v19, v48  }
0x1af: {  	v42 =	vadd.s32 $0x2F40, v40;
	v37 =	vadd.s32 $0x2760, v41;
	v25 =	vadd.s32 $0x1B90, v3;
	v21 =	vld.idx.msk [tilespmem:v21+s14+$0x0], $0xffff  }
0x1b0: {  	v39 =	vadd.s32 $0x3720, v14;
	v26 =	vadd.s32 $0x1F80, v4;
	v23 =	vmul.f32 v23, v7;
	[tilespmem:v27+s17+$0x0] =	vst.idx.add.f32.msk vm0, v17  }
0x1b1: {  	v28 =	vadd.s32 $0x3B10, v10;
	v22 =	vadd.s32 $0x3720, v11;
	v19 =	vadd.s32 $0x3720, v10;
	v10 =	vld.idx.msk [tilespmem:v18+s14+$0x0], $0xffff  }
0x1b2: {  	v27 =	vadd.s32 $0x3B10, v14;
	v14 =	vadd.s32 $0x1B90, v1;
	[tilespmem:v9+s17+$0x0] =	vst.idx.add.f32.msk vm2, v23;
	v9 =	vmul.f32 v20, v5  }
0x1b3: {  	v43 =	vadd.s32 $0x2B50, v41;
	v45 =	vadd.s32 $0x3B10, v11;
	v17 =	vadd.s32 $0x1F80, v41;
	v18 =	vld.idx.msk [tilespmem:v24+s14+$0x0], $0xffff  }
0x1b4: {  	v50 =	vadd.s32 $0x2370, v2;
	v35 =	vadd.s32 $0x2760, v2;
	v47 =	vadd.s32 $0x2B50, v2;
	[tilespmem:v25+s17+$0x0] =	vst.idx.add.f32.msk vm1, v9  }
0x1b5: {  	v49 =	vadd.s32 $0x3330, v2;
	v12 =	vadd.s32 $0x3B10, v12;
	v9 =	vmul.f32 v21, v6;
	v20 =	vld.idx.msk [tilespmem:v26+s14+$0x0], $0xffff  }
0x1b6: {  	vm5 =	vmmov vm5;
	v44 =	vadd.s32 $0x1F80, v1;
	v11 =	vadd.s32 $0x1B90, v40;
	v25 =	vld.idx.msk [tilespmem:v22+s14+$0x0], $0xffff  }
0x1b7: {  	v34 =	vadd.s32 $0x2370, v1;
	[tilespmem:v14+s17+$0x0] =	vst.idx.add.f32.msk vm3, v9;
	v9 =	vmul.f32 v10, v32;
	v14 =	vadd.s32 $0x1F80, v3  }
0x1b8: {  	v29 =	vadd.s32 $0x2370, v41;
	v33 =	vadd.s32 $0x1F80, v40;
	v31 =	vadd.s32 $0x2760, v1;
	v10 =	vld.idx.msk [tilespmem:v17+s14+$0x0], $0xffff  }
0x1b9: {  	v30 =	vadd.s32 $0x2F40, v41;
	v23 =	vadd.s32 $0x1F80, v2;
	v13 =	vmul.f32 v18, v7;
	[tilespmem:v19+s17+$0x0] =	vst.idx.add.f32.msk vm4, v9  }
0x1ba: {  	v16 =	vadd.s32 $0x3330, v1;
	v15 =	vadd.s32 $0x2F40, v1;
	v9 =	vld.idx.msk [tilespmem:v12+s14+$0x0], $0xffff;
	v12 =	vmul.f32 v20, v5  }
0x1bb: {  	v24 =	vadd.s32 $0x2B50, v1;
	[tilespmem:v11+s17+$0x0] =	vst.idx.add.f32.msk vm2, v13;
	v11 =	vadd.s32 $0x2370, v4;
	v13 =	vmul.f32 v25, v48  }
0x1bc: {  	v22 =	vadd.s32 $0x2F40, v2;
	v26 =	vadd.s32 $0x2B50, v40;
	v17 =	vadd.s32 $0x3330, v40;
	[tilespmem:v14+s17+$0x0] =	vst.idx.add.f32.msk vm1, v12  }
0x1bd: {  	v18 =	vadd.s32 $0x3720, v41;
	v19 =	vadd.s32 $0x3720, v2;
	[tilespmem:v39+s17+$0x0] =	vst.idx.add.f32.msk vm0, v13;
	v10 =	vmul.f32 v10, v6  }
0x1be: {  	v2 =	vadd.s32 $0x3B10, v2;
	v25 =	vadd.s32 $0x3330, v41;
	v39 =	vmul.f32 v0, v8;
	v8 =	vld.idx.msk [tilespmem:v23+s14+$0x0], $0xffff  }
0x1bf: {  	v41 =	vadd.s32 $0x3B10, v41;
	v14 =	vadd.s32 $0x3720, v40;
	v12 =	vadd.s32 $0x3720, v1;
	[tilespmem:v44+s17+$0x0] =	vst.idx.add.f32.msk vm3, v10  }
0x1c0: {  	s22 =	simm.s32 $0xA0;
	s21 =	simm.s32 $0x6;
	v40 =	vadd.s32 $0x3B10, v40;
	v46 =	vmul.f32 v9, v32;
	v32 =	vadd.s32 $0x3B10, v1;
	v1 =	vld.idx.msk [tilespmem:v11+s14+$0x0], $0xffff  }
.LBB2_8:
0x1c1: {  	v44 =	vld [tilespmem:s22+$0x10];
	s19 =	sadd.s32 $0x30, s19  }
0x1c2: {  	[tilespmem:$0x1FD50] =	vst v52;
	v9 =	vadd.s32 $0x2370, v3;
	v0 =	vld [tilespmem:s19+$0x10]  }
0x1c3: {  	[tilespmem:$0x1FD80] =	vst v31;
	v10 =	vadd.s32 $0x2760, v4;
	v31 =	vmov v48;
	v48 =	vld [tilespmem:s19+$0xFFFFFFF0]  }
0x1c4: {  	[tilespmem:$0x1FF20] =	vst v16;
	v51 =	vld [tilespmem:s22+$0xFFFFFFF0]  }
0x1c5: {  	[tilespmem:$0x1FEC0] =	vst v15;
	v54 =	vld [tilespmem:s22+$0x0];
	v1 =	vmul.f32 v1, v5  }
0x1c6: {  	[tilespmem:$0x1FF90] =	vst v14;
	v52 =	vld [tilespmem:s19+$0x0]  }
0x1c7: {  	[tilespmem:v9+s17+$0x0] =	vst.idx.add.f32.msk vm1, v1  }
0x1c8: {  	[tilespmem:$0x1FFD0] =	vst v12;
	v1 =	vadd.s32 $0x3F0, v48;
	v9 =	vld.idx.msk [tilespmem:v10+s14+$0x0], $0xffff  }
0x1c9: {  	[tilespmem:$0x1FD70] =	vst v1;
	v1 =	vadd.s32 $0x7E0, v48  }
0x1ca: {  	v13 =	vadd.s32 $0x2760, v3;
	[tilespmem:$0x1FDC0] =	vst v1;
	v1 =	vadd.s32 $0xBD0, v48;
	v10 =	vld.idx.msk [tilespmem:v44+s11+$0x0], $0xffff  }
0x1cb: {  	[tilespmem:$0x1FE10] =	vst v1;
	v1 =	vadd.s32 $0x7E0, v54;
	v12 =	vld.idx.msk [tilespmem:v0+s13+$0x0], $0xffff  }
0x1cc: {  	v14 =	vld.idx.msk [tilespmem:v51+s14+$0x0], $0xffff;
	[tilespmem:$0x1FD60] =	vst v1;
	v1 =	vadd.s32 $0xBD0, v54  }
0x1cd: {  	v55 =	vld.idx.msk [tilespmem:v48+s13+$0x0], $0xffff;
	[tilespmem:$0x1FDA0] =	vst v1;
	v1 =	vadd.s32 $0x7E0, v52;
	v9 =	vmul.f32 v9, v5  }
0x1ce: {  	v59 =	vld.idx.msk [tilespmem:v0+s16+$0x0], $0xffff;
	[tilespmem:$0x1FD90] =	vst v1  }
0x1cf: {  	v56 =	vadd.s32 $0x2B50, v4;
	v1 =	vadd.s32 $0xBD0, v52;
	[tilespmem:v13+s17+$0x0] =	vst.idx.add.f32.msk vm1, v9  }
0x1d0: {  	v8 =	vmul.f32 v8, v7;
	[tilespmem:$0x1FDF0] =	vst v1;
	v1 =	vadd.s32 $0xFC0, v54;
	v9 =	vadd.f32 v12, v10;
	v12 =	vld.idx.msk [tilespmem:v51+s11+$0x0], $0xffff  }
0x1d1: {  	[tilespmem:$0x1FE00] =	vst v1;
	v13 =	vld.idx.msk [tilespmem:v48+s16+$0x0], $0xffff  }
0x1d2: {  	v1 =	vadd.s32 $0xFC0, v48;
	[tilespmem:v33+s17+$0x0] =	vst.idx.add.f32.msk vm2, v8  }
0x1d3: {  	[tilespmem:$0x1FE80] =	vst v1;
	v1 =	vadd.s32 $0xFC0, v52  }
0x1d4: {  	[tilespmem:$0x1FE30] =	vst v1;
	v1 =	vadd.s32 $0x13B0, v54;
	v36 =	vmul.f32 $2.000000030e-01, v9  }
0x1d5: {  	v10 =	vld.idx.msk [tilespmem:v56+s14+$0x0], $0xffff;
	vm6 =	vgt.f32 v9, $0.0e+00;
	[tilespmem:$0x1FE40] =	vst v1;
	v1 =	vadd.s32 $0xBD0, v51  }
0x1d6: {  	[tilespmem:$0x1FDD0] =	vst v1;
	v1 =	vadd.s32 $0xFC0, v51;
	v9 =	vsel vm6, v9, v36  }
0x1d7: {  	v60 =	vadd.s32 $0x2B50, v3;
	[tilespmem:$0x1FE20] =	vst v1;
	v1 =	vadd.s32 $0x13B0, v51;
	v9 =	vmul.f32 $1.442695020e+00, v9  }
0x1d8: {  	v57 =	vld.idx.msk [tilespmem:v54+s11+$0x0], $0xffff;
	(erf) = vrcp.f32 v59;
	[tilespmem:$0x1FE90] =	vst v1;
	v1 =	vadd.s32 $0x13B0, v48  }
0x1d9: {  	[tilespmem:$0x1FED0] =	vst v1;
	(erf) = vpow2.f32 v9;
	v9 =	vld.idx.msk [tilespmem:v50+s14+$0x0], $0xffff  }
0x1da: {  	v8 =	vmul.f32 v10, v5;
	v1 =	vadd.s32 $0x17A0, v51;
	[tilespmem:v28+s17+$0x0] =	vst.idx.add.f32.msk vm4, v46  }
0x1db: {  	v58 =	vld.idx.msk [tilespmem:v52+s13+$0x0], $0xffff;
	[tilespmem:$0x1FEE0] =	vst v1  }
0x1dc: {  	v1 =	vadd.s32 $0x13B0, v52;
	[tilespmem:v60+s17+$0x0] =	vst.idx.add.f32.msk vm1, v8  }
0x1dd: {  	[tilespmem:$0x1FEA0] =	vst v1;
	v1 =	vadd.s32 $0x17A0, v48  }
0x1de: {  	[tilespmem:$0x1FF40] =	vst v1;
	v1 =	vadd.s32 $0x17A0, v54  }
0x1df: {  	[tilespmem:$0x1FEB0] =	vst v1;
	v1 =	vadd.s32 $0x1B90, v51  }
0x1e0: {  	v57 =	vadd.f32 v58, v57;
	[tilespmem:$0x1FF50] =	vst v1;
	v1 =	vadd.s32 $0x17A0, v52  }
0x1e1: {  	v58 =	vld.idx.msk [tilespmem:v52+s16+$0x0], $0xffff;
	[tilespmem:$0x1FF00] =	vst v1;
	v1 =	vadd.s32 $0x1B90, v54  }
0x1e2: {  	v61 =	vmul.f32 $2.000000030e-01, v57;
	v36 =	vadd.s32 $0x2F40, v4;
	[tilespmem:$0x1FF10] =	vst v1;
	v1 =	vadd.s32 $0x1B90, v48  }
0x1e3: {  	vm6 =	vgt.f32 v57, $0.0e+00;
	[tilespmem:$0x1FFB0] =	vst v1;
	v1 =	vadd.s32 $0x1B90, v52  }
0x1e4: {  	v10 =	vadd.f32 v55, v12;
	v12 =	vsel vm6, v57, v61;
	[tilespmem:$0x1FF70] =	vst v1;
	v1 =	vadd.s32 $0x1F80, v51  }
0x1e5: {  	v12 =	vmul.f32 $1.442695020e+00, v12;
	(erf) = vrcp.f32 v13;
	[tilespmem:$0x1FFC0] =	vst v1;
	v1 =	vadd.s32 $0x1F80, v54  }
0x1e6: {  	v8 =	vmul.f32 $2.000000030e-01, v10;
	(erf) = vrcp.f32 v58;
	[tilespmem:$0x1FF80] =	vst v1;
	v1 =	vadd.s32 $0x1F80, v48  }
0x1e7: {  	vm6 =	vgt.f32 v10, $0.0e+00;
	v13 =	vld.idx.msk [tilespmem:v36+s14+$0x0], $0xffff;
	(erf) = vpow2.f32 v12;
	[tilespmem:$0x1FE60] =	vst v1;
	v1 =	vadd.s32 $0x1F80, v52  }
0x1e8: {  	v16 =	vld.idx.msk [tilespmem:v45+s14+$0x0], $0xffff;
	v8 =	vsel vm6, v10, v8;
	[tilespmem:$0x1FFF0] =	vst v1;
	v1 =	vadd.s32 $0x2370, v54  }
0x1e9: {  	s20 =	sadd.s32 $0x30, s20;
	v15 =	vld.idx.msk [tilespmem:v54+s14+$0x0], $0xffff;
	[tilespmem:$0x1FE70] =	vst v1;
	v1 =	vmul.f32 $1.442695020e+00, v8  }
0x1ea: {  	v33 =	vmov s20;
	v55 =	vadd.s32 $0x2F40, v3;
	v12 =	vld.idx.msk [tilespmem:v29+s14+$0x0], $0xffff  }
0x1eb: {  	s24 =	sadd.s32 $0x20, s20;
	v56 =	vadd.s32 $0x3330, v4;
	v46 =	vld.idx.msk [tilespmem:v44+s14+$0x0], $0xffff;
	v9 =	vmul.f32 v9, v7;
	(erf) = vpow2.f32 v1  }
0x1ec: {  	s23 =	sadd.s32 $0x10, s20;
	v61 =	vmov s24;
	[tilespmem:v63+s17+$0x0] =	vst.idx.add.f32.msk vm5, v39;
	v13 =	vmul.f32 v13, v5;
	v8 =	vpop (erf)  }
0x1ed: {  	vm7 =	vlt.u32 v33, v62;
	v60 =	vmov s23;
	vm6 =	vlt.u32 v61, v62;
	[tilespmem:v38+s17+$0x0] =	vst.idx.add.f32.msk vm2, v9;
	v33 =	vpop (erf)  }
0x1ee: {  	[tilespmem:$0x1FEF0] =	vst v17;
	vm8 =	vlt.u32 v60, v62;
	v21 =	vld.idx.msk [tilespmem:v35+s14+$0x0], $0xffff;
	v39 =	vpop (erf)  }
0x1ef: {  	v9 =	vmul.f32 v12, v6;
	v12 =	vadd.s32 $0x3F0, v44;
	[tilespmem:v55+s17+$0x0] =	vst.idx.add.f32.msk vm1, v13;
	v17 =	vmul.f32 v33, v8;
	v8 =	vpop (erf)  }
0x1f0: {  	[tilespmem:$0x1FE50] =	vst v30;
	v45 =	vmov v41;
	v30 =	vmov v32;
	v53 =	vadd.s32 $0x3F0, v54;
	v55 =	vld.idx.msk [tilespmem:v56+s14+$0x0], $0xffff;
	v13 =	vpop (erf)  }
0x1f1: {  	v41 =	vadd.s32 $0x2370, v52;
	[tilespmem:v34+s17+$0x0] =	vst.idx.add.f32.msk vm3, v9;
	v46 =	vmul.f32 v17, v46;
	v20 =	vmul.f32 v13, v8  }
0x1f2: {  	v32 =	vadd.s32 $0x2760, v51;
	v10 =	vadd.s32 $0x2370, v48;
	v34 =	vmovc v22;
	v22 =	vld.idx.msk [tilespmem:v37+s14+$0x0], $0xffff;
	v8 =	vmovc v41;
	v41 =	vadd.s32 $0x3330, v3  }
0x1f3: {  	v56 =	vmovc v10;
	v13 =	vmov v32;
	v32 =	vadd.s32 $0x3720, v4;
	[tilespmem:v0+s17+$0x0] =	vst.idx.add.f32.msk vm6, v46;
	v10 =	vmul.f32 v20, v15  }
0x1f4: {  	[tilespmem:$0x1FF60] =	vst v18;
	v15 =	vld.idx.msk [tilespmem:v12+s14+$0x0], $0xffff;
	v9 =	vpop (erf)  }
0x1f5: {  	[tilespmem:v52+s17+$0x0] =	vst.idx.add.f32.msk vm8, v10;
	v9 =	vmul.f32 v9, v39;
	v39 =	vmul.f32 v55, v5  }
0x1f6: {  	[tilespmem:$0x1FDB0] =	vst v47;
	v35 =	vmov v24;
	v24 =	vadd.s32 $0x3F0, v0;
	v23 =	vld.idx.msk [tilespmem:v53+s14+$0x0], $0xffff  }
0x1f7: {  	v47 =	vadd.s32 $0x3F0, v52;
	v14 =	vmul.f32 v9, v14;
	[tilespmem:v41+s17+$0x0] =	vst.idx.add.f32.msk vm1, v39  }
0x1f8: {  	[tilespmem:$0x1FFA0] =	vst v2;
	v18 =	vadd.s32 $0x2760, v48;
	v57 =	vadd.s32 $0x3330, v48;
	v36 =	vmovc v40;
	v40 =	vadd.s32 $0x2760, v54;
	v37 =	vmovc v26;
	v26 =	vld.idx.msk [tilespmem:v32+s14+$0x0], $0xffff  }
0x1f9: {  	v61 =	vadd.s32 $0x2B50, v48;
	v2 =	vmovc v40;
	v40 =	vadd.s32 $0x3B10, v48;
	[tilespmem:v48+s17+$0x0] =	vst.idx.add.f32.msk vm7, v14;
	v14 =	vmul.f32 v17, v15  }
0x1fa: {  	v38 =	vmovc v25;
	v25 =	vadd.s32 $0x7E0, v44;
	v33 =	vadd.s32 $0x2F40, v48;
	v53 =	vadd.s32 $0x3720, v48  }
0x1fb: {  	v15 =	vmul.f32 v22, v6;
	v48 =	vmovc v6;
	v6 =	vmov v20;
	[tilespmem:v24+s17+$0x0] =	vst.idx.add.f32.msk vm6, v14;
	v14 =	vadd.s32 $0x3720, v3  }
0x1fc: {  	v39 =	vmul.f32 v16, v31;
	v16 =	vmul.f32 v6, v23  }
0x1fd: {  	v11 =	vadd.s32 $0x3F0, v51;
	v23 =	vld [tilespmem:$0x1FD50]  }
0x1fe: {  	[tilespmem:v47+s17+$0x0] =	vst.idx.add.f32.msk vm8, v16;
	v16 =	vmul.f32 v26, v5  }
0x1ff: {  	v20 =	vld.idx.msk [tilespmem:v25+s14+$0x0], $0xffff  }
0x200: {  	[tilespmem:v14+s17+$0x0] =	vst.idx.add.f32.msk vm1, v16  }
0x201: {  	v16 =	vld [tilespmem:$0x1FD70]  }
0x202: {  	v11 =	vld.idx.msk [tilespmem:v11+s14+$0x0], $0xffff  }
0x203: {  	v60 =	vadd.s32 $0x2B50, v52;
	v58 =	vadd.s32 $0x2F40, v52;
	v1 =	vadd.s32 $0x2760, v52  }
0x204: {  	v10 =	vadd.s32 $0x3330, v52;
	v41 =	vadd.s32 $0x3720, v52;
	v32 =	vadd.s32 $0x3B10, v52;
	v52 =	vmovc v18;
	v18 =	vld [tilespmem:$0x1FD60];
	_ =	sdelay $0x1  }
0x205: {  	v21 =	vmul.f32 v21, v7  }
0x206: {  	v11 =	vmul.f32 v9, v11  }
0x207: {  	[tilespmem:v23+s17+$0x0] =	vst.idx.add.f32.msk vm2, v21  }
0x208: {  	v22 =	vadd.s32 $0x3B10, v4;
	[tilespmem:v16+s17+$0x0] =	vst.idx.add.f32.msk vm7, v11  }
0x209: {  	v11 =	vmul.f32 v17, v20;
	v20 =	vld [tilespmem:$0x1FD80]  }
0x20a: {  	v31 =	vmov v1;
	v1 =	vld [tilespmem:$0x1FD90];
	v21 =	vadd.s32 $0x7E0, v0  }
0x20b: {  	vm5 =	vmmov vm0;
	vm0 =	vmmov vm3;
	v18 =	vld.idx.msk [tilespmem:v18+s14+$0x0], $0xffff;
	_ =	sdelay $0x1  }
0x20c: {  	v4 =	vmov v44;
	v14 =	vld.idx.msk [tilespmem:v22+s14+$0x0], $0xffff  }
0x20d: {  	v23 =	vadd.s32 $0xBD0, v4  }
0x20e: {  	[tilespmem:v21+s17+$0x0] =	vst.idx.add.f32.msk vm6, v11;
	v11 =	vadd.s32 $0x3B10, v3  }
0x20f: {  	[tilespmem:$0x1FDE0] =	vst v43;
	v3 =	vmov v0;
	v0 =	vmul.f32 v6, v18  }
0x210: {  	[tilespmem:v20+s17+$0x0] =	vst.idx.add.f32.msk vm0, v15  }
0x211: {  	v43 =	vadd.s32 $0x7E0, v51;
	[tilespmem:v1+s17+$0x0] =	vst.idx.add.f32.msk vm8, v0;
	v0 =	vmul.f32 v14, v5  }
0x212: {  	v18 =	vld.idx.msk [tilespmem:v23+s14+$0x0], $0xffff  }
0x213: {  	[tilespmem:v11+s17+$0x0] =	vst.idx.add.f32.msk vm1, v0  }
0x214: {  	v0 =	vld [tilespmem:$0x1FDB0]  }
0x215: {  	v11 =	vld [tilespmem:$0x1FDC0]  }
0x216: {  	v16 =	vld.idx.msk [tilespmem:v43+s14+$0x0], $0xffff;
	_ =	sdelay $0x4  }
0x217: {  	v15 =	vmul.f32 v9, v16  }
0x218: {  	v0 =	vld.idx.msk [tilespmem:v0+s14+$0x0], $0xffff  }
0x219: {  	[tilespmem:v11+s17+$0x0] =	vst.idx.add.f32.msk vm7, v15  }
0x21a: {  	v15 =	vld [tilespmem:$0x1FDD0]  }
0x21b: {  	v14 =	vadd.s32 $0xBD0, v3;
	_ =	sdelay $0x1  }
0x21c: {  	vm4 =	vmmov vm2;
	v5 =	vmov v17  }
0x21d: {  	v11 =	vmul.f32 v18, v5  }
0x21e: {  	v1 =	vld [tilespmem:$0x1FDA0]  }
0x21f: {  	v16 =	vadd.s32 $0xFC0, v4;
	[tilespmem:v14+s17+$0x0] =	vst.idx.add.f32.msk vm6, v11  }
0x220: {  	v14 =	vld [tilespmem:$0x1FDE0];
	v0 =	vmul.f32 v0, v7  }
0x221: {  	v15 =	vld.idx.msk [tilespmem:v15+s14+$0x0], $0xffff  }
0x222: {  	[tilespmem:v37+s17+$0x0] =	vst.idx.add.f32.msk vm4, v0  }
0x223: {  	v37 =	vmov v2;
	v2 =	vld [tilespmem:$0x1FE10]  }
0x224: {  	v11 =	vld.idx.msk [tilespmem:v16+s14+$0x0], $0xffff  }
0x225: {  	vm2 =	vmmov vm7;
	v16 =	vld [tilespmem:$0x1FDF0]  }
0x226: {  	v1 =	vld.idx.msk [tilespmem:v1+s14+$0x0], $0xffff  }
0x227: {  	vm3 =	vmmov vm8;
	_ =	sdelay $0x1  }
0x228: {  	v0 =	vld.idx.msk [tilespmem:v34+s14+$0x0], $0xffff;
	v15 =	vmul.f32 v15, v9  }
0x229: {  	v14 =	vld.idx.msk [tilespmem:v14+s14+$0x0], $0xffff  }
0x22a: {  	v1 =	vmul.f32 v1, v6;
	[tilespmem:v2+s17+$0x0] =	vst.idx.add.f32.msk vm2, v15  }
0x22b: {  	v2 =	vld [tilespmem:$0x1FE20]  }
0x22c: {  	[tilespmem:v16+s17+$0x0] =	vst.idx.add.f32.msk vm3, v1  }
0x22d: {  	v1 =	vld [tilespmem:$0x1FE00];
	_ =	sdelay $0x5  }
0x22e: {  	v15 =	vld.idx.msk [tilespmem:v2+s14+$0x0], $0xffff  }
0x22f: {  	v2 =	vld [tilespmem:$0x1FE30]  }
0x230: {  	v1 =	vld.idx.msk [tilespmem:v1+s14+$0x0], $0xffff;
	_ =	sdelay $0x3  }
0x231: {  	v14 =	vmul.f32 v14, v48  }
0x232: {  	v1 =	vmul.f32 v1, v6  }
0x233: {  	[tilespmem:v35+s17+$0x0] =	vst.idx.add.f32.msk vm0, v14  }
0x234: {  	v16 =	vadd.s32 $0xFC0, v3;
	[tilespmem:v2+s17+$0x0] =	vst.idx.add.f32.msk vm3, v1  }
0x235: {  	v17 =	vadd.s32 $0x13B0, v4;
	v2 =	vld [tilespmem:$0x1FE50];
	_ =	sdelay $0x1  }
0x236: {  	v11 =	vmul.f32 v11, v5;
	_ =	sdelay $0x1  }
0x237: {  	v0 =	vmul.f32 v0, v7;
	[tilespmem:v16+s17+$0x0] =	vst.idx.add.f32.msk vm6, v11  }
0x238: {  	v11 =	vld.idx.msk [tilespmem:v17+s14+$0x0], $0xffff  }
0x239: {  	[tilespmem:v42+s17+$0x0] =	vst.idx.add.f32.msk vm4, v0  }
0x23a: {  	v0 =	vld [tilespmem:$0x1FE80]  }
0x23b: {  	v17 =	vld.idx.msk [tilespmem:v2+s14+$0x0], $0xffff  }
0x23c: {  	v2 =	vld [tilespmem:$0x1FE90];
	_ =	sdelay $0x1  }
0x23d: {  	v1 =	vld [tilespmem:$0x1FE40];
	_ =	sdelay $0x2  }
0x23e: {  	v15 =	vmul.f32 v15, v9;
	_ =	sdelay $0x1  }
0x23f: {  	[tilespmem:v0+s17+$0x0] =	vst.idx.add.f32.msk vm2, v15  }
0x240: {  	v34 =	vmov v8;
	v8 =	vld.idx.msk [tilespmem:v2+s14+$0x0], $0xffff  }
0x241: {  	vm1 =	vmmov vm6;
	v2 =	vld [tilespmem:$0x1FEA0]  }
0x242: {  	v14 =	vadd.s32 $0x13B0, v3;
	v1 =	vld.idx.msk [tilespmem:v1+s14+$0x0], $0xffff;
	_ =	sdelay $0x2  }
0x243: {  	v0 =	vmul.f32 v11, v5;
	_ =	sdelay $0x1  }
0x244: {  	[tilespmem:v14+s17+$0x0] =	vst.idx.add.f32.msk vm1, v0;
	v0 =	vmul.f32 v1, v6;
	_ =	sdelay $0x1  }
0x245: {  	[tilespmem:v2+s17+$0x0] =	vst.idx.add.f32.msk vm3, v0  }
0x246: {  	v0 =	vld [tilespmem:$0x1FEB0]  }
0x247: {  	v2 =	vld [tilespmem:$0x1FEC0];
	_ =	sdelay $0x5  }
0x248: {  	v35 =	vmov v13;
	v13 =	vmul.f32 v17, v48  }
0x249: {  	v0 =	vld.idx.msk [tilespmem:v0+s14+$0x0], $0xffff  }
0x24a: {  	[tilespmem:v2+s17+$0x0] =	vst.idx.add.f32.msk vm0, v13  }
0x24b: {  	v2 =	vld [tilespmem:$0x1FED0];
	_ =	sdelay $0x5  }
0x24c: {  	v8 =	vmul.f32 v8, v9  }
0x24d: {  	v11 =	vld.idx.msk [tilespmem:v49+s14+$0x0], $0xffff  }
0x24e: {  	[tilespmem:v2+s17+$0x0] =	vst.idx.add.f32.msk vm2, v8  }
0x24f: {  	v2 =	vld [tilespmem:$0x1FEE0];
	_ =	sdelay $0x7  }
0x250: {  	v8 =	vld.idx.msk [tilespmem:v2+s14+$0x0], $0xffff  }
0x251: {  	v2 =	vld [tilespmem:$0x1FEF0];
	_ =	sdelay $0x5  }
0x252: {  	v11 =	vmul.f32 v11, v7;
	_ =	sdelay $0x1  }
0x253: {  	[tilespmem:v2+s17+$0x0] =	vst.idx.add.f32.msk vm4, v11  }
0x254: {  	v2 =	vld [tilespmem:$0x1FF00];
	_ =	sdelay $0x5  }
0x255: {  	v0 =	vmul.f32 v0, v6  }
0x256: {  	v13 =	vld.idx.msk [tilespmem:v38+s14+$0x0], $0xffff  }
0x257: {  	[tilespmem:v2+s17+$0x0] =	vst.idx.add.f32.msk vm3, v0  }
0x258: {  	v2 =	vld [tilespmem:$0x1FF10];
	_ =	sdelay $0x7  }
0x259: {  	v11 =	vld.idx.msk [tilespmem:v2+s14+$0x0], $0xffff  }
0x25a: {  	v2 =	vld [tilespmem:$0x1FF20];
	_ =	sdelay $0x5  }
0x25b: {  	v0 =	vmul.f32 v13, v48  }
0x25c: {  	[tilespmem:$0x1FF30] =	vst v19  }
0x25d: {  	[tilespmem:v2+s17+$0x0] =	vst.idx.add.f32.msk vm0, v0  }
0x25e: {  	v0 =	vld [tilespmem:$0x1FF30]  }
0x25f: {  	v2 =	vld [tilespmem:$0x1FF40]  }
0x260: {  	v16 =	vadd.s32 $0x17A0, v4;
	_ =	sdelay $0x4  }
0x261: {  	v1 =	vld.idx.msk [tilespmem:v16+s14+$0x0], $0xffff;
	v8 =	vmul.f32 v8, v9  }
0x262: {  	v0 =	vld.idx.msk [tilespmem:v0+s14+$0x0], $0xffff  }
0x263: {  	[tilespmem:v2+s17+$0x0] =	vst.idx.add.f32.msk vm2, v8  }
0x264: {  	v12 =	vadd.s32 $0x3330, v51;
	v2 =	vld [tilespmem:$0x1FF50]  }
0x265: {  	v49 =	vmov v12;
	v12 =	vadd.s32 $0x17A0, v3  }
0x266: {  	v14 =	vadd.s32 $0x1B90, v4;
	_ =	sdelay $0x1  }
0x267: {  	v1 =	vmul.f32 v1, v5;
	_ =	sdelay $0x1  }
0x268: {  	[tilespmem:v12+s17+$0x0] =	vst.idx.add.f32.msk vm1, v1  }
0x269: {  	v1 =	vld.idx.msk [tilespmem:v14+s14+$0x0], $0xffff  }
0x26a: {  	v8 =	vld.idx.msk [tilespmem:v2+s14+$0x0], $0xffff  }
0x26b: {  	v2 =	vld [tilespmem:$0x1FF60];
	_ =	sdelay $0x1  }
0x26c: {  	v12 =	vadd.s32 $0x1B90, v3;
	_ =	sdelay $0x2  }
0x26d: {  	v1 =	vmul.f32 v1, v5;
	_ =	sdelay $0x1  }
0x26e: {  	[tilespmem:v12+s17+$0x0] =	vst.idx.add.f32.msk vm1, v1  }
0x26f: {  	v13 =	vadd.s32 $0x1F80, v4;
	v1 =	vmul.f32 v11, v6;
	v11 =	vld.idx.msk [tilespmem:v2+s14+$0x0], $0xffff  }
0x270: {  	v2 =	vld [tilespmem:$0x1FF70];
	_ =	sdelay $0x3  }
0x271: {  	v16 =	vmov v10;
	v10 =	vld.idx.msk [tilespmem:v13+s14+$0x0], $0xffff;
	_ =	sdelay $0x1  }
0x272: {  	v12 =	vadd.s32 $0x1F80, v3;
	_ =	sdelay $0x1  }
0x273: {  	[tilespmem:v2+s17+$0x0] =	vst.idx.add.f32.msk vm3, v1  }
0x274: {  	v10 =	vmul.f32 v10, v5;
	v1 =	vld [tilespmem:$0x1FF80]  }
0x275: {  	v2 =	vld [tilespmem:$0x1FF90]  }
0x276: {  	[tilespmem:v12+s17+$0x0] =	vst.idx.add.f32.msk vm1, v10  }
0x277: {  	v12 =	vld [tilespmem:$0x1FFD0];
	_ =	sdelay $0x3  }
0x278: {  	v23 =	vld [tilespmem:$0x1FFB0];
	v0 =	vmul.f32 v0, v7  }
0x279: {  	v1 =	vld.idx.msk [tilespmem:v1+s14+$0x0], $0xffff  }
0x27a: {  	v11 =	vmul.f32 v11, v48;
	[tilespmem:v2+s17+$0x0] =	vst.idx.add.f32.msk vm4, v0  }
0x27b: {  	[tilespmem:$0x1FFE0] =	vst v41;
	v0 =	vld [tilespmem:$0x1FFA0]  }
0x27c: {  	[tilespmem:v12+s17+$0x0] =	vst.idx.add.f32.msk vm0, v11  }
0x27d: {  	v11 =	vld [tilespmem:$0x1FFE0];
	_ =	sdelay $0x4  }
0x27e: {  	v8 =	vmul.f32 v8, v9;
	v12 =	vmov v11;
	v11 =	vld [tilespmem:$0x1FFF0]  }
0x27f: {  	v0 =	vld.idx.msk [tilespmem:v0+s14+$0x0], $0xffff  }
0x280: {  	[tilespmem:v23+s17+$0x0] =	vst.idx.add.f32.msk vm2, v8  }
0x281: {  	v8 =	vld [tilespmem:$0x1FFC0]  }
0x282: {  	v28 =	vmov v27;
	v27 =	vadd.s32 $0x2F40, v51;
	v13 =	vadd.s32 $0x2370, v4  }
0x283: {  	s21 =	sadd.s32 $0x3, s21;
	v19 =	vadd.s32 $0x2B50, v51;
	v59 =	vadd.s32 $0x3330, v54  }
0x284: {  	p0 =	slt.u32 s21, $0x5FD;
	v50 =	vadd.s32 $0x2370, v51;
	v63 =	vadd.s32 $0x2B50, v54;
	v29 =	vadd.s32 $0x2F40, v54  }
.Ltmp3:
0x285: {  	v46 =	vadd.s32 $0x3720, v51;
	v51 =	vadd.s32 $0x3B10, v51;
	v22 =	vmovc v27;
	v27 =	vmovc v30;
	v30 =	vmov v29;
	v29 =	vld [tilespmem:$0x1FE70];
	(pc) =	sbr.rel @p0 .LBB2_8-.Ltmp3, $4  }
0x286: {  	v55 =	vadd.s32 $0x3720, v54;
	v41 =	vadd.s32 $0x3B10, v54;
	v24 =	vmovc v60;
	v42 =	vmovc v33;
	v33 =	vld [tilespmem:$0x1FE60];
	v10 =	vmul.f32 v1, v6  }
0x287: {  	v47 =	vmovc v19;
	v25 =	vmovc v59;
	v19 =	vmov v46;
	v26 =	vmov v61;
	v43 =	vmov v63;
	v1 =	vld.idx.msk [tilespmem:v13+s14+$0x0], $0xffff  }
0x288: {  	v63 =	vmovc v28;
	v28 =	vmovc v36;
	v18 =	vmov v55;
	v15 =	vmov v58;
	v17 =	vmov v57;
	[tilespmem:v11+s17+$0x0] =	vst.idx.add.f32.msk vm3, v10  }
0x289: {  	s22 =	sadd.s32 $0x30, s22;
	v14 =	vmovc v53;
	v38 =	vmovc v56;
	v2 =	vmov v51;
	v46 =	vmul.f32 v0, v7;
	v7 =	vmov v9;
	v8 =	vld.idx.msk [tilespmem:v8+s14+$0x0], $0xffff  }
0x28a: {  	_ =	sdelay $0x3  }
0x28b: {  	v0 =	vmul.f32 v8, v7;
	_ =	sdelay $0x1  }
0x28c: {  	[tilespmem:v33+s17+$0x0] =	vst.idx.add.f32.msk vm2, v0  }
0x28d: {  	v0 =	vadd.s32 $0x2370, v3;
	v36 =	vld.idx.msk [tilespmem:v50+s14+$0x0], $0xffff  }
0x28e: {  	v9 =	vadd.s32 $0x2760, v4  }
0x28f: {  	v10 =	vld.idx.msk [tilespmem:v29+s14+$0x0], $0xffff  }
0x290: {  	v1 =	vmul.f32 v1, v5;
	_ =	sdelay $0x1  }
0x291: {  	[tilespmem:v0+s17+$0x0] =	vst.idx.add.f32.msk vm1, v1;
	v0 =	vmul.f32 v36, v7  }
0x292: {  	v1 =	vld.idx.msk [tilespmem:v9+s14+$0x0], $0xffff  }
0x293: {  	[tilespmem:v38+s17+$0x0] =	vst.idx.add.f32.msk vm2, v0;
	v0 =	vmul.f32 v10, v6  }
0x294: {  	v44 =	vadd.s32 $0x2760, v3;
	v50 =	vld.idx.msk [tilespmem:v35+s14+$0x0], $0xffff  }
0x295: {  	v51 =	vadd.s32 $0x2B50, v4;
	[tilespmem:v34+s17+$0x0] =	vst.idx.add.f32.msk vm3, v0  }
0x296: {  	v0 =	vld.idx.msk [tilespmem:v37+s14+$0x0], $0xffff  }
0x297: {  	vm14 =	vmmov vm3;
	v1 =	vmul.f32 v1, v5;
	_ =	sdelay $0x1  }
0x298: {  	[tilespmem:v44+s17+$0x0] =	vst.idx.add.f32.msk vm1, v1;
	v1 =	vmul.f32 v50, v7  }
0x299: {  	v8 =	vld.idx.msk [tilespmem:v51+s14+$0x0], $0xffff  }
0x29a: {  	v0 =	vmul.f32 v0, v6;
	[tilespmem:v52+s17+$0x0] =	vst.idx.add.f32.msk vm2, v1  }
0x29b: {  	v1 =	vadd.s32 $0x2B50, v3;
	v53 =	vld.idx.msk [tilespmem:v47+s14+$0x0], $0xffff  }
0x29c: {  	v54 =	vadd.s32 $0x2F40, v4;
	vm15 =	vmmov vm2;
	[tilespmem:v31+s17+$0x0] =	vst.idx.add.f32.msk vm14, v0  }
0x29d: {  	v0 =	vld.idx.msk [tilespmem:v43+s14+$0x0], $0xffff  }
0x29e: {  	v8 =	vmul.f32 v8, v5;
	_ =	sdelay $0x1  }
0x29f: {  	[tilespmem:v1+s17+$0x0] =	vst.idx.add.f32.msk vm1, v8;
	v1 =	vmul.f32 v53, v7  }
0x2a0: {  	v8 =	vld.idx.msk [tilespmem:v54+s14+$0x0], $0xffff  }
0x2a1: {  	[tilespmem:v26+s17+$0x0] =	vst.idx.add.f32.msk vm15, v1;
	v0 =	vmul.f32 v0, v6  }
0x2a2: {  	v1 =	vadd.s32 $0x2F40, v3;
	v55 =	vld.idx.msk [tilespmem:v22+s14+$0x0], $0xffff  }
0x2a3: {  	v56 =	vadd.s32 $0x3330, v4;
	[tilespmem:v24+s17+$0x0] =	vst.idx.add.f32.msk vm14, v0  }
0x2a4: {  	v0 =	vld.idx.msk [tilespmem:v30+s14+$0x0], $0xffff  }
0x2a5: {  	v8 =	vmul.f32 v8, v5;
	_ =	sdelay $0x1  }
0x2a6: {  	[tilespmem:v1+s17+$0x0] =	vst.idx.add.f32.msk vm1, v8;
	v1 =	vmul.f32 v55, v7  }
0x2a7: {  	v8 =	vld.idx.msk [tilespmem:v56+s14+$0x0], $0xffff  }
0x2a8: {  	[tilespmem:v42+s17+$0x0] =	vst.idx.add.f32.msk vm15, v1;
	v0 =	vmul.f32 v0, v6  }
0x2a9: {  	v1 =	vadd.s32 $0x3330, v3;
	v57 =	vld.idx.msk [tilespmem:v49+s14+$0x0], $0xffff  }
0x2aa: {  	v58 =	vadd.s32 $0x3720, v4;
	[tilespmem:v15+s17+$0x0] =	vst.idx.add.f32.msk vm14, v0  }
0x2ab: {  	v0 =	vld.idx.msk [tilespmem:v25+s14+$0x0], $0xffff  }
0x2ac: {  	v8 =	vmul.f32 v8, v5;
	_ =	sdelay $0x1  }
0x2ad: {  	[tilespmem:v1+s17+$0x0] =	vst.idx.add.f32.msk vm1, v8;
	v1 =	vmul.f32 v57, v7  }
0x2ae: {  	v8 =	vld.idx.msk [tilespmem:v58+s14+$0x0], $0xffff  }
0x2af: {  	[tilespmem:v17+s17+$0x0] =	vst.idx.add.f32.msk vm15, v1;
	v0 =	vmul.f32 v0, v6  }
0x2b0: {  	v1 =	vadd.s32 $0x3720, v3;
	v59 =	vld.idx.msk [tilespmem:v19+s14+$0x0], $0xffff  }
0x2b1: {  	v60 =	vadd.s32 $0x3B10, v4;
	[tilespmem:v16+s17+$0x0] =	vst.idx.add.f32.msk vm14, v0  }
0x2b2: {  	v0 =	vld.idx.msk [tilespmem:v18+s14+$0x0], $0xffff  }
0x2b3: {  	v8 =	vmul.f32 v8, v5  }
0x2b4: {  	v61 =	vld.idx.msk [tilespmem:v45+s14+$0x0], $0xffff  }
0x2b5: {  	[tilespmem:v1+s17+$0x0] =	vst.idx.add.f32.msk vm1, v8;
	v1 =	vmul.f32 v59, v7  }
0x2b6: {  	v4 =	vld.idx.msk [tilespmem:v60+s14+$0x0], $0xffff  }
0x2b7: {  	[tilespmem:v14+s17+$0x0] =	vst.idx.add.f32.msk vm15, v1;
	v0 =	vmul.f32 v0, v6  }
0x2b8: {  	vm0 =	vmmov vm0;
	v1 =	vld.idx.msk [tilespmem:v2+s14+$0x0], $0xffff  }
0x2b9: {  	[tilespmem:v12+s17+$0x0] =	vst.idx.add.f32.msk vm14, v0  }
0x2ba: {  	v3 =	vadd.s32 $0x3B10, v3;
	v0 =	vld.idx.msk [tilespmem:v41+s14+$0x0], $0xffff  }
0x2bb: {  	vm3 =	vmmov vm14  }
0x2bc: {  	[tilespmem:v63+s17+$0x0] =	vst.idx.add.f32.msk vm5, v39;
	v2 =	vmul.f32 v61, v48  }
0x2bd: {  	[tilespmem:v28+s17+$0x0] =	vst.idx.add.f32.msk vm4, v46;
	v4 =	vmul.f32 v4, v5  }
0x2be: {  	[tilespmem:v27+s17+$0x0] =	vst.idx.add.f32.msk vm0, v2;
	v1 =	vmul.f32 v1, v7  }
0x2bf: {  	[tilespmem:v3+s17+$0x0] =	vst.idx.add.f32.msk vm1, v4;
	v0 =	vmul.f32 v0, v6  }
0x2c0: {  	[tilespmem:v40+s17+$0x0] =	vst.idx.add.f32.msk vm15, v1  }
0x2c1: {  	[tilespmem:v32+s17+$0x0] =	vst.idx.add.f32.msk vm3, v0  }
0x2c2: {  	[hbm4b:s8+s2] =	stream.linear.scatter [tilespmem:s17], [sflag:$0x1], $0x3F00, $0x38;
	[tilespmem:$0x14A00] =	vst v63  }
0x2c3: {  	s18 =	sadd.s32 $0x1, s18;
	_ =	swait.ge [sflag:s12], $0x3F00  }
0x2c4: {  	p0 =	sne.s32 s18, s10;
	[sflag:s12] =	ssyncset.done $0x0  }
.Ltmp4:
0x2c5: {  	[sflag:s12] =	ssyncadd.s32 $0xFFFFC100;
	(pc) =	sbr.rel @p0 .LBB2_1-.Ltmp4, $4  }
0x2c6: {  	[hbm4b:s9+s2] =	stream.linear.scatter [tilespmem:s16], [sflag:$0x1], $0x3F0, $0x38;
	[tilespmem:$0x14A00] =	vst v63  }
0x2c7: {  	_ =	swait.ge [sflag:s12], $0x3F0  }
0x2c8: {  	[sflag:s12] =	ssyncset.done $0x0  }
0x2c9: {  	v1 =	vimm.f32 $0.0e+00;
	[sflag:s12] =	ssyncadd.s32 $0xFFFFFC10  }
0x2ca: {  	_ =	sfence.sel $0x180000  }
0x2cb: {  	[bflag:$0x0] =	sbarrier.arrive $0xFFFF  }
0x2cc: {  	p0 =	sne.s32 s1, $0x0;
	_ =	strace $0x90000053  }
0x2cd: {  	s0 =	sadd.s32 @!p0 $0x100000, s0;
	[bflag:$0x2] =	sbarrier.arrive $0xFFFF  }
0x2ce: {  	[sflag:s0] =	ssyncadd.tile.s32 @!p0 $0x1;
	_ =	shalt  }
.Lfunc_end2:
_tile_overlayer_lowered:
.L_overlay_start_2:
0x2cf: {  	(tag) =	ssettag $0x2  }
0x2d0: {  	s0 =	rddreg [dreg:$0x0];
	s2 =	stileid.u32  }
0x2d1: {  	s1 =	rddreg [dreg:$0x1];
	p0 =	sne.s32 s2, $0x0  }
0x2d2: {  	s3 =	rddreg [dreg:$0x2];
	[bflag:$0x3] =	sbarrier.arrive $0xFFFF;
	s2 =	simm.s32 @!p0 $0x1C01  }
0x2d3: {  	[timem:s3], [sflag:s2] =	dma.local @!p0 [hbm:s0], s1  }
0x2d4: {  	s0 =	simm.s32 @!p0 $0x1  }
0x2d5: {  	_ =	swait.ge @!p0 [sflag:s0], s1  }
0x2d6: {  	s1 =	ssub.s32 @!p0 $0x0, s1;
	[sflag:s0] =	ssyncset.done @!p0 $0x0  }
0x2d7: {  	[sflag:s0] =	ssyncadd.s32 @!p0 s1  }
0x2d8: {  	[bflag:$0x3] =	sbarrier.arrive $0xFFFF  }
0x2d9: {  	_ =	shalt  }

// kernel: kernel.8.cloned.1.call-start
scs
__scs_entry_jumppad:
0x0: {  	(pc) =	sbr.rel $0x88, $3  }
0x1: {  	(tag) =	ssettag $0x0;
	lr =	simm.s32 $0x1  }
0x2: {  	[smem:$0x3F82] =	sst lr;
	_ =	strace $0xD0000000  }
0x3: {  	_ = 	snop  }
0x4: {  	_ = 	snop  }
0x5: {  	_ = 	snop  }
0x6: {  	_ = 	snop  }
0x7: {  	_ = 	snop  }
__scs_overlays_trampoline_lowered:
0x8: {  	[smem:$0x3F91] =	sst s0  }
0x9: {  	[smem:$0x3F92] =	sst s1  }
0xa: {  	[smem:$0x3F93] =	sst s2  }
0xb: {  	[smem:$0x3F94] =	sst s3  }
0xc: {  	[smem:$0x3F95] =	sst s4  }
0xd: {  	[smem:$0x3F96] =	sst s5  }
0xe: {  	[smem:$0x3F97] =	sst s6  }
0xf: {  	[smem:$0x3F98] =	sst s7  }
0x10: {  	[smem:$0x3F99] =	sst s8  }
0x11: {  	[smem:$0x3F9A] =	sst s9;
	s0 =	simm.s32 @!p0 $0x0  }
0x12: {  	s1 =	sld [smem:$0x3F80];
	s0 =	simm.s32 @p0 $0x1  }
0x13: {  	[smem:$0x3F9B] =	sst s0;
	s0 =	simm.s32 @!p1 $0x0  }
0x14: {  	s2 =	sld [smem:$0x3F7F];
	s0 =	simm.s32 @p1 $0x1  }
0x15: {  	[smem:$0x3F9C] =	sst s0;
	s0 =	simm.s32 @!p2 $0x0  }
0x16: {  	s3 =	sld [smem:$0x3FDB];
	s0 =	simm.s32 @p2 $0x1  }
0x17: {  	s4 =	simm.s32 $0x1BF5;
	[smem:$0x3F9E] =	sst s0  }
0x18: {  	s0 =	sld [smem:$0x3F81];
	_ =	swait.ge [sflag:s4], $0x0  }
0x19: {  	s7 =	sld [smem:$0x3F82]  }
0x1a: {  	s8 =	sadd.s32 $0xFFFFE003, lr  }
0x1b: {  	s9 =	sadd.s32 $0xFFFFFEF7, lr;
	s5 =	simm.s32 $0xFFFFFFFF;
	p2 =	slt.u32 s8, $0xFFFFF086  }
0x1c: {  	p1 =	slt.u32 s9, $0xF7A;
	s5 =	simm.s32 @!p2 $0x0  }
0x1d: {  	s5 =	simm.s32 @p1 $0x1;
	p0 =	seq.s32 s7, s2  }
0x1e: {  	s7 =	smul.u32 @!p0 $0xF7A, s2;
	p2 =	seq.s32 @!p0 s5, $0x0  }
0x1f: {  	s9 =	smul.u32 $0xF7A, s1;
	s8 =	simm.s32 @!p0 $0x1BF5;
	p2 =	por !p2, p0  }
0x20: {  	[sflag:s8] =	ssyncset.s32 @!p0 $0xFFFFF086;
	s6 =	sadd.s32 @!p0 s3, s7;
	s7 =	simm.s32 @!p0 $0x108  }
0x21: {  	s3 =	sadd.s32 s3, s9;
	s6 =	sadd.s32 @!p0 $0x88, s6;
	s7 =	simm.s32 @p2 $0x1082  }
0x22: {  	[simem:s7], [sflag:s8] =	dma.local @!p0 [hbm:s6], $0xF7A  }
0x23: {  	s9 =	sor.u32 $0xD0000000, s2;
	s6 =	simm.s32 $0x108;
	_ =	swait.ge @!p0 [sflag:s8], $0x0  }
0x24: {  	s3 =	sadd.s32 $0x88, s3;
	s6 =	simm.s32 @!p1 $0x1082;
	[sflag:s4] =	ssyncset.s32 $0xFFFFF086  }
0x25: {  	[simem:s6], [sflag:s4] =	dma.local [hbm:s3], $0xF7A  }
0x26: {  	[smem:$0x3F82] =	sst s1;
	(tag) =	ssettag s2;
	_ =	strace s9  }
0x27: {  	s1 =	sld [smem:$0x3F92]  }
0x28: {  	s2 =	sld [smem:$0x3F93]  }
0x29: {  	s4 =	sld [smem:$0x3F95]  }
0x2a: {  	p0 =	seq.s32 s5, $0x0;
	s5 =	sld [smem:$0x3F96]  }
0x2b: {  	s6 =	sld [smem:$0x3F97]  }
0x2c: {  	s7 =	sld [smem:$0x3F98]  }
0x2d: {  	s3 =	simm.s32 $0x108;
	s8 =	sld [smem:$0x3F99]  }
0x2e: {  	s3 =	simm.s32 @!p0 $0x1082;
	s9 =	sld [smem:$0x3F9A]  }
0x2f: {  	lr =	sadd.s32 s0, s3;
	s0 =	sld [smem:$0x3F91]  }
0x30: {  	s3 =	sld [smem:$0x3F94]  }
0x31: {  	[smem:$0x3F9D] =	sst s10  }
0x32: {  	s10 =	sld [smem:$0x3F9B];
	_ =	sdelay $0x3  }
0x33: {  	p0 =	seq.s32 s10, $0x1;
	s10 =	sld [smem:$0x3F9D];
	_ =	sdelay $0x3  }
0x34: {  	[smem:$0x3F9D] =	sst s10  }
0x35: {  	s10 =	sld [smem:$0x3F9C];
	_ =	sdelay $0x3  }
0x36: {  	p1 =	seq.s32 s10, $0x1;
	s10 =	sld [smem:$0x3F9D];
	_ =	sdelay $0x3  }
0x37: {  	[smem:$0x3F9D] =	sst s10  }
0x38: {  	s10 =	sld [smem:$0x3F9E]  }
0x39: {  	_ = 	snop;
	(pc) =	sbr.ind lr, $3  }
0x3a: {  	_ = 	snop  }
0x3b: {  	_ = 	snop  }
0x3c: {  	p2 =	seq.s32 s10, $0x1;
	s10 =	sld [smem:$0x3F9D]  }
0x3d: {  	_ =	shalt  }
0x3e: {  	_ =	shalt  }
0x3f: {  	_ =	shalt  }
0x40: {  	_ =	shalt  }
0x41: {  	_ =	shalt  }
0x42: {  	_ =	shalt  }
0x43: {  	_ =	shalt  }
0x44: {  	_ =	shalt  }
0x45: {  	_ =	shalt  }
0x46: {  	_ =	shalt  }
0x47: {  	_ =	shalt  }
0x48: {  	_ =	shalt  }
0x49: {  	_ =	shalt  }
0x4a: {  	_ =	shalt  }
0x4b: {  	_ =	shalt  }
0x4c: {  	_ =	shalt  }
0x4d: {  	_ =	shalt  }
0x4e: {  	_ =	shalt  }
0x4f: {  	_ =	shalt  }
0x50: {  	_ =	shalt  }
0x51: {  	_ =	shalt  }
0x52: {  	_ =	shalt  }
0x53: {  	_ =	shalt  }
0x54: {  	_ =	shalt  }
0x55: {  	_ =	shalt  }
0x56: {  	_ =	shalt  }
0x57: {  	_ =	shalt  }
0x58: {  	_ =	shalt  }
0x59: {  	_ =	shalt  }
0x5a: {  	_ =	shalt  }
0x5b: {  	_ =	shalt  }
0x5c: {  	_ =	shalt  }
0x5d: {  	_ =	shalt  }
0x5e: {  	_ =	shalt  }
0x5f: {  	_ =	shalt  }
0x60: {  	_ =	shalt  }
0x61: {  	_ =	shalt  }
0x62: {  	_ =	shalt  }
0x63: {  	_ =	shalt  }
0x64: {  	_ =	shalt  }
0x65: {  	_ =	shalt  }
0x66: {  	_ =	shalt  }
0x67: {  	_ =	shalt  }
0x68: {  	_ =	shalt  }
0x69: {  	_ =	shalt  }
0x6a: {  	_ =	shalt  }
0x6b: {  	_ =	shalt  }
0x6c: {  	_ =	shalt  }
0x6d: {  	_ =	shalt  }
0x6e: {  	_ =	shalt  }
0x6f: {  	_ =	shalt  }
0x70: {  	_ =	shalt  }
0x71: {  	_ =	shalt  }
0x72: {  	_ =	shalt  }
0x73: {  	_ =	shalt  }
0x74: {  	_ =	shalt  }
0x75: {  	_ =	shalt  }
0x76: {  	_ =	shalt  }
0x77: {  	_ =	shalt  }
0x78: {  	_ =	shalt  }
0x79: {  	_ =	shalt  }
0x7a: {  	_ =	shalt  }
0x7b: {  	_ =	shalt  }
0x7c: {  	_ =	shalt  }
0x7d: {  	_ =	shalt  }
0x7e: {  	_ =	shalt  }
0x7f: {  	_ =	shalt  }
0x80: {  	_ =	shalt  }
0x81: {  	_ =	shalt  }
0x82: {  	_ =	shalt  }
0x83: {  	_ =	shalt  }
0x84: {  	_ =	shalt  }
0x85: {  	_ =	shalt  }
0x86: {  	_ =	shalt  }
0x87: {  	_ =	shalt  }
.Lfunc_end0:
.L_simem_size_0:
called_computation.2_lowered:
.L_overlay_start_0:
0x88: {  	s2 =	sld [smem:$0x3FD9]  }
0x89: {  	s3 =	sld [smem:$0x3FFE];
	_ =	sdelay $0x1  }
0x8a: {  	s1 =	srdreg.scid  }
0x8b: {  	s0 =	sand.u32 $0x1, s1  }
0x8c: {  	s14 =	sshll.u32 s0, $0xA;
	s2 =	sadd.s32 s3, s2  }
0x8d: {  	s2 =	sadd.s32 s2, s14  }
0x8e: {  	[smem:$0x3FA9] =	sst s2  }
0x8f: {  	_ = 	snop  }
0x90: {  	s2 =	sld [smem:$0x3FD0];
	_ =	sdelay $0x2  }
0x91: {  	s15 =	simm.s32 $0xB;
	s4 =	simm.s32 $0x10  }
0x92: {  	[smem:s4], [sflag:s15] =	dma.local [hbm:s2], $0x1  }
0x93: {  	_ =	swait.eq [sflag:s15], $0x1  }
0x94: {  	[sflag:s15] =	ssyncset.done $0x0  }
0x95: {  	s16 =	sld [smem:$0x10];
	[sflag:s15] =	ssyncadd.s32 $0xFFFFFFFF  }
0x96: {  	s17 =	sld [smem:$0x11];
	(tm) =	ssettm $0x1  }
0x97: {  	s18 =	sld [smem:$0x3FFB];
	_ =	sdelay $0x3  }
0x98: {  	_ =	strace s18  }
0x99: {  	s4 =	sld [smem:$0x3FFC];
	_ =	sdelay $0x3  }
0x9a: {  	_ =	strace s4  }
0x9b: {  	s4 =	sld [smem:$0x3FFD];
	_ =	sdelay $0x3  }
0x9c: {  	_ =	strace s4  }
0x9d: {  	_ =	strace $0x8FFFFFFF  }
0x9e: {  	s19 =	sld [smem:$0x3FDB];
	_ =	sdelay $0x1  }
0x9f: {  	s5 =	simm.s32 $_scs_section_size  }
0xa0: {  	s6 =	simm.s32 $_size__tile_overlayer_lowered;
	s7 =	simm.s32 $_tile_overlayer_lowered  }
0xa1: {  	s22 =	simm.s32 $0x1BFF;
	s21 =	sshll.u32 s7, $0x1;
	s4 =	sadd.s32 s5, s19  }
0xa2: {  	s8 =	simm.s32 $0x0;
	s20 =	sshll.u32 s6, $0x1;
	s6 =	sadd.s32 s21, s4  }
0xa3: {  	[timem:s8], [sflag:s22] =	dma.local [hbm:s6], s20  }
0xa4: {  	_ =	swait.ge [sflag:s22], s20  }
0xa5: {  	s5 =	ssub.s32 $0x0, s20;
	[sflag:s22] =	ssyncset.done $0x0  }
0xa6: {  	[sflag:s22] =	ssyncadd.s32 s5;
	_ =	sdelay $0x1  }
0xa7: {  	s23 =	simm.s32 $0x1B8B  }
0xa8: {  	_ =	swait.ge [sflag:s23], $0x1  }
0xa9: {  	[sflag:s23] =	ssyncset.done $0x0  }
0xaa: {  	s25 =	simm.s32 $0x1B8E;
	s24 =	sld [smem:$0x3FFE];
	[sflag:s23] =	ssyncadd.s32 $0xFFFFFFFF  }
0xab: {  	s26 =	simm.s32 $execute0_lowered;
	[smem:$0x3FD2] =	sst s25  }
0xac: {  	s6 =	sshll.u32 s26, $0x1;
	_ =	strace $0x80000046;
	[dreg:$0x1] =	wrdreg $0xFFFFFFFF  }
0xad: {  	s28 =	simm.s32 $_size_execute0_lowered;
	s4 =	sadd.s32 s4, s6;
	[dreg:$0x0] =	wrdreg $0x0  }
0xae: {  	s6 =	sshll.u32 s28, $0x1;
	[dreg:$0x2] =	wrdreg s4  }
0xaf: {  	[dreg:$0x3] =	wrdreg s6  }
0xb0: {  	[dreg:$0x4] =	wrdreg $0xC0  }
0xb1: {  	_ =	task [dreg:s8], $0x5FFFF  }
0xb2: {  	[dreg:$0x1] =	wrdreg $0xFFFFFFFF  }
0xb3: {  	[dreg:$0x0] =	wrdreg $0x60  }
0xb4: {  	[dreg:$0x2] =	wrdreg s24  }
0xb5: {  	[dreg:$0x3] =	wrdreg s16  }
0xb6: {  	[dreg:$0x4] =	wrdreg s17  }
0xb7: {  	[dreg:$0x5] =	wrdreg $0x9  }
0xb8: {  	_ =	task.clear_ibuf [dreg:s8], $0x6FFFF;
	_ =	strace $0x90000046  }
0xb9: {  	s29 =	simm.s32 $0x9;
	_ =	strace $0x80000048  }
0xba: {  	_ =	swait.ge [sflag:s29], $0x1  }
0xbb: {  	[sflag:s29] =	ssyncadd.s32 $0xFFFFFFFF  }
0xbc: {  	_ =	strace $0x90000048  }
0xbd: {  	_ =	sfence  }
0xbe: {  	s30 =	sld [smem:$0x0];
	_ =	sdelay $0x2  }
0xbf: {  	s31 =	sshll.u32 s1, $0xD;
	s1 =	sshrl.u32 s1, $0x2  }
0xc0: {  	s3 =	sand.u32 $0x4000, s31;
	s1 =	sadd.s32 s1, s30  }
0xc1: {  	s0 =	sor.u32 s3, s0;
	s1 =	sshll.u32 s1, $0x11  }
0xc2: {  	s0 =	sor.u32 s1, s0  }
0xc3: {  	s0 =	sadd.s32 $0x8F2B, s0  }
0xc4: {  	[sflag:s0] =	ssyncadd.remote.s32 $0x1  }
0xc5: {  	_ =	sfence.sel $0xFFFF  }
0xc6: {  	[dreg:$0x0] =	wrdreg $0xFFFFFFFF;
	(pc) =	sbr.abs _section_cstart, $3  }
0xc7: {  	[dreg:$0x1] =	wrdreg $0xFFFFFFFF  }
0xc8: {  	_ =	task.clear_ibuf [dreg:s8], $0x2FFFF;
	_ =	strace $0x9FFFFFFF  }
0xc9: {  	(tm) =	ssettm $0x7FFFFFFF  }
tec
execute0_lowered:
.L_overlay_start_1:
0x0: {  	(tag) =	ssettag $0x1  }
0x1: {  	s8 =	rddreg [dreg:$0x0]  }
0x2: {  	s9 =	rddreg [dreg:$0x1]  }
0x3: {  	s2 =	rddreg [dreg:$0x2]  }
0x4: {  	s4 =	srdreg.scid;
	s1 =	stileid.u32;
	s3 =	simm.s32 $0x0  }
0x5: {  	s16 =	simm.s32 $0xE400;
	s17 =	simm.s32 $0x3800;
	s18 =	simm.s32 $0xD000  }
0x6: {  	s19 =	simm.s32 $0x13280;
	s20 =	simm.s32 $0x7000;
	s21 =	simm.s32 $0x0  }
0x7: {  	s10 =	sand.u32 $0x1, s4;
	s30 =	sshll.u32 s1, $0x1;
	[smem:$0x7FF] =	sst s3  }
0x8: {  	s4 =	sadd.s32 $0x3C00, s8;
	s5 =	sadd.s32 $0x4000, s8;
	s11 =	sor.u32 s10, s30  }
0x9: {  	s6 =	sadd.s32 $0x6000, s8;
	s10 =	ssub.s32 $0x2, s10;
	s12 =	smul.u32 $0x9C8, s11  }
0xa: {  	s7 =	sadd.s32 $0x4400, s8;
	s13 =	smul.u32 $0x272, s11;
	s31 =	sshrl.u32 s10, $0x1  }
0xb: {  	v0 =	vlaneseq.u32;
	_ =	strace $0x80000047;
	s15 =	ssub.s32 s10, s31;
	s14 =	sadd.s32 s12, s8  }
0xc: {  	v1 =	vmul.u32 $0xFFFFFFFF, v0;
	s13 =	sadd.s32 s13, s8;
	s8 =	sadd.s32 s9, s12;
	s9 =	smul.u32 $0xE000, s11  }
0xd: {  	s12 =	smax.u32 s15, $0x1;
	s15 =	simm.s32 $0xBC00;
	s10 =	sadd.s32 $0xCC00, s14  }
0xe: {  	v0 =	vimm.f32 $0.0e+00;
	v1 =	vadd.s32 $0xD6D8, v1;
	s11 =	sadd.s32 $0x7C00, s13;
	s13 =	simm.s32 $0xA800;
	s14 =	simm.s32 $0x1  }
.LBB2_1:
0xf: {  	[tilespmem:s13], [sflag:$0x1] =	stream.linear.gather [hbm4b:s4+s3], $0x1390, $0x38;
	[tilespmem:$0x18100] =	vst v63  }
0x10: {  	_ =	swait.ge [sflag:s14], $0x1390  }
0x11: {  	[sflag:s14] =	ssyncset.done $0x0  }
0x12: {  	[sflag:s14] =	ssyncadd.s32 $0xFFFFEC70  }
0x13: {  	[tilespmem:s15], [sflag:$0x1] =	stream.linear.gather [hbm4b:s5+s3], $0x1390, $0x38;
	[tilespmem:$0x18100] =	vst v63  }
0x14: {  	_ =	swait.ge [sflag:s14], $0x1390  }
0x15: {  	[sflag:s14] =	ssyncset.done $0x0  }
0x16: {  	[sflag:s14] =	ssyncadd.s32 $0xFFFFEC70  }
0x17: {  	[tilespmem:s16], [sflag:$0x1] =	stream.linear.gather [hbm4b:s8+s3], $0x4E40, $0x38;
	[tilespmem:$0x18100] =	vst v63  }
0x18: {  	_ =	swait.ge [sflag:s14], $0x4E40  }
0x19: {  	[sflag:s14] =	ssyncset.done $0x0  }
0x1a: {  	s22 =	simm.s32 $0x40;
	s23 =	simm.s32 $0x0;
	[sflag:s14] =	ssyncadd.s32 $0xFFFFB1C0  }
.LBB2_2:
0x1b: {  	p0 =	sne.s32 s22, $0x4E00;
	[tilespmem:s23+$0xD000] =	vst v0;
	s23 =	smov.u32 s22;
	s22 =	sadd.s32 $0x40, s22  }
.Ltmp0:
0x1c: {  	(pc) =	sbr.rel @p0 .LBB2_2-.Ltmp0, $2  }
0x1d: {  	_ =	sdelay $0x2  }
0x1e: {  	s23 =	sshra.s32 s23, $0x2  }
0x1f: {  	[tilespmem:s23+$0xD000] =	vst v0;
	s22 =	simm.s32 $0x0;
	s23 =	simm.s32 $0x40;
	s24 =	simm.s32 $0x0  }
.LBB2_4:
0x20: {  	p0 =	sne.s32 s23, $0x138C0;
	[tilespmem:s24+$0x13280] =	vst v0;
	s24 =	smov.u32 s23;
	s23 =	sadd.s32 $0x40, s23  }
.Ltmp1:
0x21: {  	(pc) =	sbr.rel @p0 .LBB2_4-.Ltmp1, $2  }
0x22: {  	_ =	sdelay $0x2  }
0x23: {  	s24 =	sshra.s32 s24, $0x2  }
0x24: {  	[tilespmem:s24+$0x13280] =	vst v0;
	s23 =	simm.s32 $0x0  }
.LBB2_6:
0x25: {  	s24 =	smul.u32 $0x3800, s23;
	_ =	sdelay $0x1  }
0x26: {  	s24 =	sshrl.u32 s24, $0x3  }
0x27: {  	s25 =	sadd.s32 s6, s24  }
0x28: {  	[tilespmem:s3], [sflag:$0x1] =	stream.linear.gather [hbm4b:s25+s3], $0x3800, $0x38;
	[tilespmem:$0x18100] =	vst v63  }
0x29: {  	_ =	swait.ge [sflag:s14], $0x3800  }
0x2a: {  	[sflag:s14] =	ssyncset.done $0x0  }
0x2b: {  	s24 =	sadd.s32 s7, s24;
	[sflag:s14] =	ssyncadd.s32 $0xFFFFC800  }
0x2c: {  	[tilespmem:s17], [sflag:$0x1] =	stream.linear.gather [hbm4b:s24+s3], $0x3800, $0x38;
	[tilespmem:$0x18100] =	vst v63  }
0x2d: {  	_ =	swait.ge [sflag:s14], $0x3800  }
0x2e: {  	[sflag:s14] =	ssyncset.done $0x0  }
0x2f: {  	s0 =	simm.s32 $0x20;
	[sflag:s14] =	ssyncadd.s32 $0xFFFFC800  }
0x30: {  	s26 =	simm.s32 $0x3820;
	v2 =	vld [tilespmem:s0+$0x10]  }
0x31: {  	v7 =	vld [tilespmem:s26+$0x10]  }
0x32: {  	v10 =	vld [tilespmem:s26+$0xFFFFFFE0]  }
0x33: {  	v3 =	vld [tilespmem:s0+$0xFFFFFFF0]  }
0x34: {  	v11 =	vld [tilespmem:s26+$0xFFFFFFF0]  }
0x35: {  	v4 =	vld [tilespmem:s0+$0x0]  }
0x36: {  	v5 =	vld [tilespmem:s0+$0xFFFFFFE0]  }
0x37: {  	v12 =	vld [tilespmem:s26+$0x0]  }
0x38: {  	v2 =	vld.idx.msk [tilespmem:v2+s13+$0x0], $0xffff  }
0x39: {  	v6 =	vld.idx.msk [tilespmem:v7+s15+$0x0], $0xffff  }
0x3a: {  	v8 =	vld.idx.msk [tilespmem:v10+s15+$0x0], $0xffff  }
0x3b: {  	v3 =	vld.idx.msk [tilespmem:v3+s13+$0x0], $0xffff  }
0x3c: {  	v9 =	vld.idx.msk [tilespmem:v11+s15+$0x0], $0xffff  }
0x3d: {  	v4 =	vld.idx.msk [tilespmem:v4+s13+$0x0], $0xffff  }
0x3e: {  	v5 =	vld.idx.msk [tilespmem:v5+s13+$0x0], $0xffff;
	v2 =	vadd.f32 v6, v2  }
0x3f: {  	v6 =	vld.idx.msk [tilespmem:v12+s15+$0x0], $0xffff  }
0x40: {  	v13 =	vmul.f32 $2.000000030e-01, v2  }
0x41: {  	s29 =	simm.s32 $0x60;
	vm0 =	vgt.f32 v2, $0.0e+00  }
0x42: {  	v55 =	vld [tilespmem:s29+$0xFFFFFFF0];
	v9 =	vadd.f32 v9, v3;
	v2 =	vsel vm0, v2, v13  }
0x43: {  	s24 =	simm.s32 $0x3860;
	v54 =	vld [tilespmem:s29+$0x10];
	v5 =	vadd.f32 v8, v5;
	v14 =	vmul.f32 $1.442695020e+00, v2  }
0x44: {  	v8 =	vmul.f32 $2.000000030e-01, v9;
	v2 =	vld [tilespmem:s24+$0x10];
	v6 =	vadd.f32 v6, v4  }
0x45: {  	v3 =	vld [tilespmem:s24+$0xFFFFFFE0];
	vm10 =	vgt.f32 v9, $0.0e+00;
	v15 =	vmul.f32 $2.000000030e-01, v5;
	(erf) = vpow2.f32 v14  }
0x46: {  	vm11 =	vgt.f32 v5, $0.0e+00;
	v8 =	vsel vm10, v9, v8;
	v4 =	vld [tilespmem:s24+$0xFFFFFFF0];
	v9 =	vmul.f32 $2.000000030e-01, v6  }
0x47: {  	s26 =	sadd.s32 $0x30, s22;
	v16 =	vld [tilespmem:s29+$0x0];
	v15 =	vsel vm11, v5, v15;
	v8 =	vmul.f32 $1.442695020e+00, v8;
	vm1 =	vgt.f32 v6, $0.0e+00  }
0x48: {  	v17 =	vmov s26;
	v5 =	vld [tilespmem:s24+$0x0];
	v15 =	vmul.f32 $1.442695020e+00, v15;
	v6 =	vsel vm1, v6, v9  }
0x49: {  	vm12 =	vlt.u32 v17, v1;
	(erf) = vpow2.f32 v8;
	v9 =	vld [tilespmem:s29+$0xFFFFFFE0];
	v6 =	vmul.f32 $1.442695020e+00, v6  }
0x4a: {  	v14 =	vld.idx.msk [tilespmem:v55+s13+$0x0], $0xffff;
	(erf) = vpow2.f32 v15  }
0x4b: {  	s30 =	sadd.s32 $0x10, s22;
	v8 =	vld.idx.msk [tilespmem:v54+s13+$0x0], $0xffff;
	(erf) = vpow2.f32 v6  }
0x4c: {  	v57 =	vmov s30;
	v56 =	vld.idx.msk [tilespmem:v2+s15+$0x0], $0xffff  }
0x4d: {  	s31 =	sadd.s32 $0x20, s22;
	v58 =	vmov s22;
	vm13 =	vlt.u32 v57, v1;
	v6 =	vld.idx.msk [tilespmem:v3+s15+$0x0], $0xffff  }
0x4e: {  	v18 =	vmov s31;
	vm2 =	vlt.u32 v58, v1;
	v60 =	vld.idx.msk [tilespmem:v4+s15+$0x0], $0xffff;
	v59 =	vpop (erf)  }
0x4f: {  	vm14 =	vlt.u32 v18, v1;
	[tilespmem:v7+s18+$0x0] =	vst.idx.add.f32.msk vm12, v59  }
0x50: {  	v7 =	vld.idx.msk [tilespmem:v16+s13+$0x0], $0xffff  }
0x51: {  	v9 =	vld.idx.msk [tilespmem:v9+s13+$0x0], $0xffff;
	v13 =	vadd.f32 v56, v8  }
0x52: {  	v61 =	vpop (erf);
	v8 =	vld.idx.msk [tilespmem:v5+s15+$0x0], $0xffff  }
0x53: {  	[tilespmem:v11+s18+$0x0] =	vst.idx.add.f32.msk vm13, v61;
	v11 =	vpop (erf);
	v62 =	vmul.f32 $2.000000030e-01, v13  }
0x54: {  	[tilespmem:v10+s18+$0x0] =	vst.idx.add.f32.msk vm2, v11;
	vm15 =	vgt.f32 v13, $0.0e+00;
	v63 =	vpop (erf)  }
0x55: {  	s28 =	simm.s32 $0xA0;
	s25 =	smov.u32 s22;
	s26 =	simm.s32 $0x4;
	v10 =	vadd.f32 v60, v14;
	v11 =	vsel vm15, v13, v62;
	[tilespmem:v12+s18+$0x0] =	vst.idx.add.f32.msk vm14, v63  }
.LBB2_7:
0x56: {  	v12 =	vld [tilespmem:s28+$0x10];
	v11 =	vmul.f32 $1.442695020e+00, v11;
	s24 =	sadd.s32 $0x40, s24  }
0x57: {  	s26 =	sadd.s32 $0x4, s26;
	v6 =	vadd.f32 v6, v9;
	v13 =	vld [tilespmem:s24+$0x10];
	vm0 =	vgt.f32 v10, $0.0e+00;
	v9 =	vmul.f32 $2.000000030e-01, v10  }
0x58: {  	p0 =	slt.u32 s26, $0x37C;
	v7 =	vadd.f32 v8, v7;
	v14 =	vld [tilespmem:s24+$0xFFFFFFE0];
	(erf) = vpow2.f32 v11  }
0x59: {  	s25 =	sadd.s32 $0x40, s25;
	vm1 =	vgt.f32 v6, $0.0e+00;
	v11 =	vmul.f32 $2.000000030e-01, v6;
	v8 =	vld [tilespmem:s28+$0xFFFFFFF0];
	v9 =	vsel vm0, v10, v9  }
0x5a: {  	s29 =	sadd.s32 $0x10, s25;
	s30 =	sadd.s32 $0x20, s25;
	s31 =	sadd.s32 $0x30, s25;
	vm0 =	vgt.f32 v7, $0.0e+00;
	v15 =	vmul.f32 $2.000000030e-01, v7;
	v10 =	vld [tilespmem:s24+$0xFFFFFFF0];
	v9 =	vmul.f32 $1.442695020e+00, v9  }
0x5b: {  	v17 =	vmov s31;
	v6 =	vsel vm1, v6, v11;
	v11 =	vmov s29;
	v16 =	vld [tilespmem:s28+$0x0]  }
0x5c: {  	vm1 =	vlt.u32 v17, v1;
	v6 =	vmul.f32 $1.442695020e+00, v6;
	v7 =	vsel vm0, v7, v15;
	v18 =	vld [tilespmem:s24+$0x0]  }
0x5d: {  	v17 =	vmov s30;
	v7 =	vmul.f32 $1.442695020e+00, v7;
	v15 =	vld [tilespmem:s28+$0xFFFFFFE0];
	(erf) = vpow2.f32 v9  }
0x5e: {  	vm2 =	vlt.u32 v11, v1;
	v9 =	vmov s25;
	v12 =	vld.idx.msk [tilespmem:v12+s13+$0x0], $0xffff;
	(erf) = vpow2.f32 v6  }
0x5f: {  	vm0 =	vlt.u32 v17, v1;
	vm3 =	vlt.u32 v9, v1;
	v11 =	vld.idx.msk [tilespmem:v13+s15+$0x0], $0xffff;
	(erf) = vpow2.f32 v7  }
0x60: {  	v6 =	vld.idx.msk [tilespmem:v14+s15+$0x0], $0xffff  }
0x61: {  	v17 =	vld.idx.msk [tilespmem:v8+s13+$0x0], $0xffff;
	v7 =	vpop (erf)  }
0x62: {  	[tilespmem:v2+s18+$0x0] =	vst.idx.add.f32.msk vm1, v7;
	v2 =	vmov v13  }
0x63: {  	v13 =	vld.idx.msk [tilespmem:v10+s15+$0x0], $0xffff  }
0x64: {  	v7 =	vld.idx.msk [tilespmem:v16+s13+$0x0], $0xffff  }
.Ltmp2:
0x65: {  	v11 =	vadd.f32 v11, v12;
	v9 =	vld.idx.msk [tilespmem:v15+s13+$0x0], $0xffff;
	(pc) =	sbr.rel @p0 .LBB2_7-.Ltmp2, $4  }
0x66: {  	v8 =	vld.idx.msk [tilespmem:v18+s15+$0x0], $0xffff;
	v12 =	vpop (erf)  }
0x67: {  	v15 =	vmul.f32 $2.000000030e-01, v11;
	[tilespmem:v4+s18+$0x0] =	vst.idx.add.f32.msk vm2, v12;
	v12 =	vpop (erf);
	v4 =	vmov v10  }
0x68: {  	vm1 =	vgt.f32 v11, $0.0e+00;
	[tilespmem:v3+s18+$0x0] =	vst.idx.add.f32.msk vm3, v12;
	v12 =	vpop (erf);
	v3 =	vmov v14  }
0x69: {  	s28 =	sadd.s32 $0x40, s28;
	v10 =	vadd.f32 v13, v17;
	v11 =	vsel vm1, v11, v15;
	[tilespmem:v5+s18+$0x0] =	vst.idx.add.f32.msk vm0, v12;
	v5 =	vmov v18  }
0x6a: {  	v6 =	vadd.f32 v6, v9  }
0x6b: {  	v55 =	vmul.f32 $2.000000030e-01, v10;
	v7 =	vadd.f32 v8, v7  }
0x6c: {  	v56 =	vmul.f32 $1.442695020e+00, v11;
	vm0 =	vgt.f32 v10, $0.0e+00;
	v57 =	vmul.f32 $2.000000030e-01, v6  }
0x6d: {  	vm13 =	vgt.f32 v6, $0.0e+00;
	v9 =	vsel vm0, v10, v55;
	v58 =	vmul.f32 $2.000000030e-01, v7  }
0x6e: {  	vm14 =	vgt.f32 v7, $0.0e+00;
	v9 =	vmul.f32 $1.442695020e+00, v9;
	v6 =	vsel vm13, v6, v57  }
0x6f: {  	(erf) = vpow2.f32 v56;
	v6 =	vmul.f32 $1.442695020e+00, v6;
	v7 =	vsel vm14, v7, v58  }
0x70: {  	s24 =	sadd.s32 $0x40, s25;
	v7 =	vmul.f32 $1.442695020e+00, v7;
	(erf) = vpow2.f32 v9  }
0x71: {  	s25 =	sadd.s32 $0x30, s24;
	(erf) = vpow2.f32 v6  }
0x72: {  	s26 =	sadd.s32 $0x10, s24;
	v59 =	vmov s25;
	(erf) = vpow2.f32 v7  }
0x73: {  	v60 =	vmov s26;
	vm15 =	vlt.u32 v59, v1  }
0x74: {  	s31 =	sadd.s32 $0x20, s24;
	v61 =	vmov s24;
	vm1 =	vlt.u32 v60, v1  }
0x75: {  	v62 =	vmov s31;
	vm2 =	vlt.u32 v61, v1  }
0x76: {  	s23 =	sadd.s32 $0x1, s23;
	vm3 =	vlt.u32 v62, v1  }
0x77: {  	p0 =	sne.s32 s23, $0x4  }
.Ltmp3:
0x78: {  	v63 =	vpop (erf);
	(pc) =	sbr.rel @p0 .LBB2_6-.Ltmp3, $4  }
0x79: {  	[tilespmem:v2+s18+$0x0] =	vst.idx.add.f32.msk vm15, v63;
	v2 =	vpop (erf)  }
0x7a: {  	[tilespmem:v4+s18+$0x0] =	vst.idx.add.f32.msk vm1, v2;
	v2 =	vpop (erf)  }
0x7b: {  	[tilespmem:v3+s18+$0x0] =	vst.idx.add.f32.msk vm2, v2;
	v2 =	vpop (erf)  }
0x7c: {  	s22 =	sadd.s32 $0x3800, s22;
	[tilespmem:v5+s18+$0x0] =	vst.idx.add.f32.msk vm3, v2  }
0x7d: {  	s22 =	simm.s32 $0x0;
	s23 =	simm.s32 $0x37E0;
	s24 =	simm.s32 $0x0  }
.LBB2_10:
0x7e: {  	s25 =	smul.u32 $0x3800, s24;
	_ =	sdelay $0x1  }
0x7f: {  	s26 =	sshrl.u32 s25, $0x3  }
0x80: {  	s28 =	sadd.s32 s6, s26  }
0x81: {  	[tilespmem:s3], [sflag:$0x1] =	stream.linear.gather [hbm4b:s28+s3], $0x3800, $0x38;
	[tilespmem:$0x18100] =	vst v63  }
0x82: {  	_ =	swait.ge [sflag:s14], $0x3800  }
0x83: {  	[sflag:s14] =	ssyncset.done $0x0  }
0x84: {  	s26 =	sadd.s32 s7, s26;
	[sflag:s14] =	ssyncadd.s32 $0xFFFFC800  }
0x85: {  	[tilespmem:s17], [sflag:$0x1] =	stream.linear.gather [hbm4b:s26+s3], $0x3800, $0x38;
	[tilespmem:$0x18100] =	vst v63  }
0x86: {  	_ =	swait.ge [sflag:s14], $0x3800  }
0x87: {  	[sflag:s14] =	ssyncset.done $0x0  }
0x88: {  	s0 =	simm.s32 $0x10;
	[sflag:s14] =	ssyncadd.s32 $0xFFFFC800  }
0x89: {  	s28 =	simm.s32 $0x3810;
	v19 =	vld [tilespmem:s0+$0xFFFFFFF0]  }
0x8a: {  	v24 =	vld [tilespmem:s28+$0xFFFFFFF0]  }
0x8b: {  	v22 =	vld [tilespmem:s0+$0x0]  }
0x8c: {  	v18 =	vld [tilespmem:s28+$0x0];
	_ =	sdelay $0x2  }
0x8d: {  	v2 =	vld [tilespmem:s28+$0x10]  }
0x8e: {  	v25 =	vld [tilespmem:s0+$0x10]  }
0x8f: {  	v4 =	vld.idx.msk [tilespmem:v19+s13+$0x0], $0xffff  }
0x90: {  	v5 =	vld.idx.msk [tilespmem:v24+s15+$0x0], $0xffff  }
0x91: {  	v3 =	vld.idx.msk [tilespmem:v22+s13+$0x0], $0xffff  }
0x92: {  	v6 =	vld.idx.msk [tilespmem:v18+s15+$0x0], $0xffff;
	_ =	sdelay $0x2  }
0x93: {  	v4 =	vadd.f32 v5, v4  }
0x94: {  	v5 =	vld.idx.msk [tilespmem:v18+s18+$0x0], $0xffff  }
0x95: {  	v3 =	vadd.f32 v6, v3;
	v6 =	vmul.f32 $2.000000030e-01, v4  }
0x96: {  	v7 =	vld.idx.msk [tilespmem:v2+s15+$0x0], $0xffff;
	vm0 =	vgt.f32 v4, $0.0e+00  }
0x97: {  	v9 =	vld.idx.msk [tilespmem:v25+s13+$0x0], $0xffff;
	v8 =	vmul.f32 $2.000000030e-01, v3;
	v4 =	vsel vm0, v4, v6  }
0x98: {  	vm1 =	vgt.f32 v3, $0.0e+00;
	v4 =	vmul.f32 $1.442695020e+00, v4  }
0x99: {  	v3 =	vsel vm1, v3, v8;
	(erf) = vrcp.f32 v5;
	v5 =	vld.idx.msk [tilespmem:v24+s18+$0x0], $0xffff  }
0x9a: {  	v3 =	vmul.f32 $1.442695020e+00, v3;
	(erf) = vpow2.f32 v4  }
0x9b: {  	s0 =	simm.s32 $0x40  }
0x9c: {  	v8 =	vld [tilespmem:s0+$0x0];
	(erf) = vpow2.f32 v3;
	v3 =	vadd.f32 v7, v9  }
0x9d: {  	v7 =	vld.idx.msk [tilespmem:v2+s18+$0x0], $0xffff  }
0x9e: {  	v6 =	vld [tilespmem:s0+$0xFFFFFFF0];
	v4 =	vmul.f32 $2.000000030e-01, v3;
	(erf) = vrcp.f32 v5  }
0x9f: {  	s28 =	simm.s32 $0x3840;
	vm0 =	vgt.f32 v3, $0.0e+00  }
0xa0: {  	v9 =	vld [tilespmem:s28+$0x0];
	v3 =	vsel vm0, v3, v4  }
0xa1: {  	v3 =	vmul.f32 $1.442695020e+00, v3  }
0xa2: {  	v4 =	vld [tilespmem:s28+$0xFFFFFFF0];
	v5 =	vpop (erf);
	(erf) = vrcp.f32 v7  }
0xa3: {  	v10 =	vpop (erf);
	(erf) = vpow2.f32 v3  }
0xa4: {  	v11 =	vld.idx.msk [tilespmem:v8+s13+$0x0], $0xffff  }
0xa5: {  	v3 =	vld [tilespmem:s28+$0x10];
	v7 =	vpop (erf)  }
0xa6: {  	v12 =	vld.idx.msk [tilespmem:v6+s13+$0x0], $0xffff;
	v16 =	vmul.f32 v7, v5  }
0xa7: {  	s28 =	simm.s32 $0x7010;
	v7 =	vld [tilespmem:s0+$0x10];
	s0 =	sadd.s32 $0x10, s22;
	v5 =	vpop (erf)  }
0xa8: {  	[tilespmem:s28+$0x0] =	vst v16;
	v17 =	vmul.f32 v10, v5;
	v10 =	vld.idx.msk [tilespmem:v9+s15+$0x0], $0xffff;
	v5 =	vmov s0  }
0xa9: {  	v13 =	vld.idx.msk [tilespmem:v22+s16+$0x0], $0xffff  }
0xaa: {  	v14 =	vld.idx.msk [tilespmem:v4+s15+$0x0], $0xffff;
	vm1 =	vlt.u32 v5, v1;
	[tilespmem:s28+$0xFFFFFFF0] =	vst v17  }
0xab: {  	v20 =	vmov s22;
	v5 =	vpop (erf);
	v15 =	vld.idx.msk [tilespmem:v19+s16+$0x0], $0xffff  }
0xac: {  	vm2 =	vlt.u32 v20, v1;
	v21 =	vpop (erf)  }
0xad: {  	v20 =	vld.idx.msk [tilespmem:v3+s15+$0x0], $0xffff;
	v5 =	vmul.f32 v21, v5  }
0xae: {  	v23 =	vadd.s32 $0x1390, v19;
	v21 =	vld.idx.msk [tilespmem:v9+s18+$0x0], $0xffff;
	v13 =	vmul.f32 v16, v13  }
0xaf: {  	v27 =	vadd.s32 $0x1390, v22;
	v12 =	vadd.f32 v14, v12;
	v26 =	vld.idx.msk [tilespmem:v7+s13+$0x0], $0xffff;
	[tilespmem:s28+$0x10] =	vst v5  }
0xb0: {  	s0 =	sadd.s32 $0x20, s22;
	v10 =	vadd.f32 v10, v11;
	v11 =	vmul.f32 v17, v15;
	[tilespmem:v18+s19+$0x0] =	vst.idx.add.f32.msk vm1, v13  }
0xb1: {  	v28 =	vmov s0;
	v14 =	vld.idx.msk [tilespmem:v25+s16+$0x0], $0xffff  }
0xb2: {  	vm0 =	vlt.u32 v28, v1;
	v13 =	vmul.f32 $2.000000030e-01, v12;
	[tilespmem:v24+s19+$0x0] =	vst.idx.add.f32.msk vm2, v11  }
0xb3: {  	vm3 =	vgt.f32 v12, $0.0e+00;
	v15 =	vmul.f32 $2.000000030e-01, v10;
	v23 =	vld.idx.msk [tilespmem:v23+s16+$0x0], $0xffff  }
0xb4: {  	vm4 =	vgt.f32 v10, $0.0e+00;
	v11 =	vsel vm3, v12, v13;
	(erf) = vrcp.f32 v21;
	v21 =	vld.idx.msk [tilespmem:v27+s16+$0x0], $0xffff  }
0xb5: {  	s0 =	simm.s32 $0x3870;
	vm1 =	vmmov vm1;
	v10 =	vsel vm4, v10, v15;
	v12 =	vmul.f32 $1.442695020e+00, v11;
	v27 =	vld.idx.msk [tilespmem:v4+s18+$0x0], $0xffff  }
0xb6: {  	v29 =	vadd.s32 $0x1390, v18;
	s28 =	simm.s32 $0x70;
	v10 =	vmul.f32 $1.442695020e+00, v10;
	v11 =	vld [tilespmem:s0+$0x0];
	v13 =	vmul.f32 v5, v14  }
0xb7: {  	(erf) = vpow2.f32 v12;
	v12 =	vld [tilespmem:s28+$0xFFFFFFF0];
	v14 =	vadd.s32 $0x1390, v24  }
0xb8: {  	(erf) = vpow2.f32 v10;
	[tilespmem:v2+s19+$0x0] =	vst.idx.add.f32.msk vm0, v13  }
0xb9: {  	v13 =	vld [tilespmem:s28+$0x0];
	v21 =	vmul.f32 v16, v21  }
0xba: {  	v15 =	vmul.f32 v17, v23;
	v23 =	vld.idx.msk [tilespmem:v3+s18+$0x0], $0xffff  }
0xbb: {  	v10 =	vadd.s32 $0x2720, v19;
	[tilespmem:v29+s19+$0x0] =	vst.idx.add.f32.msk vm1, v21  }
0xbc: {  	[tilespmem:v14+s19+$0x0] =	vst.idx.add.f32.msk vm2, v15;
	v15 =	vadd.s32 $0x1390, v25  }
0xbd: {  	v14 =	vld [tilespmem:s0+$0x10]  }
0xbe: {  	v61 =	vld.idx.msk [tilespmem:v11+s18+$0x0], $0xffff  }
0xbf: {  	v26 =	vadd.f32 v20, v26;
	v35 =	vld.idx.msk [tilespmem:v11+s15+$0x0], $0xffff;
	v20 =	vpop (erf)  }
0xc0: {  	v28 =	vld.idx.msk [tilespmem:v10+s16+$0x0], $0xffff;
	v30 =	vpop (erf)  }
0xc1: {  	v32 =	vmul.f32 $2.000000030e-01, v26;
	v31 =	vld.idx.msk [tilespmem:v15+s16+$0x0], $0xffff;
	v15 =	vpop (erf)  }
0xc2: {  	vm3 =	vgt.f32 v26, $0.0e+00;
	v10 =	vld [tilespmem:s0+$0xFFFFFFF0];
	(erf) = vrcp.f32 v27;
	v20 =	vmul.f32 v15, v20  }
0xc3: {  	v34 =	vadd.s32 $0x2720, v22;
	v26 =	vsel vm3, v26, v32;
	vm0 =	vmmov vm0;
	s0 =	simm.s32 $0x7040;
	v27 =	vld.idx.msk [tilespmem:v12+s13+$0x0], $0xffff  }
0xc4: {  	v21 =	vmul.f32 $1.442695020e+00, v26;
	v26 =	vadd.s32 $0x1390, v2;
	v15 =	vld [tilespmem:s28+$0x10];
	s28 =	sadd.s32 $0x30, s22;
	[tilespmem:s0+$0x0] =	vst v20  }
0xc5: {  	v37 =	vadd.s32 $0x2720, v25;
	(erf) = vrcp.f32 v23;
	s29 =	sadd.s32 $0x10, s28;
	v23 =	vld.idx.msk [tilespmem:v8+s16+$0x0], $0xffff  }
0xc6: {  	vm2 =	vmmov vm2;
	v33 =	vld.idx.msk [tilespmem:v13+s13+$0x0], $0xffff;
	(erf) = vpow2.f32 v21;
	v29 =	vmov s29  }
0xc7: {  	v60 =	vld.idx.msk [tilespmem:v14+s15+$0x0], $0xffff;
	vm3 =	vlt.u32 v29, v1;
	v21 =	vmul.f32 v5, v31;
	v31 =	vadd.s32 $0x2720, v24  }
0xc8: {  	v29 =	vld.idx.msk [tilespmem:v34+s16+$0x0], $0xffff  }
0xc9: {  	[tilespmem:v26+s19+$0x0] =	vst.idx.add.f32.msk vm0, v21  }
0xca: {  	v38 =	vadd.s32 $0x2720, v18;
	v26 =	vmul.f32 v28, v17;
	v28 =	vld.idx.msk [tilespmem:v10+s15+$0x0], $0xffff;
	v23 =	vmul.f32 v20, v23  }
0xcb: {  	v37 =	vld.idx.msk [tilespmem:v37+s16+$0x0], $0xffff;
	v21 =	vpop (erf)  }
0xcc: {  	v21 =	vmul.f32 v30, v21;
	[tilespmem:v31+s19+$0x0] =	vst.idx.add.f32.msk vm2, v26  }
0xcd: {  	v30 =	vadd.s32 $0x1390, v8;
	v26 =	vmul.f32 v29, v16;
	[tilespmem:v9+s19+$0x0] =	vst.idx.add.f32.msk vm3, v23  }
0xce: {  	v36 =	vld.idx.msk [tilespmem:v15+s13+$0x0], $0xffff;
	[tilespmem:s0+$0xFFFFFFF0] =	vst v21;
	v23 =	vpop (erf)  }
0xcf: {  	v40 =	vadd.s32 $0x3AB0, v19;
	v31 =	vadd.s32 $0x3AB0, v22;
	[tilespmem:v38+s19+$0x0] =	vst.idx.add.f32.msk vm1, v26;
	v29 =	vpop (erf)  }
0xd0: {  	v19 =	vmov s28;
	(erf) = vrcp.f32 v61;
	v39 =	vld.idx.msk [tilespmem:v6+s16+$0x0], $0xffff;
	v22 =	vmul.f32 v29, v23  }
0xd1: {  	v41 =	vadd.s32 $0x2720, v2;
	vm4 =	vlt.u32 v19, v1;
	v34 =	vadd.f32 v28, v27;
	v27 =	vld.idx.msk [tilespmem:v10+s18+$0x0], $0xffff  }
0xd2: {  	v43 =	vadd.s32 $0x1390, v6;
	v32 =	vadd.s32 $0x3AB0, v24;
	v62 =	vld.idx.msk [tilespmem:v30+s16+$0x0], $0xffff;
	[tilespmem:s0+$0x10] =	vst v22  }
0xd3: {  	v19 =	vadd.s32 $0x3AB0, v9;
	v28 =	vmul.f32 v37, v5;
	v26 =	vadd.f32 v60, v36;
	s0 =	sadd.s32 $0x20, s28;
	v42 =	vld.idx.msk [tilespmem:v7+s16+$0x0], $0xffff  }
0xd4: {  	v29 =	vld.idx.msk [tilespmem:v31+s16+$0x0], $0xffff;
	v31 =	vadd.s32 $0x3AB0, v25;
	v25 =	vadd.f32 v35, v33;
	v44 =	vmov s0  }
0xd5: {  	vm6 =	vgt.f32 v34, $0.0e+00;
	v30 =	vld.idx.msk [tilespmem:v40+s16+$0x0], $0xffff;
	v63 =	vmul.f32 v21, v39;
	vm5 =	vlt.u32 v44, v1  }
0xd6: {  	v36 =	vmul.f32 $2.000000030e-01, v34;
	v23 =	vadd.s32 $0x3AB0, v18;
	[tilespmem:v41+s19+$0x0] =	vst.idx.add.f32.msk vm0, v28;
	v35 =	vmul.f32 $2.000000030e-01, v25  }
0xd7: {  	s30 =	simm.s32 $0xA0;
	s31 =	simm.s32 $0x38A0;
	v24 =	vmovc v10;
	v18 =	vadd.s32 $0x3AB0, v11;
	v28 =	vmul.f32 $2.000000030e-01, v26;
	vm7 =	vgt.f32 v25, $0.0e+00;
	[tilespmem:v4+s19+$0x0] =	vst.idx.add.f32.msk vm4, v63  }
0xd8: {  	s26 =	simm.s32 $0x7070;
	s29 =	simm.s32 $0x6;
	s28 =	sadd.s32 $0x30, s28;
	v37 =	vsel vm7, v25, v35;
	v25 =	vmul.f32 v20, v62;
	v33 =	vld.idx.msk [tilespmem:v43+s16+$0x0], $0xffff;
	v35 =	vmul.f32 v22, v42  }
.LBB2_11:
0xd9: {  	s29 =	sadd.s32 $0x3, s29;
	v34 =	vsel vm6, v34, v36;
	v36 =	vpop (erf);
	v29 =	vmul.f32 v29, v16;
	v31 =	vld.idx.msk [tilespmem:v31+s16+$0x0], $0xffff;
	v16 =	vmov v20  }
0xda: {  	v38 =	vld [tilespmem:s31+$0x0];
	p0 =	slt.u32 s29, $0x37B;
	v20 =	vmul.f32 $1.442695020e+00, v34;
	v34 =	vmul.f32 $1.442695020e+00, v37  }
0xdb: {  	v30 =	vmul.f32 v30, v17;
	v17 =	vmov v21;
	v37 =	vadd.s32 $0x1390, v4;
	[tilespmem:v3+s19+$0x0] =	vst.idx.add.f32.msk vm5, v35  }
0xdc: {  	v35 =	vld [tilespmem:s30+$0xFFFFFFF0];
	(erf) = vpow2.f32 v20;
	v20 =	vadd.s32 $0x3AB0, v2;
	v2 =	vmovc v3;
	v3 =	vmov v14  }
0xdd: {  	(erf) = vpow2.f32 v34;
	[tilespmem:v32+s19+$0x0] =	vst.idx.add.f32.msk vm2, v30;
	vm2 =	vmmov vm4  }
0xde: {  	v21 =	vadd.s32 $0x2720, v6;
	v14 =	vmul.f32 v17, v33;
	[tilespmem:v23+s19+$0x0] =	vst.idx.add.f32.msk vm1, v29;
	v23 =	vmovc v19;
	v19 =	vmov v18  }
0xdf: {  	v30 =	vmul.f32 v31, v5;
	v5 =	vmovc v22;
	vm1 =	vmmov vm3;
	v29 =	vld [tilespmem:s30+$0x0];
	v18 =	vadd.s32 $0x3AB0, v38  }
0xe0: {  	[tilespmem:v37+s19+$0x0] =	vst.idx.add.f32.msk vm4, v14  }
0xe1: {  	v22 =	vadd.s32 $0x1390, v7;
	[tilespmem:v20+s19+$0x0] =	vst.idx.add.f32.msk vm0, v30;
	vm0 =	vmmov vm5  }
0xe2: {  	v30 =	vld.idx.msk [tilespmem:v3+s18+$0x0], $0xffff  }
0xe3: {  	v21 =	vld.idx.msk [tilespmem:v21+s16+$0x0], $0xffff  }
0xe4: {  	v31 =	vadd.s32 $0x1390, v9;
	v14 =	vld [tilespmem:s31+$0x10]  }
0xe5: {  	v33 =	vld [tilespmem:s31+$0xFFFFFFF0];
	v32 =	vpop (erf)  }
0xe6: {  	v20 =	vpop (erf);
	v22 =	vld.idx.msk [tilespmem:v22+s16+$0x0], $0xffff  }
0xe7: {  	v37 =	vld.idx.msk [tilespmem:v29+s13+$0x0], $0xffff;
	v20 =	vmul.f32 v20, v36  }
0xe8: {  	vm3 =	vgt.f32 v26, $0.0e+00;
	v34 =	vld [tilespmem:s30+$0x10];
	(erf) = vrcp.f32 v27;
	v27 =	vadd.s32 $0x2720, v8  }
0xe9: {  	v26 =	vsel vm3, v26, v28;
	v28 =	vmul.f32 v21, v17;
	(erf) = vrcp.f32 v30;
	[tilespmem:v31+s19+$0x0] =	vst.idx.add.f32.msk vm1, v25  }
0xea: {  	v21 =	vmul.f32 $1.442695020e+00, v26;
	v25 =	vld.idx.msk [tilespmem:v35+s13+$0x0], $0xffff;
	[tilespmem:s26+$0x0] =	vst v20  }
0xeb: {  	s0 =	sadd.s32 $0x10, s28;
	v30 =	vadd.s32 $0x1390, v2;
	v26 =	vld.idx.msk [tilespmem:v13+s16+$0x0], $0xffff  }
0xec: {  	v31 =	vmov s0;
	v36 =	vld.idx.msk [tilespmem:v14+s15+$0x0], $0xffff;
	(erf) = vpow2.f32 v21;
	v21 =	vmul.f32 v5, v22  }
0xed: {  	vm3 =	vlt.u32 v31, v1;
	v22 =	vld.idx.msk [tilespmem:v27+s16+$0x0], $0xffff  }
0xee: {  	v27 =	vld.idx.msk [tilespmem:v38+s18+$0x0], $0xffff  }
0xef: {  	v31 =	vadd.s32 $0x2720, v4;
	v39 =	vld.idx.msk [tilespmem:v38+s15+$0x0], $0xffff  }
0xf0: {  	v41 =	vadd.s32 $0x2720, v7;
	v40 =	vld.idx.msk [tilespmem:v34+s13+$0x0], $0xffff  }
0xf1: {  	v26 =	vmul.f32 v20, v26;
	v42 =	vpop (erf);
	[tilespmem:v30+s19+$0x0] =	vst.idx.add.f32.msk vm0, v21  }
0xf2: {  	v30 =	vld.idx.msk [tilespmem:v33+s15+$0x0], $0xffff;
	v21 =	vmul.f32 v32, v42;
	v32 =	vpop (erf);
	v42 =	vadd.s32 $0x2720, v9;
	v9 =	vmov v11  }
0xf3: {  	v43 =	vmul.f32 v22, v16;
	[tilespmem:v11+s19+$0x0] =	vst.idx.add.f32.msk vm3, v26;
	v26 =	vadd.s32 $0x1390, v13;
	v11 =	vmov v38  }
0xf4: {  	[tilespmem:v31+s19+$0x0] =	vst.idx.add.f32.msk vm2, v28  }
0xf5: {  	v28 =	vadd.s32 $0x3AB0, v8;
	v8 =	vmov v13;
	v13 =	vmov v29;
	[tilespmem:s26+$0xFFFFFFF0] =	vst v21;
	v22 =	vpop (erf);
	v38 =	vld.idx.msk [tilespmem:v41+s16+$0x0], $0xffff  }
0xf6: {  	v41 =	vld.idx.msk [tilespmem:v12+s16+$0x0], $0xffff;
	v22 =	vmul.f32 v22, v32;
	v32 =	vadd.s32 $0x3AB0, v6;
	v6 =	vmovc v12;
	v12 =	vmov v35  }
0xf7: {  	(erf) = vrcp.f32 v27;
	v27 =	vmov s28;
	[tilespmem:v42+s19+$0x0] =	vst.idx.add.f32.msk vm1, v43  }
0xf8: {  	v42 =	vadd.s32 $0x2720, v2;
	vm4 =	vlt.u32 v27, v1;
	v35 =	vld.idx.msk [tilespmem:v26+s16+$0x0], $0xffff;
	[tilespmem:s26+$0x10] =	vst v22  }
0xf9: {  	s0 =	sadd.s32 $0x20, s28;
	s26 =	sadd.s32 $0x30, s26;
	v43 =	vld.idx.msk [tilespmem:v15+s16+$0x0], $0xffff  }
0xfa: {  	v45 =	vmov s0;
	v31 =	vadd.s32 $0x3AB0, v7;
	v7 =	vmovc v15;
	v44 =	vadd.s32 $0x1390, v6;
	s28 =	sadd.s32 $0x30, s28;
	v15 =	vmovc v34;
	v29 =	vld.idx.msk [tilespmem:v28+s16+$0x0], $0xffff  }
.Ltmp4:
0xfb: {  	v34 =	vadd.f32 v30, v25;
	v25 =	vadd.f32 v39, v37;
	v28 =	vmul.f32 v38, v5;
	v30 =	vld.idx.msk [tilespmem:v32+s16+$0x0], $0xffff;
	(pc) =	sbr.rel @p0 .LBB2_11-.Ltmp4, $4  }
0xfc: {  	vm5 =	vlt.u32 v45, v1;
	v26 =	vadd.f32 v36, v40;
	v37 =	vmul.f32 v21, v41;
	v27 =	vld.idx.msk [tilespmem:v33+s18+$0x0], $0xffff  }
0xfd: {  	vm6 =	vgt.f32 v34, $0.0e+00;
	v38 =	vmul.f32 $2.000000030e-01, v25;
	v32 =	vadd.s32 $0x3AB0, v4;
	v4 =	vmovc v10;
	v10 =	vmovc v33;
	[tilespmem:v42+s19+$0x0] =	vst.idx.add.f32.msk vm0, v28  }
0xfe: {  	v36 =	vmul.f32 $2.000000030e-01, v34;
	vm7 =	vgt.f32 v25, $0.0e+00;
	v28 =	vmul.f32 $2.000000030e-01, v26;
	[tilespmem:v24+s19+$0x0] =	vst.idx.add.f32.msk vm4, v37;
	v24 =	vmovc v33  }
0xff: {  	s31 =	sadd.s32 $0x30, s31;
	s30 =	sadd.s32 $0x30, s30;
	v37 =	vsel vm7, v25, v38;
	v25 =	vmul.f32 v20, v35;
	v35 =	vmul.f32 v22, v43;
	v33 =	vld.idx.msk [tilespmem:v44+s16+$0x0], $0xffff  }
0x100: {  	v34 =	vsel vm6, v34, v36  }
0x101: {  	v34 =	vmul.f32 $1.442695020e+00, v34;
	_ =	sdelay $0x1  }
0x102: {  	(erf) = vpow2.f32 v34  }
0x103: {  	v62 =	vmul.f32 $1.442695020e+00, v37;
	_ =	sdelay $0x1  }
0x104: {  	v63 =	vld.idx.msk [tilespmem:v14+s18+$0x0], $0xffff;
	(erf) = vpow2.f32 v62  }
0x105: {  	(erf) = vrcp.f32 v27  }
0x106: {  	vm15 =	vgt.f32 v26, $0.0e+00  }
0x107: {  	v41 =	vadd.s32 $0x1390, v7;
	v17 =	vmul.f32 v30, v17;
	v26 =	vsel vm15, v26, v28  }
0x108: {  	v31 =	vld.idx.msk [tilespmem:v31+s16+$0x0], $0xffff;
	v44 =	vadd.s32 $0x1390, v4;
	v45 =	vadd.s32 $0x2720, v6;
	v26 =	vmul.f32 $1.442695020e+00, v26  }
0x109: {  	v40 =	vpop (erf);
	v16 =	vmul.f32 v29, v16;
	vm9 =	vmmov vm3;
	[tilespmem:v3+s19+$0x0] =	vst.idx.add.f32.msk vm5, v35;
	(erf) = vrcp.f32 v63  }
0x10a: {  	v47 =	vadd.s32 $0x1390, v9;
	[tilespmem:v32+s19+$0x0] =	vst.idx.add.f32.msk vm2, v17;
	v42 =	vpop (erf);
	(erf) = vpow2.f32 v26  }
0x10b: {  	[tilespmem:v23+s19+$0x0] =	vst.idx.add.f32.msk vm1, v16;
	v46 =	vmul.f32 v21, v33  }
0x10c: {  	v28 =	vld.idx.msk [tilespmem:v41+s16+$0x0], $0xffff  }
0x10d: {  	[tilespmem:v44+s19+$0x0] =	vst.idx.add.f32.msk vm4, v46;
	v43 =	vpop (erf)  }
0x10e: {  	vm10 =	vmmov vm5;
	v2 =	vadd.s32 $0x3AB0, v2;
	v17 =	vld.idx.msk [tilespmem:v45+s16+$0x0], $0xffff;
	v27 =	vmul.f32 v43, v40;
	v50 =	vpop (erf)  }
0x10f: {  	v51 =	vadd.s32 $0x1390, v3;
	[tilespmem:v47+s19+$0x0] =	vst.idx.add.f32.msk vm9, v25;
	v23 =	vmul.f32 v42, v50  }
0x110: {  	s0 =	sadd.s32 $0x10, s28;
	v56 =	vadd.s32 $0x2720, v4;
	[tilespmem:s26+$0x0] =	vst v27  }
0x111: {  	v52 =	vadd.s32 $0x2720, v8;
	v49 =	vmov s0;
	v5 =	vmul.f32 v31, v5;
	v48 =	vld.idx.msk [tilespmem:v13+s16+$0x0], $0xffff;
	[tilespmem:s26+$0xFFFFFFF0] =	vst v23  }
0x112: {  	v55 =	vmov s28;
	vm11 =	vlt.u32 v49, v1;
	v28 =	vmul.f32 v22, v28;
	v53 =	vpop (erf);
	v54 =	vld.idx.msk [tilespmem:v12+s16+$0x0], $0xffff  }
0x113: {  	vm13 =	vlt.u32 v55, v1;
	[tilespmem:v2+s19+$0x0] =	vst.idx.add.f32.msk vm0, v5;
	v17 =	vmul.f32 v17, v21;
	v58 =	vpop (erf)  }
0x114: {  	[tilespmem:v51+s19+$0x0] =	vst.idx.add.f32.msk vm10, v28;
	v16 =	vmul.f32 v58, v53  }
0x115: {  	v61 =	vadd.s32 $0x1390, v13;
	[tilespmem:v56+s19+$0x0] =	vst.idx.add.f32.msk vm4, v17  }
0x116: {  	v59 =	vadd.s32 $0x1390, v12;
	s31 =	sadd.s32 $0x20, s28;
	v26 =	vld.idx.msk [tilespmem:v52+s16+$0x0], $0xffff;
	v57 =	vmul.f32 v27, v48;
	[tilespmem:s26+$0x10] =	vst v16  }
0x117: {  	v60 =	vadd.s32 $0x2720, v7;
	v63 =	vmov s31;
	v33 =	vmul.f32 v23, v54;
	v62 =	vld.idx.msk [tilespmem:v15+s16+$0x0], $0xffff  }
0x118: {  	v47 =	vadd.s32 $0x3AB0, v6;
	vm7 =	vlt.u32 v63, v1;
	[tilespmem:v11+s19+$0x0] =	vst.idx.add.f32.msk vm11, v57  }
0x119: {  	[tilespmem:v24+s19+$0x0] =	vst.idx.add.f32.msk vm13, v33  }
0x11a: {  	v37 =	vadd.s32 $0x1390, v15;
	v41 =	vld.idx.msk [tilespmem:v61+s16+$0x0], $0xffff  }
0x11b: {  	v35 =	vadd.s32 $0x2720, v9;
	vm14 =	vmmov vm11;
	v36 =	vld.idx.msk [tilespmem:v59+s16+$0x0], $0xffff  }
0x11c: {  	v45 =	vadd.s32 $0x1390, v11;
	v40 =	vld.idx.msk [tilespmem:v60+s16+$0x0], $0xffff;
	v42 =	vmul.f32 v16, v62  }
0x11d: {  	v43 =	vadd.s32 $0x1390, v10;
	v6 =	vld.idx.msk [tilespmem:v47+s16+$0x0], $0xffff  }
0x11e: {  	v46 =	vadd.s32 $0x2720, v13;
	v38 =	vmul.f32 v26, v20;
	[tilespmem:v14+s19+$0x0] =	vst.idx.add.f32.msk vm7, v42  }
0x11f: {  	v44 =	vadd.s32 $0x2720, v12;
	v28 =	vmul.f32 v27, v41;
	v24 =	vld.idx.msk [tilespmem:v37+s16+$0x0], $0xffff  }
0x120: {  	v39 =	vadd.s32 $0x3AB0, v8;
	[tilespmem:v35+s19+$0x0] =	vst.idx.add.f32.msk vm9, v38;
	v17 =	vmul.f32 v23, v36  }
0x121: {  	v48 =	vadd.s32 $0x1390, v14;
	[tilespmem:v45+s19+$0x0] =	vst.idx.add.f32.msk vm14, v28  }
0x122: {  	v49 =	vadd.s32 $0x2720, v15;
	[tilespmem:v43+s19+$0x0] =	vst.idx.add.f32.msk vm13, v17  }
0x123: {  	v50 =	vadd.s32 $0x2720, v3;
	v25 =	vld.idx.msk [tilespmem:v46+s16+$0x0], $0xffff  }
0x124: {  	v51 =	vadd.s32 $0x3AB0, v7;
	v9 =	vld.idx.msk [tilespmem:v44+s16+$0x0], $0xffff;
	v24 =	vmul.f32 v16, v24  }
0x125: {  	vm6 =	vmmov vm13;
	v8 =	vld.idx.msk [tilespmem:v39+s16+$0x0], $0xffff;
	v53 =	vadd.s32 $0x2720, v11  }
0x126: {  	v52 =	vadd.s32 $0x2720, v10;
	v26 =	vmul.f32 v40, v22;
	[tilespmem:v48+s19+$0x0] =	vst.idx.add.f32.msk vm7, v24  }
0x127: {  	v54 =	vadd.s32 $0x3AB0, v13;
	v17 =	vld.idx.msk [tilespmem:v49+s16+$0x0], $0xffff  }
0x128: {  	v55 =	vadd.s32 $0x3AB0, v12;
	[tilespmem:v50+s19+$0x0] =	vst.idx.add.f32.msk vm10, v26;
	v56 =	vmul.f32 v25, v27  }
0x129: {  	v7 =	vld.idx.msk [tilespmem:v51+s16+$0x0], $0xffff;
	v57 =	vadd.s32 $0x2720, v14;
	v9 =	vmul.f32 v9, v23  }
0x12a: {  	v58 =	vadd.s32 $0x3AB0, v15;
	[tilespmem:v53+s19+$0x0] =	vst.idx.add.f32.msk vm14, v56  }
0x12b: {  	[tilespmem:v52+s19+$0x0] =	vst.idx.add.f32.msk vm6, v9  }
0x12c: {  	vm12 =	vmmov vm4;
	v11 =	vld.idx.msk [tilespmem:v54+s16+$0x0], $0xffff;
	v60 =	vmul.f32 v17, v16  }
0x12d: {  	v59 =	vadd.s32 $0x3AB0, v4;
	v12 =	vld.idx.msk [tilespmem:v55+s16+$0x0], $0xffff  }
0x12e: {  	v3 =	vadd.s32 $0x3AB0, v3;
	[tilespmem:v57+s19+$0x0] =	vst.idx.add.f32.msk vm7, v60  }
0x12f: {  	v61 =	vadd.s32 $0x3AB0, v10;
	v2 =	vmul.f32 v8, v20;
	v9 =	vld.idx.msk [tilespmem:v58+s16+$0x0], $0xffff  }
0x130: {  	vm15 =	vmmov vm7;
	v6 =	vmul.f32 v6, v21  }
0x131: {  	v63 =	vadd.s32 $0x3AB0, v14;
	[tilespmem:v19+s19+$0x0] =	vst.idx.add.f32.msk vm9, v2;
	v62 =	vmul.f32 v7, v22  }
0x132: {  	[tilespmem:v59+s19+$0x0] =	vst.idx.add.f32.msk vm12, v6;
	v2 =	vmul.f32 v12, v23  }
0x133: {  	[tilespmem:v3+s19+$0x0] =	vst.idx.add.f32.msk vm10, v62;
	v3 =	vmul.f32 v11, v27  }
0x134: {  	[tilespmem:v61+s19+$0x0] =	vst.idx.add.f32.msk vm6, v2;
	v2 =	vmul.f32 v9, v16  }
0x135: {  	[tilespmem:v18+s19+$0x0] =	vst.idx.add.f32.msk vm14, v3  }
0x136: {  	s28 =	smov.u32 s23;
	s26 =	simm.s32 $0x0;
	[tilespmem:v63+s19+$0x0] =	vst.idx.add.f32.msk vm15, v2  }
.LBB2_13:
0x137: {  	s0 =	sshra.s32 s26, $0x2  }
0x138: {  	v2 =	vld [tilespmem:s0+$0x37E0]  }
0x139: {  	v3 =	vld [tilespmem:s0+$0x6FE0];
	_ =	sdelay $0x6  }
0x13a: {  	v4 =	vld.idx.msk [tilespmem:v2+s13+$0x0], $0xffff  }
0x13b: {  	v5 =	vld.idx.msk [tilespmem:v3+s15+$0x0], $0xffff;
	_ =	sdelay $0x4  }
0x13c: {  	v4 =	vadd.f32 v5, v4;
	_ =	sdelay $0x1  }
0x13d: {  	v5 =	vmul.f32 $2.000000030e-01, v4  }
0x13e: {  	v6 =	vld.idx.msk [tilespmem:v3+s18+$0x0], $0xffff;
	vm0 =	vgt.f32 v4, $0.0e+00  }
0x13f: {  	v4 =	vsel vm0, v4, v5  }
0x140: {  	v4 =	vmul.f32 $1.442695020e+00, v4;
	_ =	sdelay $0x1  }
0x141: {  	(erf) = vpow2.f32 v4  }
0x142: {  	(erf) = vrcp.f32 v6;
	_ =	sdelay $0x7  }
0x143: {  	v4 =	vpop (erf)  }
0x144: {  	v58 =	vpop (erf)  }
0x145: {  	v4 =	vmul.f32 v4, v58;
	_ =	sdelay $0x1  }
0x146: {  	[tilespmem:s0+$0xA7E0] =	vst v4  }
0x147: {  	v59 =	vmov s28;
	v60 =	vld.idx.msk [tilespmem:v2+s16+$0x0], $0xffff  }
0x148: {  	vm15 =	vlt.u32 v59, v1;
	_ =	sdelay $0x1  }
0x149: {  	v61 =	vadd.s32 $0x1390, v2;
	_ =	sdelay $0x1  }
0x14a: {  	v6 =	vmul.f32 v4, v60;
	_ =	sdelay $0x1  }
0x14b: {  	[tilespmem:v3+s19+$0x0] =	vst.idx.add.f32.msk vm15, v6  }
0x14c: {  	v5 =	vld.idx.msk [tilespmem:v61+s16+$0x0], $0xffff;
	_ =	sdelay $0x1  }
0x14d: {  	v62 =	vadd.s32 $0x1390, v3  }
0x14e: {  	v7 =	vadd.s32 $0x2720, v2;
	_ =	sdelay $0x1  }
0x14f: {  	v5 =	vmul.f32 v4, v5;
	_ =	sdelay $0x1  }
0x150: {  	[tilespmem:v62+s19+$0x0] =	vst.idx.add.f32.msk vm15, v5  }
0x151: {  	v5 =	vld.idx.msk [tilespmem:v7+s16+$0x0], $0xffff;
	_ =	sdelay $0x1  }
0x152: {  	v63 =	vadd.s32 $0x2720, v3  }
0x153: {  	v2 =	vadd.s32 $0x3AB0, v2;
	_ =	sdelay $0x1  }
0x154: {  	v5 =	vmul.f32 v5, v4;
	_ =	sdelay $0x1  }
0x155: {  	[tilespmem:v63+s19+$0x0] =	vst.idx.add.f32.msk vm15, v5  }
0x156: {  	v2 =	vld.idx.msk [tilespmem:v2+s16+$0x0], $0xffff;
	_ =	sdelay $0x1  }
0x157: {  	p0 =	sne.s32 s26, $0x40;
	v3 =	vadd.s32 $0x3AB0, v3  }
.Ltmp5:
0x158: {  	_ = 	snop;
	(pc) =	sbr.rel @p0 .LBB2_13-.Ltmp5, $3  }
0x159: {  	_ = 	snop  }
0x15a: {  	v2 =	vmul.f32 v2, v4;
	_ =	sdelay $0x1  }
0x15b: {  	s28 =	sadd.s32 $0x10, s28;
	s26 =	sadd.s32 $0x40, s26;
	[tilespmem:v3+s19+$0x0] =	vst.idx.add.f32.msk vm15, v2  }
0x15c: {  	s0 =	sadd.s32 s9, s25;
	s24 =	sadd.s32 $0x1, s24  }
0x15d: {  	s0 =	sshrl.u32 s0, $0x3;
	p0 =	sne.s32 s24, $0x4  }
.Ltmp6:
0x15e: {  	s0 =	sadd.s32 s2, s0;
	(pc) =	sbr.rel @p0 .LBB2_10-.Ltmp6, $4  }
0x15f: {  	[hbm4b:s0+s3] =	stream.linear.scatter [tilespmem:s20], [sflag:$0x1], $0x3800, $0x38;
	[tilespmem:$0x18100] =	vst v63  }
0x160: {  	_ =	swait.ge [sflag:s14], $0x3800  }
0x161: {  	[sflag:s14] =	ssyncset.done $0x0  }
0x162: {  	s22 =	sadd.s32 $0x3800, s22;
	s23 =	sadd.s32 $0x3800, s23;
	[sflag:s14] =	ssyncadd.s32 $0xFFFFC800  }
0x163: {  	[hbm4b:s10+s3] =	stream.linear.scatter [tilespmem:s19], [sflag:$0x1], $0x4E40, $0x38;
	[tilespmem:$0x18100] =	vst v63  }
0x164: {  	s21 =	sadd.s32 $0x1, s21;
	_ =	swait.ge [sflag:s14], $0x4E40  }
0x165: {  	p0 =	sne.s32 s21, s12;
	[sflag:s14] =	ssyncset.done $0x0  }
.Ltmp7:
0x166: {  	[sflag:s14] =	ssyncadd.s32 $0xFFFFB1C0;
	(pc) =	sbr.rel @p0 .LBB2_1-.Ltmp7, $4  }
0x167: {  	[hbm4b:s11+s3] =	stream.linear.scatter [tilespmem:s18], [sflag:$0x1], $0x1390, $0x38;
	[tilespmem:$0x18100] =	vst v63  }
0x168: {  	_ =	swait.ge [sflag:s14], $0x1390  }
0x169: {  	[sflag:s14] =	ssyncset.done $0x0  }
0x16a: {  	[sflag:s14] =	ssyncadd.s32 $0xFFFFEC70  }
0x16b: {  	_ =	sfence.sel $0x180000  }
0x16c: {  	[bflag:$0x0] =	sbarrier.arrive $0xFFFF  }
0x16d: {  	_ =	strace $0x90000047  }
0x16e: {  	[bflag:$0x2] =	sbarrier.arrive $0xFFFF  }
0x16f: {  	p0 =	sne.s32 s1, $0x0;
	s0 =	rddreg [dreg:$0x3]  }
0x170: {  	s0 =	sadd.s32 @!p0 $0x100000, s0  }
0x171: {  	[sflag:s0] =	ssyncadd.tile.s32 @!p0 $0x1;
	_ =	shalt  }
.Lfunc_end2:
_tile_overlayer_lowered:
.L_overlay_start_2:
0x172: {  	(tag) =	ssettag $0x2  }
0x173: {  	s0 =	rddreg [dreg:$0x0];
	s2 =	stileid.u32  }
0x174: {  	s1 =	rddreg [dreg:$0x1];
	p0 =	sne.s32 s2, $0x0  }
0x175: {  	s3 =	rddreg [dreg:$0x2];
	[bflag:$0x3] =	sbarrier.arrive $0xFFFF;
	s2 =	simm.s32 @!p0 $0x1C01  }
0x176: {  	[timem:s3], [sflag:s2] =	dma.local @!p0 [hbm:s0], s1  }
0x177: {  	s0 =	simm.s32 @!p0 $0x1  }
0x178: {  	_ =	swait.ge @!p0 [sflag:s0], s1  }
0x179: {  	s1 =	ssub.s32 @!p0 $0x0, s1;
	[sflag:s0] =	ssyncset.done @!p0 $0x0  }
0x17a: {  	[sflag:s0] =	ssyncadd.s32 @!p0 s1  }
0x17b: {  	[bflag:$0x3] =	sbarrier.arrive $0xFFFF  }
0x17c: {  	_ =	shalt  }

</sc_bundles>
